<compile_context>
chip_gen: v7x
topology: tpu7x:2x2x1
jax: 0.10.2.dev20260603
libtpu: 0.0.44.dev20260713+nightly
codegen_flags: <defaults>
</compile_context>

<pallas_src>
import functools

import jax
import jax.numpy as jnp
from jax import lax
from jax.experimental import pallas as pl
from jax.experimental.pallas import tpu as pltpu
from jax.experimental.pallas import tpu_sc as plsc

N = 10000
DEG = 16
F_IN = 128
HID = 64
N_CLS = 10

NC = 2
NS = 16
NW = NC * NS
NP = 10240
PER_W = NP // NW
LANES = 16
LUT = 320

_mesh = plsc.VectorSubcoreMesh(
    core_axis_name="c", subcore_axis_name="s", num_cores=NC, num_subcores=NS)
_sc_params = pltpu.CompilerParams(
    needs_layout_passes=False, use_tc_tiling_on_sc=False)


def _iota():
    return lax.iota(jnp.int32, LANES)


def _full(v):
    return jnp.full((LANES,), v, jnp.int32)


_DNUMS = lax.GatherDimensionNumbers(
    offset_dims=(), collapsed_slice_dims=(0,), start_index_map=(0,))


def _splat_lane(vec, t):
    return lax.gather(vec, _full(t)[:, None], _DNUMS, (1,),
                      mode=lax.GatherScatterMode.PROMISE_IN_BOUNDS)


_SD = 8
_SCH = 32


@functools.partial(
    pl.kernel,
    out_type=(
        jax.ShapeDtypeStruct((NP, 256), jnp.int32),
        jax.ShapeDtypeStruct((NP, DEG), jnp.float32),
        jax.ShapeDtypeStruct((NP, 256), jnp.float32),
        jax.ShapeDtypeStruct((NP,), jnp.float32),
        jax.ShapeDtypeStruct((NP,), jnp.float32),
        jax.ShapeDtypeStruct((NP, HID // 2), jnp.int32),
    ),
    mesh=_mesh,
    compiler_params=_sc_params,
    scratch_types=(
        pltpu.VMEM((NP,), jnp.int32),
        pltpu.VMEM((NP,), jnp.int32),
        pltpu.VMEM((PER_W, DEG), jnp.int32),
        pltpu.VMEM((_SD * LANES, LANES), jnp.int32),
        pltpu.VMEM((2 * _SCH, 256), jnp.int32),
        pltpu.VMEM((2 * _SCH, 256), jnp.float32),
        pltpu.VMEM((PER_W, DEG), jnp.float32),
        pltpu.VMEM((PER_W,), jnp.float32),
        pltpu.VMEM((PER_W,), jnp.float32),
        pltpu.VMEM((LUT,), jnp.float32),
        pltpu.VMEM((_SD * LANES,), jnp.int32),
        pltpu.VMEM((PER_W, HID), jnp.float32),
        pltpu.VMEM((PER_W, HID // 2), jnp.int32),
        pltpu.SemaphoreType.DMA,
        pltpu.SemaphoreType.DMA,
        pltpu.SemaphoreType.DMA,
    ),
)
def _structure_kernel(nbr2d, lut_hbm, r0f, cand_out, w1_out, w2_out,
                      d1_out, d2_out, r0p_out, cnt, slot, nbrslab, cand2d,
                      cslab, w2slab, w1slab, d1slab, d2slab, lutv, idx16,
                      rslab, pslab, semCand, semOutC, semOutW):
    wid = lax.axis_index("s") * NC + lax.axis_index("c")
    base = wid * PER_W
    pltpu.sync_copy(lut_hbm, lutv)
    pltpu.sync_copy(nbr2d.at[pl.ds(base, PER_W)], nbrslab)
    pltpu.sync_copy(r0f.at[pl.ds(base, PER_W)], rslab)

    iota0 = _iota()

    def _pk(li, _):
        row = _full(li)
        for h in range(HID // 32):
            a = plsc.load_gather(rslab, [row, iota0 + 32 * h])
            b = plsc.load_gather(rslab, [row, iota0 + 32 * h + LANES])
            p = plsc.bitcast(
                plsc.pack(a, b, format=plsc.PackFormat.INTERLEAVED),
                jnp.int32)
            plsc.store_scatter(pslab, [row, iota0 + 16 * h], p)
        return 0
    lax.fori_loop(0, PER_W, _pk, 0)
    pltpu.sync_copy(pslab, r0p_out.at[pl.ds(base, PER_W)])

    iota = _iota()
    lane0 = iota == 0
    zeros_i = jnp.zeros((LANES,), jnp.int32)
    ones_i = jnp.ones((LANES,), jnp.int32)

    def _zb(j, _):
        plsc.store_scatter(cnt, [iota + j * LANES], zeros_i)
        return 0
    lax.fori_loop(0, NP // LANES, _zb, 0)

    def issue_cand(li, s):
        v = plsc.load_gather(nbrslab, [_full(li), iota])
        idx16[pl.ds(s * LANES, LANES)] = v
        pltpu.async_copy(nbr2d.at[idx16.at[pl.ds(s * LANES, LANES)]],
                         cand2d.at[pl.ds(s * LANES, LANES)], semCand)

    def wait_cand(s):
        pltpu.make_async_copy(nbr2d.at[idx16.at[pl.ds(s * LANES, LANES)]],
                              cand2d.at[pl.ds(s * LANES, LANES)],
                              semCand).wait()

    def out_slices(s):
        return (cslab.at[pl.ds(s * _SCH, _SCH)],
                w2slab.at[pl.ds(s * _SCH, _SCH)])

    def _prime(li, _):
        issue_cand(li, li)
        return 0
    lax.fori_loop(0, _SD, _prime, 0)

    def chunk(ci, _):
        cslot = lax.rem(ci, 2)
        cs, ws = out_slices(cslot)

        @pl.when(ci >= 2)
        def _():
            pltpu.make_async_copy(cs, cand_out.at[pl.ds(base, _SCH)],
                                  semOutC).wait()
            pltpu.make_async_copy(ws, w2_out.at[pl.ds(base, _SCH)],
                                  semOutW).wait()

        def body(c, _):
            li = ci * _SCH + c
            i = base + li
            i_spl = _full(i)
            v = plsc.load_gather(nbrslab, [_full(li), iota])
            p = lax.rem(li, _SD) * LANES

            plsc.addupdate_scatter(cnt, [v], ones_i)
            g = plsc.load_gather(cnt, [v])
            plsc.store_scatter(slot, [v], iota)
            back = plsc.load_gather(slot, [v])
            chosen = back == iota
            g_adj = g - jnp.where(v == i_spl, 1, 0)
            valid1 = chosen & (g_adj > 0)
            w1v = jnp.where(valid1, 1.0, 0.0)
            plsc.store_scatter(w1slab, [_full(li), iota], w1v)
            deg1 = plsc.all_reduce_population_count(valid1)
            plsc.store_scatter(cnt, [v], zeros_i)

            wait_cand(lax.rem(li, _SD))

            crow = _full(cslot * _SCH + c)
            for s in range(16):
                cv = plsc.load_gather(cand2d, [_full(p + s), iota])
                plsc.store_scatter(cslab, [crow, iota + 16 * s], cv)
                plsc.addupdate_scatter(cnt, [cv], ones_i)
            plsc.addupdate_scatter(cnt, [v], -ones_i)
            plsc.addupdate_scatter(cnt, [i_spl], -ones_i, mask=lane0)
            for s in range(16):
                cv = plsc.load_gather(cand2d, [_full(p + s), iota])
                plsc.store_scatter(slot, [cv], iota + 16 * s)
            deg2 = jnp.zeros((LANES,), jnp.int32)
            for s in range(16):
                cv = plsc.load_gather(cand2d, [_full(p + s), iota])
                g2 = plsc.load_gather(cnt, [cv])
                b2 = plsc.load_gather(slot, [cv])
                m = (b2 == iota + 16 * s) & (g2 > 0)
                plsc.store_scatter(w2slab, [crow, iota + 16 * s],
                                   jnp.where(m, 1.0, 0.0))
                deg2 = deg2 + plsc.all_reduce_population_count(m)
            for s in range(16):
                cv = plsc.load_gather(cand2d, [_full(p + s), iota])
                plsc.store_scatter(cnt, [cv], zeros_i)
            plsc.store_scatter(cnt, [v], zeros_i)
            plsc.store_scatter(cnt, [i_spl], zeros_i, mask=lane0)

            d1s = plsc.load_gather(lutv, [deg1])
            d2s = plsc.load_gather(lutv, [deg2])
            plsc.store_scatter(d1slab, [_full(li)], d1s, mask=lane0)
            plsc.store_scatter(d2slab, [_full(li)], d2s, mask=lane0)

            issue_cand(jnp.minimum(li + _SD, PER_W - 1), lax.rem(li, _SD))
            return 0

        lax.fori_loop(0, _SCH, body, 0)

        pltpu.async_copy(cs, cand_out.at[pl.ds(base + ci * _SCH, _SCH)],
                         semOutC)
        pltpu.async_copy(ws, w2_out.at[pl.ds(base + ci * _SCH, _SCH)],
                         semOutW)
        return 0

    lax.fori_loop(0, PER_W // _SCH, chunk, 0)

    def _drain(j, _):
        wait_cand(lax.rem(j, _SD))
        return 0
    lax.fori_loop(0, _SD, _drain, 0)
    for s in range(2):
        cs, ws = out_slices(s)
        pltpu.make_async_copy(cs, cand_out.at[pl.ds(base, _SCH)],
                              semOutC).wait()
        pltpu.make_async_copy(ws, w2_out.at[pl.ds(base, _SCH)],
                              semOutW).wait()
    pltpu.sync_copy(w1slab, w1_out.at[pl.ds(base, PER_W)])
    pltpu.sync_copy(d1slab, d1_out.at[pl.ds(base, PER_W)])
    pltpu.sync_copy(d2slab, d2_out.at[pl.ds(base, PER_W)])


def _make_layer_kernel(W, pack_out):
    WL = W // LANES
    WP = W // 32

    out_types = [jax.ShapeDtypeStruct((NP, 2 * W), jnp.float32)]
    if pack_out:
        out_types.append(jax.ShapeDtypeStruct((NP, W), jnp.int32))

    @functools.partial(
        pl.kernel,
        out_type=tuple(out_types) if pack_out else out_types[0],
        mesh=_mesh,
        compiler_params=_sc_params,
        scratch_types=(
            pltpu.VMEM((NP,), jnp.float32),
            pltpu.VMEM((NP,), jnp.float32),
            pltpu.VMEM((PER_W, DEG), jnp.int32),
            pltpu.VMEM((PER_W, DEG), jnp.float32),
            pltpu.VMEM((512,), jnp.int32),
            pltpu.VMEM((512,), jnp.float32),
            pltpu.VMEM((272,), jnp.float32),
            pltpu.VMEM((2 * LANES,), jnp.float32),
            pltpu.VMEM((2 * LANES,), jnp.int32),
            pltpu.VMEM((2 * DEG, W // 2), jnp.int32),
            pltpu.VMEM((512, W // 2), jnp.int32),
            pltpu.VMEM((4 * W,), jnp.float32),
            pltpu.VMEM((2 * W,), jnp.int32),
            pltpu.SemaphoreType.DMA,
            pltpu.SemaphoreType.DMA,
            pltpu.SemaphoreType.DMA,
            pltpu.SemaphoreType.DMA,
            pltpu.SemaphoreType.DMA,
            pltpu.SemaphoreType.DMA,
        ),
    )
    def layer(table, nbr2d, cand, w1_in, w2_in, d1_hbm, d2_hbm,
              *outs_and_scratch):
        if pack_out:
            (out_hbm, pout_hbm, d1v, d2v, nbrslab, w1slab, idx256, w2buf,
             coef2, coef1, idx16, rows16, rows256, outbuf, poutbuf, semA,
             semBC, semCand, semW2, semOut, semOutP) = outs_and_scratch
        else:
            (out_hbm, d1v, d2v, nbrslab, w1slab, idx256, w2buf,
             coef2, coef1, idx16, rows16, rows256, outbuf, poutbuf, semA,
             semBC, semCand, semW2, semOut, semOutP) = outs_and_scratch
        wid = lax.axis_index("s") * NC + lax.axis_index("c")
        base = wid * PER_W
        pltpu.sync_copy(d1_hbm, d1v)
        pltpu.sync_copy(d2_hbm, d2v)
        pltpu.sync_copy(nbr2d.at[pl.ds(base, PER_W)], nbrslab)
        pltpu.sync_copy(w1_in.at[pl.ds(base, PER_W)], w1slab)

        iota = _iota()

        def issue_meta(node, s):
            pltpu.async_copy(cand.at[node], idx256.at[pl.ds(s * 256, 256)],
                             semCand)
            pltpu.async_copy(w2_in.at[node], w2buf.at[pl.ds(s * 256, 256)],
                             semW2)

        def wait_meta(s):
            pltpu.make_async_copy(cand.at[base],
                                  idx256.at[pl.ds(s * 256, 256)],
                                  semCand).wait()
            pltpu.make_async_copy(w2_in.at[base],
                                  w2buf.at[pl.ds(s * 256, 256)],
                                  semW2).wait()

        def issue_rows(node_l, s):
            v = plsc.load_gather(nbrslab, [_full(node_l), iota])
            idx16[pl.ds(s * LANES, LANES)] = v
            pltpu.async_copy(table.at[idx16.at[pl.ds(s * LANES, LANES)]],
                             rows16.at[pl.ds(s * DEG, DEG)], semA)
            pltpu.async_copy(
                table.at[idx256.at[pl.ds(s * 256, 128)]],
                rows256.at[pl.ds(s * 256, 128)], semBC)
            pltpu.async_copy(
                table.at[idx256.at[pl.ds(s * 256 + 128, 128)]],
                rows256.at[pl.ds(s * 256 + 128, 128)], semBC)

        def wait_rows(s):
            pltpu.make_async_copy(table.at[idx16.at[pl.ds(s * LANES, LANES)]],
                                  rows16.at[pl.ds(s * DEG, DEG)], semA).wait()
            for h in range(2):
                pltpu.make_async_copy(
                    table.at[idx256.at[pl.ds(s * 256 + h * 128, 128)]],
                    rows256.at[pl.ds(s * 256 + h * 128, 128)], semBC).wait()

        def out_slice(s):
            return outbuf.at[pl.ds(s * 2 * W, 2 * W)]

        def pout_slice(s):
            return poutbuf.at[pl.ds(s * W, W)]

        issue_meta(base, 0)
        issue_meta(base + 1, 1)
        wait_meta(0)
        issue_rows(0, 0)

        def body(li, _):
            po = lax.rem(li, 2)
            pn = lax.rem(li + 1, 2)
            lip1 = jnp.minimum(li + 1, PER_W - 1)
            lip2 = jnp.minimum(li + 2, PER_W - 1)
            i = base + li
            p256 = po * 256

            wait_meta(pn)
            issue_rows(lip1, pn)

            v = plsc.load_gather(nbrslab, [_full(li), iota])
            w1v = plsc.load_gather(w1slab, [_full(li), iota])
            coef1[pl.ds(0, LANES)] = w1v * plsc.load_gather(d1v, [v])

            def cg(g, _):
                cv = idx256[pl.ds(p256 + g * LANES, LANES)]
                coef2[pl.ds(g * LANES, LANES)] = (
                    w2buf[pl.ds(p256 + g * LANES, LANES)]
                    * plsc.load_gather(d2v, [cv]))
                return 0
            lax.fori_loop(0, 16, cg, 0)

            wait_rows(po)

            cols_p = [iota + h * LANES for h in range(WP)]
            U = 4

            def acc_slot(rows_ref, ridx, sp, accs):
                for h in range(WP):
                    pk = plsc.load_gather(rows_ref, [ridx, cols_p[h]])
                    a, b = plsc.unpack(plsc.bitcast(pk, jnp.bfloat16),
                                       format=plsc.PackFormat.INTERLEAVED)
                    accs[2 * h] = accs[2 * h] + sp * a
                    accs[2 * h + 1] = accs[2 * h + 1] + sp * b

            def a1g(g, accs):
                accs = list(accs)
                cvec = coef1[pl.ds(g * U, LANES)]
                for u in range(U):
                    t = g * U + u
                    sp = _splat_lane(cvec, u)
                    acc_slot(rows16, _full(po * DEG + t), sp, accs)
                return tuple(accs)
            acc1 = lax.fori_loop(
                0, DEG // U, a1g,
                tuple(jnp.zeros((LANES,), jnp.float32) for _ in range(WL)))

            def ag(g, accs):
                accs = list(accs)
                cvec = coef2[pl.ds(g * U, LANES)]
                for u in range(U):
                    slot = g * U + u
                    sp = _splat_lane(cvec, u)
                    acc_slot(rows256, _full(p256 + slot), sp, accs)
                return tuple(accs)
            acc2 = lax.fori_loop(
                0, 256 // U, ag,
                tuple(jnp.zeros((LANES,), jnp.float32) for _ in range(WL)))

            @pl.when(li >= 2)
            def _():
                pltpu.make_async_copy(out_slice(po), out_hbm.at[i],
                                      semOut).wait()
                if pack_out:
                    pltpu.make_async_copy(pout_slice(po), pout_hbm.at[i],
                                          semOutP).wait()

            d1i = plsc.load_gather(d1v, [_full(i)])
            d2i = plsc.load_gather(d2v, [_full(i)])
            outs = ([jnp.maximum(acc1[l] * d1i, 0.0) for l in range(WL)]
                    + [jnp.maximum(acc2[l] * d2i, 0.0) for l in range(WL)])
            for l in range(2 * WL):
                outbuf[pl.ds(po * 2 * W + l * LANES, LANES)] = outs[l]
            pltpu.async_copy(out_slice(po), out_hbm.at[i], semOut)
            if pack_out:
                for h in range(WL):
                    p = plsc.bitcast(
                        plsc.pack(outs[2 * h], outs[2 * h + 1],
                                  format=plsc.PackFormat.INTERLEAVED),
                        jnp.int32)
                    poutbuf[pl.ds(po * W + h * LANES, LANES)] = p
                pltpu.async_copy(pout_slice(po), pout_hbm.at[i], semOutP)

            issue_meta(base + lip2, po)
            return 0

        lax.fori_loop(0, PER_W, body, 0)

        wait_meta(0)
        wait_rows(1)
        for s in range(2):
            pltpu.make_async_copy(out_slice(s), out_hbm.at[base], semOut).wait()
            if pack_out:
                pltpu.make_async_copy(pout_slice(s), pout_hbm.at[base],
                                      semOutP).wait()

    return layer


_layer64 = _make_layer_kernel(HID, pack_out=True)
_layer128 = _make_layer_kernel(2 * HID, pack_out=False)


_BK = 1024


def _embed_body(x_ref, w_ref, o_ref):
    o_ref[...] = jnp.maximum(
        jnp.dot(x_ref[...], w_ref[...], preferred_element_type=jnp.float32),
        0.0)


def _classify_body(r0_ref, r1_ref, r2_ref, w_ref, o_ref):
    w = w_ref[...]
    lg = jnp.dot(r0_ref[...], w[0:HID],
                 preferred_element_type=jnp.float32)
    lg = lg + jnp.dot(r1_ref[...], w[HID:3 * HID],
                      preferred_element_type=jnp.float32)
    lg = lg + jnp.dot(r2_ref[...], w[3 * HID:7 * HID],
                      preferred_element_type=jnp.float32)
    m = jnp.max(lg, axis=1, keepdims=True)
    e = jnp.exp(lg - m)
    o_ref[...] = e / jnp.sum(e, axis=1, keepdims=True)


def kernel(x, edge_index, w_embed, w_classify):
    src = edge_index[1].astype(jnp.int32)
    nbr2d = jnp.zeros((NP, DEG), jnp.int32).at[:N].set(src.reshape(N, DEG))
    lut = jnp.where(jnp.arange(LUT) > 0,
                    jnp.arange(LUT, dtype=jnp.float32) ** -0.5,
                    0.0).astype(jnp.float32)
    x_pad = jnp.zeros((NP, F_IN), x.dtype).at[:N].set(x)

    r0 = pl.pallas_call(
        _embed_body,
        grid=(NP // _BK,),
        in_specs=[
            pl.BlockSpec((_BK, F_IN), lambda g: (g, 0)),
            pl.BlockSpec((F_IN, HID), lambda g: (0, 0)),
        ],
        out_specs=pl.BlockSpec((_BK, HID), lambda g: (g, 0)),
        out_shape=jax.ShapeDtypeStruct((NP, HID), jnp.float32),
    )(x_pad, w_embed)

    cand, w1, w2, d1, d2, r0p = _structure_kernel(nbr2d, lut, r0)

    r1, r1p = _layer64(r0p, nbr2d, cand, w1, w2, d1, d2)
    r2 = _layer128(r1p, nbr2d, cand, w1, w2, d1, d2)

    out = pl.pallas_call(
        _classify_body,
        grid=(NP // _BK,),
        in_specs=[
            pl.BlockSpec((_BK, HID), lambda g: (g, 0)),
            pl.BlockSpec((_BK, 2 * HID), lambda g: (g, 0)),
            pl.BlockSpec((_BK, 4 * HID), lambda g: (g, 0)),
            pl.BlockSpec((7 * HID, N_CLS), lambda g: (0, 0)),
        ],
        out_specs=pl.BlockSpec((_BK, N_CLS), lambda g: (g, 0)),
        out_shape=jax.ShapeDtypeStruct((NP, N_CLS), jnp.float32),
    )(r0, r1, r2, w_classify)

    return out[:N]

# --- scband reference (transcript-rebuilt; emitter-appended) ---
"""Pipeline reference for scband-h2-gcn-net-15530601743024 (READ-ONLY COPY).

The authoritative reference and input builder live on the scoring server;
editing this copy changes nothing except your own understanding.
"""

import jax, jax.numpy as jnp
import numpy as np

N = 10000
DEG = 16
F_IN = 128
HID = 64
K = 2
N_CLS = 10


def setup_inputs(seed: int = 0):
    key = jax.random.key(seed)
    k1, k2, k3, k4 = jax.random.split(key, 4)
    x = jax.random.normal(k1, (N, F_IN), dtype=jnp.float32)
    src = jax.random.randint(k2, (N * DEG,), 0, N)
    dst = jnp.repeat(jnp.arange(N), DEG)
    edge_index = jnp.stack([dst, src]).astype(jnp.int32)
    lim_e = (6.0 / (F_IN + HID)) ** 0.5
    w_embed = jax.random.uniform(k3, (F_IN, HID), minval=-lim_e, maxval=lim_e, dtype=jnp.float32)
    d_cat = (2 ** (K + 1) - 1) * HID
    lim_c = (6.0 / (d_cat + N_CLS)) ** 0.5
    w_classify = jax.random.uniform(k4, (d_cat, N_CLS), minval=-lim_c, maxval=lim_c, dtype=jnp.float32)
    return {"x": x, "edge_index": edge_index, "w_embed": w_embed, "w_classify": w_classify}


def _prepare_prop(edge_index):
    # Faithful port of H2GCN._prepare_prop: a1 = norm(ind(A - I)),
    # a2 = norm(ind(A@A - A - I)) using exact path-multiplicity counts
    rows = edge_index[0]
    cols = edge_index[1]
    diag = jnp.arange(N)
    a_counts = jnp.zeros((N, N), jnp.int32).at[rows, cols].add(1)
    m1 = (a_counts.at[diag, diag].add(-1)) > 0
    nbr = cols.reshape(N, DEG)  # row i holds the DEG columns of row i
    two_hop = nbr[nbr].reshape(-1)  # enumerates every 2-path i->j->k with multiplicity
    rows2 = jnp.repeat(diag, DEG * DEG)
    c2 = jnp.zeros((N, N), jnp.int32).at[rows2, two_hop].add(1)
    c2 = c2 - a_counts
    c2 = c2.at[diag, diag].add(-1)
    m2 = c2 > 0

    def adj_norm(mask, size):
        deg = mask.sum(axis=1).astype(jnp.float32)
        d = jnp.where(deg > 0, deg ** -0.5, 0.0)
        r, c = jnp.nonzero(mask, size=size, fill_value=N - 1)
        valid = jnp.arange(size) < mask.sum()
        vals = jnp.where(valid, d[r] * d[c], 0.0)
        return r, c, vals

    return adj_norm(m1, N * DEG), adj_norm(m2, N * DEG * DEG)


def _spmm(r, c, v, mat):
    msg = v[:, None] * jnp.take(mat, c, axis=0)
    return jax.ops.segment_sum(msg, r, num_segments=N, indices_are_sorted=True)


def reference(x, edge_index, w_embed, w_classify):
    a1, a2 = _prepare_prop(edge_index)
    rs = [jax.nn.relu(x @ w_embed)]
    for _ in range(K):
        r_last = rs[-1]
        r1 = _spmm(a1[0], a1[1], a1[2], r_last)
        r2 = _spmm(a2[0], a2[1], a2[2], r_last)
        rs.append(jax.nn.relu(jnp.concatenate([r1, r2], axis=1)))
    r_final = jnp.concatenate(rs, axis=1)
    # F.dropout with training=False is identity (eval mode)
    logits = r_final @ w_classify
    return jax.nn.softmax(logits, axis=1)

if __name__ == "__main__":
    import jax
    _d = setup_inputs()
    print(jax.jit(kernel)(*tuple(_d.values())))

</pallas_src>

<mosaic_0001>
#map = affine_map<(d0, d1) -> (0, 0)>
#map1 = affine_map<(d0, d1) -> (0)>
module attributes {stable_mosaic.version = 14 : i64} {
  func.func @_structure_kernel(%arg0: i32, %arg1: i32, %arg2: memref<10240x16xi32, #tpu.memory_space<hbm>>, %arg3: memref<320xf32, #tpu.memory_space<hbm>>, %arg4: memref<10240x64xf32, #tpu.memory_space<hbm>>, %arg5: memref<10240x256xi32, #tpu.memory_space<hbm>>, %arg6: memref<10240x16xf32, #tpu.memory_space<hbm>>, %arg7: memref<10240x256xf32, #tpu.memory_space<hbm>>, %arg8: memref<10240xf32, #tpu.memory_space<hbm>>, %arg9: memref<10240xf32, #tpu.memory_space<hbm>>, %arg10: memref<10240x32xi32, #tpu.memory_space<hbm>>, %arg11: memref<10240xi32, #tpu.memory_space<vmem>>, %arg12: memref<10240xi32, #tpu.memory_space<vmem>>, %arg13: memref<320x16xi32, #tpu.memory_space<vmem>>, %arg14: memref<128x16xi32, #tpu.memory_space<vmem>>, %arg15: memref<64x256xi32, #tpu.memory_space<vmem>>, %arg16: memref<64x256xf32, #tpu.memory_space<vmem>>, %arg17: memref<320x16xf32, #tpu.memory_space<vmem>>, %arg18: memref<320xf32, #tpu.memory_space<vmem>>, %arg19: memref<320xf32, #tpu.memory_space<vmem>>, %arg20: memref<320xf32, #tpu.memory_space<vmem>>, %arg21: memref<128xi32, #tpu.memory_space<vmem>>, %arg22: memref<320x64xf32, #tpu.memory_space<vmem>>, %arg23: memref<320x32xi32, #tpu.memory_space<vmem>>, %arg24: memref<!tpu.dma_semaphore, #tpu.memory_space<semaphore_mem>>, %arg25: memref<!tpu.dma_semaphore, #tpu.memory_space<semaphore_mem>>, %arg26: memref<!tpu.dma_semaphore, #tpu.memory_space<semaphore_mem>>) attributes {dimension_semantics = [#tpu.dimension_semantics<core_parallel>, #tpu.dimension_semantics<subcore_parallel>], iteration_bounds = array<i64: 2, 16>, scalar_prefetch = 0 : i64, scratch_operands = 16 : i64, tpu.core_type = #tpu.core_type<sc_vector_subcore>, window_params = [{transform_indices = #map}, {transform_indices = #map1}, {transform_indices = #map}, {transform_indices = #map}, {transform_indices = #map}, {transform_indices = #map}, {transform_indices = #map1}, {transform_indices = #map1}, {transform_indices = #map}]} {
    %mul3A = arith.constant 2 : i32
    %mul3A_0 = arith.muli %arg1, %mul3A : i32
    %add3A = arith.addi %mul3A_0, %arg0 : i32
    %mul3A_1 = arith.constant 320 : i32
    %mul3A_2 = arith.muli %add3A, %mul3A_1 : i32
    "tpu.region"() ({
      %run_scoped3A = tpu.sem_alloc : memref<!tpu.dma_semaphore, #tpu.memory_space<semaphore_mem>>
      tpu.enqueue_dma source(%arg3 : memref<320xf32, #tpu.memory_space<hbm>>) target(%arg20 : memref<320xf32, #tpu.memory_space<vmem>>) target_semaphore(%run_scoped3A : memref<!tpu.dma_semaphore, #tpu.memory_space<semaphore_mem>>)
      tpu.wait_dma2 semaphore(%run_scoped3A : memref<!tpu.dma_semaphore, #tpu.memory_space<semaphore_mem>>) src(%arg3 : memref<320xf32, #tpu.memory_space<hbm>>) dst(%arg20 : memref<320xf32, #tpu.memory_space<vmem>>)
      tpu.yield
    }) : () -> ()
    "tpu.region"() ({
      %run_scoped3A = tpu.sem_alloc : memref<!tpu.dma_semaphore, #tpu.memory_space<semaphore_mem>>
      %dma_start3A = arith.constant 0 : i32
      %dma_start3A_82 = tpu.memref_slice %arg2[%mul3A_2, %dma_start3A] : memref<10240x16xi32, #tpu.memory_space<hbm>> -> memref<320x16xi32, #tpu.memory_space<hbm>>
      %dma_start3A_83 = arith.constant 0 : i32
      %dma_start3A_84 = tpu.memref_slice %arg2[%mul3A_2, %dma_start3A_83] : memref<10240x16xi32, #tpu.memory_space<hbm>> -> memref<320x16xi32, #tpu.memory_space<hbm>>
      tpu.enqueue_dma source(%dma_start3A_84 : memref<320x16xi32, #tpu.memory_space<hbm>>) target(%arg13 : memref<320x16xi32, #tpu.memory_space<vmem>>) target_semaphore(%run_scoped3A : memref<!tpu.dma_semaphore, #tpu.memory_space<semaphore_mem>>)
      %dma_wait3A_85 = arith.constant 0 : i32
      %dma_wait3A_86 = tpu.memref_slice %arg2[%mul3A_2, %dma_wait3A_85] : memref<10240x16xi32, #tpu.memory_space<hbm>> -> memref<320x16xi32, #tpu.memory_space<hbm>>
      %dma_wait3A_87 = arith.constant 0 : i32
      %dma_wait3A_88 = tpu.memref_slice %arg2[%mul3A_2, %dma_wait3A_87] : memref<10240x16xi32, #tpu.memory_space<hbm>> -> memref<320x16xi32, #tpu.memory_space<hbm>>
      tpu.wait_dma2 semaphore(%run_scoped3A : memref<!tpu.dma_semaphore, #tpu.memory_space<semaphore_mem>>) src(%dma_wait3A_88 : memref<320x16xi32, #tpu.memory_space<hbm>>) dst(%arg13 : memref<320x16xi32, #tpu.memory_space<vmem>>)
      tpu.yield
    }) : () -> ()
    "tpu.region"() ({
      %run_scoped3A = tpu.sem_alloc : memref<!tpu.dma_semaphore, #tpu.memory_space<semaphore_mem>>
      %dma_start3A = arith.constant 0 : i32
      %dma_start3A_82 = tpu.memref_slice %arg4[%mul3A_2, %dma_start3A] : memref<10240x64xf32, #tpu.memory_space<hbm>> -> memref<320x64xf32, #tpu.memory_space<hbm>>
      %dma_start3A_83 = arith.constant 0 : i32
      %dma_start3A_84 = tpu.memref_slice %arg4[%mul3A_2, %dma_start3A_83] : memref<10240x64xf32, #tpu.memory_space<hbm>> -> memref<320x64xf32, #tpu.memory_space<hbm>>
      tpu.enqueue_dma source(%dma_start3A_84 : memref<320x64xf32, #tpu.memory_space<hbm>>) target(%arg22 : memref<320x64xf32, #tpu.memory_space<vmem>>) target_semaphore(%run_scoped3A : memref<!tpu.dma_semaphore, #tpu.memory_space<semaphore_mem>>)
      %dma_wait3A_85 = arith.constant 0 : i32
      %dma_wait3A_86 = tpu.memref_slice %arg4[%mul3A_2, %dma_wait3A_85] : memref<10240x64xf32, #tpu.memory_space<hbm>> -> memref<320x64xf32, #tpu.memory_space<hbm>>
      %dma_wait3A_87 = arith.constant 0 : i32
      %dma_wait3A_88 = tpu.memref_slice %arg4[%mul3A_2, %dma_wait3A_87] : memref<10240x64xf32, #tpu.memory_space<hbm>> -> memref<320x64xf32, #tpu.memory_space<hbm>>
      tpu.wait_dma2 semaphore(%run_scoped3A : memref<!tpu.dma_semaphore, #tpu.memory_space<semaphore_mem>>) src(%dma_wait3A_88 : memref<320x64xf32, #tpu.memory_space<hbm>>) dst(%arg22 : memref<320x64xf32, #tpu.memory_space<vmem>>)
      tpu.yield
    }) : () -> ()
    %iota3A = tpu.iota {dimensions = array<i32: 0>} : vector<16xi32>
    %scan3A = arith.constant 0 : i32
    %scan3A_3 = arith.constant 0 : i32
    %scan3A_4 = arith.constant 320 : i32
    %scan3A_5 = arith.addi %scan3A_3, %scan3A_4 : i32
    %scan3A_6 = arith.constant 1 : i32
    %scan3A_7 = scf.for %scan3A_82 = %scan3A_3 to %scan3A_5 step %scan3A_6 iter_args(%scan3A_83 = %scan3A) -> (i32)  : i32 {
      %broadcast_in_dim3A_84 = vector.broadcast %scan3A_82 : i32 to vector<16xi32>
      %add3A_85 = arith.constant 0 : i32
      %add3A_86 = vector.broadcast %add3A_85 : i32 to vector<16xi32>
      %add3A_87 = arith.addi %iota3A, %add3A_86 : vector<16xi32>
      %gather3A = tpu.vector_load_idx %arg22[%broadcast_in_dim3A_84, %add3A_87] : memref<320x64xf32, #tpu.memory_space<vmem>>[vector<16xi32>, vector<16xi32>], vector<16xf32>,
      %add3A_88 = arith.constant 0 : i32
      %add3A_89 = vector.broadcast %add3A_88 : i32 to vector<16xi32>
      %add3A_90 = arith.addi %iota3A, %add3A_89 : vector<16xi32>
      %add3A_91 = arith.constant 16 : i32
      %add3A_92 = vector.broadcast %add3A_91 : i32 to vector<16xi32>
      %add3A_93 = arith.addi %add3A_90, %add3A_92 : vector<16xi32>
      %gather3A_94 = tpu.vector_load_idx %arg22[%broadcast_in_dim3A_84, %add3A_93] : memref<320x64xf32, #tpu.memory_space<vmem>>[vector<16xi32>, vector<16xi32>], vector<16xf32>,
      %pack3A = tpu.pack_subelements %gather3A, %gather3A_94 {pack_format = #tpu.pack_format<interleaved>, positions = array<i32: 0, 1>} : vector<16xf32>, vector<16xf32> -> vector<32xbf16>
      %bitcast3A = vector.bitcast %pack3A : vector<32xbf16> to vector<16xi32>
      %add3A_95 = arith.constant 0 : i32
      %add3A_96 = vector.broadcast %add3A_95 : i32 to vector<16xi32>
      %add3A_97 = arith.addi %iota3A, %add3A_96 : vector<16xi32>
      tpu.vector_store_idx %arg23[%broadcast_in_dim3A_84, %add3A_97], %bitcast3A : memref<320x32xi32, #tpu.memory_space<vmem>>[vector<16xi32>, vector<16xi32>], vector<16xi32>,
      %add3A_98 = arith.constant 32 : i32
      %add3A_99 = vector.broadcast %add3A_98 : i32 to vector<16xi32>
      %add3A_100 = arith.addi %iota3A, %add3A_99 : vector<16xi32>
      %gather3A_101 = tpu.vector_load_idx %arg22[%broadcast_in_dim3A_84, %add3A_100] : memref<320x64xf32, #tpu.memory_space<vmem>>[vector<16xi32>, vector<16xi32>], vector<16xf32>,
      %add3A_102 = arith.constant 32 : i32
      %add3A_103 = vector.broadcast %add3A_102 : i32 to vector<16xi32>
      %add3A_104 = arith.addi %iota3A, %add3A_103 : vector<16xi32>
      %add3A_105 = arith.constant 16 : i32
      %add3A_106 = vector.broadcast %add3A_105 : i32 to vector<16xi32>
      %add3A_107 = arith.addi %add3A_104, %add3A_106 : vector<16xi32>
      %gather3A_108 = tpu.vector_load_idx %arg22[%broadcast_in_dim3A_84, %add3A_107] : memref<320x64xf32, #tpu.memory_space<vmem>>[vector<16xi32>, vector<16xi32>], vector<16xf32>,
      %pack3A_109 = tpu.pack_subelements %gather3A_101, %gather3A_108 {pack_format = #tpu.pack_format<interleaved>, positions = array<i32: 0, 1>} : vector<16xf32>, vector<16xf32> -> vector<32xbf16>
      %bitcast3A_110 = vector.bitcast %pack3A_109 : vector<32xbf16> to vector<16xi32>
      %add3A_111 = arith.constant 16 : i32
      %add3A_112 = vector.broadcast %add3A_111 : i32 to vector<16xi32>
      %add3A_113 = arith.addi %iota3A, %add3A_112 : vector<16xi32>
      tpu.vector_store_idx %arg23[%broadcast_in_dim3A_84, %add3A_113], %bitcast3A_110 : memref<320x32xi32, #tpu.memory_space<vmem>>[vector<16xi32>, vector<16xi32>], vector<16xi32>,
      %scan3A_114 = arith.constant 0 : i32
      scf.yield %scan3A_114 : i32
    }
    %scan3A_8 = arith.constant 320 : i32
    "tpu.region"() ({
      %run_scoped3A = tpu.sem_alloc : memref<!tpu.dma_semaphore, #tpu.memory_space<semaphore_mem>>
      %dma_start3A = arith.constant 0 : i32
      %dma_start3A_82 = tpu.memref_slice %arg10[%mul3A_2, %dma_start3A] : memref<10240x32xi32, #tpu.memory_space<hbm>> -> memref<320x32xi32, #tpu.memory_space<hbm>>
      %dma_start3A_83 = arith.constant 0 : i32
      %dma_start3A_84 = tpu.memref_slice %arg10[%mul3A_2, %dma_start3A_83] : memref<10240x32xi32, #tpu.memory_space<hbm>> -> memref<320x32xi32, #tpu.memory_space<hbm>>
      tpu.enqueue_dma source(%arg23 : memref<320x32xi32, #tpu.memory_space<vmem>>) target(%dma_start3A_84 : memref<320x32xi32, #tpu.memory_space<hbm>>) target_semaphore(%run_scoped3A : memref<!tpu.dma_semaphore, #tpu.memory_space<semaphore_mem>>)
      %dma_wait3A_85 = arith.constant 0 : i32
      %dma_wait3A_86 = tpu.memref_slice %arg10[%mul3A_2, %dma_wait3A_85] : memref<10240x32xi32, #tpu.memory_space<hbm>> -> memref<320x32xi32, #tpu.memory_space<hbm>>
      %dma_wait3A_87 = arith.constant 0 : i32
      %dma_wait3A_88 = tpu.memref_slice %arg10[%mul3A_2, %dma_wait3A_87] : memref<10240x32xi32, #tpu.memory_space<hbm>> -> memref<320x32xi32, #tpu.memory_space<hbm>>
      tpu.wait_dma2 semaphore(%run_scoped3A : memref<!tpu.dma_semaphore, #tpu.memory_space<semaphore_mem>>) src(%arg23 : memref<320x32xi32, #tpu.memory_space<vmem>>) dst(%dma_wait3A_88 : memref<320x32xi32, #tpu.memory_space<hbm>>)
      tpu.yield
    }) : () -> ()
    %iota3A_9 = tpu.iota {dimensions = array<i32: 0>} : vector<16xi32>
    %eq3A = arith.constant 0 : i32
    %eq3A_10 = vector.broadcast %eq3A : i32 to vector<16xi32>
    %eq3A_11 = arith.cmpi eq, %iota3A_9, %eq3A_10 : vector<16xi32>
    %broadcast_in_dim3A = arith.constant 0 : i32
    %broadcast_in_dim3A_12 = vector.broadcast %broadcast_in_dim3A : i32 to vector<16xi32>
    %broadcast_in_dim3A_13 = arith.constant 1 : i32
    %broadcast_in_dim3A_14 = vector.broadcast %broadcast_in_dim3A_13 : i32 to vector<16xi32>
    %scan3A_15 = arith.constant 0 : i32
    %scan3A_16 = arith.constant 0 : i32
    %scan3A_17 = arith.constant 640 : i32
    %scan3A_18 = arith.addi %scan3A_16, %scan3A_17 : i32
    %scan3A_19 = arith.constant 1 : i32
    %scan3A_20 = scf.for %scan3A_82 = %scan3A_16 to %scan3A_18 step %scan3A_19 iter_args(%scan3A_83 = %scan3A_15) -> (i32)  : i32 {
      %mul3A_84 = arith.constant 16 : i32
      %mul3A_85 = arith.muli %scan3A_82, %mul3A_84 : i32
      %add3A_86 = vector.broadcast %mul3A_85 : i32 to vector<16xi32>
      %add3A_87 = arith.addi %iota3A_9, %add3A_86 : vector<16xi32>
      tpu.vector_store_idx %arg11[%add3A_87], %broadcast_in_dim3A_12 : memref<10240xi32, #tpu.memory_space<vmem>>[vector<16xi32>], vector<16xi32>,
      %scan3A_88 = arith.constant 0 : i32
      scf.yield %scan3A_88 : i32
    }
    %scan3A_21 = arith.constant 640 : i32
    %scan3A_22 = arith.constant 0 : i32
    %scan3A_23 = arith.constant 0 : i32
    %scan3A_24 = arith.constant 8 : i32
    %scan3A_25 = arith.addi %scan3A_23, %scan3A_24 : i32
    %scan3A_26 = arith.constant 1 : i32
    %scan3A_27 = scf.for %scan3A_82 = %scan3A_23 to %scan3A_25 step %scan3A_26 iter_args(%scan3A_83 = %scan3A_22) -> (i32)  : i32 {
      %broadcast_in_dim3A_84 = vector.broadcast %scan3A_82 : i32 to vector<16xi32>
      %gather3A = tpu.vector_load_idx %arg13[%broadcast_in_dim3A_84, %iota3A_9] : memref<320x16xi32, #tpu.memory_space<vmem>>[vector<16xi32>, vector<16xi32>], vector<16xi32>,
      %mul3A_85 = arith.constant 16 : i32
      %mul3A_86 = arith.muli %scan3A_82, %mul3A_85 : i32
      %swap3A = arith.index_cast %mul3A_86 : i32 to index
      %swap3A_87 = tpu.vector_load %arg21[%swap3A] {strides = array<i32>} : memref<128xi32, #tpu.memory_space<vmem>>, vector<16xi32>,
      tpu.vector_store %arg21[%swap3A], %gather3A {strides = array<i32>} : memref<128xi32, #tpu.memory_space<vmem>>, vector<16xi32>,
      %mul3A_88 = arith.constant 16 : i32
      %mul3A_89 = arith.muli %scan3A_82, %mul3A_88 : i32
      %mul3A_90 = arith.constant 16 : i32
      %mul3A_91 = arith.muli %scan3A_82, %mul3A_90 : i32
      %dma_start3A = arith.constant 0 : i32
      %dma_start3A_92 = tpu.memref_slice %arg14[%mul3A_91, %dma_start3A] : memref<128x16xi32, #tpu.memory_space<vmem>> -> memref<16x16xi32, #tpu.memory_space<vmem>>
      %dma_start3A_93 = tpu.memref_slice %arg21[%mul3A_89] : memref<128xi32, #tpu.memory_space<vmem>> -> memref<16xi32, #tpu.memory_space<vmem>>
      %dma_start3A_94 = arith.constant 0 : i32
      %dma_start3A_95 = arith.constant 0 : i32
      %dma_start3A_96 = tpu.memref_slice %arg2[%dma_start3A_94, %dma_start3A_95] : memref<10240x16xi32, #tpu.memory_space<hbm>> -> memref<10240x16xi32, #tpu.memory_space<hbm>>
      tpu.enqueue_indirect_dma source(%dma_start3A_96 : memref<10240x16xi32, #tpu.memory_space<hbm>>) target(%dma_start3A_92 : memref<16x16xi32, #tpu.memory_space<vmem>>) offsets(%dma_start3A_93 : memref<16xi32, #tpu.memory_space<vmem>>) semaphore(%arg24 : memref<!tpu.dma_semaphore, #tpu.memory_space<semaphore_mem>>)
      %scan3A_97 = arith.constant 0 : i32
      scf.yield %scan3A_97 : i32
    }
    %scan3A_28 = arith.constant 8 : i32
    %scan3A_29 = arith.constant 0 : i32
    %scan3A_30 = arith.constant 0 : i32
    %scan3A_31 = arith.constant 10 : i32
    %scan3A_32 = arith.addi %scan3A_30, %scan3A_31 : i32
    %scan3A_33 = arith.constant 1 : i32
    %scan3A_34 = scf.for %scan3A_82 = %scan3A_30 to %scan3A_32 step %scan3A_33 iter_args(%scan3A_83 = %scan3A_29) -> (i32)  : i32 {
      %rem3A = arith.constant 2 : i32
      %rem3A_84 = arith.remsi %scan3A_82, %rem3A : i32
      %mul3A_85 = arith.constant 32 : i32
      %mul3A_86 = arith.muli %rem3A_84, %mul3A_85 : i32
      %mul3A_87 = arith.constant 32 : i32
      %mul3A_88 = arith.muli %rem3A_84, %mul3A_87 : i32
      %ge3A = arith.constant 2 : i32
      %ge3A_89 = arith.cmpi sge, %scan3A_82, %ge3A : i32
      %convert_element_type3A = arith.extui %ge3A_89 : i1 to i32
      %cond3A = arith.constant 0 : i32
      %cond3A_90 = arith.cmpi ne, %convert_element_type3A, %cond3A : i32
      scf.if %cond3A_90 {
        %dma_wait3A_120 = arith.constant 0 : i32
        %dma_wait3A_121 = tpu.memref_slice %arg15[%mul3A_86, %dma_wait3A_120] : memref<64x256xi32, #tpu.memory_space<vmem>> -> memref<32x256xi32, #tpu.memory_space<vmem>>
        %dma_wait3A_122 = arith.constant 0 : i32
        %dma_wait3A_123 = tpu.memref_slice %arg5[%mul3A_2, %dma_wait3A_122] : memref<10240x256xi32, #tpu.memory_space<hbm>> -> memref<32x256xi32, #tpu.memory_space<hbm>>
        %dma_wait3A_124 = arith.constant 0 : i32
        %dma_wait3A_125 = tpu.memref_slice %arg5[%mul3A_2, %dma_wait3A_124] : memref<10240x256xi32, #tpu.memory_space<hbm>> -> memref<32x256xi32, #tpu.memory_space<hbm>>
        %dma_wait3A_126 = arith.constant 0 : i32
        %dma_wait3A_127 = tpu.memref_slice %arg15[%mul3A_86, %dma_wait3A_126] : memref<64x256xi32, #tpu.memory_space<vmem>> -> memref<32x256xi32, #tpu.memory_space<vmem>>
        tpu.wait_dma2 semaphore(%arg25 : memref<!tpu.dma_semaphore, #tpu.memory_space<semaphore_mem>>) src(%dma_wait3A_127 : memref<32x256xi32, #tpu.memory_space<vmem>>) dst(%dma_wait3A_125 : memref<32x256xi32, #tpu.memory_space<hbm>>)
        %dma_wait3A_128 = arith.constant 0 : i32
        %dma_wait3A_129 = tpu.memref_slice %arg16[%mul3A_88, %dma_wait3A_128] : memref<64x256xf32, #tpu.memory_space<vmem>> -> memref<32x256xf32, #tpu.memory_space<vmem>>
        %dma_wait3A_130 = arith.constant 0 : i32
        %dma_wait3A_131 = tpu.memref_slice %arg7[%mul3A_2, %dma_wait3A_130] : memref<10240x256xf32, #tpu.memory_space<hbm>> -> memref<32x256xf32, #tpu.memory_space<hbm>>
        %dma_wait3A_132 = arith.constant 0 : i32
        %dma_wait3A_133 = tpu.memref_slice %arg7[%mul3A_2, %dma_wait3A_132] : memref<10240x256xf32, #tpu.memory_space<hbm>> -> memref<32x256xf32, #tpu.memory_space<hbm>>
        %dma_wait3A_134 = arith.constant 0 : i32
        %dma_wait3A_135 = tpu.memref_slice %arg16[%mul3A_88, %dma_wait3A_134] : memref<64x256xf32, #tpu.memory_space<vmem>> -> memref<32x256xf32, #tpu.memory_space<vmem>>
        tpu.wait_dma2 semaphore(%arg26 : memref<!tpu.dma_semaphore, #tpu.memory_space<semaphore_mem>>) src(%dma_wait3A_135 : memref<32x256xf32, #tpu.memory_space<vmem>>) dst(%dma_wait3A_133 : memref<32x256xf32, #tpu.memory_space<hbm>>)
      } else {
      }
      %scan3A_91 = arith.constant 0 : i32
      %scan3A_92 = arith.constant 0 : i32
      %scan3A_93 = arith.constant 32 : i32
      %scan3A_94 = arith.addi %scan3A_92, %scan3A_93 : i32
      %scan3A_95 = arith.constant 1 : i32
      %scan3A_96 = scf.for %scan3A_120 = %scan3A_92 to %scan3A_94 step %scan3A_95 iter_args(%scan3A_121 = %scan3A_91) -> (i32)  : i32 {
        %mul3A_122 = arith.constant 32 : i32
        %mul3A_123 = arith.muli %scan3A_82, %mul3A_122 : i32
        %add3A_124 = arith.addi %mul3A_123, %scan3A_120 : i32
        %add3A_125 = arith.addi %mul3A_2, %add3A_124 : i32
        %broadcast_in_dim3A_126 = vector.broadcast %add3A_125 : i32 to vector<16xi32>
        %broadcast_in_dim3A_127 = vector.broadcast %add3A_124 : i32 to vector<16xi32>
        %gather3A = tpu.vector_load_idx %arg13[%broadcast_in_dim3A_127, %iota3A_9] : memref<320x16xi32, #tpu.memory_space<vmem>>[vector<16xi32>, vector<16xi32>], vector<16xi32>,
        %rem3A_128 = arith.constant 8 : i32
        %rem3A_129 = arith.remsi %add3A_124, %rem3A_128 : i32
        %mul3A_130 = arith.constant 16 : i32
        %mul3A_131 = arith.muli %rem3A_129, %mul3A_130 : i32
        tpu.vector_store_idx %arg11[%gather3A], %broadcast_in_dim3A_14 {add = true} : memref<10240xi32, #tpu.memory_space<vmem>>[vector<16xi32>], vector<16xi32>,
        %gather3A_132 = tpu.vector_load_idx %arg11[%gather3A] : memref<10240xi32, #tpu.memory_space<vmem>>[vector<16xi32>], vector<16xi32>,
        tpu.vector_store_idx %arg12[%gather3A], %iota3A_9 : memref<10240xi32, #tpu.memory_space<vmem>>[vector<16xi32>], vector<16xi32>,
        %gather3A_133 = tpu.vector_load_idx %arg12[%gather3A] : memref<10240xi32, #tpu.memory_space<vmem>>[vector<16xi32>], vector<16xi32>,
        %eq3A_134 = arith.cmpi eq, %gather3A_133, %iota3A_9 : vector<16xi32>
        %eq3A_135 = arith.cmpi eq, %gather3A, %broadcast_in_dim3A_126 : vector<16xi32>
        %jit3A = arith.constant 1 : i32
        %jit3A_136 = arith.constant 0 : i32
        %broadcast_in_dim3A_137 = vector.broadcast %jit3A : i32 to vector<16xi32>
        %broadcast_in_dim3A_138 = vector.broadcast %jit3A_136 : i32 to vector<16xi32>
        %select_n3A = arith.select %eq3A_135, %broadcast_in_dim3A_137, %broadcast_in_dim3A_138 : vector<16xi1>, vector<16xi32>
        %sub3A = arith.subi %gather3A_132, %select_n3A : vector<16xi32>
        %gt3A = arith.constant 0 : i32
        %gt3A_139 = vector.broadcast %gt3A : i32 to vector<16xi32>
        %gt3A_140 = arith.cmpi sgt, %sub3A, %gt3A_139 : vector<16xi32>
        %and3A = arith.andi %eq3A_134, %gt3A_140 : vector<16xi1>
        %jit3A_141 = arith.constant 1.000000e+00 : f32
        %jit3A_142 = arith.constant 0.000000e+00 : f32
        %broadcast_in_dim3A_143 = vector.broadcast %jit3A_141 : f32 to vector<16xf32>
        %broadcast_in_dim3A_144 = vector.broadcast %jit3A_142 : f32 to vector<16xf32>
        %select_n3A_145 = arith.select %and3A, %broadcast_in_dim3A_143, %broadcast_in_dim3A_144 : vector<16xi1>, vector<16xf32>
        %broadcast_in_dim3A_146 = vector.broadcast %add3A_124 : i32 to vector<16xi32>
        tpu.vector_store_idx %arg17[%broadcast_in_dim3A_146, %iota3A_9], %select_n3A_145 : memref<320x16xf32, #tpu.memory_space<vmem>>[vector<16xi32>, vector<16xi32>], vector<16xf32>,
        %all_reduce_population_count3A = tpu.all_reduce %and3A {dim = 0 : i64, kind = #tpu.reduction_kind<sum>} : vector<16xi1> -> vector<16xi32>
        tpu.vector_store_idx %arg11[%gather3A], %broadcast_in_dim3A_12 : memref<10240xi32, #tpu.memory_space<vmem>>[vector<16xi32>], vector<16xi32>,
        %rem3A_147 = arith.constant 8 : i32
        %rem3A_148 = arith.remsi %add3A_124, %rem3A_147 : i32
        %mul3A_149 = arith.constant 16 : i32
        %mul3A_150 = arith.muli %rem3A_148, %mul3A_149 : i32
        %mul3A_151 = arith.constant 16 : i32
        %mul3A_152 = arith.muli %rem3A_148, %mul3A_151 : i32
        %dma_wait3A_153 = arith.constant 0 : i32
        %dma_wait3A_154 = tpu.memref_slice %arg14[%mul3A_152, %dma_wait3A_153] : memref<128x16xi32, #tpu.memory_space<vmem>> -> memref<16x16xi32, #tpu.memory_space<vmem>>
        %dma_wait3A_155 = tpu.memref_slice %arg21[%mul3A_150] : memref<128xi32, #tpu.memory_space<vmem>> -> memref<16xi32, #tpu.memory_space<vmem>>
        %dma_wait3A_156 = arith.constant 0 : i32
        %dma_wait3A_157 = arith.constant 0 : i32
        %dma_wait3A_158 = tpu.memref_slice %arg2[%dma_wait3A_156, %dma_wait3A_157] : memref<10240x16xi32, #tpu.memory_space<hbm>> -> memref<10240x16xi32, #tpu.memory_space<hbm>>
        tpu.wait_indirect_dma semaphore(%arg24 : memref<!tpu.dma_semaphore, #tpu.memory_space<semaphore_mem>>) src(%dma_wait3A_158 : memref<10240x16xi32, #tpu.memory_space<hbm>>) dst(%dma_wait3A_154 : memref<16x16xi32, #tpu.memory_space<vmem>>)
        %mul3A_159 = arith.constant 32 : i32
        %mul3A_160 = arith.muli %rem3A_84, %mul3A_159 : i32
        %add3A_161 = arith.addi %mul3A_160, %scan3A_120 : i32
        %broadcast_in_dim3A_162 = vector.broadcast %add3A_161 : i32 to vector<16xi32>
        %add3A_163 = arith.constant 0 : i32
        %add3A_164 = arith.addi %mul3A_131, %add3A_163 : i32
        %broadcast_in_dim3A_165 = vector.broadcast %add3A_164 : i32 to vector<16xi32>
        %gather3A_166 = tpu.vector_load_idx %arg14[%broadcast_in_dim3A_165, %iota3A_9] : memref<128x16xi32, #tpu.memory_space<vmem>>[vector<16xi32>, vector<16xi32>], vector<16xi32>,
        %add3A_167 = arith.constant 0 : i32
        %add3A_168 = vector.broadcast %add3A_167 : i32 to vector<16xi32>
        %add3A_169 = arith.addi %iota3A_9, %add3A_168 : vector<16xi32>
        tpu.vector_store_idx %arg15[%broadcast_in_dim3A_162, %add3A_169], %gather3A_166 : memref<64x256xi32, #tpu.memory_space<vmem>>[vector<16xi32>, vector<16xi32>], vector<16xi32>,
        tpu.vector_store_idx %arg11[%gather3A_166], %broadcast_in_dim3A_14 {add = true} : memref<10240xi32, #tpu.memory_space<vmem>>[vector<16xi32>], vector<16xi32>,
        %add3A_170 = arith.constant 1 : i32
        %add3A_171 = arith.addi %mul3A_131, %add3A_170 : i32
        %broadcast_in_dim3A_172 = vector.broadcast %add3A_171 : i32 to vector<16xi32>
        %gather3A_173 = tpu.vector_load_idx %arg14[%broadcast_in_dim3A_172, %iota3A_9] : memref<128x16xi32, #tpu.memory_space<vmem>>[vector<16xi32>, vector<16xi32>], vector<16xi32>,
        %add3A_174 = arith.constant 16 : i32
        %add3A_175 = vector.broadcast %add3A_174 : i32 to vector<16xi32>
        %add3A_176 = arith.addi %iota3A_9, %add3A_175 : vector<16xi32>
        tpu.vector_store_idx %arg15[%broadcast_in_dim3A_162, %add3A_176], %gather3A_173 : memref<64x256xi32, #tpu.memory_space<vmem>>[vector<16xi32>, vector<16xi32>], vector<16xi32>,
        tpu.vector_store_idx %arg11[%gather3A_173], %broadcast_in_dim3A_14 {add = true} : memref<10240xi32, #tpu.memory_space<vmem>>[vector<16xi32>], vector<16xi32>,
        %add3A_177 = arith.constant 2 : i32
        %add3A_178 = arith.addi %mul3A_131, %add3A_177 : i32
        %broadcast_in_dim3A_179 = vector.broadcast %add3A_178 : i32 to vector<16xi32>
        %gather3A_180 = tpu.vector_load_idx %arg14[%broadcast_in_dim3A_179, %iota3A_9] : memref<128x16xi32, #tpu.memory_space<vmem>>[vector<16xi32>, vector<16xi32>], vector<16xi32>,
        %add3A_181 = arith.constant 32 : i32
        %add3A_182 = vector.broadcast %add3A_181 : i32 to vector<16xi32>
        %add3A_183 = arith.addi %iota3A_9, %add3A_182 : vector<16xi32>
        tpu.vector_store_idx %arg15[%broadcast_in_dim3A_162, %add3A_183], %gather3A_180 : memref<64x256xi32, #tpu.memory_space<vmem>>[vector<16xi32>, vector<16xi32>], vector<16xi32>,
        tpu.vector_store_idx %arg11[%gather3A_180], %broadcast_in_dim3A_14 {add = true} : memref<10240xi32, #tpu.memory_space<vmem>>[vector<16xi32>], vector<16xi32>,
        %add3A_184 = arith.constant 3 : i32
        %add3A_185 = arith.addi %mul3A_131, %add3A_184 : i32
        %broadcast_in_dim3A_186 = vector.broadcast %add3A_185 : i32 to vector<16xi32>
        %gather3A_187 = tpu.vector_load_idx %arg14[%broadcast_in_dim3A_186, %iota3A_9] : memref<128x16xi32, #tpu.memory_space<vmem>>[vector<16xi32>, vector<16xi32>], vector<16xi32>,
        %add3A_188 = arith.constant 48 : i32
        %add3A_189 = vector.broadcast %add3A_188 : i32 to vector<16xi32>
        %add3A_190 = arith.addi %iota3A_9, %add3A_189 : vector<16xi32>
        tpu.vector_store_idx %arg15[%broadcast_in_dim3A_162, %add3A_190], %gather3A_187 : memref<64x256xi32, #tpu.memory_space<vmem>>[vector<16xi32>, vector<16xi32>], vector<16xi32>,
        tpu.vector_store_idx %arg11[%gather3A_187], %broadcast_in_dim3A_14 {add = true} : memref<10240xi32, #tpu.memory_space<vmem>>[vector<16xi32>], vector<16xi32>,
        %add3A_191 = arith.constant 4 : i32
        %add3A_192 = arith.addi %mul3A_131, %add3A_191 : i32
        %broadcast_in_dim3A_193 = vector.broadcast %add3A_192 : i32 to vector<16xi32>
        %gather3A_194 = tpu.vector_load_idx %arg14[%broadcast_in_dim3A_193, %iota3A_9] : memref<128x16xi32, #tpu.memory_space<vmem>>[vector<16xi32>, vector<16xi32>], vector<16xi32>,
        %add3A_195 = arith.constant 64 : i32
        %add3A_196 = vector.broadcast %add3A_195 : i32 to vector<16xi32>
        %add3A_197 = arith.addi %iota3A_9, %add3A_196 : vector<16xi32>
        tpu.vector_store_idx %arg15[%broadcast_in_dim3A_162, %add3A_197], %gather3A_194 : memref<64x256xi32, #tpu.memory_space<vmem>>[vector<16xi32>, vector<16xi32>], vector<16xi32>,
        tpu.vector_store_idx %arg11[%gather3A_194], %broadcast_in_dim3A_14 {add = true} : memref<10240xi32, #tpu.memory_space<vmem>>[vector<16xi32>], vector<16xi32>,
        %add3A_198 = arith.constant 5 : i32
        %add3A_199 = arith.addi %mul3A_131, %add3A_198 : i32
        %broadcast_in_dim3A_200 = vector.broadcast %add3A_199 : i32 to vector<16xi32>
        %gather3A_201 = tpu.vector_load_idx %arg14[%broadcast_in_dim3A_200, %iota3A_9] : memref<128x16xi32, #tpu.memory_space<vmem>>[vector<16xi32>, vector<16xi32>], vector<16xi32>,
        %add3A_202 = arith.constant 80 : i32
        %add3A_203 = vector.broadcast %add3A_202 : i32 to vector<16xi32>
        %add3A_204 = arith.addi %iota3A_9, %add3A_203 : vector<16xi32>
        tpu.vector_store_idx %arg15[%broadcast_in_dim3A_162, %add3A_204], %gather3A_201 : memref<64x256xi32, #tpu.memory_space<vmem>>[vector<16xi32>, vector<16xi32>], vector<16xi32>,
        tpu.vector_store_idx %arg11[%gather3A_201], %broadcast_in_dim3A_14 {add = true} : memref<10240xi32, #tpu.memory_space<vmem>>[vector<16xi32>], vector<16xi32>,
        %add3A_205 = arith.constant 6 : i32
        %add3A_206 = arith.addi %mul3A_131, %add3A_205 : i32
        %broadcast_in_dim3A_207 = vector.broadcast %add3A_206 : i32 to vector<16xi32>
        %gather3A_208 = tpu.vector_load_idx %arg14[%broadcast_in_dim3A_207, %iota3A_9] : memref<128x16xi32, #tpu.memory_space<vmem>>[vector<16xi32>, vector<16xi32>], vector<16xi32>,
        %add3A_209 = arith.constant 96 : i32
        %add3A_210 = vector.broadcast %add3A_209 : i32 to vector<16xi32>
        %add3A_211 = arith.addi %iota3A_9, %add3A_210 : vector<16xi32>
        tpu.vector_store_idx %arg15[%broadcast_in_dim3A_162, %add3A_211], %gather3A_208 : memref<64x256xi32, #tpu.memory_space<vmem>>[vector<16xi32>, vector<16xi32>], vector<16xi32>,
        tpu.vector_store_idx %arg11[%gather3A_208], %broadcast_in_dim3A_14 {add = true} : memref<10240xi32, #tpu.memory_space<vmem>>[vector<16xi32>], vector<16xi32>,
        %add3A_212 = arith.constant 7 : i32
        %add3A_213 = arith.addi %mul3A_131, %add3A_212 : i32
        %broadcast_in_dim3A_214 = vector.broadcast %add3A_213 : i32 to vector<16xi32>
        %gather3A_215 = tpu.vector_load_idx %arg14[%broadcast_in_dim3A_214, %iota3A_9] : memref<128x16xi32, #tpu.memory_space<vmem>>[vector<16xi32>, vector<16xi32>], vector<16xi32>,
        %add3A_216 = arith.constant 112 : i32
        %add3A_217 = vector.broadcast %add3A_216 : i32 to vector<16xi32>
        %add3A_218 = arith.addi %iota3A_9, %add3A_217 : vector<16xi32>
        tpu.vector_store_idx %arg15[%broadcast_in_dim3A_162, %add3A_218], %gather3A_215 : memref<64x256xi32, #tpu.memory_space<vmem>>[vector<16xi32>, vector<16xi32>], vector<16xi32>,
        tpu.vector_store_idx %arg11[%gather3A_215], %broadcast_in_dim3A_14 {add = true} : memref<10240xi32, #tpu.memory_space<vmem>>[vector<16xi32>], vector<16xi32>,
        %add3A_219 = arith.constant 8 : i32
        %add3A_220 = arith.addi %mul3A_131, %add3A_219 : i32
        %broadcast_in_dim3A_221 = vector.broadcast %add3A_220 : i32 to vector<16xi32>
        %gather3A_222 = tpu.vector_load_idx %arg14[%broadcast_in_dim3A_221, %iota3A_9] : memref<128x16xi32, #tpu.memory_space<vmem>>[vector<16xi32>, vector<16xi32>], vector<16xi32>,
        %add3A_223 = arith.constant 128 : i32
        %add3A_224 = vector.broadcast %add3A_223 : i32 to vector<16xi32>
        %add3A_225 = arith.addi %iota3A_9, %add3A_224 : vector<16xi32>
        tpu.vector_store_idx %arg15[%broadcast_in_dim3A_162, %add3A_225], %gather3A_222 : memref<64x256xi32, #tpu.memory_space<vmem>>[vector<16xi32>, vector<16xi32>], vector<16xi32>,
        tpu.vector_store_idx %arg11[%gather3A_222], %broadcast_in_dim3A_14 {add = true} : memref<10240xi32, #tpu.memory_space<vmem>>[vector<16xi32>], vector<16xi32>,
        %add3A_226 = arith.constant 9 : i32
        %add3A_227 = arith.addi %mul3A_131, %add3A_226 : i32
        %broadcast_in_dim3A_228 = vector.broadcast %add3A_227 : i32 to vector<16xi32>
        %gather3A_229 = tpu.vector_load_idx %arg14[%broadcast_in_dim3A_228, %iota3A_9] : memref<128x16xi32, #tpu.memory_space<vmem>>[vector<16xi32>, vector<16xi32>], vector<16xi32>,
        %add3A_230 = arith.constant 144 : i32
        %add3A_231 = vector.broadcast %add3A_230 : i32 to vector<16xi32>
        %add3A_232 = arith.addi %iota3A_9, %add3A_231 : vector<16xi32>
        tpu.vector_store_idx %arg15[%broadcast_in_dim3A_162, %add3A_232], %gather3A_229 : memref<64x256xi32, #tpu.memory_space<vmem>>[vector<16xi32>, vector<16xi32>], vector<16xi32>,
        tpu.vector_store_idx %arg11[%gather3A_229], %broadcast_in_dim3A_14 {add = true} : memref<10240xi32, #tpu.memory_space<vmem>>[vector<16xi32>], vector<16xi32>,
        %add3A_233 = arith.constant 10 : i32
        %add3A_234 = arith.addi %mul3A_131, %add3A_233 : i32
        %broadcast_in_dim3A_235 = vector.broadcast %add3A_234 : i32 to vector<16xi32>
        %gather3A_236 = tpu.vector_load_idx %arg14[%broadcast_in_dim3A_235, %iota3A_9] : memref<128x16xi32, #tpu.memory_space<vmem>>[vector<16xi32>, vector<16xi32>], vector<16xi32>,
        %add3A_237 = arith.constant 160 : i32
        %add3A_238 = vector.broadcast %add3A_237 : i32 to vector<16xi32>
        %add3A_239 = arith.addi %iota3A_9, %add3A_238 : vector<16xi32>
        tpu.vector_store_idx %arg15[%broadcast_in_dim3A_162, %add3A_239], %gather3A_236 : memref<64x256xi32, #tpu.memory_space<vmem>>[vector<16xi32>, vector<16xi32>], vector<16xi32>,
        tpu.vector_store_idx %arg11[%gather3A_236], %broadcast_in_dim3A_14 {add = true} : memref<10240xi32, #tpu.memory_space<vmem>>[vector<16xi32>], vector<16xi32>,
        %add3A_240 = arith.constant 11 : i32
        %add3A_241 = arith.addi %mul3A_131, %add3A_240 : i32
        %broadcast_in_dim3A_242 = vector.broadcast %add3A_241 : i32 to vector<16xi32>
        %gather3A_243 = tpu.vector_load_idx %arg14[%broadcast_in_dim3A_242, %iota3A_9] : memref<128x16xi32, #tpu.memory_space<vmem>>[vector<16xi32>, vector<16xi32>], vector<16xi32>,
        %add3A_244 = arith.constant 176 : i32
        %add3A_245 = vector.broadcast %add3A_244 : i32 to vector<16xi32>
        %add3A_246 = arith.addi %iota3A_9, %add3A_245 : vector<16xi32>
        tpu.vector_store_idx %arg15[%broadcast_in_dim3A_162, %add3A_246], %gather3A_243 : memref<64x256xi32, #tpu.memory_space<vmem>>[vector<16xi32>, vector<16xi32>], vector<16xi32>,
        tpu.vector_store_idx %arg11[%gather3A_243], %broadcast_in_dim3A_14 {add = true} : memref<10240xi32, #tpu.memory_space<vmem>>[vector<16xi32>], vector<16xi32>,
        %add3A_247 = arith.constant 12 : i32
        %add3A_248 = arith.addi %mul3A_131, %add3A_247 : i32
        %broadcast_in_dim3A_249 = vector.broadcast %add3A_248 : i32 to vector<16xi32>
        %gather3A_250 = tpu.vector_load_idx %arg14[%broadcast_in_dim3A_249, %iota3A_9] : memref<128x16xi32, #tpu.memory_space<vmem>>[vector<16xi32>, vector<16xi32>], vector<16xi32>,
        %add3A_251 = arith.constant 192 : i32
        %add3A_252 = vector.broadcast %add3A_251 : i32 to vector<16xi32>
        %add3A_253 = arith.addi %iota3A_9, %add3A_252 : vector<16xi32>
        tpu.vector_store_idx %arg15[%broadcast_in_dim3A_162, %add3A_253], %gather3A_250 : memref<64x256xi32, #tpu.memory_space<vmem>>[vector<16xi32>, vector<16xi32>], vector<16xi32>,
        tpu.vector_store_idx %arg11[%gather3A_250], %broadcast_in_dim3A_14 {add = true} : memref<10240xi32, #tpu.memory_space<vmem>>[vector<16xi32>], vector<16xi32>,
        %add3A_254 = arith.constant 13 : i32
        %add3A_255 = arith.addi %mul3A_131, %add3A_254 : i32
        %broadcast_in_dim3A_256 = vector.broadcast %add3A_255 : i32 to vector<16xi32>
        %gather3A_257 = tpu.vector_load_idx %arg14[%broadcast_in_dim3A_256, %iota3A_9] : memref<128x16xi32, #tpu.memory_space<vmem>>[vector<16xi32>, vector<16xi32>], vector<16xi32>,
        %add3A_258 = arith.constant 208 : i32
        %add3A_259 = vector.broadcast %add3A_258 : i32 to vector<16xi32>
        %add3A_260 = arith.addi %iota3A_9, %add3A_259 : vector<16xi32>
        tpu.vector_store_idx %arg15[%broadcast_in_dim3A_162, %add3A_260], %gather3A_257 : memref<64x256xi32, #tpu.memory_space<vmem>>[vector<16xi32>, vector<16xi32>], vector<16xi32>,
        tpu.vector_store_idx %arg11[%gather3A_257], %broadcast_in_dim3A_14 {add = true} : memref<10240xi32, #tpu.memory_space<vmem>>[vector<16xi32>], vector<16xi32>,
        %add3A_261 = arith.constant 14 : i32
        %add3A_262 = arith.addi %mul3A_131, %add3A_261 : i32
        %broadcast_in_dim3A_263 = vector.broadcast %add3A_262 : i32 to vector<16xi32>
        %gather3A_264 = tpu.vector_load_idx %arg14[%broadcast_in_dim3A_263, %iota3A_9] : memref<128x16xi32, #tpu.memory_space<vmem>>[vector<16xi32>, vector<16xi32>], vector<16xi32>,
        %add3A_265 = arith.constant 224 : i32
        %add3A_266 = vector.broadcast %add3A_265 : i32 to vector<16xi32>
        %add3A_267 = arith.addi %iota3A_9, %add3A_266 : vector<16xi32>
        tpu.vector_store_idx %arg15[%broadcast_in_dim3A_162, %add3A_267], %gather3A_264 : memref<64x256xi32, #tpu.memory_space<vmem>>[vector<16xi32>, vector<16xi32>], vector<16xi32>,
        tpu.vector_store_idx %arg11[%gather3A_264], %broadcast_in_dim3A_14 {add = true} : memref<10240xi32, #tpu.memory_space<vmem>>[vector<16xi32>], vector<16xi32>,
        %add3A_268 = arith.constant 15 : i32
        %add3A_269 = arith.addi %mul3A_131, %add3A_268 : i32
        %broadcast_in_dim3A_270 = vector.broadcast %add3A_269 : i32 to vector<16xi32>
        %gather3A_271 = tpu.vector_load_idx %arg14[%broadcast_in_dim3A_270, %iota3A_9] : memref<128x16xi32, #tpu.memory_space<vmem>>[vector<16xi32>, vector<16xi32>], vector<16xi32>,
        %add3A_272 = arith.constant 240 : i32
        %add3A_273 = vector.broadcast %add3A_272 : i32 to vector<16xi32>
        %add3A_274 = arith.addi %iota3A_9, %add3A_273 : vector<16xi32>
        tpu.vector_store_idx %arg15[%broadcast_in_dim3A_162, %add3A_274], %gather3A_271 : memref<64x256xi32, #tpu.memory_space<vmem>>[vector<16xi32>, vector<16xi32>], vector<16xi32>,
        tpu.vector_store_idx %arg11[%gather3A_271], %broadcast_in_dim3A_14 {add = true} : memref<10240xi32, #tpu.memory_space<vmem>>[vector<16xi32>], vector<16xi32>,
        %neg3A = arith.constant 0 : i32
        %neg3A_275 = vector.broadcast %neg3A : i32 to vector<16xi32>
        %neg3A_276 = arith.subi %neg3A_275, %broadcast_in_dim3A_14 : vector<16xi32>
        tpu.vector_store_idx %arg11[%gather3A], %neg3A_276 {add = true} : memref<10240xi32, #tpu.memory_space<vmem>>[vector<16xi32>], vector<16xi32>,
        %neg3A_277 = arith.constant 0 : i32
        %neg3A_278 = vector.broadcast %neg3A_277 : i32 to vector<16xi32>
        %neg3A_279 = arith.subi %neg3A_278, %broadcast_in_dim3A_14 : vector<16xi32>
        tpu.vector_store_idx %arg11[%broadcast_in_dim3A_126], %neg3A_279 masked %eq3A_11 {add = true} : memref<10240xi32, #tpu.memory_space<vmem>>[vector<16xi32>], vector<16xi32>, vector<16xi1>
        %add3A_280 = arith.constant 0 : i32
        %add3A_281 = arith.addi %mul3A_131, %add3A_280 : i32
        %broadcast_in_dim3A_282 = vector.broadcast %add3A_281 : i32 to vector<16xi32>
        %gather3A_283 = tpu.vector_load_idx %arg14[%broadcast_in_dim3A_282, %iota3A_9] : memref<128x16xi32, #tpu.memory_space<vmem>>[vector<16xi32>, vector<16xi32>], vector<16xi32>,
        %add3A_284 = arith.constant 0 : i32
        %add3A_285 = vector.broadcast %add3A_284 : i32 to vector<16xi32>
        %add3A_286 = arith.addi %iota3A_9, %add3A_285 : vector<16xi32>
        tpu.vector_store_idx %arg12[%gather3A_283], %add3A_286 : memref<10240xi32, #tpu.memory_space<vmem>>[vector<16xi32>], vector<16xi32>,
        %add3A_287 = arith.constant 1 : i32
        %add3A_288 = arith.addi %mul3A_131, %add3A_287 : i32
        %broadcast_in_dim3A_289 = vector.broadcast %add3A_288 : i32 to vector<16xi32>
        %gather3A_290 = tpu.vector_load_idx %arg14[%broadcast_in_dim3A_289, %iota3A_9] : memref<128x16xi32, #tpu.memory_space<vmem>>[vector<16xi32>, vector<16xi32>], vector<16xi32>,
        %add3A_291 = arith.constant 16 : i32
        %add3A_292 = vector.broadcast %add3A_291 : i32 to vector<16xi32>
        %add3A_293 = arith.addi %iota3A_9, %add3A_292 : vector<16xi32>
        tpu.vector_store_idx %arg12[%gather3A_290], %add3A_293 : memref<10240xi32, #tpu.memory_space<vmem>>[vector<16xi32>], vector<16xi32>,
        %add3A_294 = arith.constant 2 : i32
        %add3A_295 = arith.addi %mul3A_131, %add3A_294 : i32
        %broadcast_in_dim3A_296 = vector.broadcast %add3A_295 : i32 to vector<16xi32>
        %gather3A_297 = tpu.vector_load_idx %arg14[%broadcast_in_dim3A_296, %iota3A_9] : memref<128x16xi32, #tpu.memory_space<vmem>>[vector<16xi32>, vector<16xi32>], vector<16xi32>,
        %add3A_298 = arith.constant 32 : i32
        %add3A_299 = vector.broadcast %add3A_298 : i32 to vector<16xi32>
        %add3A_300 = arith.addi %iota3A_9, %add3A_299 : vector<16xi32>
        tpu.vector_store_idx %arg12[%gather3A_297], %add3A_300 : memref<10240xi32, #tpu.memory_space<vmem>>[vector<16xi32>], vector<16xi32>,
        %add3A_301 = arith.constant 3 : i32
        %add3A_302 = arith.addi %mul3A_131, %add3A_301 : i32
        %broadcast_in_dim3A_303 = vector.broadcast %add3A_302 : i32 to vector<16xi32>
        %gather3A_304 = tpu.vector_load_idx %arg14[%broadcast_in_dim3A_303, %iota3A_9] : memref<128x16xi32, #tpu.memory_space<vmem>>[vector<16xi32>, vector<16xi32>], vector<16xi32>,
        %add3A_305 = arith.constant 48 : i32
        %add3A_306 = vector.broadcast %add3A_305 : i32 to vector<16xi32>
        %add3A_307 = arith.addi %iota3A_9, %add3A_306 : vector<16xi32>
        tpu.vector_store_idx %arg12[%gather3A_304], %add3A_307 : memref<10240xi32, #tpu.memory_space<vmem>>[vector<16xi32>], vector<16xi32>,
        %add3A_308 = arith.constant 4 : i32
        %add3A_309 = arith.addi %mul3A_131, %add3A_308 : i32
        %broadcast_in_dim3A_310 = vector.broadcast %add3A_309 : i32 to vector<16xi32>
        %gather3A_311 = tpu.vector_load_idx %arg14[%broadcast_in_dim3A_310, %iota3A_9] : memref<128x16xi32, #tpu.memory_space<vmem>>[vector<16xi32>, vector<16xi32>], vector<16xi32>,
        %add3A_312 = arith.constant 64 : i32
        %add3A_313 = vector.broadcast %add3A_312 : i32 to vector<16xi32>
        %add3A_314 = arith.addi %iota3A_9, %add3A_313 : vector<16xi32>
        tpu.vector_store_idx %arg12[%gather3A_311], %add3A_314 : memref<10240xi32, #tpu.memory_space<vmem>>[vector<16xi32>], vector<16xi32>,
        %add3A_315 = arith.constant 5 : i32
        %add3A_316 = arith.addi %mul3A_131, %add3A_315 : i32
        %broadcast_in_dim3A_317 = vector.broadcast %add3A_316 : i32 to vector<16xi32>
        %gather3A_318 = tpu.vector_load_idx %arg14[%broadcast_in_dim3A_317, %iota3A_9] : memref<128x16xi32, #tpu.memory_space<vmem>>[vector<16xi32>, vector<16xi32>], vector<16xi32>,
        %add3A_319 = arith.constant 80 : i32
        %add3A_320 = vector.broadcast %add3A_319 : i32 to vector<16xi32>
        %add3A_321 = arith.addi %iota3A_9, %add3A_320 : vector<16xi32>
        tpu.vector_store_idx %arg12[%gather3A_318], %add3A_321 : memref<10240xi32, #tpu.memory_space<vmem>>[vector<16xi32>], vector<16xi32>,
        %add3A_322 = arith.constant 6 : i32
        %add3A_323 = arith.addi %mul3A_131, %add3A_322 : i32
        %broadcast_in_dim3A_324 = vector.broadcast %add3A_323 : i32 to vector<16xi32>
        %gather3A_325 = tpu.vector_load_idx %arg14[%broadcast_in_dim3A_324, %iota3A_9] : memref<128x16xi32, #tpu.memory_space<vmem>>[vector<16xi32>, vector<16xi32>], vector<16xi32>,
        %add3A_326 = arith.constant 96 : i32
        %add3A_327 = vector.broadcast %add3A_326 : i32 to vector<16xi32>
        %add3A_328 = arith.addi %iota3A_9, %add3A_327 : vector<16xi32>
        tpu.vector_store_idx %arg12[%gather3A_325], %add3A_328 : memref<10240xi32, #tpu.memory_space<vmem>>[vector<16xi32>], vector<16xi32>,
        %add3A_329 = arith.constant 7 : i32
        %add3A_330 = arith.addi %mul3A_131, %add3A_329 : i32
        %broadcast_in_dim3A_331 = vector.broadcast %add3A_330 : i32 to vector<16xi32>
        %gather3A_332 = tpu.vector_load_idx %arg14[%broadcast_in_dim3A_331, %iota3A_9] : memref<128x16xi32, #tpu.memory_space<vmem>>[vector<16xi32>, vector<16xi32>], vector<16xi32>,
        %add3A_333 = arith.constant 112 : i32
        %add3A_334 = vector.broadcast %add3A_333 : i32 to vector<16xi32>
        %add3A_335 = arith.addi %iota3A_9, %add3A_334 : vector<16xi32>
        tpu.vector_store_idx %arg12[%gather3A_332], %add3A_335 : memref<10240xi32, #tpu.memory_space<vmem>>[vector<16xi32>], vector<16xi32>,
        %add3A_336 = arith.constant 8 : i32
        %add3A_337 = arith.addi %mul3A_131, %add3A_336 : i32
        %broadcast_in_dim3A_338 = vector.broadcast %add3A_337 : i32 to vector<16xi32>
        %gather3A_339 = tpu.vector_load_idx %arg14[%broadcast_in_dim3A_338, %iota3A_9] : memref<128x16xi32, #tpu.memory_space<vmem>>[vector<16xi32>, vector<16xi32>], vector<16xi32>,
        %add3A_340 = arith.constant 128 : i32
        %add3A_341 = vector.broadcast %add3A_340 : i32 to vector<16xi32>
        %add3A_342 = arith.addi %iota3A_9, %add3A_341 : vector<16xi32>
        tpu.vector_store_idx %arg12[%gather3A_339], %add3A_342 : memref<10240xi32, #tpu.memory_space<vmem>>[vector<16xi32>], vector<16xi32>,
        %add3A_343 = arith.constant 9 : i32
        %add3A_344 = arith.addi %mul3A_131, %add3A_343 : i32
        %broadcast_in_dim3A_345 = vector.broadcast %add3A_344 : i32 to vector<16xi32>
        %gather3A_346 = tpu.vector_load_idx %arg14[%broadcast_in_dim3A_345, %iota3A_9] : memref<128x16xi32, #tpu.memory_space<vmem>>[vector<16xi32>, vector<16xi32>], vector<16xi32>,
        %add3A_347 = arith.constant 144 : i32
        %add3A_348 = vector.broadcast %add3A_347 : i32 to vector<16xi32>
        %add3A_349 = arith.addi %iota3A_9, %add3A_348 : vector<16xi32>
        tpu.vector_store_idx %arg12[%gather3A_346], %add3A_349 : memref<10240xi32, #tpu.memory_space<vmem>>[vector<16xi32>], vector<16xi32>,
        %add3A_350 = arith.constant 10 : i32
        %add3A_351 = arith.addi %mul3A_131, %add3A_350 : i32
        %broadcast_in_dim3A_352 = vector.broadcast %add3A_351 : i32 to vector<16xi32>
        %gather3A_353 = tpu.vector_load_idx %arg14[%broadcast_in_dim3A_352, %iota3A_9] : memref<128x16xi32, #tpu.memory_space<vmem>>[vector<16xi32>, vector<16xi32>], vector<16xi32>,
        %add3A_354 = arith.constant 160 : i32
        %add3A_355 = vector.broadcast %add3A_354 : i32 to vector<16xi32>
        %add3A_356 = arith.addi %iota3A_9, %add3A_355 : vector<16xi32>
        tpu.vector_store_idx %arg12[%gather3A_353], %add3A_356 : memref<10240xi32, #tpu.memory_space<vmem>>[vector<16xi32>], vector<16xi32>,
        %add3A_357 = arith.constant 11 : i32
        %add3A_358 = arith.addi %mul3A_131, %add3A_357 : i32
        %broadcast_in_dim3A_359 = vector.broadcast %add3A_358 : i32 to vector<16xi32>
        %gather3A_360 = tpu.vector_load_idx %arg14[%broadcast_in_dim3A_359, %iota3A_9] : memref<128x16xi32, #tpu.memory_space<vmem>>[vector<16xi32>, vector<16xi32>], vector<16xi32>,
        %add3A_361 = arith.constant 176 : i32
        %add3A_362 = vector.broadcast %add3A_361 : i32 to vector<16xi32>
        %add3A_363 = arith.addi %iota3A_9, %add3A_362 : vector<16xi32>
        tpu.vector_store_idx %arg12[%gather3A_360], %add3A_363 : memref<10240xi32, #tpu.memory_space<vmem>>[vector<16xi32>], vector<16xi32>,
        %add3A_364 = arith.constant 12 : i32
        %add3A_365 = arith.addi %mul3A_131, %add3A_364 : i32
        %broadcast_in_dim3A_366 = vector.broadcast %add3A_365 : i32 to vector<16xi32>
        %gather3A_367 = tpu.vector_load_idx %arg14[%broadcast_in_dim3A_366, %iota3A_9] : memref<128x16xi32, #tpu.memory_space<vmem>>[vector<16xi32>, vector<16xi32>], vector<16xi32>,
        %add3A_368 = arith.constant 192 : i32
        %add3A_369 = vector.broadcast %add3A_368 : i32 to vector<16xi32>
        %add3A_370 = arith.addi %iota3A_9, %add3A_369 : vector<16xi32>
        tpu.vector_store_idx %arg12[%gather3A_367], %add3A_370 : memref<10240xi32, #tpu.memory_space<vmem>>[vector<16xi32>], vector<16xi32>,
        %add3A_371 = arith.constant 13 : i32
        %add3A_372 = arith.addi %mul3A_131, %add3A_371 : i32
        %broadcast_in_dim3A_373 = vector.broadcast %add3A_372 : i32 to vector<16xi32>
        %gather3A_374 = tpu.vector_load_idx %arg14[%broadcast_in_dim3A_373, %iota3A_9] : memref<128x16xi32, #tpu.memory_space<vmem>>[vector<16xi32>, vector<16xi32>], vector<16xi32>,
        %add3A_375 = arith.constant 208 : i32
        %add3A_376 = vector.broadcast %add3A_375 : i32 to vector<16xi32>
        %add3A_377 = arith.addi %iota3A_9, %add3A_376 : vector<16xi32>
        tpu.vector_store_idx %arg12[%gather3A_374], %add3A_377 : memref<10240xi32, #tpu.memory_space<vmem>>[vector<16xi32>], vector<16xi32>,
        %add3A_378 = arith.constant 14 : i32
        %add3A_379 = arith.addi %mul3A_131, %add3A_378 : i32
        %broadcast_in_dim3A_380 = vector.broadcast %add3A_379 : i32 to vector<16xi32>
        %gather3A_381 = tpu.vector_load_idx %arg14[%broadcast_in_dim3A_380, %iota3A_9] : memref<128x16xi32, #tpu.memory_space<vmem>>[vector<16xi32>, vector<16xi32>], vector<16xi32>,
        %add3A_382 = arith.constant 224 : i32
        %add3A_383 = vector.broadcast %add3A_382 : i32 to vector<16xi32>
        %add3A_384 = arith.addi %iota3A_9, %add3A_383 : vector<16xi32>
        tpu.vector_store_idx %arg12[%gather3A_381], %add3A_384 : memref<10240xi32, #tpu.memory_space<vmem>>[vector<16xi32>], vector<16xi32>,
        %add3A_385 = arith.constant 15 : i32
        %add3A_386 = arith.addi %mul3A_131, %add3A_385 : i32
        %broadcast_in_dim3A_387 = vector.broadcast %add3A_386 : i32 to vector<16xi32>
        %gather3A_388 = tpu.vector_load_idx %arg14[%broadcast_in_dim3A_387, %iota3A_9] : memref<128x16xi32, #tpu.memory_space<vmem>>[vector<16xi32>, vector<16xi32>], vector<16xi32>,
        %add3A_389 = arith.constant 240 : i32
        %add3A_390 = vector.broadcast %add3A_389 : i32 to vector<16xi32>
        %add3A_391 = arith.addi %iota3A_9, %add3A_390 : vector<16xi32>
        tpu.vector_store_idx %arg12[%gather3A_388], %add3A_391 : memref<10240xi32, #tpu.memory_space<vmem>>[vector<16xi32>], vector<16xi32>,
        %broadcast_in_dim3A_392 = arith.constant 0 : i32
        %broadcast_in_dim3A_393 = vector.broadcast %broadcast_in_dim3A_392 : i32 to vector<16xi32>
        %add3A_394 = arith.constant 0 : i32
        %add3A_395 = arith.addi %mul3A_131, %add3A_394 : i32
        %broadcast_in_dim3A_396 = vector.broadcast %add3A_395 : i32 to vector<16xi32>
        %gather3A_397 = tpu.vector_load_idx %arg14[%broadcast_in_dim3A_396, %iota3A_9] : memref<128x16xi32, #tpu.memory_space<vmem>>[vector<16xi32>, vector<16xi32>], vector<16xi32>,
        %gather3A_398 = tpu.vector_load_idx %arg11[%gather3A_397] : memref<10240xi32, #tpu.memory_space<vmem>>[vector<16xi32>], vector<16xi32>,
        %gather3A_399 = tpu.vector_load_idx %arg12[%gather3A_397] : memref<10240xi32, #tpu.memory_space<vmem>>[vector<16xi32>], vector<16xi32>,
        %add3A_400 = arith.constant 0 : i32
        %add3A_401 = vector.broadcast %add3A_400 : i32 to vector<16xi32>
        %add3A_402 = arith.addi %iota3A_9, %add3A_401 : vector<16xi32>
        %eq3A_403 = arith.cmpi eq, %gather3A_399, %add3A_402 : vector<16xi32>
        %gt3A_404 = arith.constant 0 : i32
        %gt3A_405 = vector.broadcast %gt3A_404 : i32 to vector<16xi32>
        %gt3A_406 = arith.cmpi sgt, %gather3A_398, %gt3A_405 : vector<16xi32>
        %and3A_407 = arith.andi %eq3A_403, %gt3A_406 : vector<16xi1>
        %add3A_408 = arith.constant 0 : i32
        %add3A_409 = vector.broadcast %add3A_408 : i32 to vector<16xi32>
        %add3A_410 = arith.addi %iota3A_9, %add3A_409 : vector<16xi32>
        %jit3A_411 = arith.constant 1.000000e+00 : f32
        %jit3A_412 = arith.constant 0.000000e+00 : f32
        %broadcast_in_dim3A_413 = vector.broadcast %jit3A_411 : f32 to vector<16xf32>
        %broadcast_in_dim3A_414 = vector.broadcast %jit3A_412 : f32 to vector<16xf32>
        %select_n3A_415 = arith.select %and3A_407, %broadcast_in_dim3A_413, %broadcast_in_dim3A_414 : vector<16xi1>, vector<16xf32>
        tpu.vector_store_idx %arg16[%broadcast_in_dim3A_162, %add3A_410], %select_n3A_415 : memref<64x256xf32, #tpu.memory_space<vmem>>[vector<16xi32>, vector<16xi32>], vector<16xf32>,
        %all_reduce_population_count3A_416 = tpu.all_reduce %and3A_407 {dim = 0 : i64, kind = #tpu.reduction_kind<sum>} : vector<16xi1> -> vector<16xi32>
        %add3A_417 = arith.addi %broadcast_in_dim3A_393, %all_reduce_population_count3A_416 : vector<16xi32>
        %add3A_418 = arith.constant 1 : i32
        %add3A_419 = arith.addi %mul3A_131, %add3A_418 : i32
        %broadcast_in_dim3A_420 = vector.broadcast %add3A_419 : i32 to vector<16xi32>
        %gather3A_421 = tpu.vector_load_idx %arg14[%broadcast_in_dim3A_420, %iota3A_9] : memref<128x16xi32, #tpu.memory_space<vmem>>[vector<16xi32>, vector<16xi32>], vector<16xi32>,
        %gather3A_422 = tpu.vector_load_idx %arg11[%gather3A_421] : memref<10240xi32, #tpu.memory_space<vmem>>[vector<16xi32>], vector<16xi32>,
        %gather3A_423 = tpu.vector_load_idx %arg12[%gather3A_421] : memref<10240xi32, #tpu.memory_space<vmem>>[vector<16xi32>], vector<16xi32>,
        %add3A_424 = arith.constant 16 : i32
        %add3A_425 = vector.broadcast %add3A_424 : i32 to vector<16xi32>
        %add3A_426 = arith.addi %iota3A_9, %add3A_425 : vector<16xi32>
        %eq3A_427 = arith.cmpi eq, %gather3A_423, %add3A_426 : vector<16xi32>
        %gt3A_428 = arith.constant 0 : i32
        %gt3A_429 = vector.broadcast %gt3A_428 : i32 to vector<16xi32>
        %gt3A_430 = arith.cmpi sgt, %gather3A_422, %gt3A_429 : vector<16xi32>
        %and3A_431 = arith.andi %eq3A_427, %gt3A_430 : vector<16xi1>
        %add3A_432 = arith.constant 16 : i32
        %add3A_433 = vector.broadcast %add3A_432 : i32 to vector<16xi32>
        %add3A_434 = arith.addi %iota3A_9, %add3A_433 : vector<16xi32>
        %jit3A_435 = arith.constant 1.000000e+00 : f32
        %jit3A_436 = arith.constant 0.000000e+00 : f32
        %broadcast_in_dim3A_437 = vector.broadcast %jit3A_435 : f32 to vector<16xf32>
        %broadcast_in_dim3A_438 = vector.broadcast %jit3A_436 : f32 to vector<16xf32>
        %select_n3A_439 = arith.select %and3A_431, %broadcast_in_dim3A_437, %broadcast_in_dim3A_438 : vector<16xi1>, vector<16xf32>
        tpu.vector_store_idx %arg16[%broadcast_in_dim3A_162, %add3A_434], %select_n3A_439 : memref<64x256xf32, #tpu.memory_space<vmem>>[vector<16xi32>, vector<16xi32>], vector<16xf32>,
        %all_reduce_population_count3A_440 = tpu.all_reduce %and3A_431 {dim = 0 : i64, kind = #tpu.reduction_kind<sum>} : vector<16xi1> -> vector<16xi32>
        %add3A_441 = arith.addi %add3A_417, %all_reduce_population_count3A_440 : vector<16xi32>
        %add3A_442 = arith.constant 2 : i32
        %add3A_443 = arith.addi %mul3A_131, %add3A_442 : i32
        %broadcast_in_dim3A_444 = vector.broadcast %add3A_443 : i32 to vector<16xi32>
        %gather3A_445 = tpu.vector_load_idx %arg14[%broadcast_in_dim3A_444, %iota3A_9] : memref<128x16xi32, #tpu.memory_space<vmem>>[vector<16xi32>, vector<16xi32>], vector<16xi32>,
        %gather3A_446 = tpu.vector_load_idx %arg11[%gather3A_445] : memref<10240xi32, #tpu.memory_space<vmem>>[vector<16xi32>], vector<16xi32>,
        %gather3A_447 = tpu.vector_load_idx %arg12[%gather3A_445] : memref<10240xi32, #tpu.memory_space<vmem>>[vector<16xi32>], vector<16xi32>,
        %add3A_448 = arith.constant 32 : i32
        %add3A_449 = vector.broadcast %add3A_448 : i32 to vector<16xi32>
        %add3A_450 = arith.addi %iota3A_9, %add3A_449 : vector<16xi32>
        %eq3A_451 = arith.cmpi eq, %gather3A_447, %add3A_450 : vector<16xi32>
        %gt3A_452 = arith.constant 0 : i32
        %gt3A_453 = vector.broadcast %gt3A_452 : i32 to vector<16xi32>
        %gt3A_454 = arith.cmpi sgt, %gather3A_446, %gt3A_453 : vector<16xi32>
        %and3A_455 = arith.andi %eq3A_451, %gt3A_454 : vector<16xi1>
        %add3A_456 = arith.constant 32 : i32
        %add3A_457 = vector.broadcast %add3A_456 : i32 to vector<16xi32>
        %add3A_458 = arith.addi %iota3A_9, %add3A_457 : vector<16xi32>
        %jit3A_459 = arith.constant 1.000000e+00 : f32
        %jit3A_460 = arith.constant 0.000000e+00 : f32
        %broadcast_in_dim3A_461 = vector.broadcast %jit3A_459 : f32 to vector<16xf32>
        %broadcast_in_dim3A_462 = vector.broadcast %jit3A_460 : f32 to vector<16xf32>
        %select_n3A_463 = arith.select %and3A_455, %broadcast_in_dim3A_461, %broadcast_in_dim3A_462 : vector<16xi1>, vector<16xf32>
        tpu.vector_store_idx %arg16[%broadcast_in_dim3A_162, %add3A_458], %select_n3A_463 : memref<64x256xf32, #tpu.memory_space<vmem>>[vector<16xi32>, vector<16xi32>], vector<16xf32>,
        %all_reduce_population_count3A_464 = tpu.all_reduce %and3A_455 {dim = 0 : i64, kind = #tpu.reduction_kind<sum>} : vector<16xi1> -> vector<16xi32>
        %add3A_465 = arith.addi %add3A_441, %all_reduce_population_count3A_464 : vector<16xi32>
        %add3A_466 = arith.constant 3 : i32
        %add3A_467 = arith.addi %mul3A_131, %add3A_466 : i32
        %broadcast_in_dim3A_468 = vector.broadcast %add3A_467 : i32 to vector<16xi32>
        %gather3A_469 = tpu.vector_load_idx %arg14[%broadcast_in_dim3A_468, %iota3A_9] : memref<128x16xi32, #tpu.memory_space<vmem>>[vector<16xi32>, vector<16xi32>], vector<16xi32>,
        %gather3A_470 = tpu.vector_load_idx %arg11[%gather3A_469] : memref<10240xi32, #tpu.memory_space<vmem>>[vector<16xi32>], vector<16xi32>,
        %gather3A_471 = tpu.vector_load_idx %arg12[%gather3A_469] : memref<10240xi32, #tpu.memory_space<vmem>>[vector<16xi32>], vector<16xi32>,
        %add3A_472 = arith.constant 48 : i32
        %add3A_473 = vector.broadcast %add3A_472 : i32 to vector<16xi32>
        %add3A_474 = arith.addi %iota3A_9, %add3A_473 : vector<16xi32>
        %eq3A_475 = arith.cmpi eq, %gather3A_471, %add3A_474 : vector<16xi32>
        %gt3A_476 = arith.constant 0 : i32
        %gt3A_477 = vector.broadcast %gt3A_476 : i32 to vector<16xi32>
        %gt3A_478 = arith.cmpi sgt, %gather3A_470, %gt3A_477 : vector<16xi32>
        %and3A_479 = arith.andi %eq3A_475, %gt3A_478 : vector<16xi1>
        %add3A_480 = arith.constant 48 : i32
        %add3A_481 = vector.broadcast %add3A_480 : i32 to vector<16xi32>
        %add3A_482 = arith.addi %iota3A_9, %add3A_481 : vector<16xi32>
        %jit3A_483 = arith.constant 1.000000e+00 : f32
        %jit3A_484 = arith.constant 0.000000e+00 : f32
        %broadcast_in_dim3A_485 = vector.broadcast %jit3A_483 : f32 to vector<16xf32>
        %broadcast_in_dim3A_486 = vector.broadcast %jit3A_484 : f32 to vector<16xf32>
        %select_n3A_487 = arith.select %and3A_479, %broadcast_in_dim3A_485, %broadcast_in_dim3A_486 : vector<16xi1>, vector<16xf32>
        tpu.vector_store_idx %arg16[%broadcast_in_dim3A_162, %add3A_482], %select_n3A_487 : memref<64x256xf32, #tpu.memory_space<vmem>>[vector<16xi32>, vector<16xi32>], vector<16xf32>,
        %all_reduce_population_count3A_488 = tpu.all_reduce %and3A_479 {dim = 0 : i64, kind = #tpu.reduction_kind<sum>} : vector<16xi1> -> vector<16xi32>
        %add3A_489 = arith.addi %add3A_465, %all_reduce_population_count3A_488 : vector<16xi32>
        %add3A_490 = arith.constant 4 : i32
        %add3A_491 = arith.addi %mul3A_131, %add3A_490 : i32
        %broadcast_in_dim3A_492 = vector.broadcast %add3A_491 : i32 to vector<16xi32>
        %gather3A_493 = tpu.vector_load_idx %arg14[%broadcast_in_dim3A_492, %iota3A_9] : memref<128x16xi32, #tpu.memory_space<vmem>>[vector<16xi32>, vector<16xi32>], vector<16xi32>,
        %gather3A_494 = tpu.vector_load_idx %arg11[%gather3A_493] : memref<10240xi32, #tpu.memory_space<vmem>>[vector<16xi32>], vector<16xi32>,
        %gather3A_495 = tpu.vector_load_idx %arg12[%gather3A_493] : memref<10240xi32, #tpu.memory_space<vmem>>[vector<16xi32>], vector<16xi32>,
        %add3A_496 = arith.constant 64 : i32
        %add3A_497 = vector.broadcast %add3A_496 : i32 to vector<16xi32>
        %add3A_498 = arith.addi %iota3A_9, %add3A_497 : vector<16xi32>
        %eq3A_499 = arith.cmpi eq, %gather3A_495, %add3A_498 : vector<16xi32>
        %gt3A_500 = arith.constant 0 : i32
        %gt3A_501 = vector.broadcast %gt3A_500 : i32 to vector<16xi32>
        %gt3A_502 = arith.cmpi sgt, %gather3A_494, %gt3A_501 : vector<16xi32>
        %and3A_503 = arith.andi %eq3A_499, %gt3A_502 : vector<16xi1>
        %add3A_504 = arith.constant 64 : i32
        %add3A_505 = vector.broadcast %add3A_504 : i32 to vector<16xi32>
        %add3A_506 = arith.addi %iota3A_9, %add3A_505 : vector<16xi32>
        %jit3A_507 = arith.constant 1.000000e+00 : f32
        %jit3A_508 = arith.constant 0.000000e+00 : f32
        %broadcast_in_dim3A_509 = vector.broadcast %jit3A_507 : f32 to vector<16xf32>
        %broadcast_in_dim3A_510 = vector.broadcast %jit3A_508 : f32 to vector<16xf32>
        %select_n3A_511 = arith.select %and3A_503, %broadcast_in_dim3A_509, %broadcast_in_dim3A_510 : vector<16xi1>, vector<16xf32>
        tpu.vector_store_idx %arg16[%broadcast_in_dim3A_162, %add3A_506], %select_n3A_511 : memref<64x256xf32, #tpu.memory_space<vmem>>[vector<16xi32>, vector<16xi32>], vector<16xf32>,
        %all_reduce_population_count3A_512 = tpu.all_reduce %and3A_503 {dim = 0 : i64, kind = #tpu.reduction_kind<sum>} : vector<16xi1> -> vector<16xi32>
        %add3A_513 = arith.addi %add3A_489, %all_reduce_population_count3A_512 : vector<16xi32>
        %add3A_514 = arith.constant 5 : i32
        %add3A_515 = arith.addi %mul3A_131, %add3A_514 : i32
        %broadcast_in_dim3A_516 = vector.broadcast %add3A_515 : i32 to vector<16xi32>
        %gather3A_517 = tpu.vector_load_idx %arg14[%broadcast_in_dim3A_516, %iota3A_9] : memref<128x16xi32, #tpu.memory_space<vmem>>[vector<16xi32>, vector<16xi32>], vector<16xi32>,
        %gather3A_518 = tpu.vector_load_idx %arg11[%gather3A_517] : memref<10240xi32, #tpu.memory_space<vmem>>[vector<16xi32>], vector<16xi32>,
        %gather3A_519 = tpu.vector_load_idx %arg12[%gather3A_517] : memref<10240xi32, #tpu.memory_space<vmem>>[vector<16xi32>], vector<16xi32>,
        %add3A_520 = arith.constant 80 : i32
        %add3A_521 = vector.broadcast %add3A_520 : i32 to vector<16xi32>
        %add3A_522 = arith.addi %iota3A_9, %add3A_521 : vector<16xi32>
        %eq3A_523 = arith.cmpi eq, %gather3A_519, %add3A_522 : vector<16xi32>
        %gt3A_524 = arith.constant 0 : i32
        %gt3A_525 = vector.broadcast %gt3A_524 : i32 to vector<16xi32>
        %gt3A_526 = arith.cmpi sgt, %gather3A_518, %gt3A_525 : vector<16xi32>
        %and3A_527 = arith.andi %eq3A_523, %gt3A_526 : vector<16xi1>
        %add3A_528 = arith.constant 80 : i32
        %add3A_529 = vector.broadcast %add3A_528 : i32 to vector<16xi32>
        %add3A_530 = arith.addi %iota3A_9, %add3A_529 : vector<16xi32>
        %jit3A_531 = arith.constant 1.000000e+00 : f32
        %jit3A_532 = arith.constant 0.000000e+00 : f32
        %broadcast_in_dim3A_533 = vector.broadcast %jit3A_531 : f32 to vector<16xf32>
        %broadcast_in_dim3A_534 = vector.broadcast %jit3A_532 : f32 to vector<16xf32>
        %select_n3A_535 = arith.select %and3A_527, %broadcast_in_dim3A_533, %broadcast_in_dim3A_534 : vector<16xi1>, vector<16xf32>
        tpu.vector_store_idx %arg16[%broadcast_in_dim3A_162, %add3A_530], %select_n3A_535 : memref<64x256xf32, #tpu.memory_space<vmem>>[vector<16xi32>, vector<16xi32>], vector<16xf32>,
        %all_reduce_population_count3A_536 = tpu.all_reduce %and3A_527 {dim = 0 : i64, kind = #tpu.reduction_kind<sum>} : vector<16xi1> -> vector<16xi32>
        %add3A_537 = arith.addi %add3A_513, %all_reduce_population_count3A_536 : vector<16xi32>
        %add3A_538 = arith.constant 6 : i32
        %add3A_539 = arith.addi %mul3A_131, %add3A_538 : i32
        %broadcast_in_dim3A_540 = vector.broadcast %add3A_539 : i32 to vector<16xi32>
        %gather3A_541 = tpu.vector_load_idx %arg14[%broadcast_in_dim3A_540, %iota3A_9] : memref<128x16xi32, #tpu.memory_space<vmem>>[vector<16xi32>, vector<16xi32>], vector<16xi32>,
        %gather3A_542 = tpu.vector_load_idx %arg11[%gather3A_541] : memref<10240xi32, #tpu.memory_space<vmem>>[vector<16xi32>], vector<16xi32>,
        %gather3A_543 = tpu.vector_load_idx %arg12[%gather3A_541] : memref<10240xi32, #tpu.memory_space<vmem>>[vector<16xi32>], vector<16xi32>,
        %add3A_544 = arith.constant 96 : i32
        %add3A_545 = vector.broadcast %add3A_544 : i32 to vector<16xi32>
        %add3A_546 = arith.addi %iota3A_9, %add3A_545 : vector<16xi32>
        %eq3A_547 = arith.cmpi eq, %gather3A_543, %add3A_546 : vector<16xi32>
        %gt3A_548 = arith.constant 0 : i32
        %gt3A_549 = vector.broadcast %gt3A_548 : i32 to vector<16xi32>
        %gt3A_550 = arith.cmpi sgt, %gather3A_542, %gt3A_549 : vector<16xi32>
        %and3A_551 = arith.andi %eq3A_547, %gt3A_550 : vector<16xi1>
        %add3A_552 = arith.constant 96 : i32
        %add3A_553 = vector.broadcast %add3A_552 : i32 to vector<16xi32>
        %add3A_554 = arith.addi %iota3A_9, %add3A_553 : vector<16xi32>
        %jit3A_555 = arith.constant 1.000000e+00 : f32
        %jit3A_556 = arith.constant 0.000000e+00 : f32
        %broadcast_in_dim3A_557 = vector.broadcast %jit3A_555 : f32 to vector<16xf32>
        %broadcast_in_dim3A_558 = vector.broadcast %jit3A_556 : f32 to vector<16xf32>
        %select_n3A_559 = arith.select %and3A_551, %broadcast_in_dim3A_557, %broadcast_in_dim3A_558 : vector<16xi1>, vector<16xf32>
        tpu.vector_store_idx %arg16[%broadcast_in_dim3A_162, %add3A_554], %select_n3A_559 : memref<64x256xf32, #tpu.memory_space<vmem>>[vector<16xi32>, vector<16xi32>], vector<16xf32>,
        %all_reduce_population_count3A_560 = tpu.all_reduce %and3A_551 {dim = 0 : i64, kind = #tpu.reduction_kind<sum>} : vector<16xi1> -> vector<16xi32>
        %add3A_561 = arith.addi %add3A_537, %all_reduce_population_count3A_560 : vector<16xi32>
        %add3A_562 = arith.constant 7 : i32
        %add3A_563 = arith.addi %mul3A_131, %add3A_562 : i32
        %broadcast_in_dim3A_564 = vector.broadcast %add3A_563 : i32 to vector<16xi32>
        %gather3A_565 = tpu.vector_load_idx %arg14[%broadcast_in_dim3A_564, %iota3A_9] : memref<128x16xi32, #tpu.memory_space<vmem>>[vector<16xi32>, vector<16xi32>], vector<16xi32>,
        %gather3A_566 = tpu.vector_load_idx %arg11[%gather3A_565] : memref<10240xi32, #tpu.memory_space<vmem>>[vector<16xi32>], vector<16xi32>,
        %gather3A_567 = tpu.vector_load_idx %arg12[%gather3A_565] : memref<10240xi32, #tpu.memory_space<vmem>>[vector<16xi32>], vector<16xi32>,
        %add3A_568 = arith.constant 112 : i32
        %add3A_569 = vector.broadcast %add3A_568 : i32 to vector<16xi32>
        %add3A_570 = arith.addi %iota3A_9, %add3A_569 : vector<16xi32>
        %eq3A_571 = arith.cmpi eq, %gather3A_567, %add3A_570 : vector<16xi32>
        %gt3A_572 = arith.constant 0 : i32
        %gt3A_573 = vector.broadcast %gt3A_572 : i32 to vector<16xi32>
        %gt3A_574 = arith.cmpi sgt, %gather3A_566, %gt3A_573 : vector<16xi32>
        %and3A_575 = arith.andi %eq3A_571, %gt3A_574 : vector<16xi1>
        %add3A_576 = arith.constant 112 : i32
        %add3A_577 = vector.broadcast %add3A_576 : i32 to vector<16xi32>
        %add3A_578 = arith.addi %iota3A_9, %add3A_577 : vector<16xi32>
        %jit3A_579 = arith.constant 1.000000e+00 : f32
        %jit3A_580 = arith.constant 0.000000e+00 : f32
        %broadcast_in_dim3A_581 = vector.broadcast %jit3A_579 : f32 to vector<16xf32>
        %broadcast_in_dim3A_582 = vector.broadcast %jit3A_580 : f32 to vector<16xf32>
        %select_n3A_583 = arith.select %and3A_575, %broadcast_in_dim3A_581, %broadcast_in_dim3A_582 : vector<16xi1>, vector<16xf32>
        tpu.vector_store_idx %arg16[%broadcast_in_dim3A_162, %add3A_578], %select_n3A_583 : memref<64x256xf32, #tpu.memory_space<vmem>>[vector<16xi32>, vector<16xi32>], vector<16xf32>,
        %all_reduce_population_count3A_584 = tpu.all_reduce %and3A_575 {dim = 0 : i64, kind = #tpu.reduction_kind<sum>} : vector<16xi1> -> vector<16xi32>
        %add3A_585 = arith.addi %add3A_561, %all_reduce_population_count3A_584 : vector<16xi32>
        %add3A_586 = arith.constant 8 : i32
        %add3A_587 = arith.addi %mul3A_131, %add3A_586 : i32
        %broadcast_in_dim3A_588 = vector.broadcast %add3A_587 : i32 to vector<16xi32>
        %gather3A_589 = tpu.vector_load_idx %arg14[%broadcast_in_dim3A_588, %iota3A_9] : memref<128x16xi32, #tpu.memory_space<vmem>>[vector<16xi32>, vector<16xi32>], vector<16xi32>,
        %gather3A_590 = tpu.vector_load_idx %arg11[%gather3A_589] : memref<10240xi32, #tpu.memory_space<vmem>>[vector<16xi32>], vector<16xi32>,
        %gather3A_591 = tpu.vector_load_idx %arg12[%gather3A_589] : memref<10240xi32, #tpu.memory_space<vmem>>[vector<16xi32>], vector<16xi32>,
        %add3A_592 = arith.constant 128 : i32
        %add3A_593 = vector.broadcast %add3A_592 : i32 to vector<16xi32>
        %add3A_594 = arith.addi %iota3A_9, %add3A_593 : vector<16xi32>
        %eq3A_595 = arith.cmpi eq, %gather3A_591, %add3A_594 : vector<16xi32>
        %gt3A_596 = arith.constant 0 : i32
        %gt3A_597 = vector.broadcast %gt3A_596 : i32 to vector<16xi32>
        %gt3A_598 = arith.cmpi sgt, %gather3A_590, %gt3A_597 : vector<16xi32>
        %and3A_599 = arith.andi %eq3A_595, %gt3A_598 : vector<16xi1>
        %add3A_600 = arith.constant 128 : i32
        %add3A_601 = vector.broadcast %add3A_600 : i32 to vector<16xi32>
        %add3A_602 = arith.addi %iota3A_9, %add3A_601 : vector<16xi32>
        %jit3A_603 = arith.constant 1.000000e+00 : f32
        %jit3A_604 = arith.constant 0.000000e+00 : f32
        %broadcast_in_dim3A_605 = vector.broadcast %jit3A_603 : f32 to vector<16xf32>
        %broadcast_in_dim3A_606 = vector.broadcast %jit3A_604 : f32 to vector<16xf32>
        %select_n3A_607 = arith.select %and3A_599, %broadcast_in_dim3A_605, %broadcast_in_dim3A_606 : vector<16xi1>, vector<16xf32>
        tpu.vector_store_idx %arg16[%broadcast_in_dim3A_162, %add3A_602], %select_n3A_607 : memref<64x256xf32, #tpu.memory_space<vmem>>[vector<16xi32>, vector<16xi32>], vector<16xf32>,
        %all_reduce_population_count3A_608 = tpu.all_reduce %and3A_599 {dim = 0 : i64, kind = #tpu.reduction_kind<sum>} : vector<16xi1> -> vector<16xi32>
        %add3A_609 = arith.addi %add3A_585, %all_reduce_population_count3A_608 : vector<16xi32>
        %add3A_610 = arith.constant 9 : i32
        %add3A_611 = arith.addi %mul3A_131, %add3A_610 : i32
        %broadcast_in_dim3A_612 = vector.broadcast %add3A_611 : i32 to vector<16xi32>
        %gather3A_613 = tpu.vector_load_idx %arg14[%broadcast_in_dim3A_612, %iota3A_9] : memref<128x16xi32, #tpu.memory_space<vmem>>[vector<16xi32>, vector<16xi32>], vector<16xi32>,
        %gather3A_614 = tpu.vector_load_idx %arg11[%gather3A_613] : memref<10240xi32, #tpu.memory_space<vmem>>[vector<16xi32>], vector<16xi32>,
        %gather3A_615 = tpu.vector_load_idx %arg12[%gather3A_613] : memref<10240xi32, #tpu.memory_space<vmem>>[vector<16xi32>], vector<16xi32>,
        %add3A_616 = arith.constant 144 : i32
        %add3A_617 = vector.broadcast %add3A_616 : i32 to vector<16xi32>
        %add3A_618 = arith.addi %iota3A_9, %add3A_617 : vector<16xi32>
        %eq3A_619 = arith.cmpi eq, %gather3A_615, %add3A_618 : vector<16xi32>
        %gt3A_620 = arith.constant 0 : i32
        %gt3A_621 = vector.broadcast %gt3A_620 : i32 to vector<16xi32>
        %gt3A_622 = arith.cmpi sgt, %gather3A_614, %gt3A_621 : vector<16xi32>
        %and3A_623 = arith.andi %eq3A_619, %gt3A_622 : vector<16xi1>
        %add3A_624 = arith.constant 144 : i32
        %add3A_625 = vector.broadcast %add3A_624 : i32 to vector<16xi32>
        %add3A_626 = arith.addi %iota3A_9, %add3A_625 : vector<16xi32>
        %jit3A_627 = arith.constant 1.000000e+00 : f32
        %jit3A_628 = arith.constant 0.000000e+00 : f32
        %broadcast_in_dim3A_629 = vector.broadcast %jit3A_627 : f32 to vector<16xf32>
        %broadcast_in_dim3A_630 = vector.broadcast %jit3A_628 : f32 to vector<16xf32>
        %select_n3A_631 = arith.select %and3A_623, %broadcast_in_dim3A_629, %broadcast_in_dim3A_630 : vector<16xi1>, vector<16xf32>
        tpu.vector_store_idx %arg16[%broadcast_in_dim3A_162, %add3A_626], %select_n3A_631 : memref<64x256xf32, #tpu.memory_space<vmem>>[vector<16xi32>, vector<16xi32>], vector<16xf32>,
        %all_reduce_population_count3A_632 = tpu.all_reduce %and3A_623 {dim = 0 : i64, kind = #tpu.reduction_kind<sum>} : vector<16xi1> -> vector<16xi32>
        %add3A_633 = arith.addi %add3A_609, %all_reduce_population_count3A_632 : vector<16xi32>
        %add3A_634 = arith.constant 10 : i32
        %add3A_635 = arith.addi %mul3A_131, %add3A_634 : i32
        %broadcast_in_dim3A_636 = vector.broadcast %add3A_635 : i32 to vector<16xi32>
        %gather3A_637 = tpu.vector_load_idx %arg14[%broadcast_in_dim3A_636, %iota3A_9] : memref<128x16xi32, #tpu.memory_space<vmem>>[vector<16xi32>, vector<16xi32>], vector<16xi32>,
        %gather3A_638 = tpu.vector_load_idx %arg11[%gather3A_637] : memref<10240xi32, #tpu.memory_space<vmem>>[vector<16xi32>], vector<16xi32>,
        %gather3A_639 = tpu.vector_load_idx %arg12[%gather3A_637] : memref<10240xi32, #tpu.memory_space<vmem>>[vector<16xi32>], vector<16xi32>,
        %add3A_640 = arith.constant 160 : i32
        %add3A_641 = vector.broadcast %add3A_640 : i32 to vector<16xi32>
        %add3A_642 = arith.addi %iota3A_9, %add3A_641 : vector<16xi32>
        %eq3A_643 = arith.cmpi eq, %gather3A_639, %add3A_642 : vector<16xi32>
        %gt3A_644 = arith.constant 0 : i32
        %gt3A_645 = vector.broadcast %gt3A_644 : i32 to vector<16xi32>
        %gt3A_646 = arith.cmpi sgt, %gather3A_638, %gt3A_645 : vector<16xi32>
        %and3A_647 = arith.andi %eq3A_643, %gt3A_646 : vector<16xi1>
        %add3A_648 = arith.constant 160 : i32
        %add3A_649 = vector.broadcast %add3A_648 : i32 to vector<16xi32>
        %add3A_650 = arith.addi %iota3A_9, %add3A_649 : vector<16xi32>
        %jit3A_651 = arith.constant 1.000000e+00 : f32
        %jit3A_652 = arith.constant 0.000000e+00 : f32
        %broadcast_in_dim3A_653 = vector.broadcast %jit3A_651 : f32 to vector<16xf32>
        %broadcast_in_dim3A_654 = vector.broadcast %jit3A_652 : f32 to vector<16xf32>
        %select_n3A_655 = arith.select %and3A_647, %broadcast_in_dim3A_653, %broadcast_in_dim3A_654 : vector<16xi1>, vector<16xf32>
        tpu.vector_store_idx %arg16[%broadcast_in_dim3A_162, %add3A_650], %select_n3A_655 : memref<64x256xf32, #tpu.memory_space<vmem>>[vector<16xi32>, vector<16xi32>], vector<16xf32>,
        %all_reduce_population_count3A_656 = tpu.all_reduce %and3A_647 {dim = 0 : i64, kind = #tpu.reduction_kind<sum>} : vector<16xi1> -> vector<16xi32>
        %add3A_657 = arith.addi %add3A_633, %all_reduce_population_count3A_656 : vector<16xi32>
        %add3A_658 = arith.constant 11 : i32
        %add3A_659 = arith.addi %mul3A_131, %add3A_658 : i32
        %broadcast_in_dim3A_660 = vector.broadcast %add3A_659 : i32 to vector<16xi32>
        %gather3A_661 = tpu.vector_load_idx %arg14[%broadcast_in_dim3A_660, %iota3A_9] : memref<128x16xi32, #tpu.memory_space<vmem>>[vector<16xi32>, vector<16xi32>], vector<16xi32>,
        %gather3A_662 = tpu.vector_load_idx %arg11[%gather3A_661] : memref<10240xi32, #tpu.memory_space<vmem>>[vector<16xi32>], vector<16xi32>,
        %gather3A_663 = tpu.vector_load_idx %arg12[%gather3A_661] : memref<10240xi32, #tpu.memory_space<vmem>>[vector<16xi32>], vector<16xi32>,
        %add3A_664 = arith.constant 176 : i32
        %add3A_665 = vector.broadcast %add3A_664 : i32 to vector<16xi32>
        %add3A_666 = arith.addi %iota3A_9, %add3A_665 : vector<16xi32>
        %eq3A_667 = arith.cmpi eq, %gather3A_663, %add3A_666 : vector<16xi32>
        %gt3A_668 = arith.constant 0 : i32
        %gt3A_669 = vector.broadcast %gt3A_668 : i32 to vector<16xi32>
        %gt3A_670 = arith.cmpi sgt, %gather3A_662, %gt3A_669 : vector<16xi32>
        %and3A_671 = arith.andi %eq3A_667, %gt3A_670 : vector<16xi1>
        %add3A_672 = arith.constant 176 : i32
        %add3A_673 = vector.broadcast %add3A_672 : i32 to vector<16xi32>
        %add3A_674 = arith.addi %iota3A_9, %add3A_673 : vector<16xi32>
        %jit3A_675 = arith.constant 1.000000e+00 : f32
        %jit3A_676 = arith.constant 0.000000e+00 : f32
        %broadcast_in_dim3A_677 = vector.broadcast %jit3A_675 : f32 to vector<16xf32>
        %broadcast_in_dim3A_678 = vector.broadcast %jit3A_676 : f32 to vector<16xf32>
        %select_n3A_679 = arith.select %and3A_671, %broadcast_in_dim3A_677, %broadcast_in_dim3A_678 : vector<16xi1>, vector<16xf32>
        tpu.vector_store_idx %arg16[%broadcast_in_dim3A_162, %add3A_674], %select_n3A_679 : memref<64x256xf32, #tpu.memory_space<vmem>>[vector<16xi32>, vector<16xi32>], vector<16xf32>,
        %all_reduce_population_count3A_680 = tpu.all_reduce %and3A_671 {dim = 0 : i64, kind = #tpu.reduction_kind<sum>} : vector<16xi1> -> vector<16xi32>
        %add3A_681 = arith.addi %add3A_657, %all_reduce_population_count3A_680 : vector<16xi32>
        %add3A_682 = arith.constant 12 : i32
        %add3A_683 = arith.addi %mul3A_131, %add3A_682 : i32
        %broadcast_in_dim3A_684 = vector.broadcast %add3A_683 : i32 to vector<16xi32>
        %gather3A_685 = tpu.vector_load_idx %arg14[%broadcast_in_dim3A_684, %iota3A_9] : memref<128x16xi32, #tpu.memory_space<vmem>>[vector<16xi32>, vector<16xi32>], vector<16xi32>,
        %gather3A_686 = tpu.vector_load_idx %arg11[%gather3A_685] : memref<10240xi32, #tpu.memory_space<vmem>>[vector<16xi32>], vector<16xi32>,
        %gather3A_687 = tpu.vector_load_idx %arg12[%gather3A_685] : memref<10240xi32, #tpu.memory_space<vmem>>[vector<16xi32>], vector<16xi32>,
        %add3A_688 = arith.constant 192 : i32
        %add3A_689 = vector.broadcast %add3A_688 : i32 to vector<16xi32>
        %add3A_690 = arith.addi %iota3A_9, %add3A_689 : vector<16xi32>
        %eq3A_691 = arith.cmpi eq, %gather3A_687, %add3A_690 : vector<16xi32>
        %gt3A_692 = arith.constant 0 : i32
        %gt3A_693 = vector.broadcast %gt3A_692 : i32 to vector<16xi32>
        %gt3A_694 = arith.cmpi sgt, %gather3A_686, %gt3A_693 : vector<16xi32>
        %and3A_695 = arith.andi %eq3A_691, %gt3A_694 : vector<16xi1>
        %add3A_696 = arith.constant 192 : i32
        %add3A_697 = vector.broadcast %add3A_696 : i32 to vector<16xi32>
        %add3A_698 = arith.addi %iota3A_9, %add3A_697 : vector<16xi32>
        %jit3A_699 = arith.constant 1.000000e+00 : f32
        %jit3A_700 = arith.constant 0.000000e+00 : f32
        %broadcast_in_dim3A_701 = vector.broadcast %jit3A_699 : f32 to vector<16xf32>
        %broadcast_in_dim3A_702 = vector.broadcast %jit3A_700 : f32 to vector<16xf32>
        %select_n3A_703 = arith.select %and3A_695, %broadcast_in_dim3A_701, %broadcast_in_dim3A_702 : vector<16xi1>, vector<16xf32>
        tpu.vector_store_idx %arg16[%broadcast_in_dim3A_162, %add3A_698], %select_n3A_703 : memref<64x256xf32, #tpu.memory_space<vmem>>[vector<16xi32>, vector<16xi32>], vector<16xf32>,
        %all_reduce_population_count3A_704 = tpu.all_reduce %and3A_695 {dim = 0 : i64, kind = #tpu.reduction_kind<sum>} : vector<16xi1> -> vector<16xi32>
        %add3A_705 = arith.addi %add3A_681, %all_reduce_population_count3A_704 : vector<16xi32>
        %add3A_706 = arith.constant 13 : i32
        %add3A_707 = arith.addi %mul3A_131, %add3A_706 : i32
        %broadcast_in_dim3A_708 = vector.broadcast %add3A_707 : i32 to vector<16xi32>
        %gather3A_709 = tpu.vector_load_idx %arg14[%broadcast_in_dim3A_708, %iota3A_9] : memref<128x16xi32, #tpu.memory_space<vmem>>[vector<16xi32>, vector<16xi32>], vector<16xi32>,
        %gather3A_710 = tpu.vector_load_idx %arg11[%gather3A_709] : memref<10240xi32, #tpu.memory_space<vmem>>[vector<16xi32>], vector<16xi32>,
        %gather3A_711 = tpu.vector_load_idx %arg12[%gather3A_709] : memref<10240xi32, #tpu.memory_space<vmem>>[vector<16xi32>], vector<16xi32>,
        %add3A_712 = arith.constant 208 : i32
        %add3A_713 = vector.broadcast %add3A_712 : i32 to vector<16xi32>
        %add3A_714 = arith.addi %iota3A_9, %add3A_713 : vector<16xi32>
        %eq3A_715 = arith.cmpi eq, %gather3A_711, %add3A_714 : vector<16xi32>
        %gt3A_716 = arith.constant 0 : i32
        %gt3A_717 = vector.broadcast %gt3A_716 : i32 to vector<16xi32>
        %gt3A_718 = arith.cmpi sgt, %gather3A_710, %gt3A_717 : vector<16xi32>
        %and3A_719 = arith.andi %eq3A_715, %gt3A_718 : vector<16xi1>
        %add3A_720 = arith.constant 208 : i32
        %add3A_721 = vector.broadcast %add3A_720 : i32 to vector<16xi32>
        %add3A_722 = arith.addi %iota3A_9, %add3A_721 : vector<16xi32>
        %jit3A_723 = arith.constant 1.000000e+00 : f32
        %jit3A_724 = arith.constant 0.000000e+00 : f32
        %broadcast_in_dim3A_725 = vector.broadcast %jit3A_723 : f32 to vector<16xf32>
        %broadcast_in_dim3A_726 = vector.broadcast %jit3A_724 : f32 to vector<16xf32>
        %select_n3A_727 = arith.select %and3A_719, %broadcast_in_dim3A_725, %broadcast_in_dim3A_726 : vector<16xi1>, vector<16xf32>
        tpu.vector_store_idx %arg16[%broadcast_in_dim3A_162, %add3A_722], %select_n3A_727 : memref<64x256xf32, #tpu.memory_space<vmem>>[vector<16xi32>, vector<16xi32>], vector<16xf32>,
        %all_reduce_population_count3A_728 = tpu.all_reduce %and3A_719 {dim = 0 : i64, kind = #tpu.reduction_kind<sum>} : vector<16xi1> -> vector<16xi32>
        %add3A_729 = arith.addi %add3A_705, %all_reduce_population_count3A_728 : vector<16xi32>
        %add3A_730 = arith.constant 14 : i32
        %add3A_731 = arith.addi %mul3A_131, %add3A_730 : i32
        %broadcast_in_dim3A_732 = vector.broadcast %add3A_731 : i32 to vector<16xi32>
        %gather3A_733 = tpu.vector_load_idx %arg14[%broadcast_in_dim3A_732, %iota3A_9] : memref<128x16xi32, #tpu.memory_space<vmem>>[vector<16xi32>, vector<16xi32>], vector<16xi32>,
        %gather3A_734 = tpu.vector_load_idx %arg11[%gather3A_733] : memref<10240xi32, #tpu.memory_space<vmem>>[vector<16xi32>], vector<16xi32>,
        %gather3A_735 = tpu.vector_load_idx %arg12[%gather3A_733] : memref<10240xi32, #tpu.memory_space<vmem>>[vector<16xi32>], vector<16xi32>,
        %add3A_736 = arith.constant 224 : i32
        %add3A_737 = vector.broadcast %add3A_736 : i32 to vector<16xi32>
        %add3A_738 = arith.addi %iota3A_9, %add3A_737 : vector<16xi32>
        %eq3A_739 = arith.cmpi eq, %gather3A_735, %add3A_738 : vector<16xi32>
        %gt3A_740 = arith.constant 0 : i32
        %gt3A_741 = vector.broadcast %gt3A_740 : i32 to vector<16xi32>
        %gt3A_742 = arith.cmpi sgt, %gather3A_734, %gt3A_741 : vector<16xi32>
        %and3A_743 = arith.andi %eq3A_739, %gt3A_742 : vector<16xi1>
        %add3A_744 = arith.constant 224 : i32
        %add3A_745 = vector.broadcast %add3A_744 : i32 to vector<16xi32>
        %add3A_746 = arith.addi %iota3A_9, %add3A_745 : vector<16xi32>
        %jit3A_747 = arith.constant 1.000000e+00 : f32
        %jit3A_748 = arith.constant 0.000000e+00 : f32
        %broadcast_in_dim3A_749 = vector.broadcast %jit3A_747 : f32 to vector<16xf32>
        %broadcast_in_dim3A_750 = vector.broadcast %jit3A_748 : f32 to vector<16xf32>
        %select_n3A_751 = arith.select %and3A_743, %broadcast_in_dim3A_749, %broadcast_in_dim3A_750 : vector<16xi1>, vector<16xf32>
        tpu.vector_store_idx %arg16[%broadcast_in_dim3A_162, %add3A_746], %select_n3A_751 : memref<64x256xf32, #tpu.memory_space<vmem>>[vector<16xi32>, vector<16xi32>], vector<16xf32>,
        %all_reduce_population_count3A_752 = tpu.all_reduce %and3A_743 {dim = 0 : i64, kind = #tpu.reduction_kind<sum>} : vector<16xi1> -> vector<16xi32>
        %add3A_753 = arith.addi %add3A_729, %all_reduce_population_count3A_752 : vector<16xi32>
        %add3A_754 = arith.constant 15 : i32
        %add3A_755 = arith.addi %mul3A_131, %add3A_754 : i32
        %broadcast_in_dim3A_756 = vector.broadcast %add3A_755 : i32 to vector<16xi32>
        %gather3A_757 = tpu.vector_load_idx %arg14[%broadcast_in_dim3A_756, %iota3A_9] : memref<128x16xi32, #tpu.memory_space<vmem>>[vector<16xi32>, vector<16xi32>], vector<16xi32>,
        %gather3A_758 = tpu.vector_load_idx %arg11[%gather3A_757] : memref<10240xi32, #tpu.memory_space<vmem>>[vector<16xi32>], vector<16xi32>,
        %gather3A_759 = tpu.vector_load_idx %arg12[%gather3A_757] : memref<10240xi32, #tpu.memory_space<vmem>>[vector<16xi32>], vector<16xi32>,
        %add3A_760 = arith.constant 240 : i32
        %add3A_761 = vector.broadcast %add3A_760 : i32 to vector<16xi32>
        %add3A_762 = arith.addi %iota3A_9, %add3A_761 : vector<16xi32>
        %eq3A_763 = arith.cmpi eq, %gather3A_759, %add3A_762 : vector<16xi32>
        %gt3A_764 = arith.constant 0 : i32
        %gt3A_765 = vector.broadcast %gt3A_764 : i32 to vector<16xi32>
        %gt3A_766 = arith.cmpi sgt, %gather3A_758, %gt3A_765 : vector<16xi32>
        %and3A_767 = arith.andi %eq3A_763, %gt3A_766 : vector<16xi1>
        %add3A_768 = arith.constant 240 : i32
        %add3A_769 = vector.broadcast %add3A_768 : i32 to vector<16xi32>
        %add3A_770 = arith.addi %iota3A_9, %add3A_769 : vector<16xi32>
        %jit3A_771 = arith.constant 1.000000e+00 : f32
        %jit3A_772 = arith.constant 0.000000e+00 : f32
        %broadcast_in_dim3A_773 = vector.broadcast %jit3A_771 : f32 to vector<16xf32>
        %broadcast_in_dim3A_774 = vector.broadcast %jit3A_772 : f32 to vector<16xf32>
        %select_n3A_775 = arith.select %and3A_767, %broadcast_in_dim3A_773, %broadcast_in_dim3A_774 : vector<16xi1>, vector<16xf32>
        tpu.vector_store_idx %arg16[%broadcast_in_dim3A_162, %add3A_770], %select_n3A_775 : memref<64x256xf32, #tpu.memory_space<vmem>>[vector<16xi32>, vector<16xi32>], vector<16xf32>,
        %all_reduce_population_count3A_776 = tpu.all_reduce %and3A_767 {dim = 0 : i64, kind = #tpu.reduction_kind<sum>} : vector<16xi1> -> vector<16xi32>
        %add3A_777 = arith.addi %add3A_753, %all_reduce_population_count3A_776 : vector<16xi32>
        %add3A_778 = arith.constant 0 : i32
        %add3A_779 = arith.addi %mul3A_131, %add3A_778 : i32
        %broadcast_in_dim3A_780 = vector.broadcast %add3A_779 : i32 to vector<16xi32>
        %gather3A_781 = tpu.vector_load_idx %arg14[%broadcast_in_dim3A_780, %iota3A_9] : memref<128x16xi32, #tpu.memory_space<vmem>>[vector<16xi32>, vector<16xi32>], vector<16xi32>,
        tpu.vector_store_idx %arg11[%gather3A_781], %broadcast_in_dim3A_12 : memref<10240xi32, #tpu.memory_space<vmem>>[vector<16xi32>], vector<16xi32>,
        %add3A_782 = arith.constant 1 : i32
        %add3A_783 = arith.addi %mul3A_131, %add3A_782 : i32
        %broadcast_in_dim3A_784 = vector.broadcast %add3A_783 : i32 to vector<16xi32>
        %gather3A_785 = tpu.vector_load_idx %arg14[%broadcast_in_dim3A_784, %iota3A_9] : memref<128x16xi32, #tpu.memory_space<vmem>>[vector<16xi32>, vector<16xi32>], vector<16xi32>,
        tpu.vector_store_idx %arg11[%gather3A_785], %broadcast_in_dim3A_12 : memref<10240xi32, #tpu.memory_space<vmem>>[vector<16xi32>], vector<16xi32>,
        %add3A_786 = arith.constant 2 : i32
        %add3A_787 = arith.addi %mul3A_131, %add3A_786 : i32
        %broadcast_in_dim3A_788 = vector.broadcast %add3A_787 : i32 to vector<16xi32>
        %gather3A_789 = tpu.vector_load_idx %arg14[%broadcast_in_dim3A_788, %iota3A_9] : memref<128x16xi32, #tpu.memory_space<vmem>>[vector<16xi32>, vector<16xi32>], vector<16xi32>,
        tpu.vector_store_idx %arg11[%gather3A_789], %broadcast_in_dim3A_12 : memref<10240xi32, #tpu.memory_space<vmem>>[vector<16xi32>], vector<16xi32>,
        %add3A_790 = arith.constant 3 : i32
        %add3A_791 = arith.addi %mul3A_131, %add3A_790 : i32
        %broadcast_in_dim3A_792 = vector.broadcast %add3A_791 : i32 to vector<16xi32>
        %gather3A_793 = tpu.vector_load_idx %arg14[%broadcast_in_dim3A_792, %iota3A_9] : memref<128x16xi32, #tpu.memory_space<vmem>>[vector<16xi32>, vector<16xi32>], vector<16xi32>,
        tpu.vector_store_idx %arg11[%gather3A_793], %broadcast_in_dim3A_12 : memref<10240xi32, #tpu.memory_space<vmem>>[vector<16xi32>], vector<16xi32>,
        %add3A_794 = arith.constant 4 : i32
        %add3A_795 = arith.addi %mul3A_131, %add3A_794 : i32
        %broadcast_in_dim3A_796 = vector.broadcast %add3A_795 : i32 to vector<16xi32>
        %gather3A_797 = tpu.vector_load_idx %arg14[%broadcast_in_dim3A_796, %iota3A_9] : memref<128x16xi32, #tpu.memory_space<vmem>>[vector<16xi32>, vector<16xi32>], vector<16xi32>,
        tpu.vector_store_idx %arg11[%gather3A_797], %broadcast_in_dim3A_12 : memref<10240xi32, #tpu.memory_space<vmem>>[vector<16xi32>], vector<16xi32>,
        %add3A_798 = arith.constant 5 : i32
        %add3A_799 = arith.addi %mul3A_131, %add3A_798 : i32
        %broadcast_in_dim3A_800 = vector.broadcast %add3A_799 : i32 to vector<16xi32>
        %gather3A_801 = tpu.vector_load_idx %arg14[%broadcast_in_dim3A_800, %iota3A_9] : memref<128x16xi32, #tpu.memory_space<vmem>>[vector<16xi32>, vector<16xi32>], vector<16xi32>,
        tpu.vector_store_idx %arg11[%gather3A_801], %broadcast_in_dim3A_12 : memref<10240xi32, #tpu.memory_space<vmem>>[vector<16xi32>], vector<16xi32>,
        %add3A_802 = arith.constant 6 : i32
        %add3A_803 = arith.addi %mul3A_131, %add3A_802 : i32
        %broadcast_in_dim3A_804 = vector.broadcast %add3A_803 : i32 to vector<16xi32>
        %gather3A_805 = tpu.vector_load_idx %arg14[%broadcast_in_dim3A_804, %iota3A_9] : memref<128x16xi32, #tpu.memory_space<vmem>>[vector<16xi32>, vector<16xi32>], vector<16xi32>,
        tpu.vector_store_idx %arg11[%gather3A_805], %broadcast_in_dim3A_12 : memref<10240xi32, #tpu.memory_space<vmem>>[vector<16xi32>], vector<16xi32>,
        %add3A_806 = arith.constant 7 : i32
        %add3A_807 = arith.addi %mul3A_131, %add3A_806 : i32
        %broadcast_in_dim3A_808 = vector.broadcast %add3A_807 : i32 to vector<16xi32>
        %gather3A_809 = tpu.vector_load_idx %arg14[%broadcast_in_dim3A_808, %iota3A_9] : memref<128x16xi32, #tpu.memory_space<vmem>>[vector<16xi32>, vector<16xi32>], vector<16xi32>,
        tpu.vector_store_idx %arg11[%gather3A_809], %broadcast_in_dim3A_12 : memref<10240xi32, #tpu.memory_space<vmem>>[vector<16xi32>], vector<16xi32>,
        %add3A_810 = arith.constant 8 : i32
        %add3A_811 = arith.addi %mul3A_131, %add3A_810 : i32
        %broadcast_in_dim3A_812 = vector.broadcast %add3A_811 : i32 to vector<16xi32>
        %gather3A_813 = tpu.vector_load_idx %arg14[%broadcast_in_dim3A_812, %iota3A_9] : memref<128x16xi32, #tpu.memory_space<vmem>>[vector<16xi32>, vector<16xi32>], vector<16xi32>,
        tpu.vector_store_idx %arg11[%gather3A_813], %broadcast_in_dim3A_12 : memref<10240xi32, #tpu.memory_space<vmem>>[vector<16xi32>], vector<16xi32>,
        %add3A_814 = arith.constant 9 : i32
        %add3A_815 = arith.addi %mul3A_131, %add3A_814 : i32
        %broadcast_in_dim3A_816 = vector.broadcast %add3A_815 : i32 to vector<16xi32>
        %gather3A_817 = tpu.vector_load_idx %arg14[%broadcast_in_dim3A_816, %iota3A_9] : memref<128x16xi32, #tpu.memory_space<vmem>>[vector<16xi32>, vector<16xi32>], vector<16xi32>,
        tpu.vector_store_idx %arg11[%gather3A_817], %broadcast_in_dim3A_12 : memref<10240xi32, #tpu.memory_space<vmem>>[vector<16xi32>], vector<16xi32>,
        %add3A_818 = arith.constant 10 : i32
        %add3A_819 = arith.addi %mul3A_131, %add3A_818 : i32
        %broadcast_in_dim3A_820 = vector.broadcast %add3A_819 : i32 to vector<16xi32>
        %gather3A_821 = tpu.vector_load_idx %arg14[%broadcast_in_dim3A_820, %iota3A_9] : memref<128x16xi32, #tpu.memory_space<vmem>>[vector<16xi32>, vector<16xi32>], vector<16xi32>,
        tpu.vector_store_idx %arg11[%gather3A_821], %broadcast_in_dim3A_12 : memref<10240xi32, #tpu.memory_space<vmem>>[vector<16xi32>], vector<16xi32>,
        %add3A_822 = arith.constant 11 : i32
        %add3A_823 = arith.addi %mul3A_131, %add3A_822 : i32
        %broadcast_in_dim3A_824 = vector.broadcast %add3A_823 : i32 to vector<16xi32>
        %gather3A_825 = tpu.vector_load_idx %arg14[%broadcast_in_dim3A_824, %iota3A_9] : memref<128x16xi32, #tpu.memory_space<vmem>>[vector<16xi32>, vector<16xi32>], vector<16xi32>,
        tpu.vector_store_idx %arg11[%gather3A_825], %broadcast_in_dim3A_12 : memref<10240xi32, #tpu.memory_space<vmem>>[vector<16xi32>], vector<16xi32>,
        %add3A_826 = arith.constant 12 : i32
        %add3A_827 = arith.addi %mul3A_131, %add3A_826 : i32
        %broadcast_in_dim3A_828 = vector.broadcast %add3A_827 : i32 to vector<16xi32>
        %gather3A_829 = tpu.vector_load_idx %arg14[%broadcast_in_dim3A_828, %iota3A_9] : memref<128x16xi32, #tpu.memory_space<vmem>>[vector<16xi32>, vector<16xi32>], vector<16xi32>,
        tpu.vector_store_idx %arg11[%gather3A_829], %broadcast_in_dim3A_12 : memref<10240xi32, #tpu.memory_space<vmem>>[vector<16xi32>], vector<16xi32>,
        %add3A_830 = arith.constant 13 : i32
        %add3A_831 = arith.addi %mul3A_131, %add3A_830 : i32
        %broadcast_in_dim3A_832 = vector.broadcast %add3A_831 : i32 to vector<16xi32>
        %gather3A_833 = tpu.vector_load_idx %arg14[%broadcast_in_dim3A_832, %iota3A_9] : memref<128x16xi32, #tpu.memory_space<vmem>>[vector<16xi32>, vector<16xi32>], vector<16xi32>,
        tpu.vector_store_idx %arg11[%gather3A_833], %broadcast_in_dim3A_12 : memref<10240xi32, #tpu.memory_space<vmem>>[vector<16xi32>], vector<16xi32>,
        %add3A_834 = arith.constant 14 : i32
        %add3A_835 = arith.addi %mul3A_131, %add3A_834 : i32
        %broadcast_in_dim3A_836 = vector.broadcast %add3A_835 : i32 to vector<16xi32>
        %gather3A_837 = tpu.vector_load_idx %arg14[%broadcast_in_dim3A_836, %iota3A_9] : memref<128x16xi32, #tpu.memory_space<vmem>>[vector<16xi32>, vector<16xi32>], vector<16xi32>,
        tpu.vector_store_idx %arg11[%gather3A_837], %broadcast_in_dim3A_12 : memref<10240xi32, #tpu.memory_space<vmem>>[vector<16xi32>], vector<16xi32>,
        %add3A_838 = arith.constant 15 : i32
        %add3A_839 = arith.addi %mul3A_131, %add3A_838 : i32
        %broadcast_in_dim3A_840 = vector.broadcast %add3A_839 : i32 to vector<16xi32>
        %gather3A_841 = tpu.vector_load_idx %arg14[%broadcast_in_dim3A_840, %iota3A_9] : memref<128x16xi32, #tpu.memory_space<vmem>>[vector<16xi32>, vector<16xi32>], vector<16xi32>,
        tpu.vector_store_idx %arg11[%gather3A_841], %broadcast_in_dim3A_12 : memref<10240xi32, #tpu.memory_space<vmem>>[vector<16xi32>], vector<16xi32>,
        tpu.vector_store_idx %arg11[%gather3A], %broadcast_in_dim3A_12 : memref<10240xi32, #tpu.memory_space<vmem>>[vector<16xi32>], vector<16xi32>,
        tpu.vector_store_idx %arg11[%broadcast_in_dim3A_126], %broadcast_in_dim3A_12 masked %eq3A_11 : memref<10240xi32, #tpu.memory_space<vmem>>[vector<16xi32>], vector<16xi32>, vector<16xi1>
        %gather3A_842 = tpu.vector_load_idx %arg20[%all_reduce_population_count3A] : memref<320xf32, #tpu.memory_space<vmem>>[vector<16xi32>], vector<16xf32>,
        %gather3A_843 = tpu.vector_load_idx %arg20[%add3A_777] : memref<320xf32, #tpu.memory_space<vmem>>[vector<16xi32>], vector<16xf32>,
        %broadcast_in_dim3A_844 = vector.broadcast %add3A_124 : i32 to vector<16xi32>
        tpu.vector_store_idx %arg18[%broadcast_in_dim3A_844], %gather3A_842 masked %eq3A_11 : memref<320xf32, #tpu.memory_space<vmem>>[vector<16xi32>], vector<16xf32>, vector<16xi1>
        %broadcast_in_dim3A_845 = vector.broadcast %add3A_124 : i32 to vector<16xi32>
        tpu.vector_store_idx %arg19[%broadcast_in_dim3A_845], %gather3A_843 masked %eq3A_11 : memref<320xf32, #tpu.memory_space<vmem>>[vector<16xi32>], vector<16xf32>, vector<16xi1>
        %add3A_846 = arith.constant 8 : i32
        %add3A_847 = arith.addi %add3A_124, %add3A_846 : i32
        %min3A = arith.constant 319 : i32
        %min3A_848 = arith.minsi %add3A_847, %min3A : i32
        %rem3A_849 = arith.constant 8 : i32
        %rem3A_850 = arith.remsi %add3A_124, %rem3A_849 : i32
        %broadcast_in_dim3A_851 = vector.broadcast %min3A_848 : i32 to vector<16xi32>
        %gather3A_852 = tpu.vector_load_idx %arg13[%broadcast_in_dim3A_851, %iota3A_9] : memref<320x16xi32, #tpu.memory_space<vmem>>[vector<16xi32>, vector<16xi32>], vector<16xi32>,
        %mul3A_853 = arith.constant 16 : i32
        %mul3A_854 = arith.muli %rem3A_850, %mul3A_853 : i32
        %swap3A = arith.index_cast %mul3A_854 : i32 to index
        %swap3A_855 = tpu.vector_load %arg21[%swap3A] {strides = array<i32>} : memref<128xi32, #tpu.memory_space<vmem>>, vector<16xi32>,
        tpu.vector_store %arg21[%swap3A], %gather3A_852 {strides = array<i32>} : memref<128xi32, #tpu.memory_space<vmem>>, vector<16xi32>,
        %mul3A_856 = arith.constant 16 : i32
        %mul3A_857 = arith.muli %rem3A_850, %mul3A_856 : i32
        %mul3A_858 = arith.constant 16 : i32
        %mul3A_859 = arith.muli %rem3A_850, %mul3A_858 : i32
        %dma_start3A_860 = arith.constant 0 : i32
        %dma_start3A_861 = tpu.memref_slice %arg14[%mul3A_859, %dma_start3A_860] : memref<128x16xi32, #tpu.memory_space<vmem>> -> memref<16x16xi32, #tpu.memory_space<vmem>>
        %dma_start3A_862 = tpu.memref_slice %arg21[%mul3A_857] : memref<128xi32, #tpu.memory_space<vmem>> -> memref<16xi32, #tpu.memory_space<vmem>>
        %dma_start3A_863 = arith.constant 0 : i32
        %dma_start3A_864 = arith.constant 0 : i32
        %dma_start3A_865 = tpu.memref_slice %arg2[%dma_start3A_863, %dma_start3A_864] : memref<10240x16xi32, #tpu.memory_space<hbm>> -> memref<10240x16xi32, #tpu.memory_space<hbm>>
        tpu.enqueue_indirect_dma source(%dma_start3A_865 : memref<10240x16xi32, #tpu.memory_space<hbm>>) target(%dma_start3A_861 : memref<16x16xi32, #tpu.memory_space<vmem>>) offsets(%dma_start3A_862 : memref<16xi32, #tpu.memory_space<vmem>>) semaphore(%arg24 : memref<!tpu.dma_semaphore, #tpu.memory_space<semaphore_mem>>)
        %scan3A_866 = arith.constant 0 : i32
        scf.yield %scan3A_866 : i32
      }
      %scan3A_97 = arith.constant 32 : i32
      %mul3A_98 = arith.constant 32 : i32
      %mul3A_99 = arith.muli %scan3A_82, %mul3A_98 : i32
      %add3A_100 = arith.addi %mul3A_2, %mul3A_99 : i32
      %dma_start3A = arith.constant 0 : i32
      %dma_start3A_101 = tpu.memref_slice %arg15[%mul3A_86, %dma_start3A] : memref<64x256xi32, #tpu.memory_space<vmem>> -> memref<32x256xi32, #tpu.memory_space<vmem>>
      %dma_start3A_102 = arith.constant 0 : i32
      %dma_start3A_103 = tpu.memref_slice %arg5[%add3A_100, %dma_start3A_102] : memref<10240x256xi32, #tpu.memory_space<hbm>> -> memref<32x256xi32, #tpu.memory_space<hbm>>
      %dma_start3A_104 = arith.constant 0 : i32
      %dma_start3A_105 = tpu.memref_slice %arg5[%add3A_100, %dma_start3A_104] : memref<10240x256xi32, #tpu.memory_space<hbm>> -> memref<32x256xi32, #tpu.memory_space<hbm>>
      %dma_start3A_106 = arith.constant 0 : i32
      %dma_start3A_107 = tpu.memref_slice %arg15[%mul3A_86, %dma_start3A_106] : memref<64x256xi32, #tpu.memory_space<vmem>> -> memref<32x256xi32, #tpu.memory_space<vmem>>
      tpu.enqueue_dma source(%dma_start3A_107 : memref<32x256xi32, #tpu.memory_space<vmem>>) target(%dma_start3A_105 : memref<32x256xi32, #tpu.memory_space<hbm>>) target_semaphore(%arg25 : memref<!tpu.dma_semaphore, #tpu.memory_space<semaphore_mem>>)
      %mul3A_108 = arith.constant 32 : i32
      %mul3A_109 = arith.muli %scan3A_82, %mul3A_108 : i32
      %add3A_110 = arith.addi %mul3A_2, %mul3A_109 : i32
      %dma_start3A_111 = arith.constant 0 : i32
      %dma_start3A_112 = tpu.memref_slice %arg16[%mul3A_88, %dma_start3A_111] : memref<64x256xf32, #tpu.memory_space<vmem>> -> memref<32x256xf32, #tpu.memory_space<vmem>>
      %dma_start3A_113 = arith.constant 0 : i32
      %dma_start3A_114 = tpu.memref_slice %arg7[%add3A_110, %dma_start3A_113] : memref<10240x256xf32, #tpu.memory_space<hbm>> -> memref<32x256xf32, #tpu.memory_space<hbm>>
      %dma_start3A_115 = arith.constant 0 : i32
      %dma_start3A_116 = tpu.memref_slice %arg7[%add3A_110, %dma_start3A_115] : memref<10240x256xf32, #tpu.memory_space<hbm>> -> memref<32x256xf32, #tpu.memory_space<hbm>>
      %dma_start3A_117 = arith.constant 0 : i32
      %dma_start3A_118 = tpu.memref_slice %arg16[%mul3A_88, %dma_start3A_117] : memref<64x256xf32, #tpu.memory_space<vmem>> -> memref<32x256xf32, #tpu.memory_space<vmem>>
      tpu.enqueue_dma source(%dma_start3A_118 : memref<32x256xf32, #tpu.memory_space<vmem>>) target(%dma_start3A_116 : memref<32x256xf32, #tpu.memory_space<hbm>>) target_semaphore(%arg26 : memref<!tpu.dma_semaphore, #tpu.memory_space<semaphore_mem>>)
      %scan3A_119 = arith.constant 0 : i32
      scf.yield %scan3A_119 : i32
    }
    %scan3A_35 = arith.constant 10 : i32
    %scan3A_36 = arith.constant 0 : i32
    %scan3A_37 = arith.constant 0 : i32
    %scan3A_38 = arith.constant 8 : i32
    %scan3A_39 = arith.addi %scan3A_37, %scan3A_38 : i32
    %scan3A_40 = arith.constant 1 : i32
    %scan3A_41 = scf.for %scan3A_82 = %scan3A_37 to %scan3A_39 step %scan3A_40 iter_args(%scan3A_83 = %scan3A_36) -> (i32)  : i32 {
      %rem3A = arith.constant 8 : i32
      %rem3A_84 = arith.remsi %scan3A_82, %rem3A : i32
      %mul3A_85 = arith.constant 16 : i32
      %mul3A_86 = arith.muli %rem3A_84, %mul3A_85 : i32
      %mul3A_87 = arith.constant 16 : i32
      %mul3A_88 = arith.muli %rem3A_84, %mul3A_87 : i32
      %dma_wait3A_89 = arith.constant 0 : i32
      %dma_wait3A_90 = tpu.memref_slice %arg14[%mul3A_88, %dma_wait3A_89] : memref<128x16xi32, #tpu.memory_space<vmem>> -> memref<16x16xi32, #tpu.memory_space<vmem>>
      %dma_wait3A_91 = tpu.memref_slice %arg21[%mul3A_86] : memref<128xi32, #tpu.memory_space<vmem>> -> memref<16xi32, #tpu.memory_space<vmem>>
      %dma_wait3A_92 = arith.constant 0 : i32
      %dma_wait3A_93 = arith.constant 0 : i32
      %dma_wait3A_94 = tpu.memref_slice %arg2[%dma_wait3A_92, %dma_wait3A_93] : memref<10240x16xi32, #tpu.memory_space<hbm>> -> memref<10240x16xi32, #tpu.memory_space<hbm>>
      tpu.wait_indirect_dma semaphore(%arg24 : memref<!tpu.dma_semaphore, #tpu.memory_space<semaphore_mem>>) src(%dma_wait3A_94 : memref<10240x16xi32, #tpu.memory_space<hbm>>) dst(%dma_wait3A_90 : memref<16x16xi32, #tpu.memory_space<vmem>>)
      %scan3A_95 = arith.constant 0 : i32
      scf.yield %scan3A_95 : i32
    }
    %scan3A_42 = arith.constant 8 : i32
    %dma_wait3A = arith.constant 0 : i32
    %dma_wait3A_43 = arith.constant 0 : i32
    %dma_wait3A_44 = tpu.memref_slice %arg15[%dma_wait3A, %dma_wait3A_43] : memref<64x256xi32, #tpu.memory_space<vmem>> -> memref<32x256xi32, #tpu.memory_space<vmem>>
    %dma_wait3A_45 = arith.constant 0 : i32
    %dma_wait3A_46 = tpu.memref_slice %arg5[%mul3A_2, %dma_wait3A_45] : memref<10240x256xi32, #tpu.memory_space<hbm>> -> memref<32x256xi32, #tpu.memory_space<hbm>>
    %dma_wait3A_47 = arith.constant 0 : i32
    %dma_wait3A_48 = tpu.memref_slice %arg5[%mul3A_2, %dma_wait3A_47] : memref<10240x256xi32, #tpu.memory_space<hbm>> -> memref<32x256xi32, #tpu.memory_space<hbm>>
    %dma_wait3A_49 = arith.constant 0 : i32
    %dma_wait3A_50 = arith.constant 0 : i32
    %dma_wait3A_51 = tpu.memref_slice %arg15[%dma_wait3A_49, %dma_wait3A_50] : memref<64x256xi32, #tpu.memory_space<vmem>> -> memref<32x256xi32, #tpu.memory_space<vmem>>
    tpu.wait_dma2 semaphore(%arg25 : memref<!tpu.dma_semaphore, #tpu.memory_space<semaphore_mem>>) src(%dma_wait3A_51 : memref<32x256xi32, #tpu.memory_space<vmem>>) dst(%dma_wait3A_48 : memref<32x256xi32, #tpu.memory_space<hbm>>)
    %dma_wait3A_52 = arith.constant 0 : i32
    %dma_wait3A_53 = arith.constant 0 : i32
    %dma_wait3A_54 = tpu.memref_slice %arg16[%dma_wait3A_52, %dma_wait3A_53] : memref<64x256xf32, #tpu.memory_space<vmem>> -> memref<32x256xf32, #tpu.memory_space<vmem>>
    %dma_wait3A_55 = arith.constant 0 : i32
    %dma_wait3A_56 = tpu.memref_slice %arg7[%mul3A_2, %dma_wait3A_55] : memref<10240x256xf32, #tpu.memory_space<hbm>> -> memref<32x256xf32, #tpu.memory_space<hbm>>
    %dma_wait3A_57 = arith.constant 0 : i32
    %dma_wait3A_58 = tpu.memref_slice %arg7[%mul3A_2, %dma_wait3A_57] : memref<10240x256xf32, #tpu.memory_space<hbm>> -> memref<32x256xf32, #tpu.memory_space<hbm>>
    %dma_wait3A_59 = arith.constant 0 : i32
    %dma_wait3A_60 = arith.constant 0 : i32
    %dma_wait3A_61 = tpu.memref_slice %arg16[%dma_wait3A_59, %dma_wait3A_60] : memref<64x256xf32, #tpu.memory_space<vmem>> -> memref<32x256xf32, #tpu.memory_space<vmem>>
    tpu.wait_dma2 semaphore(%arg26 : memref<!tpu.dma_semaphore, #tpu.memory_space<semaphore_mem>>) src(%dma_wait3A_61 : memref<32x256xf32, #tpu.memory_space<vmem>>) dst(%dma_wait3A_58 : memref<32x256xf32, #tpu.memory_space<hbm>>)
    %dma_wait3A_62 = arith.constant 32 : i32
    %dma_wait3A_63 = arith.constant 0 : i32
    %dma_wait3A_64 = tpu.memref_slice %arg15[%dma_wait3A_62, %dma_wait3A_63] : memref<64x256xi32, #tpu.memory_space<vmem>> -> memref<32x256xi32, #tpu.memory_space<vmem>>
    %dma_wait3A_65 = arith.constant 0 : i32
    %dma_wait3A_66 = tpu.memref_slice %arg5[%mul3A_2, %dma_wait3A_65] : memref<10240x256xi32, #tpu.memory_space<hbm>> -> memref<32x256xi32, #tpu.memory_space<hbm>>
    %dma_wait3A_67 = arith.constant 0 : i32
    %dma_wait3A_68 = tpu.memref_slice %arg5[%mul3A_2, %dma_wait3A_67] : memref<10240x256xi32, #tpu.memory_space<hbm>> -> memref<32x256xi32, #tpu.memory_space<hbm>>
    %dma_wait3A_69 = arith.constant 32 : i32
    %dma_wait3A_70 = arith.constant 0 : i32
    %dma_wait3A_71 = tpu.memref_slice %arg15[%dma_wait3A_69, %dma_wait3A_70] : memref<64x256xi32, #tpu.memory_space<vmem>> -> memref<32x256xi32, #tpu.memory_space<vmem>>
    tpu.wait_dma2 semaphore(%arg25 : memref<!tpu.dma_semaphore, #tpu.memory_space<semaphore_mem>>) src(%dma_wait3A_71 : memref<32x256xi32, #tpu.memory_space<vmem>>) dst(%dma_wait3A_68 : memref<32x256xi32, #tpu.memory_space<hbm>>)
    %dma_wait3A_72 = arith.constant 32 : i32
    %dma_wait3A_73 = arith.constant 0 : i32
    %dma_wait3A_74 = tpu.memref_slice %arg16[%dma_wait3A_72, %dma_wait3A_73] : memref<64x256xf32, #tpu.memory_space<vmem>> -> memref<32x256xf32, #tpu.memory_space<vmem>>
    %dma_wait3A_75 = arith.constant 0 : i32
    %dma_wait3A_76 = tpu.memref_slice %arg7[%mul3A_2, %dma_wait3A_75] : memref<10240x256xf32, #tpu.memory_space<hbm>> -> memref<32x256xf32, #tpu.memory_space<hbm>>
    %dma_wait3A_77 = arith.constant 0 : i32
    %dma_wait3A_78 = tpu.memref_slice %arg7[%mul3A_2, %dma_wait3A_77] : memref<10240x256xf32, #tpu.memory_space<hbm>> -> memref<32x256xf32, #tpu.memory_space<hbm>>
    %dma_wait3A_79 = arith.constant 32 : i32
    %dma_wait3A_80 = arith.constant 0 : i32
    %dma_wait3A_81 = tpu.memref_slice %arg16[%dma_wait3A_79, %dma_wait3A_80] : memref<64x256xf32, #tpu.memory_space<vmem>> -> memref<32x256xf32, #tpu.memory_space<vmem>>
    tpu.wait_dma2 semaphore(%arg26 : memref<!tpu.dma_semaphore, #tpu.memory_space<semaphore_mem>>) src(%dma_wait3A_81 : memref<32x256xf32, #tpu.memory_space<vmem>>) dst(%dma_wait3A_78 : memref<32x256xf32, #tpu.memory_space<hbm>>)
    "tpu.region"() ({
      %run_scoped3A = tpu.sem_alloc : memref<!tpu.dma_semaphore, #tpu.memory_space<semaphore_mem>>
      %dma_start3A = arith.constant 0 : i32
      %dma_start3A_82 = tpu.memref_slice %arg6[%mul3A_2, %dma_start3A] : memref<10240x16xf32, #tpu.memory_space<hbm>> -> memref<320x16xf32, #tpu.memory_space<hbm>>
      %dma_start3A_83 = arith.constant 0 : i32
      %dma_start3A_84 = tpu.memref_slice %arg6[%mul3A_2, %dma_start3A_83] : memref<10240x16xf32, #tpu.memory_space<hbm>> -> memref<320x16xf32, #tpu.memory_space<hbm>>
      tpu.enqueue_dma source(%arg17 : memref<320x16xf32, #tpu.memory_space<vmem>>) target(%dma_start3A_84 : memref<320x16xf32, #tpu.memory_space<hbm>>) target_semaphore(%run_scoped3A : memref<!tpu.dma_semaphore, #tpu.memory_space<semaphore_mem>>)
      %dma_wait3A_85 = arith.constant 0 : i32
      %dma_wait3A_86 = tpu.memref_slice %arg6[%mul3A_2, %dma_wait3A_85] : memref<10240x16xf32, #tpu.memory_space<hbm>> -> memref<320x16xf32, #tpu.memory_space<hbm>>
      %dma_wait3A_87 = arith.constant 0 : i32
      %dma_wait3A_88 = tpu.memref_slice %arg6[%mul3A_2, %dma_wait3A_87] : memref<10240x16xf32, #tpu.memory_space<hbm>> -> memref<320x16xf32, #tpu.memory_space<hbm>>
      tpu.wait_dma2 semaphore(%run_scoped3A : memref<!tpu.dma_semaphore, #tpu.memory_space<semaphore_mem>>) src(%arg17 : memref<320x16xf32, #tpu.memory_space<vmem>>) dst(%dma_wait3A_88 : memref<320x16xf32, #tpu.memory_space<hbm>>)
      tpu.yield
    }) : () -> ()
    "tpu.region"() ({
      %run_scoped3A = tpu.sem_alloc : memref<!tpu.dma_semaphore, #tpu.memory_space<semaphore_mem>>
      %dma_start3A = tpu.memref_slice %arg8[%mul3A_2] : memref<10240xf32, #tpu.memory_space<hbm>> -> memref<320xf32, #tpu.memory_space<hbm>>
      %dma_start3A_82 = tpu.memref_slice %arg8[%mul3A_2] : memref<10240xf32, #tpu.memory_space<hbm>> -> memref<320xf32, #tpu.memory_space<hbm>>
      tpu.enqueue_dma source(%arg18 : memref<320xf32, #tpu.memory_space<vmem>>) target(%dma_start3A_82 : memref<320xf32, #tpu.memory_space<hbm>>) target_semaphore(%run_scoped3A : memref<!tpu.dma_semaphore, #tpu.memory_space<semaphore_mem>>)
      %dma_wait3A_83 = tpu.memref_slice %arg8[%mul3A_2] : memref<10240xf32, #tpu.memory_space<hbm>> -> memref<320xf32, #tpu.memory_space<hbm>>
      %dma_wait3A_84 = tpu.memref_slice %arg8[%mul3A_2] : memref<10240xf32, #tpu.memory_space<hbm>> -> memref<320xf32, #tpu.memory_space<hbm>>
      tpu.wait_dma2 semaphore(%run_scoped3A : memref<!tpu.dma_semaphore, #tpu.memory_space<semaphore_mem>>) src(%arg18 : memref<320xf32, #tpu.memory_space<vmem>>) dst(%dma_wait3A_84 : memref<320xf32, #tpu.memory_space<hbm>>)
      tpu.yield
    }) : () -> ()
    "tpu.region"() ({
      %run_scoped3A = tpu.sem_alloc : memref<!tpu.dma_semaphore, #tpu.memory_space<semaphore_mem>>
      %dma_start3A = tpu.memref_slice %arg9[%mul3A_2] : memref<10240xf32, #tpu.memory_space<hbm>> -> memref<320xf32, #tpu.memory_space<hbm>>
      %dma_start3A_82 = tpu.memref_slice %arg9[%mul3A_2] : memref<10240xf32, #tpu.memory_space<hbm>> -> memref<320xf32, #tpu.memory_space<hbm>>
      tpu.enqueue_dma source(%arg19 : memref<320xf32, #tpu.memory_space<vmem>>) target(%dma_start3A_82 : memref<320xf32, #tpu.memory_space<hbm>>) target_semaphore(%run_scoped3A : memref<!tpu.dma_semaphore, #tpu.memory_space<semaphore_mem>>)
      %dma_wait3A_83 = tpu.memref_slice %arg9[%mul3A_2] : memref<10240xf32, #tpu.memory_space<hbm>> -> memref<320xf32, #tpu.memory_space<hbm>>
      %dma_wait3A_84 = tpu.memref_slice %arg9[%mul3A_2] : memref<10240xf32, #tpu.memory_space<hbm>> -> memref<320xf32, #tpu.memory_space<hbm>>
      tpu.wait_dma2 semaphore(%run_scoped3A : memref<!tpu.dma_semaphore, #tpu.memory_space<semaphore_mem>>) src(%arg19 : memref<320xf32, #tpu.memory_space<vmem>>) dst(%dma_wait3A_84 : memref<320xf32, #tpu.memory_space<hbm>>)
      tpu.yield
    }) : () -> ()
    return
  }
}

#map = affine_map<(d0, d1) -> (0, 0)>
#map1 = affine_map<(d0, d1) -> (0)>
module attributes {stable_mosaic.version = 14 : i64} {
  func.func @layer(%arg0: i32, %arg1: i32, %arg2: memref<10240x64xi32, #tpu.memory_space<hbm>>, %arg3: memref<10240x16xi32, #tpu.memory_space<hbm>>, %arg4: memref<10240x256xi32, #tpu.memory_space<hbm>>, %arg5: memref<10240x16xf32, #tpu.memory_space<hbm>>, %arg6: memref<10240x256xf32, #tpu.memory_space<hbm>>, %arg7: memref<10240xf32, #tpu.memory_space<hbm>>, %arg8: memref<10240xf32, #tpu.memory_space<hbm>>, %arg9: memref<10240x256xf32, #tpu.memory_space<hbm>>, %arg10: memref<10240xf32, #tpu.memory_space<vmem>>, %arg11: memref<10240xf32, #tpu.memory_space<vmem>>, %arg12: memref<320x16xi32, #tpu.memory_space<vmem>>, %arg13: memref<320x16xf32, #tpu.memory_space<vmem>>, %arg14: memref<512xi32, #tpu.memory_space<vmem>>, %arg15: memref<512xf32, #tpu.memory_space<vmem>>, %arg16: memref<272xf32, #tpu.memory_space<vmem>>, %arg17: memref<32xf32, #tpu.memory_space<vmem>>, %arg18: memref<32xi32, #tpu.memory_space<vmem>>, %arg19: memref<32x64xi32, #tpu.memory_space<vmem>>, %arg20: memref<512x64xi32, #tpu.memory_space<vmem>>, %arg21: memref<512xf32, #tpu.memory_space<vmem>>, %arg22: memref<256xi32, #tpu.memory_space<vmem>>, %arg23: memref<!tpu.dma_semaphore, #tpu.memory_space<semaphore_mem>>, %arg24: memref<!tpu.dma_semaphore, #tpu.memory_space<semaphore_mem>>, %arg25: memref<!tpu.dma_semaphore, #tpu.memory_space<semaphore_mem>>, %arg26: memref<!tpu.dma_semaphore, #tpu.memory_space<semaphore_mem>>, %arg27: memref<!tpu.dma_semaphore, #tpu.memory_space<semaphore_mem>>, %arg28: memref<!tpu.dma_semaphore, #tpu.memory_space<semaphore_mem>>) attributes {dimension_semantics = [#tpu.dimension_semantics<core_parallel>, #tpu.dimension_semantics<subcore_parallel>], iteration_bounds = array<i64: 2, 16>, scalar_prefetch = 0 : i64, scratch_operands = 19 : i64, tpu.core_type = #tpu.core_type<sc_vector_subcore>, window_params = [{transform_indices = #map}, {transform_indices = #map}, {transform_indices = #map}, {transform_indices = #map}, {transform_indices = #map}, {transform_indices = #map1}, {transform_indices = #map1}, {transform_indices = #map}]} {
    %mul3A = arith.constant 2 : i32
    %mul3A_0 = arith.muli %arg1, %mul3A : i32
    %add3A = arith.addi %mul3A_0, %arg0 : i32
    %mul3A_1 = arith.constant 320 : i32
    %mul3A_2 = arith.muli %add3A, %mul3A_1 : i32
    "tpu.region"() ({
      %run_scoped3A = tpu.sem_alloc : memref<!tpu.dma_semaphore, #tpu.memory_space<semaphore_mem>>
      tpu.enqueue_dma source(%arg7 : memref<10240xf32, #tpu.memory_space<hbm>>) target(%arg10 : memref<10240xf32, #tpu.memory_space<vmem>>) target_semaphore(%run_scoped3A : memref<!tpu.dma_semaphore, #tpu.memory_space<semaphore_mem>>)
      tpu.wait_dma2 semaphore(%run_scoped3A : memref<!tpu.dma_semaphore, #tpu.memory_space<semaphore_mem>>) src(%arg7 : memref<10240xf32, #tpu.memory_space<hbm>>) dst(%arg10 : memref<10240xf32, #tpu.memory_space<vmem>>)
      tpu.yield
    }) : () -> ()
    "tpu.region"() ({
      %run_scoped3A = tpu.sem_alloc : memref<!tpu.dma_semaphore, #tpu.memory_space<semaphore_mem>>
      tpu.enqueue_dma source(%arg8 : memref<10240xf32, #tpu.memory_space<hbm>>) target(%arg11 : memref<10240xf32, #tpu.memory_space<vmem>>) target_semaphore(%run_scoped3A : memref<!tpu.dma_semaphore, #tpu.memory_space<semaphore_mem>>)
      tpu.wait_dma2 semaphore(%run_scoped3A : memref<!tpu.dma_semaphore, #tpu.memory_space<semaphore_mem>>) src(%arg8 : memref<10240xf32, #tpu.memory_space<hbm>>) dst(%arg11 : memref<10240xf32, #tpu.memory_space<vmem>>)
      tpu.yield
    }) : () -> ()
    "tpu.region"() ({
      %run_scoped3A = tpu.sem_alloc : memref<!tpu.dma_semaphore, #tpu.memory_space<semaphore_mem>>
      %dma_start3A_159 = arith.constant 0 : i32
      %dma_start3A_160 = tpu.memref_slice %arg3[%mul3A_2, %dma_start3A_159] : memref<10240x16xi32, #tpu.memory_space<hbm>> -> memref<320x16xi32, #tpu.memory_space<hbm>>
      %dma_start3A_161 = arith.constant 0 : i32
      %dma_start3A_162 = tpu.memref_slice %arg3[%mul3A_2, %dma_start3A_161] : memref<10240x16xi32, #tpu.memory_space<hbm>> -> memref<320x16xi32, #tpu.memory_space<hbm>>
      tpu.enqueue_dma source(%dma_start3A_162 : memref<320x16xi32, #tpu.memory_space<hbm>>) target(%arg12 : memref<320x16xi32, #tpu.memory_space<vmem>>) target_semaphore(%run_scoped3A : memref<!tpu.dma_semaphore, #tpu.memory_space<semaphore_mem>>)
      %dma_wait3A_163 = arith.constant 0 : i32
      %dma_wait3A_164 = tpu.memref_slice %arg3[%mul3A_2, %dma_wait3A_163] : memref<10240x16xi32, #tpu.memory_space<hbm>> -> memref<320x16xi32, #tpu.memory_space<hbm>>
      %dma_wait3A_165 = arith.constant 0 : i32
      %dma_wait3A_166 = tpu.memref_slice %arg3[%mul3A_2, %dma_wait3A_165] : memref<10240x16xi32, #tpu.memory_space<hbm>> -> memref<320x16xi32, #tpu.memory_space<hbm>>
      tpu.wait_dma2 semaphore(%run_scoped3A : memref<!tpu.dma_semaphore, #tpu.memory_space<semaphore_mem>>) src(%dma_wait3A_166 : memref<320x16xi32, #tpu.memory_space<hbm>>) dst(%arg12 : memref<320x16xi32, #tpu.memory_space<vmem>>)
      tpu.yield
    }) : () -> ()
    "tpu.region"() ({
      %run_scoped3A = tpu.sem_alloc : memref<!tpu.dma_semaphore, #tpu.memory_space<semaphore_mem>>
      %dma_start3A_159 = arith.constant 0 : i32
      %dma_start3A_160 = tpu.memref_slice %arg5[%mul3A_2, %dma_start3A_159] : memref<10240x16xf32, #tpu.memory_space<hbm>> -> memref<320x16xf32, #tpu.memory_space<hbm>>
      %dma_start3A_161 = arith.constant 0 : i32
      %dma_start3A_162 = tpu.memref_slice %arg5[%mul3A_2, %dma_start3A_161] : memref<10240x16xf32, #tpu.memory_space<hbm>> -> memref<320x16xf32, #tpu.memory_space<hbm>>
      tpu.enqueue_dma source(%dma_start3A_162 : memref<320x16xf32, #tpu.memory_space<hbm>>) target(%arg13 : memref<320x16xf32, #tpu.memory_space<vmem>>) target_semaphore(%run_scoped3A : memref<!tpu.dma_semaphore, #tpu.memory_space<semaphore_mem>>)
      %dma_wait3A_163 = arith.constant 0 : i32
      %dma_wait3A_164 = tpu.memref_slice %arg5[%mul3A_2, %dma_wait3A_163] : memref<10240x16xf32, #tpu.memory_space<hbm>> -> memref<320x16xf32, #tpu.memory_space<hbm>>
      %dma_wait3A_165 = arith.constant 0 : i32
      %dma_wait3A_166 = tpu.memref_slice %arg5[%mul3A_2, %dma_wait3A_165] : memref<10240x16xf32, #tpu.memory_space<hbm>> -> memref<320x16xf32, #tpu.memory_space<hbm>>
      tpu.wait_dma2 semaphore(%run_scoped3A : memref<!tpu.dma_semaphore, #tpu.memory_space<semaphore_mem>>) src(%dma_wait3A_166 : memref<320x16xf32, #tpu.memory_space<hbm>>) dst(%arg13 : memref<320x16xf32, #tpu.memory_space<vmem>>)
      tpu.yield
    }) : () -> ()
    %iota3A = tpu.iota {dimensions = array<i32: 0>} : vector<16xi32>
    %dma_start3A = arith.constant 0 : i32
    %dma_start3A_3 = tpu.memref_slice %arg14[%dma_start3A] : memref<512xi32, #tpu.memory_space<vmem>> -> memref<256xi32, #tpu.memory_space<vmem>>
    %dma_start3A_4 = arith.constant 0 : i32
    %dma_start3A_5 = tpu.memref_slice %arg4[%mul3A_2, %dma_start3A_4] : memref<10240x256xi32, #tpu.memory_space<hbm>> -> memref<1x256xi32, #tpu.memory_space<hbm>>
    %dma_start3A_6 = tpu.memref_squeeze %dma_start3A_5 : memref<1x256xi32, #tpu.memory_space<hbm>> -> memref<256xi32, #tpu.memory_space<hbm>>
    %dma_start3A_7 = arith.constant 0 : i32
    %dma_start3A_8 = tpu.memref_slice %arg14[%dma_start3A_7] : memref<512xi32, #tpu.memory_space<vmem>> -> memref<256xi32, #tpu.memory_space<vmem>>
    %dma_start3A_9 = arith.constant 0 : i32
    %dma_start3A_10 = tpu.memref_slice %arg4[%mul3A_2, %dma_start3A_9] : memref<10240x256xi32, #tpu.memory_space<hbm>> -> memref<1x256xi32, #tpu.memory_space<hbm>>
    %dma_start3A_11 = tpu.memref_squeeze %dma_start3A_10 : memref<1x256xi32, #tpu.memory_space<hbm>> -> memref<256xi32, #tpu.memory_space<hbm>>
    tpu.enqueue_dma source(%dma_start3A_11 : memref<256xi32, #tpu.memory_space<hbm>>) target(%dma_start3A_8 : memref<256xi32, #tpu.memory_space<vmem>>) target_semaphore(%arg25 : memref<!tpu.dma_semaphore, #tpu.memory_space<semaphore_mem>>)
    %dma_start3A_12 = arith.constant 0 : i32
    %dma_start3A_13 = tpu.memref_slice %arg15[%dma_start3A_12] : memref<512xf32, #tpu.memory_space<vmem>> -> memref<256xf32, #tpu.memory_space<vmem>>
    %dma_start3A_14 = arith.constant 0 : i32
    %dma_start3A_15 = tpu.memref_slice %arg6[%mul3A_2, %dma_start3A_14] : memref<10240x256xf32, #tpu.memory_space<hbm>> -> memref<1x256xf32, #tpu.memory_space<hbm>>
    %dma_start3A_16 = tpu.memref_squeeze %dma_start3A_15 : memref<1x256xf32, #tpu.memory_space<hbm>> -> memref<256xf32, #tpu.memory_space<hbm>>
    %dma_start3A_17 = arith.constant 0 : i32
    %dma_start3A_18 = tpu.memref_slice %arg15[%dma_start3A_17] : memref<512xf32, #tpu.memory_space<vmem>> -> memref<256xf32, #tpu.memory_space<vmem>>
    %dma_start3A_19 = arith.constant 0 : i32
    %dma_start3A_20 = tpu.memref_slice %arg6[%mul3A_2, %dma_start3A_19] : memref<10240x256xf32, #tpu.memory_space<hbm>> -> memref<1x256xf32, #tpu.memory_space<hbm>>
    %dma_start3A_21 = tpu.memref_squeeze %dma_start3A_20 : memref<1x256xf32, #tpu.memory_space<hbm>> -> memref<256xf32, #tpu.memory_space<hbm>>
    tpu.enqueue_dma source(%dma_start3A_21 : memref<256xf32, #tpu.memory_space<hbm>>) target(%dma_start3A_18 : memref<256xf32, #tpu.memory_space<vmem>>) target_semaphore(%arg26 : memref<!tpu.dma_semaphore, #tpu.memory_space<semaphore_mem>>)
    %add3A_22 = arith.constant 1 : i32
    %add3A_23 = arith.addi %mul3A_2, %add3A_22 : i32
    %dma_start3A_24 = arith.constant 256 : i32
    %dma_start3A_25 = tpu.memref_slice %arg14[%dma_start3A_24] : memref<512xi32, #tpu.memory_space<vmem>> -> memref<256xi32, #tpu.memory_space<vmem>>
    %dma_start3A_26 = arith.constant 0 : i32
    %dma_start3A_27 = tpu.memref_slice %arg4[%add3A_23, %dma_start3A_26] : memref<10240x256xi32, #tpu.memory_space<hbm>> -> memref<1x256xi32, #tpu.memory_space<hbm>>
    %dma_start3A_28 = tpu.memref_squeeze %dma_start3A_27 : memref<1x256xi32, #tpu.memory_space<hbm>> -> memref<256xi32, #tpu.memory_space<hbm>>
    %dma_start3A_29 = arith.constant 256 : i32
    %dma_start3A_30 = tpu.memref_slice %arg14[%dma_start3A_29] : memref<512xi32, #tpu.memory_space<vmem>> -> memref<256xi32, #tpu.memory_space<vmem>>
    %dma_start3A_31 = arith.constant 0 : i32
    %dma_start3A_32 = tpu.memref_slice %arg4[%add3A_23, %dma_start3A_31] : memref<10240x256xi32, #tpu.memory_space<hbm>> -> memref<1x256xi32, #tpu.memory_space<hbm>>
    %dma_start3A_33 = tpu.memref_squeeze %dma_start3A_32 : memref<1x256xi32, #tpu.memory_space<hbm>> -> memref<256xi32, #tpu.memory_space<hbm>>
    tpu.enqueue_dma source(%dma_start3A_33 : memref<256xi32, #tpu.memory_space<hbm>>) target(%dma_start3A_30 : memref<256xi32, #tpu.memory_space<vmem>>) target_semaphore(%arg25 : memref<!tpu.dma_semaphore, #tpu.memory_space<semaphore_mem>>)
    %dma_start3A_34 = arith.constant 256 : i32
    %dma_start3A_35 = tpu.memref_slice %arg15[%dma_start3A_34] : memref<512xf32, #tpu.memory_space<vmem>> -> memref<256xf32, #tpu.memory_space<vmem>>
    %dma_start3A_36 = arith.constant 0 : i32
    %dma_start3A_37 = tpu.memref_slice %arg6[%add3A_23, %dma_start3A_36] : memref<10240x256xf32, #tpu.memory_space<hbm>> -> memref<1x256xf32, #tpu.memory_space<hbm>>
    %dma_start3A_38 = tpu.memref_squeeze %dma_start3A_37 : memref<1x256xf32, #tpu.memory_space<hbm>> -> memref<256xf32, #tpu.memory_space<hbm>>
    %dma_start3A_39 = arith.constant 256 : i32
    %dma_start3A_40 = tpu.memref_slice %arg15[%dma_start3A_39] : memref<512xf32, #tpu.memory_space<vmem>> -> memref<256xf32, #tpu.memory_space<vmem>>
    %dma_start3A_41 = arith.constant 0 : i32
    %dma_start3A_42 = tpu.memref_slice %arg6[%add3A_23, %dma_start3A_41] : memref<10240x256xf32, #tpu.memory_space<hbm>> -> memref<1x256xf32, #tpu.memory_space<hbm>>
    %dma_start3A_43 = tpu.memref_squeeze %dma_start3A_42 : memref<1x256xf32, #tpu.memory_space<hbm>> -> memref<256xf32, #tpu.memory_space<hbm>>
    tpu.enqueue_dma source(%dma_start3A_43 : memref<256xf32, #tpu.memory_space<hbm>>) target(%dma_start3A_40 : memref<256xf32, #tpu.memory_space<vmem>>) target_semaphore(%arg26 : memref<!tpu.dma_semaphore, #tpu.memory_space<semaphore_mem>>)
    %dma_wait3A = arith.constant 0 : i32
    %dma_wait3A_44 = tpu.memref_slice %arg14[%dma_wait3A] : memref<512xi32, #tpu.memory_space<vmem>> -> memref<256xi32, #tpu.memory_space<vmem>>
    %dma_wait3A_45 = arith.constant 0 : i32
    %dma_wait3A_46 = tpu.memref_slice %arg4[%mul3A_2, %dma_wait3A_45] : memref<10240x256xi32, #tpu.memory_space<hbm>> -> memref<1x256xi32, #tpu.memory_space<hbm>>
    %dma_wait3A_47 = tpu.memref_squeeze %dma_wait3A_46 : memref<1x256xi32, #tpu.memory_space<hbm>> -> memref<256xi32, #tpu.memory_space<hbm>>
    %dma_wait3A_48 = arith.constant 0 : i32
    %dma_wait3A_49 = tpu.memref_slice %arg14[%dma_wait3A_48] : memref<512xi32, #tpu.memory_space<vmem>> -> memref<256xi32, #tpu.memory_space<vmem>>
    %dma_wait3A_50 = arith.constant 0 : i32
    %dma_wait3A_51 = tpu.memref_slice %arg4[%mul3A_2, %dma_wait3A_50] : memref<10240x256xi32, #tpu.memory_space<hbm>> -> memref<1x256xi32, #tpu.memory_space<hbm>>
    %dma_wait3A_52 = tpu.memref_squeeze %dma_wait3A_51 : memref<1x256xi32, #tpu.memory_space<hbm>> -> memref<256xi32, #tpu.memory_space<hbm>>
    tpu.wait_dma2 semaphore(%arg25 : memref<!tpu.dma_semaphore, #tpu.memory_space<semaphore_mem>>) src(%dma_wait3A_52 : memref<256xi32, #tpu.memory_space<hbm>>) dst(%dma_wait3A_49 : memref<256xi32, #tpu.memory_space<vmem>>)
    %dma_wait3A_53 = arith.constant 0 : i32
    %dma_wait3A_54 = tpu.memref_slice %arg15[%dma_wait3A_53] : memref<512xf32, #tpu.memory_space<vmem>> -> memref<256xf32, #tpu.memory_space<vmem>>
    %dma_wait3A_55 = arith.constant 0 : i32
    %dma_wait3A_56 = tpu.memref_slice %arg6[%mul3A_2, %dma_wait3A_55] : memref<10240x256xf32, #tpu.memory_space<hbm>> -> memref<1x256xf32, #tpu.memory_space<hbm>>
    %dma_wait3A_57 = tpu.memref_squeeze %dma_wait3A_56 : memref<1x256xf32, #tpu.memory_space<hbm>> -> memref<256xf32, #tpu.memory_space<hbm>>
    %dma_wait3A_58 = arith.constant 0 : i32
    %dma_wait3A_59 = tpu.memref_slice %arg15[%dma_wait3A_58] : memref<512xf32, #tpu.memory_space<vmem>> -> memref<256xf32, #tpu.memory_space<vmem>>
    %dma_wait3A_60 = arith.constant 0 : i32
    %dma_wait3A_61 = tpu.memref_slice %arg6[%mul3A_2, %dma_wait3A_60] : memref<10240x256xf32, #tpu.memory_space<hbm>> -> memref<1x256xf32, #tpu.memory_space<hbm>>
    %dma_wait3A_62 = tpu.memref_squeeze %dma_wait3A_61 : memref<1x256xf32, #tpu.memory_space<hbm>> -> memref<256xf32, #tpu.memory_space<hbm>>
    tpu.wait_dma2 semaphore(%arg26 : memref<!tpu.dma_semaphore, #tpu.memory_space<semaphore_mem>>) src(%dma_wait3A_62 : memref<256xf32, #tpu.memory_space<hbm>>) dst(%dma_wait3A_59 : memref<256xf32, #tpu.memory_space<vmem>>)
    %broadcast_in_dim3A = arith.constant 0 : i32
    %broadcast_in_dim3A_63 = vector.broadcast %broadcast_in_dim3A : i32 to vector<16xi32>
    %gather3A = tpu.vector_load_idx %arg12[%broadcast_in_dim3A_63, %iota3A] : memref<320x16xi32, #tpu.memory_space<vmem>>[vector<16xi32>, vector<16xi32>], vector<16xi32>,
    %swap3A = arith.constant 0 : index
    %swap3A_64 = tpu.vector_load %arg18[%swap3A] {strides = array<i32>} : memref<32xi32, #tpu.memory_space<vmem>>, vector<16xi32>,
    tpu.vector_store %arg18[%swap3A], %gather3A {strides = array<i32>} : memref<32xi32, #tpu.memory_space<vmem>>, vector<16xi32>,
    %dma_start3A_65 = arith.constant 0 : i32
    %dma_start3A_66 = arith.constant 0 : i32
    %dma_start3A_67 = tpu.memref_slice %arg19[%dma_start3A_65, %dma_start3A_66] : memref<32x64xi32, #tpu.memory_space<vmem>> -> memref<16x64xi32, #tpu.memory_space<vmem>>
    %dma_start3A_68 = arith.constant 0 : i32
    %dma_start3A_69 = tpu.memref_slice %arg18[%dma_start3A_68] : memref<32xi32, #tpu.memory_space<vmem>> -> memref<16xi32, #tpu.memory_space<vmem>>
    %dma_start3A_70 = arith.constant 0 : i32
    %dma_start3A_71 = arith.constant 0 : i32
    %dma_start3A_72 = tpu.memref_slice %arg2[%dma_start3A_70, %dma_start3A_71] : memref<10240x64xi32, #tpu.memory_space<hbm>> -> memref<10240x64xi32, #tpu.memory_space<hbm>>
    tpu.enqueue_indirect_dma source(%dma_start3A_72 : memref<10240x64xi32, #tpu.memory_space<hbm>>) target(%dma_start3A_67 : memref<16x64xi32, #tpu.memory_space<vmem>>) offsets(%dma_start3A_69 : memref<16xi32, #tpu.memory_space<vmem>>) semaphore(%arg23 : memref<!tpu.dma_semaphore, #tpu.memory_space<semaphore_mem>>)
    %dma_start3A_73 = arith.constant 0 : i32
    %dma_start3A_74 = arith.constant 0 : i32
    %dma_start3A_75 = tpu.memref_slice %arg20[%dma_start3A_73, %dma_start3A_74] : memref<512x64xi32, #tpu.memory_space<vmem>> -> memref<128x64xi32, #tpu.memory_space<vmem>>
    %dma_start3A_76 = arith.constant 0 : i32
    %dma_start3A_77 = tpu.memref_slice %arg14[%dma_start3A_76] : memref<512xi32, #tpu.memory_space<vmem>> -> memref<128xi32, #tpu.memory_space<vmem>>
    %dma_start3A_78 = arith.constant 0 : i32
    %dma_start3A_79 = arith.constant 0 : i32
    %dma_start3A_80 = tpu.memref_slice %arg2[%dma_start3A_78, %dma_start3A_79] : memref<10240x64xi32, #tpu.memory_space<hbm>> -> memref<10240x64xi32, #tpu.memory_space<hbm>>
    tpu.enqueue_indirect_dma source(%dma_start3A_80 : memref<10240x64xi32, #tpu.memory_space<hbm>>) target(%dma_start3A_75 : memref<128x64xi32, #tpu.memory_space<vmem>>) offsets(%dma_start3A_77 : memref<128xi32, #tpu.memory_space<vmem>>) semaphore(%arg24 : memref<!tpu.dma_semaphore, #tpu.memory_space<semaphore_mem>>)
    %dma_start3A_81 = arith.constant 128 : i32
    %dma_start3A_82 = arith.constant 0 : i32
    %dma_start3A_83 = tpu.memref_slice %arg20[%dma_start3A_81, %dma_start3A_82] : memref<512x64xi32, #tpu.memory_space<vmem>> -> memref<128x64xi32, #tpu.memory_space<vmem>>
    %dma_start3A_84 = arith.constant 128 : i32
    %dma_start3A_85 = tpu.memref_slice %arg14[%dma_start3A_84] : memref<512xi32, #tpu.memory_space<vmem>> -> memref<128xi32, #tpu.memory_space<vmem>>
    %dma_start3A_86 = arith.constant 0 : i32
    %dma_start3A_87 = arith.constant 0 : i32
    %dma_start3A_88 = tpu.memref_slice %arg2[%dma_start3A_86, %dma_start3A_87] : memref<10240x64xi32, #tpu.memory_space<hbm>> -> memref<10240x64xi32, #tpu.memory_space<hbm>>
    tpu.enqueue_indirect_dma source(%dma_start3A_88 : memref<10240x64xi32, #tpu.memory_space<hbm>>) target(%dma_start3A_83 : memref<128x64xi32, #tpu.memory_space<vmem>>) offsets(%dma_start3A_85 : memref<128xi32, #tpu.memory_space<vmem>>) semaphore(%arg24 : memref<!tpu.dma_semaphore, #tpu.memory_space<semaphore_mem>>)
    %scan3A = arith.constant 0 : i32
    %scan3A_89 = arith.constant 0 : i32
    %scan3A_90 = arith.constant 320 : i32
    %scan3A_91 = arith.addi %scan3A_89, %scan3A_90 : i32
    %scan3A_92 = arith.constant 1 : i32
    %scan3A_93 = scf.for %scan3A_159 = %scan3A_89 to %scan3A_91 step %scan3A_92 iter_args(%scan3A_160 = %scan3A) -> (i32)  : i32 {
      %rem3A = arith.constant 2 : i32
      %rem3A_161 = arith.remsi %scan3A_159, %rem3A : i32
      %add3A_162 = arith.constant 1 : i32
      %add3A_163 = arith.addi %scan3A_159, %add3A_162 : i32
      %rem3A_164 = arith.constant 2 : i32
      %rem3A_165 = arith.remsi %add3A_163, %rem3A_164 : i32
      %add3A_166 = arith.constant 1 : i32
      %add3A_167 = arith.addi %scan3A_159, %add3A_166 : i32
      %min3A = arith.constant 319 : i32
      %min3A_168 = arith.minsi %add3A_167, %min3A : i32
      %add3A_169 = arith.constant 2 : i32
      %add3A_170 = arith.addi %scan3A_159, %add3A_169 : i32
      %min3A_171 = arith.constant 319 : i32
      %min3A_172 = arith.minsi %add3A_170, %min3A_171 : i32
      %add3A_173 = arith.addi %mul3A_2, %scan3A_159 : i32
      %mul3A_174 = arith.constant 256 : i32
      %mul3A_175 = arith.muli %rem3A_161, %mul3A_174 : i32
      %mul3A_176 = arith.constant 256 : i32
      %mul3A_177 = arith.muli %rem3A_165, %mul3A_176 : i32
      %dma_wait3A_178 = tpu.memref_slice %arg14[%mul3A_177] : memref<512xi32, #tpu.memory_space<vmem>> -> memref<256xi32, #tpu.memory_space<vmem>>
      %dma_wait3A_179 = arith.constant 0 : i32
      %dma_wait3A_180 = tpu.memref_slice %arg4[%mul3A_2, %dma_wait3A_179] : memref<10240x256xi32, #tpu.memory_space<hbm>> -> memref<1x256xi32, #tpu.memory_space<hbm>>
      %dma_wait3A_181 = tpu.memref_squeeze %dma_wait3A_180 : memref<1x256xi32, #tpu.memory_space<hbm>> -> memref<256xi32, #tpu.memory_space<hbm>>
      %dma_wait3A_182 = tpu.memref_slice %arg14[%mul3A_177] : memref<512xi32, #tpu.memory_space<vmem>> -> memref<256xi32, #tpu.memory_space<vmem>>
      %dma_wait3A_183 = arith.constant 0 : i32
      %dma_wait3A_184 = tpu.memref_slice %arg4[%mul3A_2, %dma_wait3A_183] : memref<10240x256xi32, #tpu.memory_space<hbm>> -> memref<1x256xi32, #tpu.memory_space<hbm>>
      %dma_wait3A_185 = tpu.memref_squeeze %dma_wait3A_184 : memref<1x256xi32, #tpu.memory_space<hbm>> -> memref<256xi32, #tpu.memory_space<hbm>>
      tpu.wait_dma2 semaphore(%arg25 : memref<!tpu.dma_semaphore, #tpu.memory_space<semaphore_mem>>) src(%dma_wait3A_185 : memref<256xi32, #tpu.memory_space<hbm>>) dst(%dma_wait3A_182 : memref<256xi32, #tpu.memory_space<vmem>>)
      %mul3A_186 = arith.constant 256 : i32
      %mul3A_187 = arith.muli %rem3A_165, %mul3A_186 : i32
      %dma_wait3A_188 = tpu.memref_slice %arg15[%mul3A_187] : memref<512xf32, #tpu.memory_space<vmem>> -> memref<256xf32, #tpu.memory_space<vmem>>
      %dma_wait3A_189 = arith.constant 0 : i32
      %dma_wait3A_190 = tpu.memref_slice %arg6[%mul3A_2, %dma_wait3A_189] : memref<10240x256xf32, #tpu.memory_space<hbm>> -> memref<1x256xf32, #tpu.memory_space<hbm>>
      %dma_wait3A_191 = tpu.memref_squeeze %dma_wait3A_190 : memref<1x256xf32, #tpu.memory_space<hbm>> -> memref<256xf32, #tpu.memory_space<hbm>>
      %dma_wait3A_192 = tpu.memref_slice %arg15[%mul3A_187] : memref<512xf32, #tpu.memory_space<vmem>> -> memref<256xf32, #tpu.memory_space<vmem>>
      %dma_wait3A_193 = arith.constant 0 : i32
      %dma_wait3A_194 = tpu.memref_slice %arg6[%mul3A_2, %dma_wait3A_193] : memref<10240x256xf32, #tpu.memory_space<hbm>> -> memref<1x256xf32, #tpu.memory_space<hbm>>
      %dma_wait3A_195 = tpu.memref_squeeze %dma_wait3A_194 : memref<1x256xf32, #tpu.memory_space<hbm>> -> memref<256xf32, #tpu.memory_space<hbm>>
      tpu.wait_dma2 semaphore(%arg26 : memref<!tpu.dma_semaphore, #tpu.memory_space<semaphore_mem>>) src(%dma_wait3A_195 : memref<256xf32, #tpu.memory_space<hbm>>) dst(%dma_wait3A_192 : memref<256xf32, #tpu.memory_space<vmem>>)
      %broadcast_in_dim3A_196 = vector.broadcast %min3A_168 : i32 to vector<16xi32>
      %gather3A_197 = tpu.vector_load_idx %arg12[%broadcast_in_dim3A_196, %iota3A] : memref<320x16xi32, #tpu.memory_space<vmem>>[vector<16xi32>, vector<16xi32>], vector<16xi32>,
      %mul3A_198 = arith.constant 16 : i32
      %mul3A_199 = arith.muli %rem3A_165, %mul3A_198 : i32
      %swap3A_200 = arith.index_cast %mul3A_199 : i32 to index
      %swap3A_201 = tpu.vector_load %arg18[%swap3A_200] {strides = array<i32>} : memref<32xi32, #tpu.memory_space<vmem>>, vector<16xi32>,
      tpu.vector_store %arg18[%swap3A_200], %gather3A_197 {strides = array<i32>} : memref<32xi32, #tpu.memory_space<vmem>>, vector<16xi32>,
      %mul3A_202 = arith.constant 16 : i32
      %mul3A_203 = arith.muli %rem3A_165, %mul3A_202 : i32
      %mul3A_204 = arith.constant 16 : i32
      %mul3A_205 = arith.muli %rem3A_165, %mul3A_204 : i32
      %dma_start3A_206 = arith.constant 0 : i32
      %dma_start3A_207 = tpu.memref_slice %arg19[%mul3A_205, %dma_start3A_206] : memref<32x64xi32, #tpu.memory_space<vmem>> -> memref<16x64xi32, #tpu.memory_space<vmem>>
      %dma_start3A_208 = tpu.memref_slice %arg18[%mul3A_203] : memref<32xi32, #tpu.memory_space<vmem>> -> memref<16xi32, #tpu.memory_space<vmem>>
      %dma_start3A_209 = arith.constant 0 : i32
      %dma_start3A_210 = arith.constant 0 : i32
      %dma_start3A_211 = tpu.memref_slice %arg2[%dma_start3A_209, %dma_start3A_210] : memref<10240x64xi32, #tpu.memory_space<hbm>> -> memref<10240x64xi32, #tpu.memory_space<hbm>>
      tpu.enqueue_indirect_dma source(%dma_start3A_211 : memref<10240x64xi32, #tpu.memory_space<hbm>>) target(%dma_start3A_207 : memref<16x64xi32, #tpu.memory_space<vmem>>) offsets(%dma_start3A_208 : memref<16xi32, #tpu.memory_space<vmem>>) semaphore(%arg23 : memref<!tpu.dma_semaphore, #tpu.memory_space<semaphore_mem>>)
      %mul3A_212 = arith.constant 256 : i32
      %mul3A_213 = arith.muli %rem3A_165, %mul3A_212 : i32
      %mul3A_214 = arith.constant 256 : i32
      %mul3A_215 = arith.muli %rem3A_165, %mul3A_214 : i32
      %dma_start3A_216 = arith.constant 0 : i32
      %dma_start3A_217 = tpu.memref_slice %arg20[%mul3A_215, %dma_start3A_216] : memref<512x64xi32, #tpu.memory_space<vmem>> -> memref<128x64xi32, #tpu.memory_space<vmem>>
      %dma_start3A_218 = tpu.memref_slice %arg14[%mul3A_213] : memref<512xi32, #tpu.memory_space<vmem>> -> memref<128xi32, #tpu.memory_space<vmem>>
      %dma_start3A_219 = arith.constant 0 : i32
      %dma_start3A_220 = arith.constant 0 : i32
      %dma_start3A_221 = tpu.memref_slice %arg2[%dma_start3A_219, %dma_start3A_220] : memref<10240x64xi32, #tpu.memory_space<hbm>> -> memref<10240x64xi32, #tpu.memory_space<hbm>>
      tpu.enqueue_indirect_dma source(%dma_start3A_221 : memref<10240x64xi32, #tpu.memory_space<hbm>>) target(%dma_start3A_217 : memref<128x64xi32, #tpu.memory_space<vmem>>) offsets(%dma_start3A_218 : memref<128xi32, #tpu.memory_space<vmem>>) semaphore(%arg24 : memref<!tpu.dma_semaphore, #tpu.memory_space<semaphore_mem>>)
      %mul3A_222 = arith.constant 256 : i32
      %mul3A_223 = arith.muli %rem3A_165, %mul3A_222 : i32
      %add3A_224 = arith.constant 128 : i32
      %add3A_225 = arith.addi %mul3A_223, %add3A_224 : i32
      %mul3A_226 = arith.constant 256 : i32
      %mul3A_227 = arith.muli %rem3A_165, %mul3A_226 : i32
      %add3A_228 = arith.constant 128 : i32
      %add3A_229 = arith.addi %mul3A_227, %add3A_228 : i32
      %dma_start3A_230 = arith.constant 0 : i32
      %dma_start3A_231 = tpu.memref_slice %arg20[%add3A_229, %dma_start3A_230] : memref<512x64xi32, #tpu.memory_space<vmem>> -> memref<128x64xi32, #tpu.memory_space<vmem>>
      %dma_start3A_232 = tpu.memref_slice %arg14[%add3A_225] : memref<512xi32, #tpu.memory_space<vmem>> -> memref<128xi32, #tpu.memory_space<vmem>>
      %dma_start3A_233 = arith.constant 0 : i32
      %dma_start3A_234 = arith.constant 0 : i32
      %dma_start3A_235 = tpu.memref_slice %arg2[%dma_start3A_233, %dma_start3A_234] : memref<10240x64xi32, #tpu.memory_space<hbm>> -> memref<10240x64xi32, #tpu.memory_space<hbm>>
      tpu.enqueue_indirect_dma source(%dma_start3A_235 : memref<10240x64xi32, #tpu.memory_space<hbm>>) target(%dma_start3A_231 : memref<128x64xi32, #tpu.memory_space<vmem>>) offsets(%dma_start3A_232 : memref<128xi32, #tpu.memory_space<vmem>>) semaphore(%arg24 : memref<!tpu.dma_semaphore, #tpu.memory_space<semaphore_mem>>)
      %broadcast_in_dim3A_236 = vector.broadcast %scan3A_159 : i32 to vector<16xi32>
      %gather3A_237 = tpu.vector_load_idx %arg12[%broadcast_in_dim3A_236, %iota3A] : memref<320x16xi32, #tpu.memory_space<vmem>>[vector<16xi32>, vector<16xi32>], vector<16xi32>,
      %broadcast_in_dim3A_238 = vector.broadcast %scan3A_159 : i32 to vector<16xi32>
      %gather3A_239 = tpu.vector_load_idx %arg13[%broadcast_in_dim3A_238, %iota3A] : memref<320x16xf32, #tpu.memory_space<vmem>>[vector<16xi32>, vector<16xi32>], vector<16xf32>,
      %gather3A_240 = tpu.vector_load_idx %arg10[%gather3A_237] : memref<10240xf32, #tpu.memory_space<vmem>>[vector<16xi32>], vector<16xf32>,
      %mul3A_241 = arith.mulf %gather3A_239, %gather3A_240 : vector<16xf32>
      %swap3A_242 = arith.constant 0 : index
      %swap3A_243 = tpu.vector_load %arg17[%swap3A_242] {strides = array<i32>} : memref<32xf32, #tpu.memory_space<vmem>>, vector<16xf32>,
      tpu.vector_store %arg17[%swap3A_242], %mul3A_241 {strides = array<i32>} : memref<32xf32, #tpu.memory_space<vmem>>, vector<16xf32>,
      %scan3A_244 = arith.constant 0 : i32
      %scan3A_245 = arith.constant 0 : i32
      %scan3A_246 = arith.constant 16 : i32
      %scan3A_247 = arith.addi %scan3A_245, %scan3A_246 : i32
      %scan3A_248 = arith.constant 1 : i32
      %scan3A_249 = scf.for %scan3A_576 = %scan3A_245 to %scan3A_247 step %scan3A_248 iter_args(%scan3A_577 = %scan3A_244) -> (i32)  : i32 {
        %mul3A_578 = arith.constant 16 : i32
        %mul3A_579 = arith.muli %scan3A_576, %mul3A_578 : i32
        %add3A_580 = arith.addi %mul3A_175, %mul3A_579 : i32
        %get3A = arith.index_cast %add3A_580 : i32 to index
        %get3A_581 = tpu.vector_load %arg14[%get3A] {strides = array<i32>} : memref<512xi32, #tpu.memory_space<vmem>>, vector<16xi32>,
        %mul3A_582 = arith.constant 16 : i32
        %mul3A_583 = arith.muli %scan3A_576, %mul3A_582 : i32
        %add3A_584 = arith.addi %mul3A_175, %mul3A_583 : i32
        %get3A_585 = arith.index_cast %add3A_584 : i32 to index
        %get3A_586 = tpu.vector_load %arg15[%get3A_585] {strides = array<i32>} : memref<512xf32, #tpu.memory_space<vmem>>, vector<16xf32>,
        %gather3A_587 = tpu.vector_load_idx %arg11[%get3A_581] : memref<10240xf32, #tpu.memory_space<vmem>>[vector<16xi32>], vector<16xf32>,
        %mul3A_588 = arith.mulf %get3A_586, %gather3A_587 : vector<16xf32>
        %mul3A_589 = arith.constant 16 : i32
        %mul3A_590 = arith.muli %scan3A_576, %mul3A_589 : i32
        %swap3A_591 = arith.index_cast %mul3A_590 : i32 to index
        %swap3A_592 = tpu.vector_load %arg16[%swap3A_591] {strides = array<i32>} : memref<272xf32, #tpu.memory_space<vmem>>, vector<16xf32>,
        tpu.vector_store %arg16[%swap3A_591], %mul3A_588 {strides = array<i32>} : memref<272xf32, #tpu.memory_space<vmem>>, vector<16xf32>,
        %scan3A_593 = arith.constant 0 : i32
        scf.yield %scan3A_593 : i32
      }
      %scan3A_250 = arith.constant 16 : i32
      %mul3A_251 = arith.constant 16 : i32
      %mul3A_252 = arith.muli %rem3A_161, %mul3A_251 : i32
      %mul3A_253 = arith.constant 16 : i32
      %mul3A_254 = arith.muli %rem3A_161, %mul3A_253 : i32
      %dma_wait3A_255 = arith.constant 0 : i32
      %dma_wait3A_256 = tpu.memref_slice %arg19[%mul3A_254, %dma_wait3A_255] : memref<32x64xi32, #tpu.memory_space<vmem>> -> memref<16x64xi32, #tpu.memory_space<vmem>>
      %dma_wait3A_257 = tpu.memref_slice %arg18[%mul3A_252] : memref<32xi32, #tpu.memory_space<vmem>> -> memref<16xi32, #tpu.memory_space<vmem>>
      %dma_wait3A_258 = arith.constant 0 : i32
      %dma_wait3A_259 = arith.constant 0 : i32
      %dma_wait3A_260 = tpu.memref_slice %arg2[%dma_wait3A_258, %dma_wait3A_259] : memref<10240x64xi32, #tpu.memory_space<hbm>> -> memref<10240x64xi32, #tpu.memory_space<hbm>>
      tpu.wait_indirect_dma semaphore(%arg23 : memref<!tpu.dma_semaphore, #tpu.memory_space<semaphore_mem>>) src(%dma_wait3A_260 : memref<10240x64xi32, #tpu.memory_space<hbm>>) dst(%dma_wait3A_256 : memref<16x64xi32, #tpu.memory_space<vmem>>)
      %mul3A_261 = arith.constant 256 : i32
      %mul3A_262 = arith.muli %rem3A_161, %mul3A_261 : i32
      %add3A_263 = arith.constant 0 : i32
      %add3A_264 = arith.addi %mul3A_262, %add3A_263 : i32
      %mul3A_265 = arith.constant 256 : i32
      %mul3A_266 = arith.muli %rem3A_161, %mul3A_265 : i32
      %add3A_267 = arith.constant 0 : i32
      %add3A_268 = arith.addi %mul3A_266, %add3A_267 : i32
      %dma_wait3A_269 = arith.constant 0 : i32
      %dma_wait3A_270 = tpu.memref_slice %arg20[%add3A_268, %dma_wait3A_269] : memref<512x64xi32, #tpu.memory_space<vmem>> -> memref<128x64xi32, #tpu.memory_space<vmem>>
      %dma_wait3A_271 = tpu.memref_slice %arg14[%add3A_264] : memref<512xi32, #tpu.memory_space<vmem>> -> memref<128xi32, #tpu.memory_space<vmem>>
      %dma_wait3A_272 = arith.constant 0 : i32
      %dma_wait3A_273 = arith.constant 0 : i32
      %dma_wait3A_274 = tpu.memref_slice %arg2[%dma_wait3A_272, %dma_wait3A_273] : memref<10240x64xi32, #tpu.memory_space<hbm>> -> memref<10240x64xi32, #tpu.memory_space<hbm>>
      tpu.wait_indirect_dma semaphore(%arg24 : memref<!tpu.dma_semaphore, #tpu.memory_space<semaphore_mem>>) src(%dma_wait3A_274 : memref<10240x64xi32, #tpu.memory_space<hbm>>) dst(%dma_wait3A_270 : memref<128x64xi32, #tpu.memory_space<vmem>>)
      %mul3A_275 = arith.constant 256 : i32
      %mul3A_276 = arith.muli %rem3A_161, %mul3A_275 : i32
      %add3A_277 = arith.constant 128 : i32
      %add3A_278 = arith.addi %mul3A_276, %add3A_277 : i32
      %mul3A_279 = arith.constant 256 : i32
      %mul3A_280 = arith.muli %rem3A_161, %mul3A_279 : i32
      %add3A_281 = arith.constant 128 : i32
      %add3A_282 = arith.addi %mul3A_280, %add3A_281 : i32
      %dma_wait3A_283 = arith.constant 0 : i32
      %dma_wait3A_284 = tpu.memref_slice %arg20[%add3A_282, %dma_wait3A_283] : memref<512x64xi32, #tpu.memory_space<vmem>> -> memref<128x64xi32, #tpu.memory_space<vmem>>
      %dma_wait3A_285 = tpu.memref_slice %arg14[%add3A_278] : memref<512xi32, #tpu.memory_space<vmem>> -> memref<128xi32, #tpu.memory_space<vmem>>
      %dma_wait3A_286 = arith.constant 0 : i32
      %dma_wait3A_287 = arith.constant 0 : i32
      %dma_wait3A_288 = tpu.memref_slice %arg2[%dma_wait3A_286, %dma_wait3A_287] : memref<10240x64xi32, #tpu.memory_space<hbm>> -> memref<10240x64xi32, #tpu.memory_space<hbm>>
      tpu.wait_indirect_dma semaphore(%arg24 : memref<!tpu.dma_semaphore, #tpu.memory_space<semaphore_mem>>) src(%dma_wait3A_288 : memref<10240x64xi32, #tpu.memory_space<hbm>>) dst(%dma_wait3A_284 : memref<128x64xi32, #tpu.memory_space<vmem>>)
      %add3A_289 = arith.constant 0 : i32
      %add3A_290 = vector.broadcast %add3A_289 : i32 to vector<16xi32>
      %add3A_291 = arith.addi %iota3A, %add3A_290 : vector<16xi32>
      %add3A_292 = arith.constant 16 : i32
      %add3A_293 = vector.broadcast %add3A_292 : i32 to vector<16xi32>
      %add3A_294 = arith.addi %iota3A, %add3A_293 : vector<16xi32>
      %add3A_295 = arith.constant 32 : i32
      %add3A_296 = vector.broadcast %add3A_295 : i32 to vector<16xi32>
      %add3A_297 = arith.addi %iota3A, %add3A_296 : vector<16xi32>
      %add3A_298 = arith.constant 48 : i32
      %add3A_299 = vector.broadcast %add3A_298 : i32 to vector<16xi32>
      %add3A_300 = arith.addi %iota3A, %add3A_299 : vector<16xi32>
      %broadcast_in_dim3A_301 = arith.constant 0.000000e+00 : f32
      %broadcast_in_dim3A_302 = vector.broadcast %broadcast_in_dim3A_301 : f32 to vector<16xf32>
      %broadcast_in_dim3A_303 = arith.constant 0.000000e+00 : f32
      %broadcast_in_dim3A_304 = vector.broadcast %broadcast_in_dim3A_303 : f32 to vector<16xf32>
      %broadcast_in_dim3A_305 = arith.constant 0.000000e+00 : f32
      %broadcast_in_dim3A_306 = vector.broadcast %broadcast_in_dim3A_305 : f32 to vector<16xf32>
      %broadcast_in_dim3A_307 = arith.constant 0.000000e+00 : f32
      %broadcast_in_dim3A_308 = vector.broadcast %broadcast_in_dim3A_307 : f32 to vector<16xf32>
      %broadcast_in_dim3A_309 = arith.constant 0.000000e+00 : f32
      %broadcast_in_dim3A_310 = vector.broadcast %broadcast_in_dim3A_309 : f32 to vector<16xf32>
      %broadcast_in_dim3A_311 = arith.constant 0.000000e+00 : f32
      %broadcast_in_dim3A_312 = vector.broadcast %broadcast_in_dim3A_311 : f32 to vector<16xf32>
      %broadcast_in_dim3A_313 = arith.constant 0.000000e+00 : f32
      %broadcast_in_dim3A_314 = vector.broadcast %broadcast_in_dim3A_313 : f32 to vector<16xf32>
      %broadcast_in_dim3A_315 = arith.constant 0.000000e+00 : f32
      %broadcast_in_dim3A_316 = vector.broadcast %broadcast_in_dim3A_315 : f32 to vector<16xf32>
      %scan3A_317 = arith.constant 0 : i32
      %scan3A_318 = arith.constant 4 : i32
      %scan3A_319 = arith.addi %scan3A_317, %scan3A_318 : i32
      %scan3A_320 = arith.constant 1 : i32
      %scan3A_321:8 = scf.for %scan3A_576 = %scan3A_317 to %scan3A_319 step %scan3A_320 iter_args(%scan3A_577 = %broadcast_in_dim3A_302, %scan3A_578 = %broadcast_in_dim3A_304, %scan3A_579 = %broadcast_in_dim3A_306, %scan3A_580 = %broadcast_in_dim3A_308, %scan3A_581 = %broadcast_in_dim3A_310, %scan3A_582 = %broadcast_in_dim3A_312, %scan3A_583 = %broadcast_in_dim3A_314, %scan3A_584 = %broadcast_in_dim3A_316) -> (vector<16xf32>, vector<16xf32>, vector<16xf32>, vector<16xf32>, vector<16xf32>, vector<16xf32>, vector<16xf32>, vector<16xf32>)  : i32 {
        %mul3A_585 = arith.constant 4 : i32
        %mul3A_586 = arith.muli %scan3A_576, %mul3A_585 : i32
        %get3A = arith.index_cast %mul3A_586 : i32 to index
        %get3A_587 = tpu.vector_load %arg17[%get3A] {strides = array<i32>} : memref<32xf32, #tpu.memory_space<vmem>>, vector<16xf32>,
        %mul3A_588 = arith.constant 4 : i32
        %mul3A_589 = arith.muli %scan3A_576, %mul3A_588 : i32
        %add3A_590 = arith.constant 0 : i32
        %add3A_591 = arith.addi %mul3A_589, %add3A_590 : i32
        %broadcast_in_dim3A_592 = arith.constant 0 : i32
        %broadcast_in_dim3A_593 = vector.broadcast %broadcast_in_dim3A_592 : i32 to vector<16xi32>
        %broadcast_in_dim3A_594 = vector.shape_cast %broadcast_in_dim3A_593 : vector<16xi32> to vector<16x1xi32>
        %gather3A_595 = vector.shape_cast %broadcast_in_dim3A_594 : vector<16x1xi32> to vector<16xi32>
        %gather3A_596 = tpu.dynamic_gather %get3A_587[%gather3A_595] in [0] : vector<16xf32>, vector<16xi32> -> vector<16xf32>
        %mul3A_597 = arith.constant 16 : i32
        %mul3A_598 = arith.muli %rem3A_161, %mul3A_597 : i32
        %add3A_599 = arith.addi %mul3A_598, %add3A_591 : i32
        %broadcast_in_dim3A_600 = vector.broadcast %add3A_599 : i32 to vector<16xi32>
        %gather3A_601 = tpu.vector_load_idx %arg19[%broadcast_in_dim3A_600, %add3A_291] : memref<32x64xi32, #tpu.memory_space<vmem>>[vector<16xi32>, vector<16xi32>], vector<16xi32>,
        %bitcast3A = vector.bitcast %gather3A_601 : vector<16xi32> to vector<32xbf16>
        %unpack3A = tpu.unpack_subelements %bitcast3A, 0 {pack_format = #tpu.pack_format<interleaved>} : vector<32xbf16> -> vector<16xf32>
        %unpack3A_602 = tpu.unpack_subelements %bitcast3A, 1 {pack_format = #tpu.pack_format<interleaved>} : vector<32xbf16> -> vector<16xf32>
        %mul3A_603 = arith.mulf %gather3A_596, %unpack3A : vector<16xf32>
        %add3A_604 = arith.addf %scan3A_577, %mul3A_603 : vector<16xf32>
        %mul3A_605 = arith.mulf %gather3A_596, %unpack3A_602 : vector<16xf32>
        %add3A_606 = arith.addf %scan3A_578, %mul3A_605 : vector<16xf32>
        %gather3A_607 = tpu.vector_load_idx %arg19[%broadcast_in_dim3A_600, %add3A_294] : memref<32x64xi32, #tpu.memory_space<vmem>>[vector<16xi32>, vector<16xi32>], vector<16xi32>,
        %bitcast3A_608 = vector.bitcast %gather3A_607 : vector<16xi32> to vector<32xbf16>
        %unpack3A_609 = tpu.unpack_subelements %bitcast3A_608, 0 {pack_format = #tpu.pack_format<interleaved>} : vector<32xbf16> -> vector<16xf32>
        %unpack3A_610 = tpu.unpack_subelements %bitcast3A_608, 1 {pack_format = #tpu.pack_format<interleaved>} : vector<32xbf16> -> vector<16xf32>
        %mul3A_611 = arith.mulf %gather3A_596, %unpack3A_609 : vector<16xf32>
        %add3A_612 = arith.addf %scan3A_579, %mul3A_611 : vector<16xf32>
        %mul3A_613 = arith.mulf %gather3A_596, %unpack3A_610 : vector<16xf32>
        %add3A_614 = arith.addf %scan3A_580, %mul3A_613 : vector<16xf32>
        %gather3A_615 = tpu.vector_load_idx %arg19[%broadcast_in_dim3A_600, %add3A_297] : memref<32x64xi32, #tpu.memory_space<vmem>>[vector<16xi32>, vector<16xi32>], vector<16xi32>,
        %bitcast3A_616 = vector.bitcast %gather3A_615 : vector<16xi32> to vector<32xbf16>
        %unpack3A_617 = tpu.unpack_subelements %bitcast3A_616, 0 {pack_format = #tpu.pack_format<interleaved>} : vector<32xbf16> -> vector<16xf32>
        %unpack3A_618 = tpu.unpack_subelements %bitcast3A_616, 1 {pack_format = #tpu.pack_format<interleaved>} : vector<32xbf16> -> vector<16xf32>
        %mul3A_619 = arith.mulf %gather3A_596, %unpack3A_617 : vector<16xf32>
        %add3A_620 = arith.addf %scan3A_581, %mul3A_619 : vector<16xf32>
        %mul3A_621 = arith.mulf %gather3A_596, %unpack3A_618 : vector<16xf32>
        %add3A_622 = arith.addf %scan3A_582, %mul3A_621 : vector<16xf32>
        %gather3A_623 = tpu.vector_load_idx %arg19[%broadcast_in_dim3A_600, %add3A_300] : memref<32x64xi32, #tpu.memory_space<vmem>>[vector<16xi32>, vector<16xi32>], vector<16xi32>,
        %bitcast3A_624 = vector.bitcast %gather3A_623 : vector<16xi32> to vector<32xbf16>
        %unpack3A_625 = tpu.unpack_subelements %bitcast3A_624, 0 {pack_format = #tpu.pack_format<interleaved>} : vector<32xbf16> -> vector<16xf32>
        %unpack3A_626 = tpu.unpack_subelements %bitcast3A_624, 1 {pack_format = #tpu.pack_format<interleaved>} : vector<32xbf16> -> vector<16xf32>
        %mul3A_627 = arith.mulf %gather3A_596, %unpack3A_625 : vector<16xf32>
        %add3A_628 = arith.addf %scan3A_583, %mul3A_627 : vector<16xf32>
        %mul3A_629 = arith.mulf %gather3A_596, %unpack3A_626 : vector<16xf32>
        %add3A_630 = arith.addf %scan3A_584, %mul3A_629 : vector<16xf32>
        %mul3A_631 = arith.constant 4 : i32
        %mul3A_632 = arith.muli %scan3A_576, %mul3A_631 : i32
        %add3A_633 = arith.constant 1 : i32
        %add3A_634 = arith.addi %mul3A_632, %add3A_633 : i32
        %broadcast_in_dim3A_635 = arith.constant 1 : i32
        %broadcast_in_dim3A_636 = vector.broadcast %broadcast_in_dim3A_635 : i32 to vector<16xi32>
        %broadcast_in_dim3A_637 = vector.shape_cast %broadcast_in_dim3A_636 : vector<16xi32> to vector<16x1xi32>
        %gather3A_638 = vector.shape_cast %broadcast_in_dim3A_637 : vector<16x1xi32> to vector<16xi32>
        %gather3A_639 = tpu.dynamic_gather %get3A_587[%gather3A_638] in [0] : vector<16xf32>, vector<16xi32> -> vector<16xf32>
        %mul3A_640 = arith.constant 16 : i32
        %mul3A_641 = arith.muli %rem3A_161, %mul3A_640 : i32
        %add3A_642 = arith.addi %mul3A_641, %add3A_634 : i32
        %broadcast_in_dim3A_643 = vector.broadcast %add3A_642 : i32 to vector<16xi32>
        %gather3A_644 = tpu.vector_load_idx %arg19[%broadcast_in_dim3A_643, %add3A_291] : memref<32x64xi32, #tpu.memory_space<vmem>>[vector<16xi32>, vector<16xi32>], vector<16xi32>,
        %bitcast3A_645 = vector.bitcast %gather3A_644 : vector<16xi32> to vector<32xbf16>
        %unpack3A_646 = tpu.unpack_subelements %bitcast3A_645, 0 {pack_format = #tpu.pack_format<interleaved>} : vector<32xbf16> -> vector<16xf32>
        %unpack3A_647 = tpu.unpack_subelements %bitcast3A_645, 1 {pack_format = #tpu.pack_format<interleaved>} : vector<32xbf16> -> vector<16xf32>
        %mul3A_648 = arith.mulf %gather3A_639, %unpack3A_646 : vector<16xf32>
        %add3A_649 = arith.addf %add3A_604, %mul3A_648 : vector<16xf32>
        %mul3A_650 = arith.mulf %gather3A_639, %unpack3A_647 : vector<16xf32>
        %add3A_651 = arith.addf %add3A_606, %mul3A_650 : vector<16xf32>
        %gather3A_652 = tpu.vector_load_idx %arg19[%broadcast_in_dim3A_643, %add3A_294] : memref<32x64xi32, #tpu.memory_space<vmem>>[vector<16xi32>, vector<16xi32>], vector<16xi32>,
        %bitcast3A_653 = vector.bitcast %gather3A_652 : vector<16xi32> to vector<32xbf16>
        %unpack3A_654 = tpu.unpack_subelements %bitcast3A_653, 0 {pack_format = #tpu.pack_format<interleaved>} : vector<32xbf16> -> vector<16xf32>
        %unpack3A_655 = tpu.unpack_subelements %bitcast3A_653, 1 {pack_format = #tpu.pack_format<interleaved>} : vector<32xbf16> -> vector<16xf32>
        %mul3A_656 = arith.mulf %gather3A_639, %unpack3A_654 : vector<16xf32>
        %add3A_657 = arith.addf %add3A_612, %mul3A_656 : vector<16xf32>
        %mul3A_658 = arith.mulf %gather3A_639, %unpack3A_655 : vector<16xf32>
        %add3A_659 = arith.addf %add3A_614, %mul3A_658 : vector<16xf32>
        %gather3A_660 = tpu.vector_load_idx %arg19[%broadcast_in_dim3A_643, %add3A_297] : memref<32x64xi32, #tpu.memory_space<vmem>>[vector<16xi32>, vector<16xi32>], vector<16xi32>,
        %bitcast3A_661 = vector.bitcast %gather3A_660 : vector<16xi32> to vector<32xbf16>
        %unpack3A_662 = tpu.unpack_subelements %bitcast3A_661, 0 {pack_format = #tpu.pack_format<interleaved>} : vector<32xbf16> -> vector<16xf32>
        %unpack3A_663 = tpu.unpack_subelements %bitcast3A_661, 1 {pack_format = #tpu.pack_format<interleaved>} : vector<32xbf16> -> vector<16xf32>
        %mul3A_664 = arith.mulf %gather3A_639, %unpack3A_662 : vector<16xf32>
        %add3A_665 = arith.addf %add3A_620, %mul3A_664 : vector<16xf32>
        %mul3A_666 = arith.mulf %gather3A_639, %unpack3A_663 : vector<16xf32>
        %add3A_667 = arith.addf %add3A_622, %mul3A_666 : vector<16xf32>
        %gather3A_668 = tpu.vector_load_idx %arg19[%broadcast_in_dim3A_643, %add3A_300] : memref<32x64xi32, #tpu.memory_space<vmem>>[vector<16xi32>, vector<16xi32>], vector<16xi32>,
        %bitcast3A_669 = vector.bitcast %gather3A_668 : vector<16xi32> to vector<32xbf16>
        %unpack3A_670 = tpu.unpack_subelements %bitcast3A_669, 0 {pack_format = #tpu.pack_format<interleaved>} : vector<32xbf16> -> vector<16xf32>
        %unpack3A_671 = tpu.unpack_subelements %bitcast3A_669, 1 {pack_format = #tpu.pack_format<interleaved>} : vector<32xbf16> -> vector<16xf32>
        %mul3A_672 = arith.mulf %gather3A_639, %unpack3A_670 : vector<16xf32>
        %add3A_673 = arith.addf %add3A_628, %mul3A_672 : vector<16xf32>
        %mul3A_674 = arith.mulf %gather3A_639, %unpack3A_671 : vector<16xf32>
        %add3A_675 = arith.addf %add3A_630, %mul3A_674 : vector<16xf32>
        %mul3A_676 = arith.constant 4 : i32
        %mul3A_677 = arith.muli %scan3A_576, %mul3A_676 : i32
        %add3A_678 = arith.constant 2 : i32
        %add3A_679 = arith.addi %mul3A_677, %add3A_678 : i32
        %broadcast_in_dim3A_680 = arith.constant 2 : i32
        %broadcast_in_dim3A_681 = vector.broadcast %broadcast_in_dim3A_680 : i32 to vector<16xi32>
        %broadcast_in_dim3A_682 = vector.shape_cast %broadcast_in_dim3A_681 : vector<16xi32> to vector<16x1xi32>
        %gather3A_683 = vector.shape_cast %broadcast_in_dim3A_682 : vector<16x1xi32> to vector<16xi32>
        %gather3A_684 = tpu.dynamic_gather %get3A_587[%gather3A_683] in [0] : vector<16xf32>, vector<16xi32> -> vector<16xf32>
        %mul3A_685 = arith.constant 16 : i32
        %mul3A_686 = arith.muli %rem3A_161, %mul3A_685 : i32
        %add3A_687 = arith.addi %mul3A_686, %add3A_679 : i32
        %broadcast_in_dim3A_688 = vector.broadcast %add3A_687 : i32 to vector<16xi32>
        %gather3A_689 = tpu.vector_load_idx %arg19[%broadcast_in_dim3A_688, %add3A_291] : memref<32x64xi32, #tpu.memory_space<vmem>>[vector<16xi32>, vector<16xi32>], vector<16xi32>,
        %bitcast3A_690 = vector.bitcast %gather3A_689 : vector<16xi32> to vector<32xbf16>
        %unpack3A_691 = tpu.unpack_subelements %bitcast3A_690, 0 {pack_format = #tpu.pack_format<interleaved>} : vector<32xbf16> -> vector<16xf32>
        %unpack3A_692 = tpu.unpack_subelements %bitcast3A_690, 1 {pack_format = #tpu.pack_format<interleaved>} : vector<32xbf16> -> vector<16xf32>
        %mul3A_693 = arith.mulf %gather3A_684, %unpack3A_691 : vector<16xf32>
        %add3A_694 = arith.addf %add3A_649, %mul3A_693 : vector<16xf32>
        %mul3A_695 = arith.mulf %gather3A_684, %unpack3A_692 : vector<16xf32>
        %add3A_696 = arith.addf %add3A_651, %mul3A_695 : vector<16xf32>
        %gather3A_697 = tpu.vector_load_idx %arg19[%broadcast_in_dim3A_688, %add3A_294] : memref<32x64xi32, #tpu.memory_space<vmem>>[vector<16xi32>, vector<16xi32>], vector<16xi32>,
        %bitcast3A_698 = vector.bitcast %gather3A_697 : vector<16xi32> to vector<32xbf16>
        %unpack3A_699 = tpu.unpack_subelements %bitcast3A_698, 0 {pack_format = #tpu.pack_format<interleaved>} : vector<32xbf16> -> vector<16xf32>
        %unpack3A_700 = tpu.unpack_subelements %bitcast3A_698, 1 {pack_format = #tpu.pack_format<interleaved>} : vector<32xbf16> -> vector<16xf32>
        %mul3A_701 = arith.mulf %gather3A_684, %unpack3A_699 : vector<16xf32>
        %add3A_702 = arith.addf %add3A_657, %mul3A_701 : vector<16xf32>
        %mul3A_703 = arith.mulf %gather3A_684, %unpack3A_700 : vector<16xf32>
        %add3A_704 = arith.addf %add3A_659, %mul3A_703 : vector<16xf32>
        %gather3A_705 = tpu.vector_load_idx %arg19[%broadcast_in_dim3A_688, %add3A_297] : memref<32x64xi32, #tpu.memory_space<vmem>>[vector<16xi32>, vector<16xi32>], vector<16xi32>,
        %bitcast3A_706 = vector.bitcast %gather3A_705 : vector<16xi32> to vector<32xbf16>
        %unpack3A_707 = tpu.unpack_subelements %bitcast3A_706, 0 {pack_format = #tpu.pack_format<interleaved>} : vector<32xbf16> -> vector<16xf32>
        %unpack3A_708 = tpu.unpack_subelements %bitcast3A_706, 1 {pack_format = #tpu.pack_format<interleaved>} : vector<32xbf16> -> vector<16xf32>
        %mul3A_709 = arith.mulf %gather3A_684, %unpack3A_707 : vector<16xf32>
        %add3A_710 = arith.addf %add3A_665, %mul3A_709 : vector<16xf32>
        %mul3A_711 = arith.mulf %gather3A_684, %unpack3A_708 : vector<16xf32>
        %add3A_712 = arith.addf %add3A_667, %mul3A_711 : vector<16xf32>
        %gather3A_713 = tpu.vector_load_idx %arg19[%broadcast_in_dim3A_688, %add3A_300] : memref<32x64xi32, #tpu.memory_space<vmem>>[vector<16xi32>, vector<16xi32>], vector<16xi32>,
        %bitcast3A_714 = vector.bitcast %gather3A_713 : vector<16xi32> to vector<32xbf16>
        %unpack3A_715 = tpu.unpack_subelements %bitcast3A_714, 0 {pack_format = #tpu.pack_format<interleaved>} : vector<32xbf16> -> vector<16xf32>
        %unpack3A_716 = tpu.unpack_subelements %bitcast3A_714, 1 {pack_format = #tpu.pack_format<interleaved>} : vector<32xbf16> -> vector<16xf32>
        %mul3A_717 = arith.mulf %gather3A_684, %unpack3A_715 : vector<16xf32>
        %add3A_718 = arith.addf %add3A_673, %mul3A_717 : vector<16xf32>
        %mul3A_719 = arith.mulf %gather3A_684, %unpack3A_716 : vector<16xf32>
        %add3A_720 = arith.addf %add3A_675, %mul3A_719 : vector<16xf32>
        %mul3A_721 = arith.constant 4 : i32
        %mul3A_722 = arith.muli %scan3A_576, %mul3A_721 : i32
        %add3A_723 = arith.constant 3 : i32
        %add3A_724 = arith.addi %mul3A_722, %add3A_723 : i32
        %broadcast_in_dim3A_725 = arith.constant 3 : i32
        %broadcast_in_dim3A_726 = vector.broadcast %broadcast_in_dim3A_725 : i32 to vector<16xi32>
        %broadcast_in_dim3A_727 = vector.shape_cast %broadcast_in_dim3A_726 : vector<16xi32> to vector<16x1xi32>
        %gather3A_728 = vector.shape_cast %broadcast_in_dim3A_727 : vector<16x1xi32> to vector<16xi32>
        %gather3A_729 = tpu.dynamic_gather %get3A_587[%gather3A_728] in [0] : vector<16xf32>, vector<16xi32> -> vector<16xf32>
        %mul3A_730 = arith.constant 16 : i32
        %mul3A_731 = arith.muli %rem3A_161, %mul3A_730 : i32
        %add3A_732 = arith.addi %mul3A_731, %add3A_724 : i32
        %broadcast_in_dim3A_733 = vector.broadcast %add3A_732 : i32 to vector<16xi32>
        %gather3A_734 = tpu.vector_load_idx %arg19[%broadcast_in_dim3A_733, %add3A_291] : memref<32x64xi32, #tpu.memory_space<vmem>>[vector<16xi32>, vector<16xi32>], vector<16xi32>,
        %bitcast3A_735 = vector.bitcast %gather3A_734 : vector<16xi32> to vector<32xbf16>
        %unpack3A_736 = tpu.unpack_subelements %bitcast3A_735, 0 {pack_format = #tpu.pack_format<interleaved>} : vector<32xbf16> -> vector<16xf32>
        %unpack3A_737 = tpu.unpack_subelements %bitcast3A_735, 1 {pack_format = #tpu.pack_format<interleaved>} : vector<32xbf16> -> vector<16xf32>
        %mul3A_738 = arith.mulf %gather3A_729, %unpack3A_736 : vector<16xf32>
        %add3A_739 = arith.addf %add3A_694, %mul3A_738 : vector<16xf32>
        %mul3A_740 = arith.mulf %gather3A_729, %unpack3A_737 : vector<16xf32>
        %add3A_741 = arith.addf %add3A_696, %mul3A_740 : vector<16xf32>
        %gather3A_742 = tpu.vector_load_idx %arg19[%broadcast_in_dim3A_733, %add3A_294] : memref<32x64xi32, #tpu.memory_space<vmem>>[vector<16xi32>, vector<16xi32>], vector<16xi32>,
        %bitcast3A_743 = vector.bitcast %gather3A_742 : vector<16xi32> to vector<32xbf16>
        %unpack3A_744 = tpu.unpack_subelements %bitcast3A_743, 0 {pack_format = #tpu.pack_format<interleaved>} : vector<32xbf16> -> vector<16xf32>
        %unpack3A_745 = tpu.unpack_subelements %bitcast3A_743, 1 {pack_format = #tpu.pack_format<interleaved>} : vector<32xbf16> -> vector<16xf32>
        %mul3A_746 = arith.mulf %gather3A_729, %unpack3A_744 : vector<16xf32>
        %add3A_747 = arith.addf %add3A_702, %mul3A_746 : vector<16xf32>
        %mul3A_748 = arith.mulf %gather3A_729, %unpack3A_745 : vector<16xf32>
        %add3A_749 = arith.addf %add3A_704, %mul3A_748 : vector<16xf32>
        %gather3A_750 = tpu.vector_load_idx %arg19[%broadcast_in_dim3A_733, %add3A_297] : memref<32x64xi32, #tpu.memory_space<vmem>>[vector<16xi32>, vector<16xi32>], vector<16xi32>,
        %bitcast3A_751 = vector.bitcast %gather3A_750 : vector<16xi32> to vector<32xbf16>
        %unpack3A_752 = tpu.unpack_subelements %bitcast3A_751, 0 {pack_format = #tpu.pack_format<interleaved>} : vector<32xbf16> -> vector<16xf32>
        %unpack3A_753 = tpu.unpack_subelements %bitcast3A_751, 1 {pack_format = #tpu.pack_format<interleaved>} : vector<32xbf16> -> vector<16xf32>
        %mul3A_754 = arith.mulf %gather3A_729, %unpack3A_752 : vector<16xf32>
        %add3A_755 = arith.addf %add3A_710, %mul3A_754 : vector<16xf32>
        %mul3A_756 = arith.mulf %gather3A_729, %unpack3A_753 : vector<16xf32>
        %add3A_757 = arith.addf %add3A_712, %mul3A_756 : vector<16xf32>
        %gather3A_758 = tpu.vector_load_idx %arg19[%broadcast_in_dim3A_733, %add3A_300] : memref<32x64xi32, #tpu.memory_space<vmem>>[vector<16xi32>, vector<16xi32>], vector<16xi32>,
        %bitcast3A_759 = vector.bitcast %gather3A_758 : vector<16xi32> to vector<32xbf16>
        %unpack3A_760 = tpu.unpack_subelements %bitcast3A_759, 0 {pack_format = #tpu.pack_format<interleaved>} : vector<32xbf16> -> vector<16xf32>
        %unpack3A_761 = tpu.unpack_subelements %bitcast3A_759, 1 {pack_format = #tpu.pack_format<interleaved>} : vector<32xbf16> -> vector<16xf32>
        %mul3A_762 = arith.mulf %gather3A_729, %unpack3A_760 : vector<16xf32>
        %add3A_763 = arith.addf %add3A_718, %mul3A_762 : vector<16xf32>
        %mul3A_764 = arith.mulf %gather3A_729, %unpack3A_761 : vector<16xf32>
        %add3A_765 = arith.addf %add3A_720, %mul3A_764 : vector<16xf32>
        scf.yield %add3A_739, %add3A_741, %add3A_747, %add3A_749, %add3A_755, %add3A_757, %add3A_763, %add3A_765 : vector<16xf32>, vector<16xf32>, vector<16xf32>, vector<16xf32>, vector<16xf32>, vector<16xf32>, vector<16xf32>, vector<16xf32>
      }
      %scan3A_322 = arith.constant 4 : i32
      %broadcast_in_dim3A_323 = arith.constant 0.000000e+00 : f32
      %broadcast_in_dim3A_324 = vector.broadcast %broadcast_in_dim3A_323 : f32 to vector<16xf32>
      %broadcast_in_dim3A_325 = arith.constant 0.000000e+00 : f32
      %broadcast_in_dim3A_326 = vector.broadcast %broadcast_in_dim3A_325 : f32 to vector<16xf32>
      %broadcast_in_dim3A_327 = arith.constant 0.000000e+00 : f32
      %broadcast_in_dim3A_328 = vector.broadcast %broadcast_in_dim3A_327 : f32 to vector<16xf32>
      %broadcast_in_dim3A_329 = arith.constant 0.000000e+00 : f32
      %broadcast_in_dim3A_330 = vector.broadcast %broadcast_in_dim3A_329 : f32 to vector<16xf32>
      %broadcast_in_dim3A_331 = arith.constant 0.000000e+00 : f32
      %broadcast_in_dim3A_332 = vector.broadcast %broadcast_in_dim3A_331 : f32 to vector<16xf32>
      %broadcast_in_dim3A_333 = arith.constant 0.000000e+00 : f32
      %broadcast_in_dim3A_334 = vector.broadcast %broadcast_in_dim3A_333 : f32 to vector<16xf32>
      %broadcast_in_dim3A_335 = arith.constant 0.000000e+00 : f32
      %broadcast_in_dim3A_336 = vector.broadcast %broadcast_in_dim3A_335 : f32 to vector<16xf32>
      %broadcast_in_dim3A_337 = arith.constant 0.000000e+00 : f32
      %broadcast_in_dim3A_338 = vector.broadcast %broadcast_in_dim3A_337 : f32 to vector<16xf32>
      %scan3A_339 = arith.constant 0 : i32
      %scan3A_340 = arith.constant 64 : i32
      %scan3A_341 = arith.addi %scan3A_339, %scan3A_340 : i32
      %scan3A_342 = arith.constant 1 : i32
      %scan3A_343:8 = scf.for %scan3A_576 = %scan3A_339 to %scan3A_341 step %scan3A_342 iter_args(%scan3A_577 = %broadcast_in_dim3A_324, %scan3A_578 = %broadcast_in_dim3A_326, %scan3A_579 = %broadcast_in_dim3A_328, %scan3A_580 = %broadcast_in_dim3A_330, %scan3A_581 = %broadcast_in_dim3A_332, %scan3A_582 = %broadcast_in_dim3A_334, %scan3A_583 = %broadcast_in_dim3A_336, %scan3A_584 = %broadcast_in_dim3A_338) -> (vector<16xf32>, vector<16xf32>, vector<16xf32>, vector<16xf32>, vector<16xf32>, vector<16xf32>, vector<16xf32>, vector<16xf32>)  : i32 {
        %mul3A_585 = arith.constant 4 : i32
        %mul3A_586 = arith.muli %scan3A_576, %mul3A_585 : i32
        %get3A = arith.index_cast %mul3A_586 : i32 to index
        %get3A_587 = tpu.vector_load %arg16[%get3A] {strides = array<i32>} : memref<272xf32, #tpu.memory_space<vmem>>, vector<16xf32>,
        %mul3A_588 = arith.constant 4 : i32
        %mul3A_589 = arith.muli %scan3A_576, %mul3A_588 : i32
        %add3A_590 = arith.constant 0 : i32
        %add3A_591 = arith.addi %mul3A_589, %add3A_590 : i32
        %broadcast_in_dim3A_592 = arith.constant 0 : i32
        %broadcast_in_dim3A_593 = vector.broadcast %broadcast_in_dim3A_592 : i32 to vector<16xi32>
        %broadcast_in_dim3A_594 = vector.shape_cast %broadcast_in_dim3A_593 : vector<16xi32> to vector<16x1xi32>
        %gather3A_595 = vector.shape_cast %broadcast_in_dim3A_594 : vector<16x1xi32> to vector<16xi32>
        %gather3A_596 = tpu.dynamic_gather %get3A_587[%gather3A_595] in [0] : vector<16xf32>, vector<16xi32> -> vector<16xf32>
        %add3A_597 = arith.addi %mul3A_175, %add3A_591 : i32
        %broadcast_in_dim3A_598 = vector.broadcast %add3A_597 : i32 to vector<16xi32>
        %gather3A_599 = tpu.vector_load_idx %arg20[%broadcast_in_dim3A_598, %add3A_291] : memref<512x64xi32, #tpu.memory_space<vmem>>[vector<16xi32>, vector<16xi32>], vector<16xi32>,
        %bitcast3A = vector.bitcast %gather3A_599 : vector<16xi32> to vector<32xbf16>
        %unpack3A = tpu.unpack_subelements %bitcast3A, 0 {pack_format = #tpu.pack_format<interleaved>} : vector<32xbf16> -> vector<16xf32>
        %unpack3A_600 = tpu.unpack_subelements %bitcast3A, 1 {pack_format = #tpu.pack_format<interleaved>} : vector<32xbf16> -> vector<16xf32>
        %mul3A_601 = arith.mulf %gather3A_596, %unpack3A : vector<16xf32>
        %add3A_602 = arith.addf %scan3A_577, %mul3A_601 : vector<16xf32>
        %mul3A_603 = arith.mulf %gather3A_596, %unpack3A_600 : vector<16xf32>
        %add3A_604 = arith.addf %scan3A_578, %mul3A_603 : vector<16xf32>
        %gather3A_605 = tpu.vector_load_idx %arg20[%broadcast_in_dim3A_598, %add3A_294] : memref<512x64xi32, #tpu.memory_space<vmem>>[vector<16xi32>, vector<16xi32>], vector<16xi32>,
        %bitcast3A_606 = vector.bitcast %gather3A_605 : vector<16xi32> to vector<32xbf16>
        %unpack3A_607 = tpu.unpack_subelements %bitcast3A_606, 0 {pack_format = #tpu.pack_format<interleaved>} : vector<32xbf16> -> vector<16xf32>
        %unpack3A_608 = tpu.unpack_subelements %bitcast3A_606, 1 {pack_format = #tpu.pack_format<interleaved>} : vector<32xbf16> -> vector<16xf32>
        %mul3A_609 = arith.mulf %gather3A_596, %unpack3A_607 : vector<16xf32>
        %add3A_610 = arith.addf %scan3A_579, %mul3A_609 : vector<16xf32>
        %mul3A_611 = arith.mulf %gather3A_596, %unpack3A_608 : vector<16xf32>
        %add3A_612 = arith.addf %scan3A_580, %mul3A_611 : vector<16xf32>
        %gather3A_613 = tpu.vector_load_idx %arg20[%broadcast_in_dim3A_598, %add3A_297] : memref<512x64xi32, #tpu.memory_space<vmem>>[vector<16xi32>, vector<16xi32>], vector<16xi32>,
        %bitcast3A_614 = vector.bitcast %gather3A_613 : vector<16xi32> to vector<32xbf16>
        %unpack3A_615 = tpu.unpack_subelements %bitcast3A_614, 0 {pack_format = #tpu.pack_format<interleaved>} : vector<32xbf16> -> vector<16xf32>
        %unpack3A_616 = tpu.unpack_subelements %bitcast3A_614, 1 {pack_format = #tpu.pack_format<interleaved>} : vector<32xbf16> -> vector<16xf32>
        %mul3A_617 = arith.mulf %gather3A_596, %unpack3A_615 : vector<16xf32>
        %add3A_618 = arith.addf %scan3A_581, %mul3A_617 : vector<16xf32>
        %mul3A_619 = arith.mulf %gather3A_596, %unpack3A_616 : vector<16xf32>
        %add3A_620 = arith.addf %scan3A_582, %mul3A_619 : vector<16xf32>
        %gather3A_621 = tpu.vector_load_idx %arg20[%broadcast_in_dim3A_598, %add3A_300] : memref<512x64xi32, #tpu.memory_space<vmem>>[vector<16xi32>, vector<16xi32>], vector<16xi32>,
        %bitcast3A_622 = vector.bitcast %gather3A_621 : vector<16xi32> to vector<32xbf16>
        %unpack3A_623 = tpu.unpack_subelements %bitcast3A_622, 0 {pack_format = #tpu.pack_format<interleaved>} : vector<32xbf16> -> vector<16xf32>
        %unpack3A_624 = tpu.unpack_subelements %bitcast3A_622, 1 {pack_format = #tpu.pack_format<interleaved>} : vector<32xbf16> -> vector<16xf32>
        %mul3A_625 = arith.mulf %gather3A_596, %unpack3A_623 : vector<16xf32>
        %add3A_626 = arith.addf %scan3A_583, %mul3A_625 : vector<16xf32>
        %mul3A_627 = arith.mulf %gather3A_596, %unpack3A_624 : vector<16xf32>
        %add3A_628 = arith.addf %scan3A_584, %mul3A_627 : vector<16xf32>
        %mul3A_629 = arith.constant 4 : i32
        %mul3A_630 = arith.muli %scan3A_576, %mul3A_629 : i32
        %add3A_631 = arith.constant 1 : i32
        %add3A_632 = arith.addi %mul3A_630, %add3A_631 : i32
        %broadcast_in_dim3A_633 = arith.constant 1 : i32
        %broadcast_in_dim3A_634 = vector.broadcast %broadcast_in_dim3A_633 : i32 to vector<16xi32>
        %broadcast_in_dim3A_635 = vector.shape_cast %broadcast_in_dim3A_634 : vector<16xi32> to vector<16x1xi32>
        %gather3A_636 = vector.shape_cast %broadcast_in_dim3A_635 : vector<16x1xi32> to vector<16xi32>
        %gather3A_637 = tpu.dynamic_gather %get3A_587[%gather3A_636] in [0] : vector<16xf32>, vector<16xi32> -> vector<16xf32>
        %add3A_638 = arith.addi %mul3A_175, %add3A_632 : i32
        %broadcast_in_dim3A_639 = vector.broadcast %add3A_638 : i32 to vector<16xi32>
        %gather3A_640 = tpu.vector_load_idx %arg20[%broadcast_in_dim3A_639, %add3A_291] : memref<512x64xi32, #tpu.memory_space<vmem>>[vector<16xi32>, vector<16xi32>], vector<16xi32>,
        %bitcast3A_641 = vector.bitcast %gather3A_640 : vector<16xi32> to vector<32xbf16>
        %unpack3A_642 = tpu.unpack_subelements %bitcast3A_641, 0 {pack_format = #tpu.pack_format<interleaved>} : vector<32xbf16> -> vector<16xf32>
        %unpack3A_643 = tpu.unpack_subelements %bitcast3A_641, 1 {pack_format = #tpu.pack_format<interleaved>} : vector<32xbf16> -> vector<16xf32>
        %mul3A_644 = arith.mulf %gather3A_637, %unpack3A_642 : vector<16xf32>
        %add3A_645 = arith.addf %add3A_602, %mul3A_644 : vector<16xf32>
        %mul3A_646 = arith.mulf %gather3A_637, %unpack3A_643 : vector<16xf32>
        %add3A_647 = arith.addf %add3A_604, %mul3A_646 : vector<16xf32>
        %gather3A_648 = tpu.vector_load_idx %arg20[%broadcast_in_dim3A_639, %add3A_294] : memref<512x64xi32, #tpu.memory_space<vmem>>[vector<16xi32>, vector<16xi32>], vector<16xi32>,
        %bitcast3A_649 = vector.bitcast %gather3A_648 : vector<16xi32> to vector<32xbf16>
        %unpack3A_650 = tpu.unpack_subelements %bitcast3A_649, 0 {pack_format = #tpu.pack_format<interleaved>} : vector<32xbf16> -> vector<16xf32>
        %unpack3A_651 = tpu.unpack_subelements %bitcast3A_649, 1 {pack_format = #tpu.pack_format<interleaved>} : vector<32xbf16> -> vector<16xf32>
        %mul3A_652 = arith.mulf %gather3A_637, %unpack3A_650 : vector<16xf32>
        %add3A_653 = arith.addf %add3A_610, %mul3A_652 : vector<16xf32>
        %mul3A_654 = arith.mulf %gather3A_637, %unpack3A_651 : vector<16xf32>
        %add3A_655 = arith.addf %add3A_612, %mul3A_654 : vector<16xf32>
        %gather3A_656 = tpu.vector_load_idx %arg20[%broadcast_in_dim3A_639, %add3A_297] : memref<512x64xi32, #tpu.memory_space<vmem>>[vector<16xi32>, vector<16xi32>], vector<16xi32>,
        %bitcast3A_657 = vector.bitcast %gather3A_656 : vector<16xi32> to vector<32xbf16>
        %unpack3A_658 = tpu.unpack_subelements %bitcast3A_657, 0 {pack_format = #tpu.pack_format<interleaved>} : vector<32xbf16> -> vector<16xf32>
        %unpack3A_659 = tpu.unpack_subelements %bitcast3A_657, 1 {pack_format = #tpu.pack_format<interleaved>} : vector<32xbf16> -> vector<16xf32>
        %mul3A_660 = arith.mulf %gather3A_637, %unpack3A_658 : vector<16xf32>
        %add3A_661 = arith.addf %add3A_618, %mul3A_660 : vector<16xf32>
        %mul3A_662 = arith.mulf %gather3A_637, %unpack3A_659 : vector<16xf32>
        %add3A_663 = arith.addf %add3A_620, %mul3A_662 : vector<16xf32>
        %gather3A_664 = tpu.vector_load_idx %arg20[%broadcast_in_dim3A_639, %add3A_300] : memref<512x64xi32, #tpu.memory_space<vmem>>[vector<16xi32>, vector<16xi32>], vector<16xi32>,
        %bitcast3A_665 = vector.bitcast %gather3A_664 : vector<16xi32> to vector<32xbf16>
        %unpack3A_666 = tpu.unpack_subelements %bitcast3A_665, 0 {pack_format = #tpu.pack_format<interleaved>} : vector<32xbf16> -> vector<16xf32>
        %unpack3A_667 = tpu.unpack_subelements %bitcast3A_665, 1 {pack_format = #tpu.pack_format<interleaved>} : vector<32xbf16> -> vector<16xf32>
        %mul3A_668 = arith.mulf %gather3A_637, %unpack3A_666 : vector<16xf32>
        %add3A_669 = arith.addf %add3A_626, %mul3A_668 : vector<16xf32>
        %mul3A_670 = arith.mulf %gather3A_637, %unpack3A_667 : vector<16xf32>
        %add3A_671 = arith.addf %add3A_628, %mul3A_670 : vector<16xf32>
        %mul3A_672 = arith.constant 4 : i32
        %mul3A_673 = arith.muli %scan3A_576, %mul3A_672 : i32
        %add3A_674 = arith.constant 2 : i32
        %add3A_675 = arith.addi %mul3A_673, %add3A_674 : i32
        %broadcast_in_dim3A_676 = arith.constant 2 : i32
        %broadcast_in_dim3A_677 = vector.broadcast %broadcast_in_dim3A_676 : i32 to vector<16xi32>
        %broadcast_in_dim3A_678 = vector.shape_cast %broadcast_in_dim3A_677 : vector<16xi32> to vector<16x1xi32>
        %gather3A_679 = vector.shape_cast %broadcast_in_dim3A_678 : vector<16x1xi32> to vector<16xi32>
        %gather3A_680 = tpu.dynamic_gather %get3A_587[%gather3A_679] in [0] : vector<16xf32>, vector<16xi32> -> vector<16xf32>
        %add3A_681 = arith.addi %mul3A_175, %add3A_675 : i32
        %broadcast_in_dim3A_682 = vector.broadcast %add3A_681 : i32 to vector<16xi32>
        %gather3A_683 = tpu.vector_load_idx %arg20[%broadcast_in_dim3A_682, %add3A_291] : memref<512x64xi32, #tpu.memory_space<vmem>>[vector<16xi32>, vector<16xi32>], vector<16xi32>,
        %bitcast3A_684 = vector.bitcast %gather3A_683 : vector<16xi32> to vector<32xbf16>
        %unpack3A_685 = tpu.unpack_subelements %bitcast3A_684, 0 {pack_format = #tpu.pack_format<interleaved>} : vector<32xbf16> -> vector<16xf32>
        %unpack3A_686 = tpu.unpack_subelements %bitcast3A_684, 1 {pack_format = #tpu.pack_format<interleaved>} : vector<32xbf16> -> vector<16xf32>
        %mul3A_687 = arith.mulf %gather3A_680, %unpack3A_685 : vector<16xf32>
        %add3A_688 = arith.addf %add3A_645, %mul3A_687 : vector<16xf32>
        %mul3A_689 = arith.mulf %gather3A_680, %unpack3A_686 : vector<16xf32>
        %add3A_690 = arith.addf %add3A_647, %mul3A_689 : vector<16xf32>
        %gather3A_691 = tpu.vector_load_idx %arg20[%broadcast_in_dim3A_682, %add3A_294] : memref<512x64xi32, #tpu.memory_space<vmem>>[vector<16xi32>, vector<16xi32>], vector<16xi32>,
        %bitcast3A_692 = vector.bitcast %gather3A_691 : vector<16xi32> to vector<32xbf16>
        %unpack3A_693 = tpu.unpack_subelements %bitcast3A_692, 0 {pack_format = #tpu.pack_format<interleaved>} : vector<32xbf16> -> vector<16xf32>
        %unpack3A_694 = tpu.unpack_subelements %bitcast3A_692, 1 {pack_format = #tpu.pack_format<interleaved>} : vector<32xbf16> -> vector<16xf32>
        %mul3A_695 = arith.mulf %gather3A_680, %unpack3A_693 : vector<16xf32>
        %add3A_696 = arith.addf %add3A_653, %mul3A_695 : vector<16xf32>
        %mul3A_697 = arith.mulf %gather3A_680, %unpack3A_694 : vector<16xf32>
        %add3A_698 = arith.addf %add3A_655, %mul3A_697 : vector<16xf32>
        %gather3A_699 = tpu.vector_load_idx %arg20[%broadcast_in_dim3A_682, %add3A_297] : memref<512x64xi32, #tpu.memory_space<vmem>>[vector<16xi32>, vector<16xi32>], vector<16xi32>,
        %bitcast3A_700 = vector.bitcast %gather3A_699 : vector<16xi32> to vector<32xbf16>
        %unpack3A_701 = tpu.unpack_subelements %bitcast3A_700, 0 {pack_format = #tpu.pack_format<interleaved>} : vector<32xbf16> -> vector<16xf32>
        %unpack3A_702 = tpu.unpack_subelements %bitcast3A_700, 1 {pack_format = #tpu.pack_format<interleaved>} : vector<32xbf16> -> vector<16xf32>
        %mul3A_703 = arith.mulf %gather3A_680, %unpack3A_701 : vector<16xf32>
        %add3A_704 = arith.addf %add3A_661, %mul3A_703 : vector<16xf32>
        %mul3A_705 = arith.mulf %gather3A_680, %unpack3A_702 : vector<16xf32>
        %add3A_706 = arith.addf %add3A_663, %mul3A_705 : vector<16xf32>
        %gather3A_707 = tpu.vector_load_idx %arg20[%broadcast_in_dim3A_682, %add3A_300] : memref<512x64xi32, #tpu.memory_space<vmem>>[vector<16xi32>, vector<16xi32>], vector<16xi32>,
        %bitcast3A_708 = vector.bitcast %gather3A_707 : vector<16xi32> to vector<32xbf16>
        %unpack3A_709 = tpu.unpack_subelements %bitcast3A_708, 0 {pack_format = #tpu.pack_format<interleaved>} : vector<32xbf16> -> vector<16xf32>
        %unpack3A_710 = tpu.unpack_subelements %bitcast3A_708, 1 {pack_format = #tpu.pack_format<interleaved>} : vector<32xbf16> -> vector<16xf32>
        %mul3A_711 = arith.mulf %gather3A_680, %unpack3A_709 : vector<16xf32>
        %add3A_712 = arith.addf %add3A_669, %mul3A_711 : vector<16xf32>
        %mul3A_713 = arith.mulf %gather3A_680, %unpack3A_710 : vector<16xf32>
        %add3A_714 = arith.addf %add3A_671, %mul3A_713 : vector<16xf32>
        %mul3A_715 = arith.constant 4 : i32
        %mul3A_716 = arith.muli %scan3A_576, %mul3A_715 : i32
        %add3A_717 = arith.constant 3 : i32
        %add3A_718 = arith.addi %mul3A_716, %add3A_717 : i32
        %broadcast_in_dim3A_719 = arith.constant 3 : i32
        %broadcast_in_dim3A_720 = vector.broadcast %broadcast_in_dim3A_719 : i32 to vector<16xi32>
        %broadcast_in_dim3A_721 = vector.shape_cast %broadcast_in_dim3A_720 : vector<16xi32> to vector<16x1xi32>
        %gather3A_722 = vector.shape_cast %broadcast_in_dim3A_721 : vector<16x1xi32> to vector<16xi32>
        %gather3A_723 = tpu.dynamic_gather %get3A_587[%gather3A_722] in [0] : vector<16xf32>, vector<16xi32> -> vector<16xf32>
        %add3A_724 = arith.addi %mul3A_175, %add3A_718 : i32
        %broadcast_in_dim3A_725 = vector.broadcast %add3A_724 : i32 to vector<16xi32>
        %gather3A_726 = tpu.vector_load_idx %arg20[%broadcast_in_dim3A_725, %add3A_291] : memref<512x64xi32, #tpu.memory_space<vmem>>[vector<16xi32>, vector<16xi32>], vector<16xi32>,
        %bitcast3A_727 = vector.bitcast %gather3A_726 : vector<16xi32> to vector<32xbf16>
        %unpack3A_728 = tpu.unpack_subelements %bitcast3A_727, 0 {pack_format = #tpu.pack_format<interleaved>} : vector<32xbf16> -> vector<16xf32>
        %unpack3A_729 = tpu.unpack_subelements %bitcast3A_727, 1 {pack_format = #tpu.pack_format<interleaved>} : vector<32xbf16> -> vector<16xf32>
        %mul3A_730 = arith.mulf %gather3A_723, %unpack3A_728 : vector<16xf32>
        %add3A_731 = arith.addf %add3A_688, %mul3A_730 : vector<16xf32>
        %mul3A_732 = arith.mulf %gather3A_723, %unpack3A_729 : vector<16xf32>
        %add3A_733 = arith.addf %add3A_690, %mul3A_732 : vector<16xf32>
        %gather3A_734 = tpu.vector_load_idx %arg20[%broadcast_in_dim3A_725, %add3A_294] : memref<512x64xi32, #tpu.memory_space<vmem>>[vector<16xi32>, vector<16xi32>], vector<16xi32>,
        %bitcast3A_735 = vector.bitcast %gather3A_734 : vector<16xi32> to vector<32xbf16>
        %unpack3A_736 = tpu.unpack_subelements %bitcast3A_735, 0 {pack_format = #tpu.pack_format<interleaved>} : vector<32xbf16> -> vector<16xf32>
        %unpack3A_737 = tpu.unpack_subelements %bitcast3A_735, 1 {pack_format = #tpu.pack_format<interleaved>} : vector<32xbf16> -> vector<16xf32>
        %mul3A_738 = arith.mulf %gather3A_723, %unpack3A_736 : vector<16xf32>
        %add3A_739 = arith.addf %add3A_696, %mul3A_738 : vector<16xf32>
        %mul3A_740 = arith.mulf %gather3A_723, %unpack3A_737 : vector<16xf32>
        %add3A_741 = arith.addf %add3A_698, %mul3A_740 : vector<16xf32>
        %gather3A_742 = tpu.vector_load_idx %arg20[%broadcast_in_dim3A_725, %add3A_297] : memref<512x64xi32, #tpu.memory_space<vmem>>[vector<16xi32>, vector<16xi32>], vector<16xi32>,
        %bitcast3A_743 = vector.bitcast %gather3A_742 : vector<16xi32> to vector<32xbf16>
        %unpack3A_744 = tpu.unpack_subelements %bitcast3A_743, 0 {pack_format = #tpu.pack_format<interleaved>} : vector<32xbf16> -> vector<16xf32>
        %unpack3A_745 = tpu.unpack_subelements %bitcast3A_743, 1 {pack_format = #tpu.pack_format<interleaved>} : vector<32xbf16> -> vector<16xf32>
        %mul3A_746 = arith.mulf %gather3A_723, %unpack3A_744 : vector<16xf32>
        %add3A_747 = arith.addf %add3A_704, %mul3A_746 : vector<16xf32>
        %mul3A_748 = arith.mulf %gather3A_723, %unpack3A_745 : vector<16xf32>
        %add3A_749 = arith.addf %add3A_706, %mul3A_748 : vector<16xf32>
        %gather3A_750 = tpu.vector_load_idx %arg20[%broadcast_in_dim3A_725, %add3A_300] : memref<512x64xi32, #tpu.memory_space<vmem>>[vector<16xi32>, vector<16xi32>], vector<16xi32>,
        %bitcast3A_751 = vector.bitcast %gather3A_750 : vector<16xi32> to vector<32xbf16>
        %unpack3A_752 = tpu.unpack_subelements %bitcast3A_751, 0 {pack_format = #tpu.pack_format<interleaved>} : vector<32xbf16> -> vector<16xf32>
        %unpack3A_753 = tpu.unpack_subelements %bitcast3A_751, 1 {pack_format = #tpu.pack_format<interleaved>} : vector<32xbf16> -> vector<16xf32>
        %mul3A_754 = arith.mulf %gather3A_723, %unpack3A_752 : vector<16xf32>
        %add3A_755 = arith.addf %add3A_712, %mul3A_754 : vector<16xf32>
        %mul3A_756 = arith.mulf %gather3A_723, %unpack3A_753 : vector<16xf32>
        %add3A_757 = arith.addf %add3A_714, %mul3A_756 : vector<16xf32>
        scf.yield %add3A_731, %add3A_733, %add3A_739, %add3A_741, %add3A_747, %add3A_749, %add3A_755, %add3A_757 : vector<16xf32>, vector<16xf32>, vector<16xf32>, vector<16xf32>, vector<16xf32>, vector<16xf32>, vector<16xf32>, vector<16xf32>
      }
      %scan3A_344 = arith.constant 64 : i32
      %ge3A = arith.constant 2 : i32
      %ge3A_345 = arith.cmpi sge, %scan3A_159, %ge3A : i32
      %convert_element_type3A = arith.extui %ge3A_345 : i1 to i32
      %cond3A = arith.constant 0 : i32
      %cond3A_346 = arith.cmpi ne, %convert_element_type3A, %cond3A : i32
      scf.if %cond3A_346 {
        %mul3A_576 = arith.constant 2 : i32
        %mul3A_577 = arith.muli %rem3A_161, %mul3A_576 : i32
        %mul3A_578 = arith.constant 128 : i32
        %mul3A_579 = arith.muli %mul3A_577, %mul3A_578 : i32
        %dma_wait3A_580 = tpu.memref_slice %arg21[%mul3A_579] : memref<512xf32, #tpu.memory_space<vmem>> -> memref<256xf32, #tpu.memory_space<vmem>>
        %dma_wait3A_581 = arith.constant 0 : i32
        %dma_wait3A_582 = tpu.memref_slice %arg9[%add3A_173, %dma_wait3A_581] : memref<10240x256xf32, #tpu.memory_space<hbm>> -> memref<1x256xf32, #tpu.memory_space<hbm>>
        %dma_wait3A_583 = tpu.memref_squeeze %dma_wait3A_582 : memref<1x256xf32, #tpu.memory_space<hbm>> -> memref<256xf32, #tpu.memory_space<hbm>>
        %dma_wait3A_584 = arith.constant 0 : i32
        %dma_wait3A_585 = tpu.memref_slice %arg9[%add3A_173, %dma_wait3A_584] : memref<10240x256xf32, #tpu.memory_space<hbm>> -> memref<1x256xf32, #tpu.memory_space<hbm>>
        %dma_wait3A_586 = tpu.memref_squeeze %dma_wait3A_585 : memref<1x256xf32, #tpu.memory_space<hbm>> -> memref<256xf32, #tpu.memory_space<hbm>>
        %dma_wait3A_587 = tpu.memref_slice %arg21[%mul3A_579] : memref<512xf32, #tpu.memory_space<vmem>> -> memref<256xf32, #tpu.memory_space<vmem>>
        tpu.wait_dma2 semaphore(%arg27 : memref<!tpu.dma_semaphore, #tpu.memory_space<semaphore_mem>>) src(%dma_wait3A_587 : memref<256xf32, #tpu.memory_space<vmem>>) dst(%dma_wait3A_586 : memref<256xf32, #tpu.memory_space<hbm>>)
      } else {
      }
      %broadcast_in_dim3A_347 = vector.broadcast %add3A_173 : i32 to vector<16xi32>
      %gather3A_348 = tpu.vector_load_idx %arg10[%broadcast_in_dim3A_347] : memref<10240xf32, #tpu.memory_space<vmem>>[vector<16xi32>], vector<16xf32>,
      %broadcast_in_dim3A_349 = vector.broadcast %add3A_173 : i32 to vector<16xi32>
      %gather3A_350 = tpu.vector_load_idx %arg11[%broadcast_in_dim3A_349] : memref<10240xf32, #tpu.memory_space<vmem>>[vector<16xi32>], vector<16xf32>,
      %mul3A_351 = arith.mulf %scan3A_321#0, %gather3A_348 : vector<16xf32>
      %max3A = arith.constant 0.000000e+00 : f32
      %max3A_352 = vector.broadcast %max3A : f32 to vector<16xf32>
      %max3A_353 = arith.maximumf %mul3A_351, %max3A_352 : vector<16xf32>
      %mul3A_354 = arith.mulf %scan3A_321#1, %gather3A_348 : vector<16xf32>
      %max3A_355 = arith.constant 0.000000e+00 : f32
      %max3A_356 = vector.broadcast %max3A_355 : f32 to vector<16xf32>
      %max3A_357 = arith.maximumf %mul3A_354, %max3A_356 : vector<16xf32>
      %mul3A_358 = arith.mulf %scan3A_321#2, %gather3A_348 : vector<16xf32>
      %max3A_359 = arith.constant 0.000000e+00 : f32
      %max3A_360 = vector.broadcast %max3A_359 : f32 to vector<16xf32>
      %max3A_361 = arith.maximumf %mul3A_358, %max3A_360 : vector<16xf32>
      %mul3A_362 = arith.mulf %scan3A_321#3, %gather3A_348 : vector<16xf32>
      %max3A_363 = arith.constant 0.000000e+00 : f32
      %max3A_364 = vector.broadcast %max3A_363 : f32 to vector<16xf32>
      %max3A_365 = arith.maximumf %mul3A_362, %max3A_364 : vector<16xf32>
      %mul3A_366 = arith.mulf %scan3A_321#4, %gather3A_348 : vector<16xf32>
      %max3A_367 = arith.constant 0.000000e+00 : f32
      %max3A_368 = vector.broadcast %max3A_367 : f32 to vector<16xf32>
      %max3A_369 = arith.maximumf %mul3A_366, %max3A_368 : vector<16xf32>
      %mul3A_370 = arith.mulf %scan3A_321#5, %gather3A_348 : vector<16xf32>
      %max3A_371 = arith.constant 0.000000e+00 : f32
      %max3A_372 = vector.broadcast %max3A_371 : f32 to vector<16xf32>
      %max3A_373 = arith.maximumf %mul3A_370, %max3A_372 : vector<16xf32>
      %mul3A_374 = arith.mulf %scan3A_321#6, %gather3A_348 : vector<16xf32>
      %max3A_375 = arith.constant 0.000000e+00 : f32
      %max3A_376 = vector.broadcast %max3A_375 : f32 to vector<16xf32>
      %max3A_377 = arith.maximumf %mul3A_374, %max3A_376 : vector<16xf32>
      %mul3A_378 = arith.mulf %scan3A_321#7, %gather3A_348 : vector<16xf32>
      %max3A_379 = arith.constant 0.000000e+00 : f32
      %max3A_380 = vector.broadcast %max3A_379 : f32 to vector<16xf32>
      %max3A_381 = arith.maximumf %mul3A_378, %max3A_380 : vector<16xf32>
      %mul3A_382 = arith.mulf %scan3A_343#0, %gather3A_350 : vector<16xf32>
      %max3A_383 = arith.constant 0.000000e+00 : f32
      %max3A_384 = vector.broadcast %max3A_383 : f32 to vector<16xf32>
      %max3A_385 = arith.maximumf %mul3A_382, %max3A_384 : vector<16xf32>
      %mul3A_386 = arith.mulf %scan3A_343#1, %gather3A_350 : vector<16xf32>
      %max3A_387 = arith.constant 0.000000e+00 : f32
      %max3A_388 = vector.broadcast %max3A_387 : f32 to vector<16xf32>
      %max3A_389 = arith.maximumf %mul3A_386, %max3A_388 : vector<16xf32>
      %mul3A_390 = arith.mulf %scan3A_343#2, %gather3A_350 : vector<16xf32>
      %max3A_391 = arith.constant 0.000000e+00 : f32
      %max3A_392 = vector.broadcast %max3A_391 : f32 to vector<16xf32>
      %max3A_393 = arith.maximumf %mul3A_390, %max3A_392 : vector<16xf32>
      %mul3A_394 = arith.mulf %scan3A_343#3, %gather3A_350 : vector<16xf32>
      %max3A_395 = arith.constant 0.000000e+00 : f32
      %max3A_396 = vector.broadcast %max3A_395 : f32 to vector<16xf32>
      %max3A_397 = arith.maximumf %mul3A_394, %max3A_396 : vector<16xf32>
      %mul3A_398 = arith.mulf %scan3A_343#4, %gather3A_350 : vector<16xf32>
      %max3A_399 = arith.constant 0.000000e+00 : f32
      %max3A_400 = vector.broadcast %max3A_399 : f32 to vector<16xf32>
      %max3A_401 = arith.maximumf %mul3A_398, %max3A_400 : vector<16xf32>
      %mul3A_402 = arith.mulf %scan3A_343#5, %gather3A_350 : vector<16xf32>
      %max3A_403 = arith.constant 0.000000e+00 : f32
      %max3A_404 = vector.broadcast %max3A_403 : f32 to vector<16xf32>
      %max3A_405 = arith.maximumf %mul3A_402, %max3A_404 : vector<16xf32>
      %mul3A_406 = arith.mulf %scan3A_343#6, %gather3A_350 : vector<16xf32>
      %max3A_407 = arith.constant 0.000000e+00 : f32
      %max3A_408 = vector.broadcast %max3A_407 : f32 to vector<16xf32>
      %max3A_409 = arith.maximumf %mul3A_406, %max3A_408 : vector<16xf32>
      %mul3A_410 = arith.mulf %scan3A_343#7, %gather3A_350 : vector<16xf32>
      %max3A_411 = arith.constant 0.000000e+00 : f32
      %max3A_412 = vector.broadcast %max3A_411 : f32 to vector<16xf32>
      %max3A_413 = arith.maximumf %mul3A_410, %max3A_412 : vector<16xf32>
      %mul3A_414 = arith.constant 2 : i32
      %mul3A_415 = arith.muli %rem3A_161, %mul3A_414 : i32
      %mul3A_416 = arith.constant 128 : i32
      %mul3A_417 = arith.muli %mul3A_415, %mul3A_416 : i32
      %add3A_418 = arith.constant 0 : i32
      %add3A_419 = arith.addi %mul3A_417, %add3A_418 : i32
      %swap3A_420 = arith.index_cast %add3A_419 : i32 to index
      %swap3A_421 = tpu.vector_load %arg21[%swap3A_420] {strides = array<i32>} : memref<512xf32, #tpu.memory_space<vmem>>, vector<16xf32>,
      tpu.vector_store %arg21[%swap3A_420], %max3A_353 {strides = array<i32>} : memref<512xf32, #tpu.memory_space<vmem>>, vector<16xf32>,
      %mul3A_422 = arith.constant 2 : i32
      %mul3A_423 = arith.muli %rem3A_161, %mul3A_422 : i32
      %mul3A_424 = arith.constant 128 : i32
      %mul3A_425 = arith.muli %mul3A_423, %mul3A_424 : i32
      %add3A_426 = arith.constant 16 : i32
      %add3A_427 = arith.addi %mul3A_425, %add3A_426 : i32
      %swap3A_428 = arith.index_cast %add3A_427 : i32 to index
      %swap3A_429 = tpu.vector_load %arg21[%swap3A_428] {strides = array<i32>} : memref<512xf32, #tpu.memory_space<vmem>>, vector<16xf32>,
      tpu.vector_store %arg21[%swap3A_428], %max3A_357 {strides = array<i32>} : memref<512xf32, #tpu.memory_space<vmem>>, vector<16xf32>,
      %mul3A_430 = arith.constant 2 : i32
      %mul3A_431 = arith.muli %rem3A_161, %mul3A_430 : i32
      %mul3A_432 = arith.constant 128 : i32
      %mul3A_433 = arith.muli %mul3A_431, %mul3A_432 : i32
      %add3A_434 = arith.constant 32 : i32
      %add3A_435 = arith.addi %mul3A_433, %add3A_434 : i32
      %swap3A_436 = arith.index_cast %add3A_435 : i32 to index
      %swap3A_437 = tpu.vector_load %arg21[%swap3A_436] {strides = array<i32>} : memref<512xf32, #tpu.memory_space<vmem>>, vector<16xf32>,
      tpu.vector_store %arg21[%swap3A_436], %max3A_361 {strides = array<i32>} : memref<512xf32, #tpu.memory_space<vmem>>, vector<16xf32>,
      %mul3A_438 = arith.constant 2 : i32
      %mul3A_439 = arith.muli %rem3A_161, %mul3A_438 : i32
      %mul3A_440 = arith.constant 128 : i32
      %mul3A_441 = arith.muli %mul3A_439, %mul3A_440 : i32
      %add3A_442 = arith.constant 48 : i32
      %add3A_443 = arith.addi %mul3A_441, %add3A_442 : i32
      %swap3A_444 = arith.index_cast %add3A_443 : i32 to index
      %swap3A_445 = tpu.vector_load %arg21[%swap3A_444] {strides = array<i32>} : memref<512xf32, #tpu.memory_space<vmem>>, vector<16xf32>,
      tpu.vector_store %arg21[%swap3A_444], %max3A_365 {strides = array<i32>} : memref<512xf32, #tpu.memory_space<vmem>>, vector<16xf32>,
      %mul3A_446 = arith.constant 2 : i32
      %mul3A_447 = arith.muli %rem3A_161, %mul3A_446 : i32
      %mul3A_448 = arith.constant 128 : i32
      %mul3A_449 = arith.muli %mul3A_447, %mul3A_448 : i32
      %add3A_450 = arith.constant 64 : i32
      %add3A_451 = arith.addi %mul3A_449, %add3A_450 : i32
      %swap3A_452 = arith.index_cast %add3A_451 : i32 to index
      %swap3A_453 = tpu.vector_load %arg21[%swap3A_452] {strides = array<i32>} : memref<512xf32, #tpu.memory_space<vmem>>, vector<16xf32>,
      tpu.vector_store %arg21[%swap3A_452], %max3A_369 {strides = array<i32>} : memref<512xf32, #tpu.memory_space<vmem>>, vector<16xf32>,
      %mul3A_454 = arith.constant 2 : i32
      %mul3A_455 = arith.muli %rem3A_161, %mul3A_454 : i32
      %mul3A_456 = arith.constant 128 : i32
      %mul3A_457 = arith.muli %mul3A_455, %mul3A_456 : i32
      %add3A_458 = arith.constant 80 : i32
      %add3A_459 = arith.addi %mul3A_457, %add3A_458 : i32
      %swap3A_460 = arith.index_cast %add3A_459 : i32 to index
      %swap3A_461 = tpu.vector_load %arg21[%swap3A_460] {strides = array<i32>} : memref<512xf32, #tpu.memory_space<vmem>>, vector<16xf32>,
      tpu.vector_store %arg21[%swap3A_460], %max3A_373 {strides = array<i32>} : memref<512xf32, #tpu.memory_space<vmem>>, vector<16xf32>,
      %mul3A_462 = arith.constant 2 : i32
      %mul3A_463 = arith.muli %rem3A_161, %mul3A_462 : i32
      %mul3A_464 = arith.constant 128 : i32
      %mul3A_465 = arith.muli %mul3A_463, %mul3A_464 : i32
      %add3A_466 = arith.constant 96 : i32
      %add3A_467 = arith.addi %mul3A_465, %add3A_466 : i32
      %swap3A_468 = arith.index_cast %add3A_467 : i32 to index
      %swap3A_469 = tpu.vector_load %arg21[%swap3A_468] {strides = array<i32>} : memref<512xf32, #tpu.memory_space<vmem>>, vector<16xf32>,
      tpu.vector_store %arg21[%swap3A_468], %max3A_377 {strides = array<i32>} : memref<512xf32, #tpu.memory_space<vmem>>, vector<16xf32>,
      %mul3A_470 = arith.constant 2 : i32
      %mul3A_471 = arith.muli %rem3A_161, %mul3A_470 : i32
      %mul3A_472 = arith.constant 128 : i32
      %mul3A_473 = arith.muli %mul3A_471, %mul3A_472 : i32
      %add3A_474 = arith.constant 112 : i32
      %add3A_475 = arith.addi %mul3A_473, %add3A_474 : i32
      %swap3A_476 = arith.index_cast %add3A_475 : i32 to index
      %swap3A_477 = tpu.vector_load %arg21[%swap3A_476] {strides = array<i32>} : memref<512xf32, #tpu.memory_space<vmem>>, vector<16xf32>,
      tpu.vector_store %arg21[%swap3A_476], %max3A_381 {strides = array<i32>} : memref<512xf32, #tpu.memory_space<vmem>>, vector<16xf32>,
      %mul3A_478 = arith.constant 2 : i32
      %mul3A_479 = arith.muli %rem3A_161, %mul3A_478 : i32
      %mul3A_480 = arith.constant 128 : i32
      %mul3A_481 = arith.muli %mul3A_479, %mul3A_480 : i32
      %add3A_482 = arith.constant 128 : i32
      %add3A_483 = arith.addi %mul3A_481, %add3A_482 : i32
      %swap3A_484 = arith.index_cast %add3A_483 : i32 to index
      %swap3A_485 = tpu.vector_load %arg21[%swap3A_484] {strides = array<i32>} : memref<512xf32, #tpu.memory_space<vmem>>, vector<16xf32>,
      tpu.vector_store %arg21[%swap3A_484], %max3A_385 {strides = array<i32>} : memref<512xf32, #tpu.memory_space<vmem>>, vector<16xf32>,
      %mul3A_486 = arith.constant 2 : i32
      %mul3A_487 = arith.muli %rem3A_161, %mul3A_486 : i32
      %mul3A_488 = arith.constant 128 : i32
      %mul3A_489 = arith.muli %mul3A_487, %mul3A_488 : i32
      %add3A_490 = arith.constant 144 : i32
      %add3A_491 = arith.addi %mul3A_489, %add3A_490 : i32
      %swap3A_492 = arith.index_cast %add3A_491 : i32 to index
      %swap3A_493 = tpu.vector_load %arg21[%swap3A_492] {strides = array<i32>} : memref<512xf32, #tpu.memory_space<vmem>>, vector<16xf32>,
      tpu.vector_store %arg21[%swap3A_492], %max3A_389 {strides = array<i32>} : memref<512xf32, #tpu.memory_space<vmem>>, vector<16xf32>,
      %mul3A_494 = arith.constant 2 : i32
      %mul3A_495 = arith.muli %rem3A_161, %mul3A_494 : i32
      %mul3A_496 = arith.constant 128 : i32
      %mul3A_497 = arith.muli %mul3A_495, %mul3A_496 : i32
      %add3A_498 = arith.constant 160 : i32
      %add3A_499 = arith.addi %mul3A_497, %add3A_498 : i32
      %swap3A_500 = arith.index_cast %add3A_499 : i32 to index
      %swap3A_501 = tpu.vector_load %arg21[%swap3A_500] {strides = array<i32>} : memref<512xf32, #tpu.memory_space<vmem>>, vector<16xf32>,
      tpu.vector_store %arg21[%swap3A_500], %max3A_393 {strides = array<i32>} : memref<512xf32, #tpu.memory_space<vmem>>, vector<16xf32>,
      %mul3A_502 = arith.constant 2 : i32
      %mul3A_503 = arith.muli %rem3A_161, %mul3A_502 : i32
      %mul3A_504 = arith.constant 128 : i32
      %mul3A_505 = arith.muli %mul3A_503, %mul3A_504 : i32
      %add3A_506 = arith.constant 176 : i32
      %add3A_507 = arith.addi %mul3A_505, %add3A_506 : i32
      %swap3A_508 = arith.index_cast %add3A_507 : i32 to index
      %swap3A_509 = tpu.vector_load %arg21[%swap3A_508] {strides = array<i32>} : memref<512xf32, #tpu.memory_space<vmem>>, vector<16xf32>,
      tpu.vector_store %arg21[%swap3A_508], %max3A_397 {strides = array<i32>} : memref<512xf32, #tpu.memory_space<vmem>>, vector<16xf32>,
      %mul3A_510 = arith.constant 2 : i32
      %mul3A_511 = arith.muli %rem3A_161, %mul3A_510 : i32
      %mul3A_512 = arith.constant 128 : i32
      %mul3A_513 = arith.muli %mul3A_511, %mul3A_512 : i32
      %add3A_514 = arith.constant 192 : i32
      %add3A_515 = arith.addi %mul3A_513, %add3A_514 : i32
      %swap3A_516 = arith.index_cast %add3A_515 : i32 to index
      %swap3A_517 = tpu.vector_load %arg21[%swap3A_516] {strides = array<i32>} : memref<512xf32, #tpu.memory_space<vmem>>, vector<16xf32>,
      tpu.vector_store %arg21[%swap3A_516], %max3A_401 {strides = array<i32>} : memref<512xf32, #tpu.memory_space<vmem>>, vector<16xf32>,
      %mul3A_518 = arith.constant 2 : i32
      %mul3A_519 = arith.muli %rem3A_161, %mul3A_518 : i32
      %mul3A_520 = arith.constant 128 : i32
      %mul3A_521 = arith.muli %mul3A_519, %mul3A_520 : i32
      %add3A_522 = arith.constant 208 : i32
      %add3A_523 = arith.addi %mul3A_521, %add3A_522 : i32
      %swap3A_524 = arith.index_cast %add3A_523 : i32 to index
      %swap3A_525 = tpu.vector_load %arg21[%swap3A_524] {strides = array<i32>} : memref<512xf32, #tpu.memory_space<vmem>>, vector<16xf32>,
      tpu.vector_store %arg21[%swap3A_524], %max3A_405 {strides = array<i32>} : memref<512xf32, #tpu.memory_space<vmem>>, vector<16xf32>,
      %mul3A_526 = arith.constant 2 : i32
      %mul3A_527 = arith.muli %rem3A_161, %mul3A_526 : i32
      %mul3A_528 = arith.constant 128 : i32
      %mul3A_529 = arith.muli %mul3A_527, %mul3A_528 : i32
      %add3A_530 = arith.constant 224 : i32
      %add3A_531 = arith.addi %mul3A_529, %add3A_530 : i32
      %swap3A_532 = arith.index_cast %add3A_531 : i32 to index
      %swap3A_533 = tpu.vector_load %arg21[%swap3A_532] {strides = array<i32>} : memref<512xf32, #tpu.memory_space<vmem>>, vector<16xf32>,
      tpu.vector_store %arg21[%swap3A_532], %max3A_409 {strides = array<i32>} : memref<512xf32, #tpu.memory_space<vmem>>, vector<16xf32>,
      %mul3A_534 = arith.constant 2 : i32
      %mul3A_535 = arith.muli %rem3A_161, %mul3A_534 : i32
      %mul3A_536 = arith.constant 128 : i32
      %mul3A_537 = arith.muli %mul3A_535, %mul3A_536 : i32
      %add3A_538 = arith.constant 240 : i32
      %add3A_539 = arith.addi %mul3A_537, %add3A_538 : i32
      %swap3A_540 = arith.index_cast %add3A_539 : i32 to index
      %swap3A_541 = tpu.vector_load %arg21[%swap3A_540] {strides = array<i32>} : memref<512xf32, #tpu.memory_space<vmem>>, vector<16xf32>,
      tpu.vector_store %arg21[%swap3A_540], %max3A_413 {strides = array<i32>} : memref<512xf32, #tpu.memory_space<vmem>>, vector<16xf32>,
      %mul3A_542 = arith.constant 2 : i32
      %mul3A_543 = arith.muli %rem3A_161, %mul3A_542 : i32
      %mul3A_544 = arith.constant 128 : i32
      %mul3A_545 = arith.muli %mul3A_543, %mul3A_544 : i32
      %dma_start3A_546 = tpu.memref_slice %arg21[%mul3A_545] : memref<512xf32, #tpu.memory_space<vmem>> -> memref<256xf32, #tpu.memory_space<vmem>>
      %dma_start3A_547 = arith.constant 0 : i32
      %dma_start3A_548 = tpu.memref_slice %arg9[%add3A_173, %dma_start3A_547] : memref<10240x256xf32, #tpu.memory_space<hbm>> -> memref<1x256xf32, #tpu.memory_space<hbm>>
      %dma_start3A_549 = tpu.memref_squeeze %dma_start3A_548 : memref<1x256xf32, #tpu.memory_space<hbm>> -> memref<256xf32, #tpu.memory_space<hbm>>
      %dma_start3A_550 = arith.constant 0 : i32
      %dma_start3A_551 = tpu.memref_slice %arg9[%add3A_173, %dma_start3A_550] : memref<10240x256xf32, #tpu.memory_space<hbm>> -> memref<1x256xf32, #tpu.memory_space<hbm>>
      %dma_start3A_552 = tpu.memref_squeeze %dma_start3A_551 : memref<1x256xf32, #tpu.memory_space<hbm>> -> memref<256xf32, #tpu.memory_space<hbm>>
      %dma_start3A_553 = tpu.memref_slice %arg21[%mul3A_545] : memref<512xf32, #tpu.memory_space<vmem>> -> memref<256xf32, #tpu.memory_space<vmem>>
      tpu.enqueue_dma source(%dma_start3A_553 : memref<256xf32, #tpu.memory_space<vmem>>) target(%dma_start3A_552 : memref<256xf32, #tpu.memory_space<hbm>>) target_semaphore(%arg27 : memref<!tpu.dma_semaphore, #tpu.memory_space<semaphore_mem>>)
      %add3A_554 = arith.addi %mul3A_2, %min3A_172 : i32
      %mul3A_555 = arith.constant 256 : i32
      %mul3A_556 = arith.muli %rem3A_161, %mul3A_555 : i32
      %dma_start3A_557 = tpu.memref_slice %arg14[%mul3A_556] : memref<512xi32, #tpu.memory_space<vmem>> -> memref<256xi32, #tpu.memory_space<vmem>>
      %dma_start3A_558 = arith.constant 0 : i32
      %dma_start3A_559 = tpu.memref_slice %arg4[%add3A_554, %dma_start3A_558] : memref<10240x256xi32, #tpu.memory_space<hbm>> -> memref<1x256xi32, #tpu.memory_space<hbm>>
      %dma_start3A_560 = tpu.memref_squeeze %dma_start3A_559 : memref<1x256xi32, #tpu.memory_space<hbm>> -> memref<256xi32, #tpu.memory_space<hbm>>
      %dma_start3A_561 = tpu.memref_slice %arg14[%mul3A_556] : memref<512xi32, #tpu.memory_space<vmem>> -> memref<256xi32, #tpu.memory_space<vmem>>
      %dma_start3A_562 = arith.constant 0 : i32
      %dma_start3A_563 = tpu.memref_slice %arg4[%add3A_554, %dma_start3A_562] : memref<10240x256xi32, #tpu.memory_space<hbm>> -> memref<1x256xi32, #tpu.memory_space<hbm>>
      %dma_start3A_564 = tpu.memref_squeeze %dma_start3A_563 : memref<1x256xi32, #tpu.memory_space<hbm>> -> memref<256xi32, #tpu.memory_space<hbm>>
      tpu.enqueue_dma source(%dma_start3A_564 : memref<256xi32, #tpu.memory_space<hbm>>) target(%dma_start3A_561 : memref<256xi32, #tpu.memory_space<vmem>>) target_semaphore(%arg25 : memref<!tpu.dma_semaphore, #tpu.memory_space<semaphore_mem>>)
      %mul3A_565 = arith.constant 256 : i32
      %mul3A_566 = arith.muli %rem3A_161, %mul3A_565 : i32
      %dma_start3A_567 = tpu.memref_slice %arg15[%mul3A_566] : memref<512xf32, #tpu.memory_space<vmem>> -> memref<256xf32, #tpu.memory_space<vmem>>
      %dma_start3A_568 = arith.constant 0 : i32
      %dma_start3A_569 = tpu.memref_slice %arg6[%add3A_554, %dma_start3A_568] : memref<10240x256xf32, #tpu.memory_space<hbm>> -> memref<1x256xf32, #tpu.memory_space<hbm>>
      %dma_start3A_570 = tpu.memref_squeeze %dma_start3A_569 : memref<1x256xf32, #tpu.memory_space<hbm>> -> memref<256xf32, #tpu.memory_space<hbm>>
      %dma_start3A_571 = tpu.memref_slice %arg15[%mul3A_566] : memref<512xf32, #tpu.memory_space<vmem>> -> memref<256xf32, #tpu.memory_space<vmem>>
      %dma_start3A_572 = arith.constant 0 : i32
      %dma_start3A_573 = tpu.memref_slice %arg6[%add3A_554, %dma_start3A_572] : memref<10240x256xf32, #tpu.memory_space<hbm>> -> memref<1x256xf32, #tpu.memory_space<hbm>>
      %dma_start3A_574 = tpu.memref_squeeze %dma_start3A_573 : memref<1x256xf32, #tpu.memory_space<hbm>> -> memref<256xf32, #tpu.memory_space<hbm>>
      tpu.enqueue_dma source(%dma_start3A_574 : memref<256xf32, #tpu.memory_space<hbm>>) target(%dma_start3A_571 : memref<256xf32, #tpu.memory_space<vmem>>) target_semaphore(%arg26 : memref<!tpu.dma_semaphore, #tpu.memory_space<semaphore_mem>>)
      %scan3A_575 = arith.constant 0 : i32
      scf.yield %scan3A_575 : i32
    }
    %scan3A_94 = arith.constant 320 : i32
    %dma_wait3A_95 = arith.constant 0 : i32
    %dma_wait3A_96 = tpu.memref_slice %arg14[%dma_wait3A_95] : memref<512xi32, #tpu.memory_space<vmem>> -> memref<256xi32, #tpu.memory_space<vmem>>
    %dma_wait3A_97 = arith.constant 0 : i32
    %dma_wait3A_98 = tpu.memref_slice %arg4[%mul3A_2, %dma_wait3A_97] : memref<10240x256xi32, #tpu.memory_space<hbm>> -> memref<1x256xi32, #tpu.memory_space<hbm>>
    %dma_wait3A_99 = tpu.memref_squeeze %dma_wait3A_98 : memref<1x256xi32, #tpu.memory_space<hbm>> -> memref<256xi32, #tpu.memory_space<hbm>>
    %dma_wait3A_100 = arith.constant 0 : i32
    %dma_wait3A_101 = tpu.memref_slice %arg14[%dma_wait3A_100] : memref<512xi32, #tpu.memory_space<vmem>> -> memref<256xi32, #tpu.memory_space<vmem>>
    %dma_wait3A_102 = arith.constant 0 : i32
    %dma_wait3A_103 = tpu.memref_slice %arg4[%mul3A_2, %dma_wait3A_102] : memref<10240x256xi32, #tpu.memory_space<hbm>> -> memref<1x256xi32, #tpu.memory_space<hbm>>
    %dma_wait3A_104 = tpu.memref_squeeze %dma_wait3A_103 : memref<1x256xi32, #tpu.memory_space<hbm>> -> memref<256xi32, #tpu.memory_space<hbm>>
    tpu.wait_dma2 semaphore(%arg25 : memref<!tpu.dma_semaphore, #tpu.memory_space<semaphore_mem>>) src(%dma_wait3A_104 : memref<256xi32, #tpu.memory_space<hbm>>) dst(%dma_wait3A_101 : memref<256xi32, #tpu.memory_space<vmem>>)
    %dma_wait3A_105 = arith.constant 0 : i32
    %dma_wait3A_106 = tpu.memref_slice %arg15[%dma_wait3A_105] : memref<512xf32, #tpu.memory_space<vmem>> -> memref<256xf32, #tpu.memory_space<vmem>>
    %dma_wait3A_107 = arith.constant 0 : i32
    %dma_wait3A_108 = tpu.memref_slice %arg6[%mul3A_2, %dma_wait3A_107] : memref<10240x256xf32, #tpu.memory_space<hbm>> -> memref<1x256xf32, #tpu.memory_space<hbm>>
    %dma_wait3A_109 = tpu.memref_squeeze %dma_wait3A_108 : memref<1x256xf32, #tpu.memory_space<hbm>> -> memref<256xf32, #tpu.memory_space<hbm>>
    %dma_wait3A_110 = arith.constant 0 : i32
    %dma_wait3A_111 = tpu.memref_slice %arg15[%dma_wait3A_110] : memref<512xf32, #tpu.memory_space<vmem>> -> memref<256xf32, #tpu.memory_space<vmem>>
    %dma_wait3A_112 = arith.constant 0 : i32
    %dma_wait3A_113 = tpu.memref_slice %arg6[%mul3A_2, %dma_wait3A_112] : memref<10240x256xf32, #tpu.memory_space<hbm>> -> memref<1x256xf32, #tpu.memory_space<hbm>>
    %dma_wait3A_114 = tpu.memref_squeeze %dma_wait3A_113 : memref<1x256xf32, #tpu.memory_space<hbm>> -> memref<256xf32, #tpu.memory_space<hbm>>
    tpu.wait_dma2 semaphore(%arg26 : memref<!tpu.dma_semaphore, #tpu.memory_space<semaphore_mem>>) src(%dma_wait3A_114 : memref<256xf32, #tpu.memory_space<hbm>>) dst(%dma_wait3A_111 : memref<256xf32, #tpu.memory_space<vmem>>)
    %dma_wait3A_115 = arith.constant 16 : i32
    %dma_wait3A_116 = arith.constant 0 : i32
    %dma_wait3A_117 = tpu.memref_slice %arg19[%dma_wait3A_115, %dma_wait3A_116] : memref<32x64xi32, #tpu.memory_space<vmem>> -> memref<16x64xi32, #tpu.memory_space<vmem>>
    %dma_wait3A_118 = arith.constant 16 : i32
    %dma_wait3A_119 = tpu.memref_slice %arg18[%dma_wait3A_118] : memref<32xi32, #tpu.memory_space<vmem>> -> memref<16xi32, #tpu.memory_space<vmem>>
    %dma_wait3A_120 = arith.constant 0 : i32
    %dma_wait3A_121 = arith.constant 0 : i32
    %dma_wait3A_122 = tpu.memref_slice %arg2[%dma_wait3A_120, %dma_wait3A_121] : memref<10240x64xi32, #tpu.memory_space<hbm>> -> memref<10240x64xi32, #tpu.memory_space<hbm>>
    tpu.wait_indirect_dma semaphore(%arg23 : memref<!tpu.dma_semaphore, #tpu.memory_space<semaphore_mem>>) src(%dma_wait3A_122 : memref<10240x64xi32, #tpu.memory_space<hbm>>) dst(%dma_wait3A_117 : memref<16x64xi32, #tpu.memory_space<vmem>>)
    %dma_wait3A_123 = arith.constant 256 : i32
    %dma_wait3A_124 = arith.constant 0 : i32
    %dma_wait3A_125 = tpu.memref_slice %arg20[%dma_wait3A_123, %dma_wait3A_124] : memref<512x64xi32, #tpu.memory_space<vmem>> -> memref<128x64xi32, #tpu.memory_space<vmem>>
    %dma_wait3A_126 = arith.constant 256 : i32
    %dma_wait3A_127 = tpu.memref_slice %arg14[%dma_wait3A_126] : memref<512xi32, #tpu.memory_space<vmem>> -> memref<128xi32, #tpu.memory_space<vmem>>
    %dma_wait3A_128 = arith.constant 0 : i32
    %dma_wait3A_129 = arith.constant 0 : i32
    %dma_wait3A_130 = tpu.memref_slice %arg2[%dma_wait3A_128, %dma_wait3A_129] : memref<10240x64xi32, #tpu.memory_space<hbm>> -> memref<10240x64xi32, #tpu.memory_space<hbm>>
    tpu.wait_indirect_dma semaphore(%arg24 : memref<!tpu.dma_semaphore, #tpu.memory_space<semaphore_mem>>) src(%dma_wait3A_130 : memref<10240x64xi32, #tpu.memory_space<hbm>>) dst(%dma_wait3A_125 : memref<128x64xi32, #tpu.memory_space<vmem>>)
    %dma_wait3A_131 = arith.constant 384 : i32
    %dma_wait3A_132 = arith.constant 0 : i32
    %dma_wait3A_133 = tpu.memref_slice %arg20[%dma_wait3A_131, %dma_wait3A_132] : memref<512x64xi32, #tpu.memory_space<vmem>> -> memref<128x64xi32, #tpu.memory_space<vmem>>
    %dma_wait3A_134 = arith.constant 384 : i32
    %dma_wait3A_135 = tpu.memref_slice %arg14[%dma_wait3A_134] : memref<512xi32, #tpu.memory_space<vmem>> -> memref<128xi32, #tpu.memory_space<vmem>>
    %dma_wait3A_136 = arith.constant 0 : i32
    %dma_wait3A_137 = arith.constant 0 : i32
    %dma_wait3A_138 = tpu.memref_slice %arg2[%dma_wait3A_136, %dma_wait3A_137] : memref<10240x64xi32, #tpu.memory_space<hbm>> -> memref<10240x64xi32, #tpu.memory_space<hbm>>
    tpu.wait_indirect_dma semaphore(%arg24 : memref<!tpu.dma_semaphore, #tpu.memory_space<semaphore_mem>>) src(%dma_wait3A_138 : memref<10240x64xi32, #tpu.memory_space<hbm>>) dst(%dma_wait3A_133 : memref<128x64xi32, #tpu.memory_space<vmem>>)
    %dma_wait3A_139 = arith.constant 0 : i32
    %dma_wait3A_140 = tpu.memref_slice %arg21[%dma_wait3A_139] : memref<512xf32, #tpu.memory_space<vmem>> -> memref<256xf32, #tpu.memory_space<vmem>>
    %dma_wait3A_141 = arith.constant 0 : i32
    %dma_wait3A_142 = tpu.memref_slice %arg9[%mul3A_2, %dma_wait3A_141] : memref<10240x256xf32, #tpu.memory_space<hbm>> -> memref<1x256xf32, #tpu.memory_space<hbm>>
    %dma_wait3A_143 = tpu.memref_squeeze %dma_wait3A_142 : memref<1x256xf32, #tpu.memory_space<hbm>> -> memref<256xf32, #tpu.memory_space<hbm>>
    %dma_wait3A_144 = arith.constant 0 : i32
    %dma_wait3A_145 = tpu.memref_slice %arg9[%mul3A_2, %dma_wait3A_144] : memref<10240x256xf32, #tpu.memory_space<hbm>> -> memref<1x256xf32, #tpu.memory_space<hbm>>
    %dma_wait3A_146 = tpu.memref_squeeze %dma_wait3A_145 : memref<1x256xf32, #tpu.memory_space<hbm>> -> memref<256xf32, #tpu.memory_space<hbm>>
    %dma_wait3A_147 = arith.constant 0 : i32
    %dma_wait3A_148 = tpu.memref_slice %arg21[%dma_wait3A_147] : memref<512xf32, #tpu.memory_space<vmem>> -> memref<256xf32, #tpu.memory_space<vmem>>
    tpu.wait_dma2 semaphore(%arg27 : memref<!tpu.dma_semaphore, #tpu.memory_space<semaphore_mem>>) src(%dma_wait3A_148 : memref<256xf32, #tpu.memory_space<vmem>>) dst(%dma_wait3A_146 : memref<256xf32, #tpu.memory_space<hbm>>)
    %dma_wait3A_149 = arith.constant 256 : i32
    %dma_wait3A_150 = tpu.memref_slice %arg21[%dma_wait3A_149] : memref<512xf32, #tpu.memory_space<vmem>> -> memref<256xf32, #tpu.memory_space<vmem>>
    %dma_wait3A_151 = arith.constant 0 : i32
    %dma_wait3A_152 = tpu.memref_slice %arg9[%mul3A_2, %dma_wait3A_151] : memref<10240x256xf32, #tpu.memory_space<hbm>> -> memref<1x256xf32, #tpu.memory_space<hbm>>
    %dma_wait3A_153 = tpu.memref_squeeze %dma_wait3A_152 : memref<1x256xf32, #tpu.memory_space<hbm>> -> memref<256xf32, #tpu.memory_space<hbm>>
    %dma_wait3A_154 = arith.constant 0 : i32
    %dma_wait3A_155 = tpu.memref_slice %arg9[%mul3A_2, %dma_wait3A_154] : memref<10240x256xf32, #tpu.memory_space<hbm>> -> memref<1x256xf32, #tpu.memory_space<hbm>>
    %dma_wait3A_156 = tpu.memref_squeeze %dma_wait3A_155 : memref<1x256xf32, #tpu.memory_space<hbm>> -> memref<256xf32, #tpu.memory_space<hbm>>
    %dma_wait3A_157 = arith.constant 256 : i32
    %dma_wait3A_158 = tpu.memref_slice %arg21[%dma_wait3A_157] : memref<512xf32, #tpu.memory_space<vmem>> -> memref<256xf32, #tpu.memory_space<vmem>>
    tpu.wait_dma2 semaphore(%arg27 : memref<!tpu.dma_semaphore, #tpu.memory_space<semaphore_mem>>) src(%dma_wait3A_158 : memref<256xf32, #tpu.memory_space<vmem>>) dst(%dma_wait3A_156 : memref<256xf32, #tpu.memory_space<hbm>>)
    return
  }
}

#map = affine_map<(d0, d1) -> (0, 0)>
#map1 = affine_map<(d0, d1) -> (0)>
module attributes {stable_mosaic.version = 14 : i64} {
  func.func @layer(%arg0: i32, %arg1: i32, %arg2: memref<10240x32xi32, #tpu.memory_space<hbm>>, %arg3: memref<10240x16xi32, #tpu.memory_space<hbm>>, %arg4: memref<10240x256xi32, #tpu.memory_space<hbm>>, %arg5: memref<10240x16xf32, #tpu.memory_space<hbm>>, %arg6: memref<10240x256xf32, #tpu.memory_space<hbm>>, %arg7: memref<10240xf32, #tpu.memory_space<hbm>>, %arg8: memref<10240xf32, #tpu.memory_space<hbm>>, %arg9: memref<10240x128xf32, #tpu.memory_space<hbm>>, %arg10: memref<10240x64xi32, #tpu.memory_space<hbm>>, %arg11: memref<10240xf32, #tpu.memory_space<vmem>>, %arg12: memref<10240xf32, #tpu.memory_space<vmem>>, %arg13: memref<320x16xi32, #tpu.memory_space<vmem>>, %arg14: memref<320x16xf32, #tpu.memory_space<vmem>>, %arg15: memref<512xi32, #tpu.memory_space<vmem>>, %arg16: memref<512xf32, #tpu.memory_space<vmem>>, %arg17: memref<272xf32, #tpu.memory_space<vmem>>, %arg18: memref<32xf32, #tpu.memory_space<vmem>>, %arg19: memref<32xi32, #tpu.memory_space<vmem>>, %arg20: memref<32x32xi32, #tpu.memory_space<vmem>>, %arg21: memref<512x32xi32, #tpu.memory_space<vmem>>, %arg22: memref<256xf32, #tpu.memory_space<vmem>>, %arg23: memref<128xi32, #tpu.memory_space<vmem>>, %arg24: memref<!tpu.dma_semaphore, #tpu.memory_space<semaphore_mem>>, %arg25: memref<!tpu.dma_semaphore, #tpu.memory_space<semaphore_mem>>, %arg26: memref<!tpu.dma_semaphore, #tpu.memory_space<semaphore_mem>>, %arg27: memref<!tpu.dma_semaphore, #tpu.memory_space<semaphore_mem>>, %arg28: memref<!tpu.dma_semaphore, #tpu.memory_space<semaphore_mem>>, %arg29: memref<!tpu.dma_semaphore, #tpu.memory_space<semaphore_mem>>) attributes {dimension_semantics = [#tpu.dimension_semantics<core_parallel>, #tpu.dimension_semantics<subcore_parallel>], iteration_bounds = array<i64: 2, 16>, scalar_prefetch = 0 : i64, scratch_operands = 19 : i64, tpu.core_type = #tpu.core_type<sc_vector_subcore>, window_params = [{transform_indices = #map}, {transform_indices = #map}, {transform_indices = #map}, {transform_indices = #map}, {transform_indices = #map}, {transform_indices = #map1}, {transform_indices = #map1}, {transform_indices = #map}, {transform_indices = #map}]} {
    %mul3A = arith.constant 2 : i32
    %mul3A_0 = arith.muli %arg1, %mul3A : i32
    %add3A = arith.addi %mul3A_0, %arg0 : i32
    %mul3A_1 = arith.constant 320 : i32
    %mul3A_2 = arith.muli %add3A, %mul3A_1 : i32
    "tpu.region"() ({
      %run_scoped3A = tpu.sem_alloc : memref<!tpu.dma_semaphore, #tpu.memory_space<semaphore_mem>>
      tpu.enqueue_dma source(%arg7 : memref<10240xf32, #tpu.memory_space<hbm>>) target(%arg11 : memref<10240xf32, #tpu.memory_space<vmem>>) target_semaphore(%run_scoped3A : memref<!tpu.dma_semaphore, #tpu.memory_space<semaphore_mem>>)
      tpu.wait_dma2 semaphore(%run_scoped3A : memref<!tpu.dma_semaphore, #tpu.memory_space<semaphore_mem>>) src(%arg7 : memref<10240xf32, #tpu.memory_space<hbm>>) dst(%arg11 : memref<10240xf32, #tpu.memory_space<vmem>>)
      tpu.yield
    }) : () -> ()
    "tpu.region"() ({
      %run_scoped3A = tpu.sem_alloc : memref<!tpu.dma_semaphore, #tpu.memory_space<semaphore_mem>>
      tpu.enqueue_dma source(%arg8 : memref<10240xf32, #tpu.memory_space<hbm>>) target(%arg12 : memref<10240xf32, #tpu.memory_space<vmem>>) target_semaphore(%run_scoped3A : memref<!tpu.dma_semaphore, #tpu.memory_space<semaphore_mem>>)
      tpu.wait_dma2 semaphore(%run_scoped3A : memref<!tpu.dma_semaphore, #tpu.memory_space<semaphore_mem>>) src(%arg8 : memref<10240xf32, #tpu.memory_space<hbm>>) dst(%arg12 : memref<10240xf32, #tpu.memory_space<vmem>>)
      tpu.yield
    }) : () -> ()
    "tpu.region"() ({
      %run_scoped3A = tpu.sem_alloc : memref<!tpu.dma_semaphore, #tpu.memory_space<semaphore_mem>>
      %dma_start3A_179 = arith.constant 0 : i32
      %dma_start3A_180 = tpu.memref_slice %arg3[%mul3A_2, %dma_start3A_179] : memref<10240x16xi32, #tpu.memory_space<hbm>> -> memref<320x16xi32, #tpu.memory_space<hbm>>
      %dma_start3A_181 = arith.constant 0 : i32
      %dma_start3A_182 = tpu.memref_slice %arg3[%mul3A_2, %dma_start3A_181] : memref<10240x16xi32, #tpu.memory_space<hbm>> -> memref<320x16xi32, #tpu.memory_space<hbm>>
      tpu.enqueue_dma source(%dma_start3A_182 : memref<320x16xi32, #tpu.memory_space<hbm>>) target(%arg13 : memref<320x16xi32, #tpu.memory_space<vmem>>) target_semaphore(%run_scoped3A : memref<!tpu.dma_semaphore, #tpu.memory_space<semaphore_mem>>)
      %dma_wait3A_183 = arith.constant 0 : i32
      %dma_wait3A_184 = tpu.memref_slice %arg3[%mul3A_2, %dma_wait3A_183] : memref<10240x16xi32, #tpu.memory_space<hbm>> -> memref<320x16xi32, #tpu.memory_space<hbm>>
      %dma_wait3A_185 = arith.constant 0 : i32
      %dma_wait3A_186 = tpu.memref_slice %arg3[%mul3A_2, %dma_wait3A_185] : memref<10240x16xi32, #tpu.memory_space<hbm>> -> memref<320x16xi32, #tpu.memory_space<hbm>>
      tpu.wait_dma2 semaphore(%run_scoped3A : memref<!tpu.dma_semaphore, #tpu.memory_space<semaphore_mem>>) src(%dma_wait3A_186 : memref<320x16xi32, #tpu.memory_space<hbm>>) dst(%arg13 : memref<320x16xi32, #tpu.memory_space<vmem>>)
      tpu.yield
    }) : () -> ()
    "tpu.region"() ({
      %run_scoped3A = tpu.sem_alloc : memref<!tpu.dma_semaphore, #tpu.memory_space<semaphore_mem>>
      %dma_start3A_179 = arith.constant 0 : i32
      %dma_start3A_180 = tpu.memref_slice %arg5[%mul3A_2, %dma_start3A_179] : memref<10240x16xf32, #tpu.memory_space<hbm>> -> memref<320x16xf32, #tpu.memory_space<hbm>>
      %dma_start3A_181 = arith.constant 0 : i32
      %dma_start3A_182 = tpu.memref_slice %arg5[%mul3A_2, %dma_start3A_181] : memref<10240x16xf32, #tpu.memory_space<hbm>> -> memref<320x16xf32, #tpu.memory_space<hbm>>
      tpu.enqueue_dma source(%dma_start3A_182 : memref<320x16xf32, #tpu.memory_space<hbm>>) target(%arg14 : memref<320x16xf32, #tpu.memory_space<vmem>>) target_semaphore(%run_scoped3A : memref<!tpu.dma_semaphore, #tpu.memory_space<semaphore_mem>>)
      %dma_wait3A_183 = arith.constant 0 : i32
      %dma_wait3A_184 = tpu.memref_slice %arg5[%mul3A_2, %dma_wait3A_183] : memref<10240x16xf32, #tpu.memory_space<hbm>> -> memref<320x16xf32, #tpu.memory_space<hbm>>
      %dma_wait3A_185 = arith.constant 0 : i32
      %dma_wait3A_186 = tpu.memref_slice %arg5[%mul3A_2, %dma_wait3A_185] : memref<10240x16xf32, #tpu.memory_space<hbm>> -> memref<320x16xf32, #tpu.memory_space<hbm>>
      tpu.wait_dma2 semaphore(%run_scoped3A : memref<!tpu.dma_semaphore, #tpu.memory_space<semaphore_mem>>) src(%dma_wait3A_186 : memref<320x16xf32, #tpu.memory_space<hbm>>) dst(%arg14 : memref<320x16xf32, #tpu.memory_space<vmem>>)
      tpu.yield
    }) : () -> ()
    %iota3A = tpu.iota {dimensions = array<i32: 0>} : vector<16xi32>
    %dma_start3A = arith.constant 0 : i32
    %dma_start3A_3 = tpu.memref_slice %arg15[%dma_start3A] : memref<512xi32, #tpu.memory_space<vmem>> -> memref<256xi32, #tpu.memory_space<vmem>>
    %dma_start3A_4 = arith.constant 0 : i32
    %dma_start3A_5 = tpu.memref_slice %arg4[%mul3A_2, %dma_start3A_4] : memref<10240x256xi32, #tpu.memory_space<hbm>> -> memref<1x256xi32, #tpu.memory_space<hbm>>
    %dma_start3A_6 = tpu.memref_squeeze %dma_start3A_5 : memref<1x256xi32, #tpu.memory_space<hbm>> -> memref<256xi32, #tpu.memory_space<hbm>>
    %dma_start3A_7 = arith.constant 0 : i32
    %dma_start3A_8 = tpu.memref_slice %arg15[%dma_start3A_7] : memref<512xi32, #tpu.memory_space<vmem>> -> memref<256xi32, #tpu.memory_space<vmem>>
    %dma_start3A_9 = arith.constant 0 : i32
    %dma_start3A_10 = tpu.memref_slice %arg4[%mul3A_2, %dma_start3A_9] : memref<10240x256xi32, #tpu.memory_space<hbm>> -> memref<1x256xi32, #tpu.memory_space<hbm>>
    %dma_start3A_11 = tpu.memref_squeeze %dma_start3A_10 : memref<1x256xi32, #tpu.memory_space<hbm>> -> memref<256xi32, #tpu.memory_space<hbm>>
    tpu.enqueue_dma source(%dma_start3A_11 : memref<256xi32, #tpu.memory_space<hbm>>) target(%dma_start3A_8 : memref<256xi32, #tpu.memory_space<vmem>>) target_semaphore(%arg26 : memref<!tpu.dma_semaphore, #tpu.memory_space<semaphore_mem>>)
    %dma_start3A_12 = arith.constant 0 : i32
    %dma_start3A_13 = tpu.memref_slice %arg16[%dma_start3A_12] : memref<512xf32, #tpu.memory_space<vmem>> -> memref<256xf32, #tpu.memory_space<vmem>>
    %dma_start3A_14 = arith.constant 0 : i32
    %dma_start3A_15 = tpu.memref_slice %arg6[%mul3A_2, %dma_start3A_14] : memref<10240x256xf32, #tpu.memory_space<hbm>> -> memref<1x256xf32, #tpu.memory_space<hbm>>
    %dma_start3A_16 = tpu.memref_squeeze %dma_start3A_15 : memref<1x256xf32, #tpu.memory_space<hbm>> -> memref<256xf32, #tpu.memory_space<hbm>>
    %dma_start3A_17 = arith.constant 0 : i32
    %dma_start3A_18 = tpu.memref_slice %arg16[%dma_start3A_17] : memref<512xf32, #tpu.memory_space<vmem>> -> memref<256xf32, #tpu.memory_space<vmem>>
    %dma_start3A_19 = arith.constant 0 : i32
    %dma_start3A_20 = tpu.memref_slice %arg6[%mul3A_2, %dma_start3A_19] : memref<10240x256xf32, #tpu.memory_space<hbm>> -> memref<1x256xf32, #tpu.memory_space<hbm>>
    %dma_start3A_21 = tpu.memref_squeeze %dma_start3A_20 : memref<1x256xf32, #tpu.memory_space<hbm>> -> memref<256xf32, #tpu.memory_space<hbm>>
    tpu.enqueue_dma source(%dma_start3A_21 : memref<256xf32, #tpu.memory_space<hbm>>) target(%dma_start3A_18 : memref<256xf32, #tpu.memory_space<vmem>>) target_semaphore(%arg27 : memref<!tpu.dma_semaphore, #tpu.memory_space<semaphore_mem>>)
    %add3A_22 = arith.constant 1 : i32
    %add3A_23 = arith.addi %mul3A_2, %add3A_22 : i32
    %dma_start3A_24 = arith.constant 256 : i32
    %dma_start3A_25 = tpu.memref_slice %arg15[%dma_start3A_24] : memref<512xi32, #tpu.memory_space<vmem>> -> memref<256xi32, #tpu.memory_space<vmem>>
    %dma_start3A_26 = arith.constant 0 : i32
    %dma_start3A_27 = tpu.memref_slice %arg4[%add3A_23, %dma_start3A_26] : memref<10240x256xi32, #tpu.memory_space<hbm>> -> memref<1x256xi32, #tpu.memory_space<hbm>>
    %dma_start3A_28 = tpu.memref_squeeze %dma_start3A_27 : memref<1x256xi32, #tpu.memory_space<hbm>> -> memref<256xi32, #tpu.memory_space<hbm>>
    %dma_start3A_29 = arith.constant 256 : i32
    %dma_start3A_30 = tpu.memref_slice %arg15[%dma_start3A_29] : memref<512xi32, #tpu.memory_space<vmem>> -> memref<256xi32, #tpu.memory_space<vmem>>
    %dma_start3A_31 = arith.constant 0 : i32
    %dma_start3A_32 = tpu.memref_slice %arg4[%add3A_23, %dma_start3A_31] : memref<10240x256xi32, #tpu.memory_space<hbm>> -> memref<1x256xi32, #tpu.memory_space<hbm>>
    %dma_start3A_33 = tpu.memref_squeeze %dma_start3A_32 : memref<1x256xi32, #tpu.memory_space<hbm>> -> memref<256xi32, #tpu.memory_space<hbm>>
    tpu.enqueue_dma source(%dma_start3A_33 : memref<256xi32, #tpu.memory_space<hbm>>) target(%dma_start3A_30 : memref<256xi32, #tpu.memory_space<vmem>>) target_semaphore(%arg26 : memref<!tpu.dma_semaphore, #tpu.memory_space<semaphore_mem>>)
    %dma_start3A_34 = arith.constant 256 : i32
    %dma_start3A_35 = tpu.memref_slice %arg16[%dma_start3A_34] : memref<512xf32, #tpu.memory_space<vmem>> -> memref<256xf32, #tpu.memory_space<vmem>>
    %dma_start3A_36 = arith.constant 0 : i32
    %dma_start3A_37 = tpu.memref_slice %arg6[%add3A_23, %dma_start3A_36] : memref<10240x256xf32, #tpu.memory_space<hbm>> -> memref<1x256xf32, #tpu.memory_space<hbm>>
    %dma_start3A_38 = tpu.memref_squeeze %dma_start3A_37 : memref<1x256xf32, #tpu.memory_space<hbm>> -> memref<256xf32, #tpu.memory_space<hbm>>
    %dma_start3A_39 = arith.constant 256 : i32
    %dma_start3A_40 = tpu.memref_slice %arg16[%dma_start3A_39] : memref<512xf32, #tpu.memory_space<vmem>> -> memref<256xf32, #tpu.memory_space<vmem>>
    %dma_start3A_41 = arith.constant 0 : i32
    %dma_start3A_42 = tpu.memref_slice %arg6[%add3A_23, %dma_start3A_41] : memref<10240x256xf32, #tpu.memory_space<hbm>> -> memref<1x256xf32, #tpu.memory_space<hbm>>
    %dma_start3A_43 = tpu.memref_squeeze %dma_start3A_42 : memref<1x256xf32, #tpu.memory_space<hbm>> -> memref<256xf32, #tpu.memory_space<hbm>>
    tpu.enqueue_dma source(%dma_start3A_43 : memref<256xf32, #tpu.memory_space<hbm>>) target(%dma_start3A_40 : memref<256xf32, #tpu.memory_space<vmem>>) target_semaphore(%arg27 : memref<!tpu.dma_semaphore, #tpu.memory_space<semaphore_mem>>)
    %dma_wait3A = arith.constant 0 : i32
    %dma_wait3A_44 = tpu.memref_slice %arg15[%dma_wait3A] : memref<512xi32, #tpu.memory_space<vmem>> -> memref<256xi32, #tpu.memory_space<vmem>>
    %dma_wait3A_45 = arith.constant 0 : i32
    %dma_wait3A_46 = tpu.memref_slice %arg4[%mul3A_2, %dma_wait3A_45] : memref<10240x256xi32, #tpu.memory_space<hbm>> -> memref<1x256xi32, #tpu.memory_space<hbm>>
    %dma_wait3A_47 = tpu.memref_squeeze %dma_wait3A_46 : memref<1x256xi32, #tpu.memory_space<hbm>> -> memref<256xi32, #tpu.memory_space<hbm>>
    %dma_wait3A_48 = arith.constant 0 : i32
    %dma_wait3A_49 = tpu.memref_slice %arg15[%dma_wait3A_48] : memref<512xi32, #tpu.memory_space<vmem>> -> memref<256xi32, #tpu.memory_space<vmem>>
    %dma_wait3A_50 = arith.constant 0 : i32
    %dma_wait3A_51 = tpu.memref_slice %arg4[%mul3A_2, %dma_wait3A_50] : memref<10240x256xi32, #tpu.memory_space<hbm>> -> memref<1x256xi32, #tpu.memory_space<hbm>>
    %dma_wait3A_52 = tpu.memref_squeeze %dma_wait3A_51 : memref<1x256xi32, #tpu.memory_space<hbm>> -> memref<256xi32, #tpu.memory_space<hbm>>
    tpu.wait_dma2 semaphore(%arg26 : memref<!tpu.dma_semaphore, #tpu.memory_space<semaphore_mem>>) src(%dma_wait3A_52 : memref<256xi32, #tpu.memory_space<hbm>>) dst(%dma_wait3A_49 : memref<256xi32, #tpu.memory_space<vmem>>)
    %dma_wait3A_53 = arith.constant 0 : i32
    %dma_wait3A_54 = tpu.memref_slice %arg16[%dma_wait3A_53] : memref<512xf32, #tpu.memory_space<vmem>> -> memref<256xf32, #tpu.memory_space<vmem>>
    %dma_wait3A_55 = arith.constant 0 : i32
    %dma_wait3A_56 = tpu.memref_slice %arg6[%mul3A_2, %dma_wait3A_55] : memref<10240x256xf32, #tpu.memory_space<hbm>> -> memref<1x256xf32, #tpu.memory_space<hbm>>
    %dma_wait3A_57 = tpu.memref_squeeze %dma_wait3A_56 : memref<1x256xf32, #tpu.memory_space<hbm>> -> memref<256xf32, #tpu.memory_space<hbm>>
    %dma_wait3A_58 = arith.constant 0 : i32
    %dma_wait3A_59 = tpu.memref_slice %arg16[%dma_wait3A_58] : memref<512xf32, #tpu.memory_space<vmem>> -> memref<256xf32, #tpu.memory_space<vmem>>
    %dma_wait3A_60 = arith.constant 0 : i32
    %dma_wait3A_61 = tpu.memref_slice %arg6[%mul3A_2, %dma_wait3A_60] : memref<10240x256xf32, #tpu.memory_space<hbm>> -> memref<1x256xf32, #tpu.memory_space<hbm>>
    %dma_wait3A_62 = tpu.memref_squeeze %dma_wait3A_61 : memref<1x256xf32, #tpu.memory_space<hbm>> -> memref<256xf32, #tpu.memory_space<hbm>>
    tpu.wait_dma2 semaphore(%arg27 : memref<!tpu.dma_semaphore, #tpu.memory_space<semaphore_mem>>) src(%dma_wait3A_62 : memref<256xf32, #tpu.memory_space<hbm>>) dst(%dma_wait3A_59 : memref<256xf32, #tpu.memory_space<vmem>>)
    %broadcast_in_dim3A = arith.constant 0 : i32
    %broadcast_in_dim3A_63 = vector.broadcast %broadcast_in_dim3A : i32 to vector<16xi32>
    %gather3A = tpu.vector_load_idx %arg13[%broadcast_in_dim3A_63, %iota3A] : memref<320x16xi32, #tpu.memory_space<vmem>>[vector<16xi32>, vector<16xi32>], vector<16xi32>,
    %swap3A = arith.constant 0 : index
    %swap3A_64 = tpu.vector_load %arg19[%swap3A] {strides = array<i32>} : memref<32xi32, #tpu.memory_space<vmem>>, vector<16xi32>,
    tpu.vector_store %arg19[%swap3A], %gather3A {strides = array<i32>} : memref<32xi32, #tpu.memory_space<vmem>>, vector<16xi32>,
    %dma_start3A_65 = arith.constant 0 : i32
    %dma_start3A_66 = arith.constant 0 : i32
    %dma_start3A_67 = tpu.memref_slice %arg20[%dma_start3A_65, %dma_start3A_66] : memref<32x32xi32, #tpu.memory_space<vmem>> -> memref<16x32xi32, #tpu.memory_space<vmem>>
    %dma_start3A_68 = arith.constant 0 : i32
    %dma_start3A_69 = tpu.memref_slice %arg19[%dma_start3A_68] : memref<32xi32, #tpu.memory_space<vmem>> -> memref<16xi32, #tpu.memory_space<vmem>>
    %dma_start3A_70 = arith.constant 0 : i32
    %dma_start3A_71 = arith.constant 0 : i32
    %dma_start3A_72 = tpu.memref_slice %arg2[%dma_start3A_70, %dma_start3A_71] : memref<10240x32xi32, #tpu.memory_space<hbm>> -> memref<10240x32xi32, #tpu.memory_space<hbm>>
    tpu.enqueue_indirect_dma source(%dma_start3A_72 : memref<10240x32xi32, #tpu.memory_space<hbm>>) target(%dma_start3A_67 : memref<16x32xi32, #tpu.memory_space<vmem>>) offsets(%dma_start3A_69 : memref<16xi32, #tpu.memory_space<vmem>>) semaphore(%arg24 : memref<!tpu.dma_semaphore, #tpu.memory_space<semaphore_mem>>)
    %dma_start3A_73 = arith.constant 0 : i32
    %dma_start3A_74 = arith.constant 0 : i32
    %dma_start3A_75 = tpu.memref_slice %arg21[%dma_start3A_73, %dma_start3A_74] : memref<512x32xi32, #tpu.memory_space<vmem>> -> memref<128x32xi32, #tpu.memory_space<vmem>>
    %dma_start3A_76 = arith.constant 0 : i32
    %dma_start3A_77 = tpu.memref_slice %arg15[%dma_start3A_76] : memref<512xi32, #tpu.memory_space<vmem>> -> memref<128xi32, #tpu.memory_space<vmem>>
    %dma_start3A_78 = arith.constant 0 : i32
    %dma_start3A_79 = arith.constant 0 : i32
    %dma_start3A_80 = tpu.memref_slice %arg2[%dma_start3A_78, %dma_start3A_79] : memref<10240x32xi32, #tpu.memory_space<hbm>> -> memref<10240x32xi32, #tpu.memory_space<hbm>>
    tpu.enqueue_indirect_dma source(%dma_start3A_80 : memref<10240x32xi32, #tpu.memory_space<hbm>>) target(%dma_start3A_75 : memref<128x32xi32, #tpu.memory_space<vmem>>) offsets(%dma_start3A_77 : memref<128xi32, #tpu.memory_space<vmem>>) semaphore(%arg25 : memref<!tpu.dma_semaphore, #tpu.memory_space<semaphore_mem>>)
    %dma_start3A_81 = arith.constant 128 : i32
    %dma_start3A_82 = arith.constant 0 : i32
    %dma_start3A_83 = tpu.memref_slice %arg21[%dma_start3A_81, %dma_start3A_82] : memref<512x32xi32, #tpu.memory_space<vmem>> -> memref<128x32xi32, #tpu.memory_space<vmem>>
    %dma_start3A_84 = arith.constant 128 : i32
    %dma_start3A_85 = tpu.memref_slice %arg15[%dma_start3A_84] : memref<512xi32, #tpu.memory_space<vmem>> -> memref<128xi32, #tpu.memory_space<vmem>>
    %dma_start3A_86 = arith.constant 0 : i32
    %dma_start3A_87 = arith.constant 0 : i32
    %dma_start3A_88 = tpu.memref_slice %arg2[%dma_start3A_86, %dma_start3A_87] : memref<10240x32xi32, #tpu.memory_space<hbm>> -> memref<10240x32xi32, #tpu.memory_space<hbm>>
    tpu.enqueue_indirect_dma source(%dma_start3A_88 : memref<10240x32xi32, #tpu.memory_space<hbm>>) target(%dma_start3A_83 : memref<128x32xi32, #tpu.memory_space<vmem>>) offsets(%dma_start3A_85 : memref<128xi32, #tpu.memory_space<vmem>>) semaphore(%arg25 : memref<!tpu.dma_semaphore, #tpu.memory_space<semaphore_mem>>)
    %scan3A = arith.constant 0 : i32
    %scan3A_89 = arith.constant 0 : i32
    %scan3A_90 = arith.constant 320 : i32
    %scan3A_91 = arith.addi %scan3A_89, %scan3A_90 : i32
    %scan3A_92 = arith.constant 1 : i32
    %scan3A_93 = scf.for %scan3A_179 = %scan3A_89 to %scan3A_91 step %scan3A_92 iter_args(%scan3A_180 = %scan3A) -> (i32)  : i32 {
      %rem3A = arith.constant 2 : i32
      %rem3A_181 = arith.remsi %scan3A_179, %rem3A : i32
      %add3A_182 = arith.constant 1 : i32
      %add3A_183 = arith.addi %scan3A_179, %add3A_182 : i32
      %rem3A_184 = arith.constant 2 : i32
      %rem3A_185 = arith.remsi %add3A_183, %rem3A_184 : i32
      %add3A_186 = arith.constant 1 : i32
      %add3A_187 = arith.addi %scan3A_179, %add3A_186 : i32
      %min3A = arith.constant 319 : i32
      %min3A_188 = arith.minsi %add3A_187, %min3A : i32
      %add3A_189 = arith.constant 2 : i32
      %add3A_190 = arith.addi %scan3A_179, %add3A_189 : i32
      %min3A_191 = arith.constant 319 : i32
      %min3A_192 = arith.minsi %add3A_190, %min3A_191 : i32
      %add3A_193 = arith.addi %mul3A_2, %scan3A_179 : i32
      %mul3A_194 = arith.constant 256 : i32
      %mul3A_195 = arith.muli %rem3A_181, %mul3A_194 : i32
      %mul3A_196 = arith.constant 256 : i32
      %mul3A_197 = arith.muli %rem3A_185, %mul3A_196 : i32
      %dma_wait3A_198 = tpu.memref_slice %arg15[%mul3A_197] : memref<512xi32, #tpu.memory_space<vmem>> -> memref<256xi32, #tpu.memory_space<vmem>>
      %dma_wait3A_199 = arith.constant 0 : i32
      %dma_wait3A_200 = tpu.memref_slice %arg4[%mul3A_2, %dma_wait3A_199] : memref<10240x256xi32, #tpu.memory_space<hbm>> -> memref<1x256xi32, #tpu.memory_space<hbm>>
      %dma_wait3A_201 = tpu.memref_squeeze %dma_wait3A_200 : memref<1x256xi32, #tpu.memory_space<hbm>> -> memref<256xi32, #tpu.memory_space<hbm>>
      %dma_wait3A_202 = tpu.memref_slice %arg15[%mul3A_197] : memref<512xi32, #tpu.memory_space<vmem>> -> memref<256xi32, #tpu.memory_space<vmem>>
      %dma_wait3A_203 = arith.constant 0 : i32
      %dma_wait3A_204 = tpu.memref_slice %arg4[%mul3A_2, %dma_wait3A_203] : memref<10240x256xi32, #tpu.memory_space<hbm>> -> memref<1x256xi32, #tpu.memory_space<hbm>>
      %dma_wait3A_205 = tpu.memref_squeeze %dma_wait3A_204 : memref<1x256xi32, #tpu.memory_space<hbm>> -> memref<256xi32, #tpu.memory_space<hbm>>
      tpu.wait_dma2 semaphore(%arg26 : memref<!tpu.dma_semaphore, #tpu.memory_space<semaphore_mem>>) src(%dma_wait3A_205 : memref<256xi32, #tpu.memory_space<hbm>>) dst(%dma_wait3A_202 : memref<256xi32, #tpu.memory_space<vmem>>)
      %mul3A_206 = arith.constant 256 : i32
      %mul3A_207 = arith.muli %rem3A_185, %mul3A_206 : i32
      %dma_wait3A_208 = tpu.memref_slice %arg16[%mul3A_207] : memref<512xf32, #tpu.memory_space<vmem>> -> memref<256xf32, #tpu.memory_space<vmem>>
      %dma_wait3A_209 = arith.constant 0 : i32
      %dma_wait3A_210 = tpu.memref_slice %arg6[%mul3A_2, %dma_wait3A_209] : memref<10240x256xf32, #tpu.memory_space<hbm>> -> memref<1x256xf32, #tpu.memory_space<hbm>>
      %dma_wait3A_211 = tpu.memref_squeeze %dma_wait3A_210 : memref<1x256xf32, #tpu.memory_space<hbm>> -> memref<256xf32, #tpu.memory_space<hbm>>
      %dma_wait3A_212 = tpu.memref_slice %arg16[%mul3A_207] : memref<512xf32, #tpu.memory_space<vmem>> -> memref<256xf32, #tpu.memory_space<vmem>>
      %dma_wait3A_213 = arith.constant 0 : i32
      %dma_wait3A_214 = tpu.memref_slice %arg6[%mul3A_2, %dma_wait3A_213] : memref<10240x256xf32, #tpu.memory_space<hbm>> -> memref<1x256xf32, #tpu.memory_space<hbm>>
      %dma_wait3A_215 = tpu.memref_squeeze %dma_wait3A_214 : memref<1x256xf32, #tpu.memory_space<hbm>> -> memref<256xf32, #tpu.memory_space<hbm>>
      tpu.wait_dma2 semaphore(%arg27 : memref<!tpu.dma_semaphore, #tpu.memory_space<semaphore_mem>>) src(%dma_wait3A_215 : memref<256xf32, #tpu.memory_space<hbm>>) dst(%dma_wait3A_212 : memref<256xf32, #tpu.memory_space<vmem>>)
      %broadcast_in_dim3A_216 = vector.broadcast %min3A_188 : i32 to vector<16xi32>
      %gather3A_217 = tpu.vector_load_idx %arg13[%broadcast_in_dim3A_216, %iota3A] : memref<320x16xi32, #tpu.memory_space<vmem>>[vector<16xi32>, vector<16xi32>], vector<16xi32>,
      %mul3A_218 = arith.constant 16 : i32
      %mul3A_219 = arith.muli %rem3A_185, %mul3A_218 : i32
      %swap3A_220 = arith.index_cast %mul3A_219 : i32 to index
      %swap3A_221 = tpu.vector_load %arg19[%swap3A_220] {strides = array<i32>} : memref<32xi32, #tpu.memory_space<vmem>>, vector<16xi32>,
      tpu.vector_store %arg19[%swap3A_220], %gather3A_217 {strides = array<i32>} : memref<32xi32, #tpu.memory_space<vmem>>, vector<16xi32>,
      %mul3A_222 = arith.constant 16 : i32
      %mul3A_223 = arith.muli %rem3A_185, %mul3A_222 : i32
      %mul3A_224 = arith.constant 16 : i32
      %mul3A_225 = arith.muli %rem3A_185, %mul3A_224 : i32
      %dma_start3A_226 = arith.constant 0 : i32
      %dma_start3A_227 = tpu.memref_slice %arg20[%mul3A_225, %dma_start3A_226] : memref<32x32xi32, #tpu.memory_space<vmem>> -> memref<16x32xi32, #tpu.memory_space<vmem>>
      %dma_start3A_228 = tpu.memref_slice %arg19[%mul3A_223] : memref<32xi32, #tpu.memory_space<vmem>> -> memref<16xi32, #tpu.memory_space<vmem>>
      %dma_start3A_229 = arith.constant 0 : i32
      %dma_start3A_230 = arith.constant 0 : i32
      %dma_start3A_231 = tpu.memref_slice %arg2[%dma_start3A_229, %dma_start3A_230] : memref<10240x32xi32, #tpu.memory_space<hbm>> -> memref<10240x32xi32, #tpu.memory_space<hbm>>
      tpu.enqueue_indirect_dma source(%dma_start3A_231 : memref<10240x32xi32, #tpu.memory_space<hbm>>) target(%dma_start3A_227 : memref<16x32xi32, #tpu.memory_space<vmem>>) offsets(%dma_start3A_228 : memref<16xi32, #tpu.memory_space<vmem>>) semaphore(%arg24 : memref<!tpu.dma_semaphore, #tpu.memory_space<semaphore_mem>>)
      %mul3A_232 = arith.constant 256 : i32
      %mul3A_233 = arith.muli %rem3A_185, %mul3A_232 : i32
      %mul3A_234 = arith.constant 256 : i32
      %mul3A_235 = arith.muli %rem3A_185, %mul3A_234 : i32
      %dma_start3A_236 = arith.constant 0 : i32
      %dma_start3A_237 = tpu.memref_slice %arg21[%mul3A_235, %dma_start3A_236] : memref<512x32xi32, #tpu.memory_space<vmem>> -> memref<128x32xi32, #tpu.memory_space<vmem>>
      %dma_start3A_238 = tpu.memref_slice %arg15[%mul3A_233] : memref<512xi32, #tpu.memory_space<vmem>> -> memref<128xi32, #tpu.memory_space<vmem>>
      %dma_start3A_239 = arith.constant 0 : i32
      %dma_start3A_240 = arith.constant 0 : i32
      %dma_start3A_241 = tpu.memref_slice %arg2[%dma_start3A_239, %dma_start3A_240] : memref<10240x32xi32, #tpu.memory_space<hbm>> -> memref<10240x32xi32, #tpu.memory_space<hbm>>
      tpu.enqueue_indirect_dma source(%dma_start3A_241 : memref<10240x32xi32, #tpu.memory_space<hbm>>) target(%dma_start3A_237 : memref<128x32xi32, #tpu.memory_space<vmem>>) offsets(%dma_start3A_238 : memref<128xi32, #tpu.memory_space<vmem>>) semaphore(%arg25 : memref<!tpu.dma_semaphore, #tpu.memory_space<semaphore_mem>>)
      %mul3A_242 = arith.constant 256 : i32
      %mul3A_243 = arith.muli %rem3A_185, %mul3A_242 : i32
      %add3A_244 = arith.constant 128 : i32
      %add3A_245 = arith.addi %mul3A_243, %add3A_244 : i32
      %mul3A_246 = arith.constant 256 : i32
      %mul3A_247 = arith.muli %rem3A_185, %mul3A_246 : i32
      %add3A_248 = arith.constant 128 : i32
      %add3A_249 = arith.addi %mul3A_247, %add3A_248 : i32
      %dma_start3A_250 = arith.constant 0 : i32
      %dma_start3A_251 = tpu.memref_slice %arg21[%add3A_249, %dma_start3A_250] : memref<512x32xi32, #tpu.memory_space<vmem>> -> memref<128x32xi32, #tpu.memory_space<vmem>>
      %dma_start3A_252 = tpu.memref_slice %arg15[%add3A_245] : memref<512xi32, #tpu.memory_space<vmem>> -> memref<128xi32, #tpu.memory_space<vmem>>
      %dma_start3A_253 = arith.constant 0 : i32
      %dma_start3A_254 = arith.constant 0 : i32
      %dma_start3A_255 = tpu.memref_slice %arg2[%dma_start3A_253, %dma_start3A_254] : memref<10240x32xi32, #tpu.memory_space<hbm>> -> memref<10240x32xi32, #tpu.memory_space<hbm>>
      tpu.enqueue_indirect_dma source(%dma_start3A_255 : memref<10240x32xi32, #tpu.memory_space<hbm>>) target(%dma_start3A_251 : memref<128x32xi32, #tpu.memory_space<vmem>>) offsets(%dma_start3A_252 : memref<128xi32, #tpu.memory_space<vmem>>) semaphore(%arg25 : memref<!tpu.dma_semaphore, #tpu.memory_space<semaphore_mem>>)
      %broadcast_in_dim3A_256 = vector.broadcast %scan3A_179 : i32 to vector<16xi32>
      %gather3A_257 = tpu.vector_load_idx %arg13[%broadcast_in_dim3A_256, %iota3A] : memref<320x16xi32, #tpu.memory_space<vmem>>[vector<16xi32>, vector<16xi32>], vector<16xi32>,
      %broadcast_in_dim3A_258 = vector.broadcast %scan3A_179 : i32 to vector<16xi32>
      %gather3A_259 = tpu.vector_load_idx %arg14[%broadcast_in_dim3A_258, %iota3A] : memref<320x16xf32, #tpu.memory_space<vmem>>[vector<16xi32>, vector<16xi32>], vector<16xf32>,
      %gather3A_260 = tpu.vector_load_idx %arg11[%gather3A_257] : memref<10240xf32, #tpu.memory_space<vmem>>[vector<16xi32>], vector<16xf32>,
      %mul3A_261 = arith.mulf %gather3A_259, %gather3A_260 : vector<16xf32>
      %swap3A_262 = arith.constant 0 : index
      %swap3A_263 = tpu.vector_load %arg18[%swap3A_262] {strides = array<i32>} : memref<32xf32, #tpu.memory_space<vmem>>, vector<16xf32>,
      tpu.vector_store %arg18[%swap3A_262], %mul3A_261 {strides = array<i32>} : memref<32xf32, #tpu.memory_space<vmem>>, vector<16xf32>,
      %scan3A_264 = arith.constant 0 : i32
      %scan3A_265 = arith.constant 0 : i32
      %scan3A_266 = arith.constant 16 : i32
      %scan3A_267 = arith.addi %scan3A_265, %scan3A_266 : i32
      %scan3A_268 = arith.constant 1 : i32
      %scan3A_269 = scf.for %scan3A_518 = %scan3A_265 to %scan3A_267 step %scan3A_268 iter_args(%scan3A_519 = %scan3A_264) -> (i32)  : i32 {
        %mul3A_520 = arith.constant 16 : i32
        %mul3A_521 = arith.muli %scan3A_518, %mul3A_520 : i32
        %add3A_522 = arith.addi %mul3A_195, %mul3A_521 : i32
        %get3A = arith.index_cast %add3A_522 : i32 to index
        %get3A_523 = tpu.vector_load %arg15[%get3A] {strides = array<i32>} : memref<512xi32, #tpu.memory_space<vmem>>, vector<16xi32>,
        %mul3A_524 = arith.constant 16 : i32
        %mul3A_525 = arith.muli %scan3A_518, %mul3A_524 : i32
        %add3A_526 = arith.addi %mul3A_195, %mul3A_525 : i32
        %get3A_527 = arith.index_cast %add3A_526 : i32 to index
        %get3A_528 = tpu.vector_load %arg16[%get3A_527] {strides = array<i32>} : memref<512xf32, #tpu.memory_space<vmem>>, vector<16xf32>,
        %gather3A_529 = tpu.vector_load_idx %arg12[%get3A_523] : memref<10240xf32, #tpu.memory_space<vmem>>[vector<16xi32>], vector<16xf32>,
        %mul3A_530 = arith.mulf %get3A_528, %gather3A_529 : vector<16xf32>
        %mul3A_531 = arith.constant 16 : i32
        %mul3A_532 = arith.muli %scan3A_518, %mul3A_531 : i32
        %swap3A_533 = arith.index_cast %mul3A_532 : i32 to index
        %swap3A_534 = tpu.vector_load %arg17[%swap3A_533] {strides = array<i32>} : memref<272xf32, #tpu.memory_space<vmem>>, vector<16xf32>,
        tpu.vector_store %arg17[%swap3A_533], %mul3A_530 {strides = array<i32>} : memref<272xf32, #tpu.memory_space<vmem>>, vector<16xf32>,
        %scan3A_535 = arith.constant 0 : i32
        scf.yield %scan3A_535 : i32
      }
      %scan3A_270 = arith.constant 16 : i32
      %mul3A_271 = arith.constant 16 : i32
      %mul3A_272 = arith.muli %rem3A_181, %mul3A_271 : i32
      %mul3A_273 = arith.constant 16 : i32
      %mul3A_274 = arith.muli %rem3A_181, %mul3A_273 : i32
      %dma_wait3A_275 = arith.constant 0 : i32
      %dma_wait3A_276 = tpu.memref_slice %arg20[%mul3A_274, %dma_wait3A_275] : memref<32x32xi32, #tpu.memory_space<vmem>> -> memref<16x32xi32, #tpu.memory_space<vmem>>
      %dma_wait3A_277 = tpu.memref_slice %arg19[%mul3A_272] : memref<32xi32, #tpu.memory_space<vmem>> -> memref<16xi32, #tpu.memory_space<vmem>>
      %dma_wait3A_278 = arith.constant 0 : i32
      %dma_wait3A_279 = arith.constant 0 : i32
      %dma_wait3A_280 = tpu.memref_slice %arg2[%dma_wait3A_278, %dma_wait3A_279] : memref<10240x32xi32, #tpu.memory_space<hbm>> -> memref<10240x32xi32, #tpu.memory_space<hbm>>
      tpu.wait_indirect_dma semaphore(%arg24 : memref<!tpu.dma_semaphore, #tpu.memory_space<semaphore_mem>>) src(%dma_wait3A_280 : memref<10240x32xi32, #tpu.memory_space<hbm>>) dst(%dma_wait3A_276 : memref<16x32xi32, #tpu.memory_space<vmem>>)
      %mul3A_281 = arith.constant 256 : i32
      %mul3A_282 = arith.muli %rem3A_181, %mul3A_281 : i32
      %add3A_283 = arith.constant 0 : i32
      %add3A_284 = arith.addi %mul3A_282, %add3A_283 : i32
      %mul3A_285 = arith.constant 256 : i32
      %mul3A_286 = arith.muli %rem3A_181, %mul3A_285 : i32
      %add3A_287 = arith.constant 0 : i32
      %add3A_288 = arith.addi %mul3A_286, %add3A_287 : i32
      %dma_wait3A_289 = arith.constant 0 : i32
      %dma_wait3A_290 = tpu.memref_slice %arg21[%add3A_288, %dma_wait3A_289] : memref<512x32xi32, #tpu.memory_space<vmem>> -> memref<128x32xi32, #tpu.memory_space<vmem>>
      %dma_wait3A_291 = tpu.memref_slice %arg15[%add3A_284] : memref<512xi32, #tpu.memory_space<vmem>> -> memref<128xi32, #tpu.memory_space<vmem>>
      %dma_wait3A_292 = arith.constant 0 : i32
      %dma_wait3A_293 = arith.constant 0 : i32
      %dma_wait3A_294 = tpu.memref_slice %arg2[%dma_wait3A_292, %dma_wait3A_293] : memref<10240x32xi32, #tpu.memory_space<hbm>> -> memref<10240x32xi32, #tpu.memory_space<hbm>>
      tpu.wait_indirect_dma semaphore(%arg25 : memref<!tpu.dma_semaphore, #tpu.memory_space<semaphore_mem>>) src(%dma_wait3A_294 : memref<10240x32xi32, #tpu.memory_space<hbm>>) dst(%dma_wait3A_290 : memref<128x32xi32, #tpu.memory_space<vmem>>)
      %mul3A_295 = arith.constant 256 : i32
      %mul3A_296 = arith.muli %rem3A_181, %mul3A_295 : i32
      %add3A_297 = arith.constant 128 : i32
      %add3A_298 = arith.addi %mul3A_296, %add3A_297 : i32
      %mul3A_299 = arith.constant 256 : i32
      %mul3A_300 = arith.muli %rem3A_181, %mul3A_299 : i32
      %add3A_301 = arith.constant 128 : i32
      %add3A_302 = arith.addi %mul3A_300, %add3A_301 : i32
      %dma_wait3A_303 = arith.constant 0 : i32
      %dma_wait3A_304 = tpu.memref_slice %arg21[%add3A_302, %dma_wait3A_303] : memref<512x32xi32, #tpu.memory_space<vmem>> -> memref<128x32xi32, #tpu.memory_space<vmem>>
      %dma_wait3A_305 = tpu.memref_slice %arg15[%add3A_298] : memref<512xi32, #tpu.memory_space<vmem>> -> memref<128xi32, #tpu.memory_space<vmem>>
      %dma_wait3A_306 = arith.constant 0 : i32
      %dma_wait3A_307 = arith.constant 0 : i32
      %dma_wait3A_308 = tpu.memref_slice %arg2[%dma_wait3A_306, %dma_wait3A_307] : memref<10240x32xi32, #tpu.memory_space<hbm>> -> memref<10240x32xi32, #tpu.memory_space<hbm>>
      tpu.wait_indirect_dma semaphore(%arg25 : memref<!tpu.dma_semaphore, #tpu.memory_space<semaphore_mem>>) src(%dma_wait3A_308 : memref<10240x32xi32, #tpu.memory_space<hbm>>) dst(%dma_wait3A_304 : memref<128x32xi32, #tpu.memory_space<vmem>>)
      %add3A_309 = arith.constant 0 : i32
      %add3A_310 = vector.broadcast %add3A_309 : i32 to vector<16xi32>
      %add3A_311 = arith.addi %iota3A, %add3A_310 : vector<16xi32>
      %add3A_312 = arith.constant 16 : i32
      %add3A_313 = vector.broadcast %add3A_312 : i32 to vector<16xi32>
      %add3A_314 = arith.addi %iota3A, %add3A_313 : vector<16xi32>
      %broadcast_in_dim3A_315 = arith.constant 0.000000e+00 : f32
      %broadcast_in_dim3A_316 = vector.broadcast %broadcast_in_dim3A_315 : f32 to vector<16xf32>
      %broadcast_in_dim3A_317 = arith.constant 0.000000e+00 : f32
      %broadcast_in_dim3A_318 = vector.broadcast %broadcast_in_dim3A_317 : f32 to vector<16xf32>
      %broadcast_in_dim3A_319 = arith.constant 0.000000e+00 : f32
      %broadcast_in_dim3A_320 = vector.broadcast %broadcast_in_dim3A_319 : f32 to vector<16xf32>
      %broadcast_in_dim3A_321 = arith.constant 0.000000e+00 : f32
      %broadcast_in_dim3A_322 = vector.broadcast %broadcast_in_dim3A_321 : f32 to vector<16xf32>
      %scan3A_323 = arith.constant 0 : i32
      %scan3A_324 = arith.constant 4 : i32
      %scan3A_325 = arith.addi %scan3A_323, %scan3A_324 : i32
      %scan3A_326 = arith.constant 1 : i32
      %scan3A_327:4 = scf.for %scan3A_518 = %scan3A_323 to %scan3A_325 step %scan3A_326 iter_args(%scan3A_519 = %broadcast_in_dim3A_316, %scan3A_520 = %broadcast_in_dim3A_318, %scan3A_521 = %broadcast_in_dim3A_320, %scan3A_522 = %broadcast_in_dim3A_322) -> (vector<16xf32>, vector<16xf32>, vector<16xf32>, vector<16xf32>)  : i32 {
        %mul3A_523 = arith.constant 4 : i32
        %mul3A_524 = arith.muli %scan3A_518, %mul3A_523 : i32
        %get3A = arith.index_cast %mul3A_524 : i32 to index
        %get3A_525 = tpu.vector_load %arg18[%get3A] {strides = array<i32>} : memref<32xf32, #tpu.memory_space<vmem>>, vector<16xf32>,
        %mul3A_526 = arith.constant 4 : i32
        %mul3A_527 = arith.muli %scan3A_518, %mul3A_526 : i32
        %add3A_528 = arith.constant 0 : i32
        %add3A_529 = arith.addi %mul3A_527, %add3A_528 : i32
        %broadcast_in_dim3A_530 = arith.constant 0 : i32
        %broadcast_in_dim3A_531 = vector.broadcast %broadcast_in_dim3A_530 : i32 to vector<16xi32>
        %broadcast_in_dim3A_532 = vector.shape_cast %broadcast_in_dim3A_531 : vector<16xi32> to vector<16x1xi32>
        %gather3A_533 = vector.shape_cast %broadcast_in_dim3A_532 : vector<16x1xi32> to vector<16xi32>
        %gather3A_534 = tpu.dynamic_gather %get3A_525[%gather3A_533] in [0] : vector<16xf32>, vector<16xi32> -> vector<16xf32>
        %mul3A_535 = arith.constant 16 : i32
        %mul3A_536 = arith.muli %rem3A_181, %mul3A_535 : i32
        %add3A_537 = arith.addi %mul3A_536, %add3A_529 : i32
        %broadcast_in_dim3A_538 = vector.broadcast %add3A_537 : i32 to vector<16xi32>
        %gather3A_539 = tpu.vector_load_idx %arg20[%broadcast_in_dim3A_538, %add3A_311] : memref<32x32xi32, #tpu.memory_space<vmem>>[vector<16xi32>, vector<16xi32>], vector<16xi32>,
        %bitcast3A_540 = vector.bitcast %gather3A_539 : vector<16xi32> to vector<32xbf16>
        %unpack3A = tpu.unpack_subelements %bitcast3A_540, 0 {pack_format = #tpu.pack_format<interleaved>} : vector<32xbf16> -> vector<16xf32>
        %unpack3A_541 = tpu.unpack_subelements %bitcast3A_540, 1 {pack_format = #tpu.pack_format<interleaved>} : vector<32xbf16> -> vector<16xf32>
        %mul3A_542 = arith.mulf %gather3A_534, %unpack3A : vector<16xf32>
        %add3A_543 = arith.addf %scan3A_519, %mul3A_542 : vector<16xf32>
        %mul3A_544 = arith.mulf %gather3A_534, %unpack3A_541 : vector<16xf32>
        %add3A_545 = arith.addf %scan3A_520, %mul3A_544 : vector<16xf32>
        %gather3A_546 = tpu.vector_load_idx %arg20[%broadcast_in_dim3A_538, %add3A_314] : memref<32x32xi32, #tpu.memory_space<vmem>>[vector<16xi32>, vector<16xi32>], vector<16xi32>,
        %bitcast3A_547 = vector.bitcast %gather3A_546 : vector<16xi32> to vector<32xbf16>
        %unpack3A_548 = tpu.unpack_subelements %bitcast3A_547, 0 {pack_format = #tpu.pack_format<interleaved>} : vector<32xbf16> -> vector<16xf32>
        %unpack3A_549 = tpu.unpack_subelements %bitcast3A_547, 1 {pack_format = #tpu.pack_format<interleaved>} : vector<32xbf16> -> vector<16xf32>
        %mul3A_550 = arith.mulf %gather3A_534, %unpack3A_548 : vector<16xf32>
        %add3A_551 = arith.addf %scan3A_521, %mul3A_550 : vector<16xf32>
        %mul3A_552 = arith.mulf %gather3A_534, %unpack3A_549 : vector<16xf32>
        %add3A_553 = arith.addf %scan3A_522, %mul3A_552 : vector<16xf32>
        %mul3A_554 = arith.constant 4 : i32
        %mul3A_555 = arith.muli %scan3A_518, %mul3A_554 : i32
        %add3A_556 = arith.constant 1 : i32
        %add3A_557 = arith.addi %mul3A_555, %add3A_556 : i32
        %broadcast_in_dim3A_558 = arith.constant 1 : i32
        %broadcast_in_dim3A_559 = vector.broadcast %broadcast_in_dim3A_558 : i32 to vector<16xi32>
        %broadcast_in_dim3A_560 = vector.shape_cast %broadcast_in_dim3A_559 : vector<16xi32> to vector<16x1xi32>
        %gather3A_561 = vector.shape_cast %broadcast_in_dim3A_560 : vector<16x1xi32> to vector<16xi32>
        %gather3A_562 = tpu.dynamic_gather %get3A_525[%gather3A_561] in [0] : vector<16xf32>, vector<16xi32> -> vector<16xf32>
        %mul3A_563 = arith.constant 16 : i32
        %mul3A_564 = arith.muli %rem3A_181, %mul3A_563 : i32
        %add3A_565 = arith.addi %mul3A_564, %add3A_557 : i32
        %broadcast_in_dim3A_566 = vector.broadcast %add3A_565 : i32 to vector<16xi32>
        %gather3A_567 = tpu.vector_load_idx %arg20[%broadcast_in_dim3A_566, %add3A_311] : memref<32x32xi32, #tpu.memory_space<vmem>>[vector<16xi32>, vector<16xi32>], vector<16xi32>,
        %bitcast3A_568 = vector.bitcast %gather3A_567 : vector<16xi32> to vector<32xbf16>
        %unpack3A_569 = tpu.unpack_subelements %bitcast3A_568, 0 {pack_format = #tpu.pack_format<interleaved>} : vector<32xbf16> -> vector<16xf32>
        %unpack3A_570 = tpu.unpack_subelements %bitcast3A_568, 1 {pack_format = #tpu.pack_format<interleaved>} : vector<32xbf16> -> vector<16xf32>
        %mul3A_571 = arith.mulf %gather3A_562, %unpack3A_569 : vector<16xf32>
        %add3A_572 = arith.addf %add3A_543, %mul3A_571 : vector<16xf32>
        %mul3A_573 = arith.mulf %gather3A_562, %unpack3A_570 : vector<16xf32>
        %add3A_574 = arith.addf %add3A_545, %mul3A_573 : vector<16xf32>
        %gather3A_575 = tpu.vector_load_idx %arg20[%broadcast_in_dim3A_566, %add3A_314] : memref<32x32xi32, #tpu.memory_space<vmem>>[vector<16xi32>, vector<16xi32>], vector<16xi32>,
        %bitcast3A_576 = vector.bitcast %gather3A_575 : vector<16xi32> to vector<32xbf16>
        %unpack3A_577 = tpu.unpack_subelements %bitcast3A_576, 0 {pack_format = #tpu.pack_format<interleaved>} : vector<32xbf16> -> vector<16xf32>
        %unpack3A_578 = tpu.unpack_subelements %bitcast3A_576, 1 {pack_format = #tpu.pack_format<interleaved>} : vector<32xbf16> -> vector<16xf32>
        %mul3A_579 = arith.mulf %gather3A_562, %unpack3A_577 : vector<16xf32>
        %add3A_580 = arith.addf %add3A_551, %mul3A_579 : vector<16xf32>
        %mul3A_581 = arith.mulf %gather3A_562, %unpack3A_578 : vector<16xf32>
        %add3A_582 = arith.addf %add3A_553, %mul3A_581 : vector<16xf32>
        %mul3A_583 = arith.constant 4 : i32
        %mul3A_584 = arith.muli %scan3A_518, %mul3A_583 : i32
        %add3A_585 = arith.constant 2 : i32
        %add3A_586 = arith.addi %mul3A_584, %add3A_585 : i32
        %broadcast_in_dim3A_587 = arith.constant 2 : i32
        %broadcast_in_dim3A_588 = vector.broadcast %broadcast_in_dim3A_587 : i32 to vector<16xi32>
        %broadcast_in_dim3A_589 = vector.shape_cast %broadcast_in_dim3A_588 : vector<16xi32> to vector<16x1xi32>
        %gather3A_590 = vector.shape_cast %broadcast_in_dim3A_589 : vector<16x1xi32> to vector<16xi32>
        %gather3A_591 = tpu.dynamic_gather %get3A_525[%gather3A_590] in [0] : vector<16xf32>, vector<16xi32> -> vector<16xf32>
        %mul3A_592 = arith.constant 16 : i32
        %mul3A_593 = arith.muli %rem3A_181, %mul3A_592 : i32
        %add3A_594 = arith.addi %mul3A_593, %add3A_586 : i32
        %broadcast_in_dim3A_595 = vector.broadcast %add3A_594 : i32 to vector<16xi32>
        %gather3A_596 = tpu.vector_load_idx %arg20[%broadcast_in_dim3A_595, %add3A_311] : memref<32x32xi32, #tpu.memory_space<vmem>>[vector<16xi32>, vector<16xi32>], vector<16xi32>,
        %bitcast3A_597 = vector.bitcast %gather3A_596 : vector<16xi32> to vector<32xbf16>
        %unpack3A_598 = tpu.unpack_subelements %bitcast3A_597, 0 {pack_format = #tpu.pack_format<interleaved>} : vector<32xbf16> -> vector<16xf32>
        %unpack3A_599 = tpu.unpack_subelements %bitcast3A_597, 1 {pack_format = #tpu.pack_format<interleaved>} : vector<32xbf16> -> vector<16xf32>
        %mul3A_600 = arith.mulf %gather3A_591, %unpack3A_598 : vector<16xf32>
        %add3A_601 = arith.addf %add3A_572, %mul3A_600 : vector<16xf32>
        %mul3A_602 = arith.mulf %gather3A_591, %unpack3A_599 : vector<16xf32>
        %add3A_603 = arith.addf %add3A_574, %mul3A_602 : vector<16xf32>
        %gather3A_604 = tpu.vector_load_idx %arg20[%broadcast_in_dim3A_595, %add3A_314] : memref<32x32xi32, #tpu.memory_space<vmem>>[vector<16xi32>, vector<16xi32>], vector<16xi32>,
        %bitcast3A_605 = vector.bitcast %gather3A_604 : vector<16xi32> to vector<32xbf16>
        %unpack3A_606 = tpu.unpack_subelements %bitcast3A_605, 0 {pack_format = #tpu.pack_format<interleaved>} : vector<32xbf16> -> vector<16xf32>
        %unpack3A_607 = tpu.unpack_subelements %bitcast3A_605, 1 {pack_format = #tpu.pack_format<interleaved>} : vector<32xbf16> -> vector<16xf32>
        %mul3A_608 = arith.mulf %gather3A_591, %unpack3A_606 : vector<16xf32>
        %add3A_609 = arith.addf %add3A_580, %mul3A_608 : vector<16xf32>
        %mul3A_610 = arith.mulf %gather3A_591, %unpack3A_607 : vector<16xf32>
        %add3A_611 = arith.addf %add3A_582, %mul3A_610 : vector<16xf32>
        %mul3A_612 = arith.constant 4 : i32
        %mul3A_613 = arith.muli %scan3A_518, %mul3A_612 : i32
        %add3A_614 = arith.constant 3 : i32
        %add3A_615 = arith.addi %mul3A_613, %add3A_614 : i32
        %broadcast_in_dim3A_616 = arith.constant 3 : i32
        %broadcast_in_dim3A_617 = vector.broadcast %broadcast_in_dim3A_616 : i32 to vector<16xi32>
        %broadcast_in_dim3A_618 = vector.shape_cast %broadcast_in_dim3A_617 : vector<16xi32> to vector<16x1xi32>
        %gather3A_619 = vector.shape_cast %broadcast_in_dim3A_618 : vector<16x1xi32> to vector<16xi32>
        %gather3A_620 = tpu.dynamic_gather %get3A_525[%gather3A_619] in [0] : vector<16xf32>, vector<16xi32> -> vector<16xf32>
        %mul3A_621 = arith.constant 16 : i32
        %mul3A_622 = arith.muli %rem3A_181, %mul3A_621 : i32
        %add3A_623 = arith.addi %mul3A_622, %add3A_615 : i32
        %broadcast_in_dim3A_624 = vector.broadcast %add3A_623 : i32 to vector<16xi32>
        %gather3A_625 = tpu.vector_load_idx %arg20[%broadcast_in_dim3A_624, %add3A_311] : memref<32x32xi32, #tpu.memory_space<vmem>>[vector<16xi32>, vector<16xi32>], vector<16xi32>,
        %bitcast3A_626 = vector.bitcast %gather3A_625 : vector<16xi32> to vector<32xbf16>
        %unpack3A_627 = tpu.unpack_subelements %bitcast3A_626, 0 {pack_format = #tpu.pack_format<interleaved>} : vector<32xbf16> -> vector<16xf32>
        %unpack3A_628 = tpu.unpack_subelements %bitcast3A_626, 1 {pack_format = #tpu.pack_format<interleaved>} : vector<32xbf16> -> vector<16xf32>
        %mul3A_629 = arith.mulf %gather3A_620, %unpack3A_627 : vector<16xf32>
        %add3A_630 = arith.addf %add3A_601, %mul3A_629 : vector<16xf32>
        %mul3A_631 = arith.mulf %gather3A_620, %unpack3A_628 : vector<16xf32>
        %add3A_632 = arith.addf %add3A_603, %mul3A_631 : vector<16xf32>
        %gather3A_633 = tpu.vector_load_idx %arg20[%broadcast_in_dim3A_624, %add3A_314] : memref<32x32xi32, #tpu.memory_space<vmem>>[vector<16xi32>, vector<16xi32>], vector<16xi32>,
        %bitcast3A_634 = vector.bitcast %gather3A_633 : vector<16xi32> to vector<32xbf16>
        %unpack3A_635 = tpu.unpack_subelements %bitcast3A_634, 0 {pack_format = #tpu.pack_format<interleaved>} : vector<32xbf16> -> vector<16xf32>
        %unpack3A_636 = tpu.unpack_subelements %bitcast3A_634, 1 {pack_format = #tpu.pack_format<interleaved>} : vector<32xbf16> -> vector<16xf32>
        %mul3A_637 = arith.mulf %gather3A_620, %unpack3A_635 : vector<16xf32>
        %add3A_638 = arith.addf %add3A_609, %mul3A_637 : vector<16xf32>
        %mul3A_639 = arith.mulf %gather3A_620, %unpack3A_636 : vector<16xf32>
        %add3A_640 = arith.addf %add3A_611, %mul3A_639 : vector<16xf32>
        scf.yield %add3A_630, %add3A_632, %add3A_638, %add3A_640 : vector<16xf32>, vector<16xf32>, vector<16xf32>, vector<16xf32>
      }
      %scan3A_328 = arith.constant 4 : i32
      %broadcast_in_dim3A_329 = arith.constant 0.000000e+00 : f32
      %broadcast_in_dim3A_330 = vector.broadcast %broadcast_in_dim3A_329 : f32 to vector<16xf32>
      %broadcast_in_dim3A_331 = arith.constant 0.000000e+00 : f32
      %broadcast_in_dim3A_332 = vector.broadcast %broadcast_in_dim3A_331 : f32 to vector<16xf32>
      %broadcast_in_dim3A_333 = arith.constant 0.000000e+00 : f32
      %broadcast_in_dim3A_334 = vector.broadcast %broadcast_in_dim3A_333 : f32 to vector<16xf32>
      %broadcast_in_dim3A_335 = arith.constant 0.000000e+00 : f32
      %broadcast_in_dim3A_336 = vector.broadcast %broadcast_in_dim3A_335 : f32 to vector<16xf32>
      %scan3A_337 = arith.constant 0 : i32
      %scan3A_338 = arith.constant 64 : i32
      %scan3A_339 = arith.addi %scan3A_337, %scan3A_338 : i32
      %scan3A_340 = arith.constant 1 : i32
      %scan3A_341:4 = scf.for %scan3A_518 = %scan3A_337 to %scan3A_339 step %scan3A_340 iter_args(%scan3A_519 = %broadcast_in_dim3A_330, %scan3A_520 = %broadcast_in_dim3A_332, %scan3A_521 = %broadcast_in_dim3A_334, %scan3A_522 = %broadcast_in_dim3A_336) -> (vector<16xf32>, vector<16xf32>, vector<16xf32>, vector<16xf32>)  : i32 {
        %mul3A_523 = arith.constant 4 : i32
        %mul3A_524 = arith.muli %scan3A_518, %mul3A_523 : i32
        %get3A = arith.index_cast %mul3A_524 : i32 to index
        %get3A_525 = tpu.vector_load %arg17[%get3A] {strides = array<i32>} : memref<272xf32, #tpu.memory_space<vmem>>, vector<16xf32>,
        %mul3A_526 = arith.constant 4 : i32
        %mul3A_527 = arith.muli %scan3A_518, %mul3A_526 : i32
        %add3A_528 = arith.constant 0 : i32
        %add3A_529 = arith.addi %mul3A_527, %add3A_528 : i32
        %broadcast_in_dim3A_530 = arith.constant 0 : i32
        %broadcast_in_dim3A_531 = vector.broadcast %broadcast_in_dim3A_530 : i32 to vector<16xi32>
        %broadcast_in_dim3A_532 = vector.shape_cast %broadcast_in_dim3A_531 : vector<16xi32> to vector<16x1xi32>
        %gather3A_533 = vector.shape_cast %broadcast_in_dim3A_532 : vector<16x1xi32> to vector<16xi32>
        %gather3A_534 = tpu.dynamic_gather %get3A_525[%gather3A_533] in [0] : vector<16xf32>, vector<16xi32> -> vector<16xf32>
        %add3A_535 = arith.addi %mul3A_195, %add3A_529 : i32
        %broadcast_in_dim3A_536 = vector.broadcast %add3A_535 : i32 to vector<16xi32>
        %gather3A_537 = tpu.vector_load_idx %arg21[%broadcast_in_dim3A_536, %add3A_311] : memref<512x32xi32, #tpu.memory_space<vmem>>[vector<16xi32>, vector<16xi32>], vector<16xi32>,
        %bitcast3A_538 = vector.bitcast %gather3A_537 : vector<16xi32> to vector<32xbf16>
        %unpack3A = tpu.unpack_subelements %bitcast3A_538, 0 {pack_format = #tpu.pack_format<interleaved>} : vector<32xbf16> -> vector<16xf32>
        %unpack3A_539 = tpu.unpack_subelements %bitcast3A_538, 1 {pack_format = #tpu.pack_format<interleaved>} : vector<32xbf16> -> vector<16xf32>
        %mul3A_540 = arith.mulf %gather3A_534, %unpack3A : vector<16xf32>
        %add3A_541 = arith.addf %scan3A_519, %mul3A_540 : vector<16xf32>
        %mul3A_542 = arith.mulf %gather3A_534, %unpack3A_539 : vector<16xf32>
        %add3A_543 = arith.addf %scan3A_520, %mul3A_542 : vector<16xf32>
        %gather3A_544 = tpu.vector_load_idx %arg21[%broadcast_in_dim3A_536, %add3A_314] : memref<512x32xi32, #tpu.memory_space<vmem>>[vector<16xi32>, vector<16xi32>], vector<16xi32>,
        %bitcast3A_545 = vector.bitcast %gather3A_544 : vector<16xi32> to vector<32xbf16>
        %unpack3A_546 = tpu.unpack_subelements %bitcast3A_545, 0 {pack_format = #tpu.pack_format<interleaved>} : vector<32xbf16> -> vector<16xf32>
        %unpack3A_547 = tpu.unpack_subelements %bitcast3A_545, 1 {pack_format = #tpu.pack_format<interleaved>} : vector<32xbf16> -> vector<16xf32>
        %mul3A_548 = arith.mulf %gather3A_534, %unpack3A_546 : vector<16xf32>
        %add3A_549 = arith.addf %scan3A_521, %mul3A_548 : vector<16xf32>
        %mul3A_550 = arith.mulf %gather3A_534, %unpack3A_547 : vector<16xf32>
        %add3A_551 = arith.addf %scan3A_522, %mul3A_550 : vector<16xf32>
        %mul3A_552 = arith.constant 4 : i32
        %mul3A_553 = arith.muli %scan3A_518, %mul3A_552 : i32
        %add3A_554 = arith.constant 1 : i32
        %add3A_555 = arith.addi %mul3A_553, %add3A_554 : i32
        %broadcast_in_dim3A_556 = arith.constant 1 : i32
        %broadcast_in_dim3A_557 = vector.broadcast %broadcast_in_dim3A_556 : i32 to vector<16xi32>
        %broadcast_in_dim3A_558 = vector.shape_cast %broadcast_in_dim3A_557 : vector<16xi32> to vector<16x1xi32>
        %gather3A_559 = vector.shape_cast %broadcast_in_dim3A_558 : vector<16x1xi32> to vector<16xi32>
        %gather3A_560 = tpu.dynamic_gather %get3A_525[%gather3A_559] in [0] : vector<16xf32>, vector<16xi32> -> vector<16xf32>
        %add3A_561 = arith.addi %mul3A_195, %add3A_555 : i32
        %broadcast_in_dim3A_562 = vector.broadcast %add3A_561 : i32 to vector<16xi32>
        %gather3A_563 = tpu.vector_load_idx %arg21[%broadcast_in_dim3A_562, %add3A_311] : memref<512x32xi32, #tpu.memory_space<vmem>>[vector<16xi32>, vector<16xi32>], vector<16xi32>,
        %bitcast3A_564 = vector.bitcast %gather3A_563 : vector<16xi32> to vector<32xbf16>
        %unpack3A_565 = tpu.unpack_subelements %bitcast3A_564, 0 {pack_format = #tpu.pack_format<interleaved>} : vector<32xbf16> -> vector<16xf32>
        %unpack3A_566 = tpu.unpack_subelements %bitcast3A_564, 1 {pack_format = #tpu.pack_format<interleaved>} : vector<32xbf16> -> vector<16xf32>
        %mul3A_567 = arith.mulf %gather3A_560, %unpack3A_565 : vector<16xf32>
        %add3A_568 = arith.addf %add3A_541, %mul3A_567 : vector<16xf32>
        %mul3A_569 = arith.mulf %gather3A_560, %unpack3A_566 : vector<16xf32>
        %add3A_570 = arith.addf %add3A_543, %mul3A_569 : vector<16xf32>
        %gather3A_571 = tpu.vector_load_idx %arg21[%broadcast_in_dim3A_562, %add3A_314] : memref<512x32xi32, #tpu.memory_space<vmem>>[vector<16xi32>, vector<16xi32>], vector<16xi32>,
        %bitcast3A_572 = vector.bitcast %gather3A_571 : vector<16xi32> to vector<32xbf16>
        %unpack3A_573 = tpu.unpack_subelements %bitcast3A_572, 0 {pack_format = #tpu.pack_format<interleaved>} : vector<32xbf16> -> vector<16xf32>
        %unpack3A_574 = tpu.unpack_subelements %bitcast3A_572, 1 {pack_format = #tpu.pack_format<interleaved>} : vector<32xbf16> -> vector<16xf32>
        %mul3A_575 = arith.mulf %gather3A_560, %unpack3A_573 : vector<16xf32>
        %add3A_576 = arith.addf %add3A_549, %mul3A_575 : vector<16xf32>
        %mul3A_577 = arith.mulf %gather3A_560, %unpack3A_574 : vector<16xf32>
        %add3A_578 = arith.addf %add3A_551, %mul3A_577 : vector<16xf32>
        %mul3A_579 = arith.constant 4 : i32
        %mul3A_580 = arith.muli %scan3A_518, %mul3A_579 : i32
        %add3A_581 = arith.constant 2 : i32
        %add3A_582 = arith.addi %mul3A_580, %add3A_581 : i32
        %broadcast_in_dim3A_583 = arith.constant 2 : i32
        %broadcast_in_dim3A_584 = vector.broadcast %broadcast_in_dim3A_583 : i32 to vector<16xi32>
        %broadcast_in_dim3A_585 = vector.shape_cast %broadcast_in_dim3A_584 : vector<16xi32> to vector<16x1xi32>
        %gather3A_586 = vector.shape_cast %broadcast_in_dim3A_585 : vector<16x1xi32> to vector<16xi32>
        %gather3A_587 = tpu.dynamic_gather %get3A_525[%gather3A_586] in [0] : vector<16xf32>, vector<16xi32> -> vector<16xf32>
        %add3A_588 = arith.addi %mul3A_195, %add3A_582 : i32
        %broadcast_in_dim3A_589 = vector.broadcast %add3A_588 : i32 to vector<16xi32>
        %gather3A_590 = tpu.vector_load_idx %arg21[%broadcast_in_dim3A_589, %add3A_311] : memref<512x32xi32, #tpu.memory_space<vmem>>[vector<16xi32>, vector<16xi32>], vector<16xi32>,
        %bitcast3A_591 = vector.bitcast %gather3A_590 : vector<16xi32> to vector<32xbf16>
        %unpack3A_592 = tpu.unpack_subelements %bitcast3A_591, 0 {pack_format = #tpu.pack_format<interleaved>} : vector<32xbf16> -> vector<16xf32>
        %unpack3A_593 = tpu.unpack_subelements %bitcast3A_591, 1 {pack_format = #tpu.pack_format<interleaved>} : vector<32xbf16> -> vector<16xf32>
        %mul3A_594 = arith.mulf %gather3A_587, %unpack3A_592 : vector<16xf32>
        %add3A_595 = arith.addf %add3A_568, %mul3A_594 : vector<16xf32>
        %mul3A_596 = arith.mulf %gather3A_587, %unpack3A_593 : vector<16xf32>
        %add3A_597 = arith.addf %add3A_570, %mul3A_596 : vector<16xf32>
        %gather3A_598 = tpu.vector_load_idx %arg21[%broadcast_in_dim3A_589, %add3A_314] : memref<512x32xi32, #tpu.memory_space<vmem>>[vector<16xi32>, vector<16xi32>], vector<16xi32>,
        %bitcast3A_599 = vector.bitcast %gather3A_598 : vector<16xi32> to vector<32xbf16>
        %unpack3A_600 = tpu.unpack_subelements %bitcast3A_599, 0 {pack_format = #tpu.pack_format<interleaved>} : vector<32xbf16> -> vector<16xf32>
        %unpack3A_601 = tpu.unpack_subelements %bitcast3A_599, 1 {pack_format = #tpu.pack_format<interleaved>} : vector<32xbf16> -> vector<16xf32>
        %mul3A_602 = arith.mulf %gather3A_587, %unpack3A_600 : vector<16xf32>
        %add3A_603 = arith.addf %add3A_576, %mul3A_602 : vector<16xf32>
        %mul3A_604 = arith.mulf %gather3A_587, %unpack3A_601 : vector<16xf32>
        %add3A_605 = arith.addf %add3A_578, %mul3A_604 : vector<16xf32>
        %mul3A_606 = arith.constant 4 : i32
        %mul3A_607 = arith.muli %scan3A_518, %mul3A_606 : i32
        %add3A_608 = arith.constant 3 : i32
        %add3A_609 = arith.addi %mul3A_607, %add3A_608 : i32
        %broadcast_in_dim3A_610 = arith.constant 3 : i32
        %broadcast_in_dim3A_611 = vector.broadcast %broadcast_in_dim3A_610 : i32 to vector<16xi32>
        %broadcast_in_dim3A_612 = vector.shape_cast %broadcast_in_dim3A_611 : vector<16xi32> to vector<16x1xi32>
        %gather3A_613 = vector.shape_cast %broadcast_in_dim3A_612 : vector<16x1xi32> to vector<16xi32>
        %gather3A_614 = tpu.dynamic_gather %get3A_525[%gather3A_613] in [0] : vector<16xf32>, vector<16xi32> -> vector<16xf32>
        %add3A_615 = arith.addi %mul3A_195, %add3A_609 : i32
        %broadcast_in_dim3A_616 = vector.broadcast %add3A_615 : i32 to vector<16xi32>
        %gather3A_617 = tpu.vector_load_idx %arg21[%broadcast_in_dim3A_616, %add3A_311] : memref<512x32xi32, #tpu.memory_space<vmem>>[vector<16xi32>, vector<16xi32>], vector<16xi32>,
        %bitcast3A_618 = vector.bitcast %gather3A_617 : vector<16xi32> to vector<32xbf16>
        %unpack3A_619 = tpu.unpack_subelements %bitcast3A_618, 0 {pack_format = #tpu.pack_format<interleaved>} : vector<32xbf16> -> vector<16xf32>
        %unpack3A_620 = tpu.unpack_subelements %bitcast3A_618, 1 {pack_format = #tpu.pack_format<interleaved>} : vector<32xbf16> -> vector<16xf32>
        %mul3A_621 = arith.mulf %gather3A_614, %unpack3A_619 : vector<16xf32>
        %add3A_622 = arith.addf %add3A_595, %mul3A_621 : vector<16xf32>
        %mul3A_623 = arith.mulf %gather3A_614, %unpack3A_620 : vector<16xf32>
        %add3A_624 = arith.addf %add3A_597, %mul3A_623 : vector<16xf32>
        %gather3A_625 = tpu.vector_load_idx %arg21[%broadcast_in_dim3A_616, %add3A_314] : memref<512x32xi32, #tpu.memory_space<vmem>>[vector<16xi32>, vector<16xi32>], vector<16xi32>,
        %bitcast3A_626 = vector.bitcast %gather3A_625 : vector<16xi32> to vector<32xbf16>
        %unpack3A_627 = tpu.unpack_subelements %bitcast3A_626, 0 {pack_format = #tpu.pack_format<interleaved>} : vector<32xbf16> -> vector<16xf32>
        %unpack3A_628 = tpu.unpack_subelements %bitcast3A_626, 1 {pack_format = #tpu.pack_format<interleaved>} : vector<32xbf16> -> vector<16xf32>
        %mul3A_629 = arith.mulf %gather3A_614, %unpack3A_627 : vector<16xf32>
        %add3A_630 = arith.addf %add3A_603, %mul3A_629 : vector<16xf32>
        %mul3A_631 = arith.mulf %gather3A_614, %unpack3A_628 : vector<16xf32>
        %add3A_632 = arith.addf %add3A_605, %mul3A_631 : vector<16xf32>
        scf.yield %add3A_622, %add3A_624, %add3A_630, %add3A_632 : vector<16xf32>, vector<16xf32>, vector<16xf32>, vector<16xf32>
      }
      %scan3A_342 = arith.constant 64 : i32
      %ge3A = arith.constant 2 : i32
      %ge3A_343 = arith.cmpi sge, %scan3A_179, %ge3A : i32
      %convert_element_type3A = arith.extui %ge3A_343 : i1 to i32
      %cond3A = arith.constant 0 : i32
      %cond3A_344 = arith.cmpi ne, %convert_element_type3A, %cond3A : i32
      scf.if %cond3A_344 {
        %mul3A_518 = arith.constant 2 : i32
        %mul3A_519 = arith.muli %rem3A_181, %mul3A_518 : i32
        %mul3A_520 = arith.constant 64 : i32
        %mul3A_521 = arith.muli %mul3A_519, %mul3A_520 : i32
        %dma_wait3A_522 = tpu.memref_slice %arg22[%mul3A_521] : memref<256xf32, #tpu.memory_space<vmem>> -> memref<128xf32, #tpu.memory_space<vmem>>
        %dma_wait3A_523 = arith.constant 0 : i32
        %dma_wait3A_524 = tpu.memref_slice %arg9[%add3A_193, %dma_wait3A_523] : memref<10240x128xf32, #tpu.memory_space<hbm>> -> memref<1x128xf32, #tpu.memory_space<hbm>>
        %dma_wait3A_525 = tpu.memref_squeeze %dma_wait3A_524 : memref<1x128xf32, #tpu.memory_space<hbm>> -> memref<128xf32, #tpu.memory_space<hbm>>
        %dma_wait3A_526 = arith.constant 0 : i32
        %dma_wait3A_527 = tpu.memref_slice %arg9[%add3A_193, %dma_wait3A_526] : memref<10240x128xf32, #tpu.memory_space<hbm>> -> memref<1x128xf32, #tpu.memory_space<hbm>>
        %dma_wait3A_528 = tpu.memref_squeeze %dma_wait3A_527 : memref<1x128xf32, #tpu.memory_space<hbm>> -> memref<128xf32, #tpu.memory_space<hbm>>
        %dma_wait3A_529 = tpu.memref_slice %arg22[%mul3A_521] : memref<256xf32, #tpu.memory_space<vmem>> -> memref<128xf32, #tpu.memory_space<vmem>>
        tpu.wait_dma2 semaphore(%arg28 : memref<!tpu.dma_semaphore, #tpu.memory_space<semaphore_mem>>) src(%dma_wait3A_529 : memref<128xf32, #tpu.memory_space<vmem>>) dst(%dma_wait3A_528 : memref<128xf32, #tpu.memory_space<hbm>>)
        %mul3A_530 = arith.constant 64 : i32
        %mul3A_531 = arith.muli %rem3A_181, %mul3A_530 : i32
        %dma_wait3A_532 = tpu.memref_slice %arg23[%mul3A_531] : memref<128xi32, #tpu.memory_space<vmem>> -> memref<64xi32, #tpu.memory_space<vmem>>
        %dma_wait3A_533 = arith.constant 0 : i32
        %dma_wait3A_534 = tpu.memref_slice %arg10[%add3A_193, %dma_wait3A_533] : memref<10240x64xi32, #tpu.memory_space<hbm>> -> memref<1x64xi32, #tpu.memory_space<hbm>>
        %dma_wait3A_535 = tpu.memref_squeeze %dma_wait3A_534 : memref<1x64xi32, #tpu.memory_space<hbm>> -> memref<64xi32, #tpu.memory_space<hbm>>
        %dma_wait3A_536 = arith.constant 0 : i32
        %dma_wait3A_537 = tpu.memref_slice %arg10[%add3A_193, %dma_wait3A_536] : memref<10240x64xi32, #tpu.memory_space<hbm>> -> memref<1x64xi32, #tpu.memory_space<hbm>>
        %dma_wait3A_538 = tpu.memref_squeeze %dma_wait3A_537 : memref<1x64xi32, #tpu.memory_space<hbm>> -> memref<64xi32, #tpu.memory_space<hbm>>
        %dma_wait3A_539 = tpu.memref_slice %arg23[%mul3A_531] : memref<128xi32, #tpu.memory_space<vmem>> -> memref<64xi32, #tpu.memory_space<vmem>>
        tpu.wait_dma2 semaphore(%arg29 : memref<!tpu.dma_semaphore, #tpu.memory_space<semaphore_mem>>) src(%dma_wait3A_539 : memref<64xi32, #tpu.memory_space<vmem>>) dst(%dma_wait3A_538 : memref<64xi32, #tpu.memory_space<hbm>>)
      } else {
      }
      %broadcast_in_dim3A_345 = vector.broadcast %add3A_193 : i32 to vector<16xi32>
      %gather3A_346 = tpu.vector_load_idx %arg11[%broadcast_in_dim3A_345] : memref<10240xf32, #tpu.memory_space<vmem>>[vector<16xi32>], vector<16xf32>,
      %broadcast_in_dim3A_347 = vector.broadcast %add3A_193 : i32 to vector<16xi32>
      %gather3A_348 = tpu.vector_load_idx %arg12[%broadcast_in_dim3A_347] : memref<10240xf32, #tpu.memory_space<vmem>>[vector<16xi32>], vector<16xf32>,
      %mul3A_349 = arith.mulf %scan3A_327#0, %gather3A_346 : vector<16xf32>
      %max3A = arith.constant 0.000000e+00 : f32
      %max3A_350 = vector.broadcast %max3A : f32 to vector<16xf32>
      %max3A_351 = arith.maximumf %mul3A_349, %max3A_350 : vector<16xf32>
      %mul3A_352 = arith.mulf %scan3A_327#1, %gather3A_346 : vector<16xf32>
      %max3A_353 = arith.constant 0.000000e+00 : f32
      %max3A_354 = vector.broadcast %max3A_353 : f32 to vector<16xf32>
      %max3A_355 = arith.maximumf %mul3A_352, %max3A_354 : vector<16xf32>
      %mul3A_356 = arith.mulf %scan3A_327#2, %gather3A_346 : vector<16xf32>
      %max3A_357 = arith.constant 0.000000e+00 : f32
      %max3A_358 = vector.broadcast %max3A_357 : f32 to vector<16xf32>
      %max3A_359 = arith.maximumf %mul3A_356, %max3A_358 : vector<16xf32>
      %mul3A_360 = arith.mulf %scan3A_327#3, %gather3A_346 : vector<16xf32>
      %max3A_361 = arith.constant 0.000000e+00 : f32
      %max3A_362 = vector.broadcast %max3A_361 : f32 to vector<16xf32>
      %max3A_363 = arith.maximumf %mul3A_360, %max3A_362 : vector<16xf32>
      %mul3A_364 = arith.mulf %scan3A_341#0, %gather3A_348 : vector<16xf32>
      %max3A_365 = arith.constant 0.000000e+00 : f32
      %max3A_366 = vector.broadcast %max3A_365 : f32 to vector<16xf32>
      %max3A_367 = arith.maximumf %mul3A_364, %max3A_366 : vector<16xf32>
      %mul3A_368 = arith.mulf %scan3A_341#1, %gather3A_348 : vector<16xf32>
      %max3A_369 = arith.constant 0.000000e+00 : f32
      %max3A_370 = vector.broadcast %max3A_369 : f32 to vector<16xf32>
      %max3A_371 = arith.maximumf %mul3A_368, %max3A_370 : vector<16xf32>
      %mul3A_372 = arith.mulf %scan3A_341#2, %gather3A_348 : vector<16xf32>
      %max3A_373 = arith.constant 0.000000e+00 : f32
      %max3A_374 = vector.broadcast %max3A_373 : f32 to vector<16xf32>
      %max3A_375 = arith.maximumf %mul3A_372, %max3A_374 : vector<16xf32>
      %mul3A_376 = arith.mulf %scan3A_341#3, %gather3A_348 : vector<16xf32>
      %max3A_377 = arith.constant 0.000000e+00 : f32
      %max3A_378 = vector.broadcast %max3A_377 : f32 to vector<16xf32>
      %max3A_379 = arith.maximumf %mul3A_376, %max3A_378 : vector<16xf32>
      %mul3A_380 = arith.constant 2 : i32
      %mul3A_381 = arith.muli %rem3A_181, %mul3A_380 : i32
      %mul3A_382 = arith.constant 64 : i32
      %mul3A_383 = arith.muli %mul3A_381, %mul3A_382 : i32
      %add3A_384 = arith.constant 0 : i32
      %add3A_385 = arith.addi %mul3A_383, %add3A_384 : i32
      %swap3A_386 = arith.index_cast %add3A_385 : i32 to index
      %swap3A_387 = tpu.vector_load %arg22[%swap3A_386] {strides = array<i32>} : memref<256xf32, #tpu.memory_space<vmem>>, vector<16xf32>,
      tpu.vector_store %arg22[%swap3A_386], %max3A_351 {strides = array<i32>} : memref<256xf32, #tpu.memory_space<vmem>>, vector<16xf32>,
      %mul3A_388 = arith.constant 2 : i32
      %mul3A_389 = arith.muli %rem3A_181, %mul3A_388 : i32
      %mul3A_390 = arith.constant 64 : i32
      %mul3A_391 = arith.muli %mul3A_389, %mul3A_390 : i32
      %add3A_392 = arith.constant 16 : i32
      %add3A_393 = arith.addi %mul3A_391, %add3A_392 : i32
      %swap3A_394 = arith.index_cast %add3A_393 : i32 to index
      %swap3A_395 = tpu.vector_load %arg22[%swap3A_394] {strides = array<i32>} : memref<256xf32, #tpu.memory_space<vmem>>, vector<16xf32>,
      tpu.vector_store %arg22[%swap3A_394], %max3A_355 {strides = array<i32>} : memref<256xf32, #tpu.memory_space<vmem>>, vector<16xf32>,
      %mul3A_396 = arith.constant 2 : i32
      %mul3A_397 = arith.muli %rem3A_181, %mul3A_396 : i32
      %mul3A_398 = arith.constant 64 : i32
      %mul3A_399 = arith.muli %mul3A_397, %mul3A_398 : i32
      %add3A_400 = arith.constant 32 : i32
      %add3A_401 = arith.addi %mul3A_399, %add3A_400 : i32
      %swap3A_402 = arith.index_cast %add3A_401 : i32 to index
      %swap3A_403 = tpu.vector_load %arg22[%swap3A_402] {strides = array<i32>} : memref<256xf32, #tpu.memory_space<vmem>>, vector<16xf32>,
      tpu.vector_store %arg22[%swap3A_402], %max3A_359 {strides = array<i32>} : memref<256xf32, #tpu.memory_space<vmem>>, vector<16xf32>,
      %mul3A_404 = arith.constant 2 : i32
      %mul3A_405 = arith.muli %rem3A_181, %mul3A_404 : i32
      %mul3A_406 = arith.constant 64 : i32
      %mul3A_407 = arith.muli %mul3A_405, %mul3A_406 : i32
      %add3A_408 = arith.constant 48 : i32
      %add3A_409 = arith.addi %mul3A_407, %add3A_408 : i32
      %swap3A_410 = arith.index_cast %add3A_409 : i32 to index
      %swap3A_411 = tpu.vector_load %arg22[%swap3A_410] {strides = array<i32>} : memref<256xf32, #tpu.memory_space<vmem>>, vector<16xf32>,
      tpu.vector_store %arg22[%swap3A_410], %max3A_363 {strides = array<i32>} : memref<256xf32, #tpu.memory_space<vmem>>, vector<16xf32>,
      %mul3A_412 = arith.constant 2 : i32
      %mul3A_413 = arith.muli %rem3A_181, %mul3A_412 : i32
      %mul3A_414 = arith.constant 64 : i32
      %mul3A_415 = arith.muli %mul3A_413, %mul3A_414 : i32
      %add3A_416 = arith.constant 64 : i32
      %add3A_417 = arith.addi %mul3A_415, %add3A_416 : i32
      %swap3A_418 = arith.index_cast %add3A_417 : i32 to index
      %swap3A_419 = tpu.vector_load %arg22[%swap3A_418] {strides = array<i32>} : memref<256xf32, #tpu.memory_space<vmem>>, vector<16xf32>,
      tpu.vector_store %arg22[%swap3A_418], %max3A_367 {strides = array<i32>} : memref<256xf32, #tpu.memory_space<vmem>>, vector<16xf32>,
      %mul3A_420 = arith.constant 2 : i32
      %mul3A_421 = arith.muli %rem3A_181, %mul3A_420 : i32
      %mul3A_422 = arith.constant 64 : i32
      %mul3A_423 = arith.muli %mul3A_421, %mul3A_422 : i32
      %add3A_424 = arith.constant 80 : i32
      %add3A_425 = arith.addi %mul3A_423, %add3A_424 : i32
      %swap3A_426 = arith.index_cast %add3A_425 : i32 to index
      %swap3A_427 = tpu.vector_load %arg22[%swap3A_426] {strides = array<i32>} : memref<256xf32, #tpu.memory_space<vmem>>, vector<16xf32>,
      tpu.vector_store %arg22[%swap3A_426], %max3A_371 {strides = array<i32>} : memref<256xf32, #tpu.memory_space<vmem>>, vector<16xf32>,
      %mul3A_428 = arith.constant 2 : i32
      %mul3A_429 = arith.muli %rem3A_181, %mul3A_428 : i32
      %mul3A_430 = arith.constant 64 : i32
      %mul3A_431 = arith.muli %mul3A_429, %mul3A_430 : i32
      %add3A_432 = arith.constant 96 : i32
      %add3A_433 = arith.addi %mul3A_431, %add3A_432 : i32
      %swap3A_434 = arith.index_cast %add3A_433 : i32 to index
      %swap3A_435 = tpu.vector_load %arg22[%swap3A_434] {strides = array<i32>} : memref<256xf32, #tpu.memory_space<vmem>>, vector<16xf32>,
      tpu.vector_store %arg22[%swap3A_434], %max3A_375 {strides = array<i32>} : memref<256xf32, #tpu.memory_space<vmem>>, vector<16xf32>,
      %mul3A_436 = arith.constant 2 : i32
      %mul3A_437 = arith.muli %rem3A_181, %mul3A_436 : i32
      %mul3A_438 = arith.constant 64 : i32
      %mul3A_439 = arith.muli %mul3A_437, %mul3A_438 : i32
      %add3A_440 = arith.constant 112 : i32
      %add3A_441 = arith.addi %mul3A_439, %add3A_440 : i32
      %swap3A_442 = arith.index_cast %add3A_441 : i32 to index
      %swap3A_443 = tpu.vector_load %arg22[%swap3A_442] {strides = array<i32>} : memref<256xf32, #tpu.memory_space<vmem>>, vector<16xf32>,
      tpu.vector_store %arg22[%swap3A_442], %max3A_379 {strides = array<i32>} : memref<256xf32, #tpu.memory_space<vmem>>, vector<16xf32>,
      %mul3A_444 = arith.constant 2 : i32
      %mul3A_445 = arith.muli %rem3A_181, %mul3A_444 : i32
      %mul3A_446 = arith.constant 64 : i32
      %mul3A_447 = arith.muli %mul3A_445, %mul3A_446 : i32
      %dma_start3A_448 = tpu.memref_slice %arg22[%mul3A_447] : memref<256xf32, #tpu.memory_space<vmem>> -> memref<128xf32, #tpu.memory_space<vmem>>
      %dma_start3A_449 = arith.constant 0 : i32
      %dma_start3A_450 = tpu.memref_slice %arg9[%add3A_193, %dma_start3A_449] : memref<10240x128xf32, #tpu.memory_space<hbm>> -> memref<1x128xf32, #tpu.memory_space<hbm>>
      %dma_start3A_451 = tpu.memref_squeeze %dma_start3A_450 : memref<1x128xf32, #tpu.memory_space<hbm>> -> memref<128xf32, #tpu.memory_space<hbm>>
      %dma_start3A_452 = arith.constant 0 : i32
      %dma_start3A_453 = tpu.memref_slice %arg9[%add3A_193, %dma_start3A_452] : memref<10240x128xf32, #tpu.memory_space<hbm>> -> memref<1x128xf32, #tpu.memory_space<hbm>>
      %dma_start3A_454 = tpu.memref_squeeze %dma_start3A_453 : memref<1x128xf32, #tpu.memory_space<hbm>> -> memref<128xf32, #tpu.memory_space<hbm>>
      %dma_start3A_455 = tpu.memref_slice %arg22[%mul3A_447] : memref<256xf32, #tpu.memory_space<vmem>> -> memref<128xf32, #tpu.memory_space<vmem>>
      tpu.enqueue_dma source(%dma_start3A_455 : memref<128xf32, #tpu.memory_space<vmem>>) target(%dma_start3A_454 : memref<128xf32, #tpu.memory_space<hbm>>) target_semaphore(%arg28 : memref<!tpu.dma_semaphore, #tpu.memory_space<semaphore_mem>>)
      %pack3A = tpu.pack_subelements %max3A_351, %max3A_355 {pack_format = #tpu.pack_format<interleaved>, positions = array<i32: 0, 1>} : vector<16xf32>, vector<16xf32> -> vector<32xbf16>
      %bitcast3A = vector.bitcast %pack3A : vector<32xbf16> to vector<16xi32>
      %mul3A_456 = arith.constant 64 : i32
      %mul3A_457 = arith.muli %rem3A_181, %mul3A_456 : i32
      %add3A_458 = arith.constant 0 : i32
      %add3A_459 = arith.addi %mul3A_457, %add3A_458 : i32
      %swap3A_460 = arith.index_cast %add3A_459 : i32 to index
      %swap3A_461 = tpu.vector_load %arg23[%swap3A_460] {strides = array<i32>} : memref<128xi32, #tpu.memory_space<vmem>>, vector<16xi32>,
      tpu.vector_store %arg23[%swap3A_460], %bitcast3A {strides = array<i32>} : memref<128xi32, #tpu.memory_space<vmem>>, vector<16xi32>,
      %pack3A_462 = tpu.pack_subelements %max3A_359, %max3A_363 {pack_format = #tpu.pack_format<interleaved>, positions = array<i32: 0, 1>} : vector<16xf32>, vector<16xf32> -> vector<32xbf16>
      %bitcast3A_463 = vector.bitcast %pack3A_462 : vector<32xbf16> to vector<16xi32>
      %mul3A_464 = arith.constant 64 : i32
      %mul3A_465 = arith.muli %rem3A_181, %mul3A_464 : i32
      %add3A_466 = arith.constant 16 : i32
      %add3A_467 = arith.addi %mul3A_465, %add3A_466 : i32
      %swap3A_468 = arith.index_cast %add3A_467 : i32 to index
      %swap3A_469 = tpu.vector_load %arg23[%swap3A_468] {strides = array<i32>} : memref<128xi32, #tpu.memory_space<vmem>>, vector<16xi32>,
      tpu.vector_store %arg23[%swap3A_468], %bitcast3A_463 {strides = array<i32>} : memref<128xi32, #tpu.memory_space<vmem>>, vector<16xi32>,
      %pack3A_470 = tpu.pack_subelements %max3A_367, %max3A_371 {pack_format = #tpu.pack_format<interleaved>, positions = array<i32: 0, 1>} : vector<16xf32>, vector<16xf32> -> vector<32xbf16>
      %bitcast3A_471 = vector.bitcast %pack3A_470 : vector<32xbf16> to vector<16xi32>
      %mul3A_472 = arith.constant 64 : i32
      %mul3A_473 = arith.muli %rem3A_181, %mul3A_472 : i32
      %add3A_474 = arith.constant 32 : i32
      %add3A_475 = arith.addi %mul3A_473, %add3A_474 : i32
      %swap3A_476 = arith.index_cast %add3A_475 : i32 to index
      %swap3A_477 = tpu.vector_load %arg23[%swap3A_476] {strides = array<i32>} : memref<128xi32, #tpu.memory_space<vmem>>, vector<16xi32>,
      tpu.vector_store %arg23[%swap3A_476], %bitcast3A_471 {strides = array<i32>} : memref<128xi32, #tpu.memory_space<vmem>>, vector<16xi32>,
      %pack3A_478 = tpu.pack_subelements %max3A_375, %max3A_379 {pack_format = #tpu.pack_format<interleaved>, positions = array<i32: 0, 1>} : vector<16xf32>, vector<16xf32> -> vector<32xbf16>
      %bitcast3A_479 = vector.bitcast %pack3A_478 : vector<32xbf16> to vector<16xi32>
      %mul3A_480 = arith.constant 64 : i32
      %mul3A_481 = arith.muli %rem3A_181, %mul3A_480 : i32
      %add3A_482 = arith.constant 48 : i32
      %add3A_483 = arith.addi %mul3A_481, %add3A_482 : i32
      %swap3A_484 = arith.index_cast %add3A_483 : i32 to index
      %swap3A_485 = tpu.vector_load %arg23[%swap3A_484] {strides = array<i32>} : memref<128xi32, #tpu.memory_space<vmem>>, vector<16xi32>,
      tpu.vector_store %arg23[%swap3A_484], %bitcast3A_479 {strides = array<i32>} : memref<128xi32, #tpu.memory_space<vmem>>, vector<16xi32>,
      %mul3A_486 = arith.constant 64 : i32
      %mul3A_487 = arith.muli %rem3A_181, %mul3A_486 : i32
      %dma_start3A_488 = tpu.memref_slice %arg23[%mul3A_487] : memref<128xi32, #tpu.memory_space<vmem>> -> memref<64xi32, #tpu.memory_space<vmem>>
      %dma_start3A_489 = arith.constant 0 : i32
      %dma_start3A_490 = tpu.memref_slice %arg10[%add3A_193, %dma_start3A_489] : memref<10240x64xi32, #tpu.memory_space<hbm>> -> memref<1x64xi32, #tpu.memory_space<hbm>>
      %dma_start3A_491 = tpu.memref_squeeze %dma_start3A_490 : memref<1x64xi32, #tpu.memory_space<hbm>> -> memref<64xi32, #tpu.memory_space<hbm>>
      %dma_start3A_492 = arith.constant 0 : i32
      %dma_start3A_493 = tpu.memref_slice %arg10[%add3A_193, %dma_start3A_492] : memref<10240x64xi32, #tpu.memory_space<hbm>> -> memref<1x64xi32, #tpu.memory_space<hbm>>
      %dma_start3A_494 = tpu.memref_squeeze %dma_start3A_493 : memref<1x64xi32, #tpu.memory_space<hbm>> -> memref<64xi32, #tpu.memory_space<hbm>>
      %dma_start3A_495 = tpu.memref_slice %arg23[%mul3A_487] : memref<128xi32, #tpu.memory_space<vmem>> -> memref<64xi32, #tpu.memory_space<vmem>>
      tpu.enqueue_dma source(%dma_start3A_495 : memref<64xi32, #tpu.memory_space<vmem>>) target(%dma_start3A_494 : memref<64xi32, #tpu.memory_space<hbm>>) target_semaphore(%arg29 : memref<!tpu.dma_semaphore, #tpu.memory_space<semaphore_mem>>)
      %add3A_496 = arith.addi %mul3A_2, %min3A_192 : i32
      %mul3A_497 = arith.constant 256 : i32
      %mul3A_498 = arith.muli %rem3A_181, %mul3A_497 : i32
      %dma_start3A_499 = tpu.memref_slice %arg15[%mul3A_498] : memref<512xi32, #tpu.memory_space<vmem>> -> memref<256xi32, #tpu.memory_space<vmem>>
      %dma_start3A_500 = arith.constant 0 : i32
      %dma_start3A_501 = tpu.memref_slice %arg4[%add3A_496, %dma_start3A_500] : memref<10240x256xi32, #tpu.memory_space<hbm>> -> memref<1x256xi32, #tpu.memory_space<hbm>>
      %dma_start3A_502 = tpu.memref_squeeze %dma_start3A_501 : memref<1x256xi32, #tpu.memory_space<hbm>> -> memref<256xi32, #tpu.memory_space<hbm>>
      %dma_start3A_503 = tpu.memref_slice %arg15[%mul3A_498] : memref<512xi32, #tpu.memory_space<vmem>> -> memref<256xi32, #tpu.memory_space<vmem>>
      %dma_start3A_504 = arith.constant 0 : i32
      %dma_start3A_505 = tpu.memref_slice %arg4[%add3A_496, %dma_start3A_504] : memref<10240x256xi32, #tpu.memory_space<hbm>> -> memref<1x256xi32, #tpu.memory_space<hbm>>
      %dma_start3A_506 = tpu.memref_squeeze %dma_start3A_505 : memref<1x256xi32, #tpu.memory_space<hbm>> -> memref<256xi32, #tpu.memory_space<hbm>>
      tpu.enqueue_dma source(%dma_start3A_506 : memref<256xi32, #tpu.memory_space<hbm>>) target(%dma_start3A_503 : memref<256xi32, #tpu.memory_space<vmem>>) target_semaphore(%arg26 : memref<!tpu.dma_semaphore, #tpu.memory_space<semaphore_mem>>)
      %mul3A_507 = arith.constant 256 : i32
      %mul3A_508 = arith.muli %rem3A_181, %mul3A_507 : i32
      %dma_start3A_509 = tpu.memref_slice %arg16[%mul3A_508] : memref<512xf32, #tpu.memory_space<vmem>> -> memref<256xf32, #tpu.memory_space<vmem>>
      %dma_start3A_510 = arith.constant 0 : i32
      %dma_start3A_511 = tpu.memref_slice %arg6[%add3A_496, %dma_start3A_510] : memref<10240x256xf32, #tpu.memory_space<hbm>> -> memref<1x256xf32, #tpu.memory_space<hbm>>
      %dma_start3A_512 = tpu.memref_squeeze %dma_start3A_511 : memref<1x256xf32, #tpu.memory_space<hbm>> -> memref<256xf32, #tpu.memory_space<hbm>>
      %dma_start3A_513 = tpu.memref_slice %arg16[%mul3A_508] : memref<512xf32, #tpu.memory_space<vmem>> -> memref<256xf32, #tpu.memory_space<vmem>>
      %dma_start3A_514 = arith.constant 0 : i32
      %dma_start3A_515 = tpu.memref_slice %arg6[%add3A_496, %dma_start3A_514] : memref<10240x256xf32, #tpu.memory_space<hbm>> -> memref<1x256xf32, #tpu.memory_space<hbm>>
      %dma_start3A_516 = tpu.memref_squeeze %dma_start3A_515 : memref<1x256xf32, #tpu.memory_space<hbm>> -> memref<256xf32, #tpu.memory_space<hbm>>
      tpu.enqueue_dma source(%dma_start3A_516 : memref<256xf32, #tpu.memory_space<hbm>>) target(%dma_start3A_513 : memref<256xf32, #tpu.memory_space<vmem>>) target_semaphore(%arg27 : memref<!tpu.dma_semaphore, #tpu.memory_space<semaphore_mem>>)
      %scan3A_517 = arith.constant 0 : i32
      scf.yield %scan3A_517 : i32
    }
    %scan3A_94 = arith.constant 320 : i32
    %dma_wait3A_95 = arith.constant 0 : i32
    %dma_wait3A_96 = tpu.memref_slice %arg15[%dma_wait3A_95] : memref<512xi32, #tpu.memory_space<vmem>> -> memref<256xi32, #tpu.memory_space<vmem>>
    %dma_wait3A_97 = arith.constant 0 : i32
    %dma_wait3A_98 = tpu.memref_slice %arg4[%mul3A_2, %dma_wait3A_97] : memref<10240x256xi32, #tpu.memory_space<hbm>> -> memref<1x256xi32, #tpu.memory_space<hbm>>
    %dma_wait3A_99 = tpu.memref_squeeze %dma_wait3A_98 : memref<1x256xi32, #tpu.memory_space<hbm>> -> memref<256xi32, #tpu.memory_space<hbm>>
    %dma_wait3A_100 = arith.constant 0 : i32
    %dma_wait3A_101 = tpu.memref_slice %arg15[%dma_wait3A_100] : memref<512xi32, #tpu.memory_space<vmem>> -> memref<256xi32, #tpu.memory_space<vmem>>
    %dma_wait3A_102 = arith.constant 0 : i32
    %dma_wait3A_103 = tpu.memref_slice %arg4[%mul3A_2, %dma_wait3A_102] : memref<10240x256xi32, #tpu.memory_space<hbm>> -> memref<1x256xi32, #tpu.memory_space<hbm>>
    %dma_wait3A_104 = tpu.memref_squeeze %dma_wait3A_103 : memref<1x256xi32, #tpu.memory_space<hbm>> -> memref<256xi32, #tpu.memory_space<hbm>>
    tpu.wait_dma2 semaphore(%arg26 : memref<!tpu.dma_semaphore, #tpu.memory_space<semaphore_mem>>) src(%dma_wait3A_104 : memref<256xi32, #tpu.memory_space<hbm>>) dst(%dma_wait3A_101 : memref<256xi32, #tpu.memory_space<vmem>>)
    %dma_wait3A_105 = arith.constant 0 : i32
    %dma_wait3A_106 = tpu.memref_slice %arg16[%dma_wait3A_105] : memref<512xf32, #tpu.memory_space<vmem>> -> memref<256xf32, #tpu.memory_space<vmem>>
    %dma_wait3A_107 = arith.constant 0 : i32
    %dma_wait3A_108 = tpu.memref_slice %arg6[%mul3A_2, %dma_wait3A_107] : memref<10240x256xf32, #tpu.memory_space<hbm>> -> memref<1x256xf32, #tpu.memory_space<hbm>>
    %dma_wait3A_109 = tpu.memref_squeeze %dma_wait3A_108 : memref<1x256xf32, #tpu.memory_space<hbm>> -> memref<256xf32, #tpu.memory_space<hbm>>
    %dma_wait3A_110 = arith.constant 0 : i32
    %dma_wait3A_111 = tpu.memref_slice %arg16[%dma_wait3A_110] : memref<512xf32, #tpu.memory_space<vmem>> -> memref<256xf32, #tpu.memory_space<vmem>>
    %dma_wait3A_112 = arith.constant 0 : i32
    %dma_wait3A_113 = tpu.memref_slice %arg6[%mul3A_2, %dma_wait3A_112] : memref<10240x256xf32, #tpu.memory_space<hbm>> -> memref<1x256xf32, #tpu.memory_space<hbm>>
    %dma_wait3A_114 = tpu.memref_squeeze %dma_wait3A_113 : memref<1x256xf32, #tpu.memory_space<hbm>> -> memref<256xf32, #tpu.memory_space<hbm>>
    tpu.wait_dma2 semaphore(%arg27 : memref<!tpu.dma_semaphore, #tpu.memory_space<semaphore_mem>>) src(%dma_wait3A_114 : memref<256xf32, #tpu.memory_space<hbm>>) dst(%dma_wait3A_111 : memref<256xf32, #tpu.memory_space<vmem>>)
    %dma_wait3A_115 = arith.constant 16 : i32
    %dma_wait3A_116 = arith.constant 0 : i32
    %dma_wait3A_117 = tpu.memref_slice %arg20[%dma_wait3A_115, %dma_wait3A_116] : memref<32x32xi32, #tpu.memory_space<vmem>> -> memref<16x32xi32, #tpu.memory_space<vmem>>
    %dma_wait3A_118 = arith.constant 16 : i32
    %dma_wait3A_119 = tpu.memref_slice %arg19[%dma_wait3A_118] : memref<32xi32, #tpu.memory_space<vmem>> -> memref<16xi32, #tpu.memory_space<vmem>>
    %dma_wait3A_120 = arith.constant 0 : i32
    %dma_wait3A_121 = arith.constant 0 : i32
    %dma_wait3A_122 = tpu.memref_slice %arg2[%dma_wait3A_120, %dma_wait3A_121] : memref<10240x32xi32, #tpu.memory_space<hbm>> -> memref<10240x32xi32, #tpu.memory_space<hbm>>
    tpu.wait_indirect_dma semaphore(%arg24 : memref<!tpu.dma_semaphore, #tpu.memory_space<semaphore_mem>>) src(%dma_wait3A_122 : memref<10240x32xi32, #tpu.memory_space<hbm>>) dst(%dma_wait3A_117 : memref<16x32xi32, #tpu.memory_space<vmem>>)
    %dma_wait3A_123 = arith.constant 256 : i32
    %dma_wait3A_124 = arith.constant 0 : i32
    %dma_wait3A_125 = tpu.memref_slice %arg21[%dma_wait3A_123, %dma_wait3A_124] : memref<512x32xi32, #tpu.memory_space<vmem>> -> memref<128x32xi32, #tpu.memory_space<vmem>>
    %dma_wait3A_126 = arith.constant 256 : i32
    %dma_wait3A_127 = tpu.memref_slice %arg15[%dma_wait3A_126] : memref<512xi32, #tpu.memory_space<vmem>> -> memref<128xi32, #tpu.memory_space<vmem>>
    %dma_wait3A_128 = arith.constant 0 : i32
    %dma_wait3A_129 = arith.constant 0 : i32
    %dma_wait3A_130 = tpu.memref_slice %arg2[%dma_wait3A_128, %dma_wait3A_129] : memref<10240x32xi32, #tpu.memory_space<hbm>> -> memref<10240x32xi32, #tpu.memory_space<hbm>>
    tpu.wait_indirect_dma semaphore(%arg25 : memref<!tpu.dma_semaphore, #tpu.memory_space<semaphore_mem>>) src(%dma_wait3A_130 : memref<10240x32xi32, #tpu.memory_space<hbm>>) dst(%dma_wait3A_125 : memref<128x32xi32, #tpu.memory_space<vmem>>)
    %dma_wait3A_131 = arith.constant 384 : i32
    %dma_wait3A_132 = arith.constant 0 : i32
    %dma_wait3A_133 = tpu.memref_slice %arg21[%dma_wait3A_131, %dma_wait3A_132] : memref<512x32xi32, #tpu.memory_space<vmem>> -> memref<128x32xi32, #tpu.memory_space<vmem>>
    %dma_wait3A_134 = arith.constant 384 : i32
    %dma_wait3A_135 = tpu.memref_slice %arg15[%dma_wait3A_134] : memref<512xi32, #tpu.memory_space<vmem>> -> memref<128xi32, #tpu.memory_space<vmem>>
    %dma_wait3A_136 = arith.constant 0 : i32
    %dma_wait3A_137 = arith.constant 0 : i32
    %dma_wait3A_138 = tpu.memref_slice %arg2[%dma_wait3A_136, %dma_wait3A_137] : memref<10240x32xi32, #tpu.memory_space<hbm>> -> memref<10240x32xi32, #tpu.memory_space<hbm>>
    tpu.wait_indirect_dma semaphore(%arg25 : memref<!tpu.dma_semaphore, #tpu.memory_space<semaphore_mem>>) src(%dma_wait3A_138 : memref<10240x32xi32, #tpu.memory_space<hbm>>) dst(%dma_wait3A_133 : memref<128x32xi32, #tpu.memory_space<vmem>>)
    %dma_wait3A_139 = arith.constant 0 : i32
    %dma_wait3A_140 = tpu.memref_slice %arg22[%dma_wait3A_139] : memref<256xf32, #tpu.memory_space<vmem>> -> memref<128xf32, #tpu.memory_space<vmem>>
    %dma_wait3A_141 = arith.constant 0 : i32
    %dma_wait3A_142 = tpu.memref_slice %arg9[%mul3A_2, %dma_wait3A_141] : memref<10240x128xf32, #tpu.memory_space<hbm>> -> memref<1x128xf32, #tpu.memory_space<hbm>>
    %dma_wait3A_143 = tpu.memref_squeeze %dma_wait3A_142 : memref<1x128xf32, #tpu.memory_space<hbm>> -> memref<128xf32, #tpu.memory_space<hbm>>
    %dma_wait3A_144 = arith.constant 0 : i32
    %dma_wait3A_145 = tpu.memref_slice %arg9[%mul3A_2, %dma_wait3A_144] : memref<10240x128xf32, #tpu.memory_space<hbm>> -> memref<1x128xf32, #tpu.memory_space<hbm>>
    %dma_wait3A_146 = tpu.memref_squeeze %dma_wait3A_145 : memref<1x128xf32, #tpu.memory_space<hbm>> -> memref<128xf32, #tpu.memory_space<hbm>>
    %dma_wait3A_147 = arith.constant 0 : i32
    %dma_wait3A_148 = tpu.memref_slice %arg22[%dma_wait3A_147] : memref<256xf32, #tpu.memory_space<vmem>> -> memref<128xf32, #tpu.memory_space<vmem>>
    tpu.wait_dma2 semaphore(%arg28 : memref<!tpu.dma_semaphore, #tpu.memory_space<semaphore_mem>>) src(%dma_wait3A_148 : memref<128xf32, #tpu.memory_space<vmem>>) dst(%dma_wait3A_146 : memref<128xf32, #tpu.memory_space<hbm>>)
    %dma_wait3A_149 = arith.constant 0 : i32
    %dma_wait3A_150 = tpu.memref_slice %arg23[%dma_wait3A_149] : memref<128xi32, #tpu.memory_space<vmem>> -> memref<64xi32, #tpu.memory_space<vmem>>
    %dma_wait3A_151 = arith.constant 0 : i32
    %dma_wait3A_152 = tpu.memref_slice %arg10[%mul3A_2, %dma_wait3A_151] : memref<10240x64xi32, #tpu.memory_space<hbm>> -> memref<1x64xi32, #tpu.memory_space<hbm>>
    %dma_wait3A_153 = tpu.memref_squeeze %dma_wait3A_152 : memref<1x64xi32, #tpu.memory_space<hbm>> -> memref<64xi32, #tpu.memory_space<hbm>>
    %dma_wait3A_154 = arith.constant 0 : i32
    %dma_wait3A_155 = tpu.memref_slice %arg10[%mul3A_2, %dma_wait3A_154] : memref<10240x64xi32, #tpu.memory_space<hbm>> -> memref<1x64xi32, #tpu.memory_space<hbm>>
    %dma_wait3A_156 = tpu.memref_squeeze %dma_wait3A_155 : memref<1x64xi32, #tpu.memory_space<hbm>> -> memref<64xi32, #tpu.memory_space<hbm>>
    %dma_wait3A_157 = arith.constant 0 : i32
    %dma_wait3A_158 = tpu.memref_slice %arg23[%dma_wait3A_157] : memref<128xi32, #tpu.memory_space<vmem>> -> memref<64xi32, #tpu.memory_space<vmem>>
    tpu.wait_dma2 semaphore(%arg29 : memref<!tpu.dma_semaphore, #tpu.memory_space<semaphore_mem>>) src(%dma_wait3A_158 : memref<64xi32, #tpu.memory_space<vmem>>) dst(%dma_wait3A_156 : memref<64xi32, #tpu.memory_space<hbm>>)
    %dma_wait3A_159 = arith.constant 128 : i32
    %dma_wait3A_160 = tpu.memref_slice %arg22[%dma_wait3A_159] : memref<256xf32, #tpu.memory_space<vmem>> -> memref<128xf32, #tpu.memory_space<vmem>>
    %dma_wait3A_161 = arith.constant 0 : i32
    %dma_wait3A_162 = tpu.memref_slice %arg9[%mul3A_2, %dma_wait3A_161] : memref<10240x128xf32, #tpu.memory_space<hbm>> -> memref<1x128xf32, #tpu.memory_space<hbm>>
    %dma_wait3A_163 = tpu.memref_squeeze %dma_wait3A_162 : memref<1x128xf32, #tpu.memory_space<hbm>> -> memref<128xf32, #tpu.memory_space<hbm>>
    %dma_wait3A_164 = arith.constant 0 : i32
    %dma_wait3A_165 = tpu.memref_slice %arg9[%mul3A_2, %dma_wait3A_164] : memref<10240x128xf32, #tpu.memory_space<hbm>> -> memref<1x128xf32, #tpu.memory_space<hbm>>
    %dma_wait3A_166 = tpu.memref_squeeze %dma_wait3A_165 : memref<1x128xf32, #tpu.memory_space<hbm>> -> memref<128xf32, #tpu.memory_space<hbm>>
    %dma_wait3A_167 = arith.constant 128 : i32
    %dma_wait3A_168 = tpu.memref_slice %arg22[%dma_wait3A_167] : memref<256xf32, #tpu.memory_space<vmem>> -> memref<128xf32, #tpu.memory_space<vmem>>
    tpu.wait_dma2 semaphore(%arg28 : memref<!tpu.dma_semaphore, #tpu.memory_space<semaphore_mem>>) src(%dma_wait3A_168 : memref<128xf32, #tpu.memory_space<vmem>>) dst(%dma_wait3A_166 : memref<128xf32, #tpu.memory_space<hbm>>)
    %dma_wait3A_169 = arith.constant 64 : i32
    %dma_wait3A_170 = tpu.memref_slice %arg23[%dma_wait3A_169] : memref<128xi32, #tpu.memory_space<vmem>> -> memref<64xi32, #tpu.memory_space<vmem>>
    %dma_wait3A_171 = arith.constant 0 : i32
    %dma_wait3A_172 = tpu.memref_slice %arg10[%mul3A_2, %dma_wait3A_171] : memref<10240x64xi32, #tpu.memory_space<hbm>> -> memref<1x64xi32, #tpu.memory_space<hbm>>
    %dma_wait3A_173 = tpu.memref_squeeze %dma_wait3A_172 : memref<1x64xi32, #tpu.memory_space<hbm>> -> memref<64xi32, #tpu.memory_space<hbm>>
    %dma_wait3A_174 = arith.constant 0 : i32
    %dma_wait3A_175 = tpu.memref_slice %arg10[%mul3A_2, %dma_wait3A_174] : memref<10240x64xi32, #tpu.memory_space<hbm>> -> memref<1x64xi32, #tpu.memory_space<hbm>>
    %dma_wait3A_176 = tpu.memref_squeeze %dma_wait3A_175 : memref<1x64xi32, #tpu.memory_space<hbm>> -> memref<64xi32, #tpu.memory_space<hbm>>
    %dma_wait3A_177 = arith.constant 64 : i32
    %dma_wait3A_178 = tpu.memref_slice %arg23[%dma_wait3A_177] : memref<128xi32, #tpu.memory_space<vmem>> -> memref<64xi32, #tpu.memory_space<vmem>>
    tpu.wait_dma2 semaphore(%arg29 : memref<!tpu.dma_semaphore, #tpu.memory_space<semaphore_mem>>) src(%dma_wait3A_178 : memref<64xi32, #tpu.memory_space<vmem>>) dst(%dma_wait3A_176 : memref<64xi32, #tpu.memory_space<hbm>>)
    return
  }
}

module attributes {stable_mosaic.version = 14 : i64} {
  func.func @_embed_body(%arg0: i32, %arg1: memref<1024x128xf32, #tpu.memory_space<vmem>>, %arg2: memref<128x64xf32, #tpu.memory_space<vmem>>, %arg3: memref<1024x64xf32, #tpu.memory_space<vmem>>) attributes {dimension_semantics = [#tpu.dimension_semantics<arbitrary>], iteration_bounds = array<i64: 10>, scalar_prefetch = 0 : i64, scratch_operands = 0 : i64, tpu.core_type = #tpu.core_type<tc>, window_params = [{transform_indices = @transform_0, window_bounds = array<i64: 1024, 128>}, {pipeline_mode = #tpu.pipeline_mode<synchronous>, transform_indices = @transform_1, window_bounds = array<i64: 128, 64>}, {transform_indices = @transform_2, window_bounds = array<i64: 1024, 64>}]} {
    %get3A = arith.constant 0 : index
    %get3A_0 = arith.constant 0 : index
    %get3A_1 = vector.load %arg1[%get3A, %get3A_0] : memref<1024x128xf32, #tpu.memory_space<vmem>>, vector<1024x128xf32>
    %get3A_2 = arith.constant 0 : index
    %get3A_3 = arith.constant 0 : index
    %get3A_4 = vector.load %arg2[%get3A_2, %get3A_3] : memref<128x64xf32, #tpu.memory_space<vmem>>, vector<128x64xf32>
    %dot_general3A = arith.constant dense<0.000000e+00> : vector<1024x64xf32>
    %dot_general3A_5 = tpu.matmul %get3A_1, %get3A_4, %dot_general3A {dimension_numbers = #tpu.dot_dimension_numbers<[1], [0], [0], [1], [0, 0, 1, 1], [], []>, transpose_lhs_hint = false} : vector<1024x128xf32>, vector<128x64xf32>, vector<1024x64xf32> -> vector<1024x64xf32>
    %max3A = arith.constant 0.000000e+00 : f32
    %max3A_6 = vector.broadcast %max3A : f32 to vector<1024x64xf32>
    %max3A_7 = arith.maximumf %dot_general3A_5, %max3A_6 : vector<1024x64xf32>
    %swap3A = arith.constant 0 : index
    %swap3A_8 = arith.constant 0 : index
    %swap3A_9 = vector.load %arg3[%swap3A, %swap3A_8] : memref<1024x64xf32, #tpu.memory_space<vmem>>, vector<1024x64xf32>
    tpu.vector_store %arg3[%swap3A, %swap3A_8], %max3A_7 {strides = array<i32>} : memref<1024x64xf32, #tpu.memory_space<vmem>>, vector<1024x64xf32>,
    return
  }
  func.func @transform_0(%arg0: i32) -> (i32, i32) {
    %c0_i32 = arith.constant 0 : i32
    %c0_i32_0 = arith.constant 0 : i32
    return %arg0, %c0_i32 : i32, i32
  }
  func.func @transform_1(%arg0: i32) -> (i32, i32) {
    %c0_i32 = arith.constant 0 : i32
    %c0_i32_0 = arith.constant 0 : i32
    %c0_i32_1 = arith.constant 0 : i32
    return %c0_i32, %c0_i32_0 : i32, i32
  }
  func.func @transform_2(%arg0: i32) -> (i32, i32) {
    %c0_i32 = arith.constant 0 : i32
    %c0_i32_0 = arith.constant 0 : i32
    return %arg0, %c0_i32 : i32, i32
  }
}

module attributes {stable_mosaic.version = 14 : i64} {
  func.func @_classify_body(%arg0: i32, %arg1: memref<1024x64xf32, #tpu.memory_space<vmem>>, %arg2: memref<1024x128xf32, #tpu.memory_space<vmem>>, %arg3: memref<1024x256xf32, #tpu.memory_space<vmem>>, %arg4: memref<448x10xf32, #tpu.memory_space<vmem>>, %arg5: memref<1024x10xf32, #tpu.memory_space<vmem>>) attributes {dimension_semantics = [#tpu.dimension_semantics<arbitrary>], iteration_bounds = array<i64: 10>, scalar_prefetch = 0 : i64, scratch_operands = 0 : i64, tpu.core_type = #tpu.core_type<tc>, window_params = [{transform_indices = @transform_0, window_bounds = array<i64: 1024, 64>}, {transform_indices = @transform_1, window_bounds = array<i64: 1024, 128>}, {transform_indices = @transform_2, window_bounds = array<i64: 1024, 256>}, {pipeline_mode = #tpu.pipeline_mode<synchronous>, transform_indices = @transform_3, window_bounds = array<i64: 448, 10>}, {transform_indices = @transform_4, window_bounds = array<i64: 1024, 10>}]} {
    %get3A = arith.constant 0 : index
    %get3A_0 = arith.constant 0 : index
    %get3A_1 = vector.load %arg4[%get3A, %get3A_0] : memref<448x10xf32, #tpu.memory_space<vmem>>, vector<448x10xf32>
    %get3A_2 = arith.constant 0 : index
    %get3A_3 = arith.constant 0 : index
    %get3A_4 = vector.load %arg1[%get3A_2, %get3A_3] : memref<1024x64xf32, #tpu.memory_space<vmem>>, vector<1024x64xf32>
    %slice3A = vector.extract_strided_slice %get3A_1 {offsets = [0, 0], sizes = [64, 10], strides = [1, 1]} : vector<448x10xf32> to vector<64x10xf32>
    %dot_general3A = arith.constant dense<0.000000e+00> : vector<1024x10xf32>
    %dot_general3A_5 = tpu.matmul %get3A_4, %slice3A, %dot_general3A {dimension_numbers = #tpu.dot_dimension_numbers<[1], [0], [0], [1], [0, 0, 1, 1], [], []>, transpose_lhs_hint = false} : vector<1024x64xf32>, vector<64x10xf32>, vector<1024x10xf32> -> vector<1024x10xf32>
    %get3A_6 = arith.constant 0 : index
    %get3A_7 = arith.constant 0 : index
    %get3A_8 = vector.load %arg2[%get3A_6, %get3A_7] : memref<1024x128xf32, #tpu.memory_space<vmem>>, vector<1024x128xf32>
    %slice3A_9 = vector.extract_strided_slice %get3A_1 {offsets = [64, 0], sizes = [128, 10], strides = [1, 1]} : vector<448x10xf32> to vector<128x10xf32>
    %dot_general3A_10 = arith.constant dense<0.000000e+00> : vector<1024x10xf32>
    %dot_general3A_11 = tpu.matmul %get3A_8, %slice3A_9, %dot_general3A_10 {dimension_numbers = #tpu.dot_dimension_numbers<[1], [0], [0], [1], [0, 0, 1, 1], [], []>, transpose_lhs_hint = false} : vector<1024x128xf32>, vector<128x10xf32>, vector<1024x10xf32> -> vector<1024x10xf32>
    %add3A = arith.addf %dot_general3A_5, %dot_general3A_11 : vector<1024x10xf32>
    %get3A_12 = arith.constant 0 : index
    %get3A_13 = arith.constant 0 : index
    %get3A_14 = vector.load %arg3[%get3A_12, %get3A_13] : memref<1024x256xf32, #tpu.memory_space<vmem>>, vector<1024x256xf32>
    %slice3A_15 = vector.extract_strided_slice %get3A_1 {offsets = [192, 0], sizes = [256, 10], strides = [1, 1]} : vector<448x10xf32> to vector<256x10xf32>
    %dot_general3A_16 = arith.constant dense<0.000000e+00> : vector<1024x10xf32>
    %dot_general3A_17 = tpu.matmul %get3A_14, %slice3A_15, %dot_general3A_16 {dimension_numbers = #tpu.dot_dimension_numbers<[1], [0], [0], [1], [0, 0, 1, 1], [], []>, transpose_lhs_hint = false} : vector<1024x256xf32>, vector<256x10xf32>, vector<1024x10xf32> -> vector<1024x10xf32>
    %add3A_18 = arith.addf %add3A, %dot_general3A_17 : vector<1024x10xf32>
    %reduce_max3A = arith.constant dense<0xFF800000> : vector<1024xf32>
    %reduce_max3A_19 = vector.multi_reduction <maximumf>, %add3A_18, %reduce_max3A [1] : vector<1024x10xf32> to vector<1024xf32>
    %broadcast_in_dim3A = vector.shape_cast %reduce_max3A_19 : vector<1024xf32> to vector<1024x1xf32>
    %sub3A = vector.broadcast %broadcast_in_dim3A : vector<1024x1xf32> to vector<1024x10xf32>
    %sub3A_20 = arith.subf %add3A_18, %sub3A : vector<1024x10xf32>
    %exp3A = math.exp %sub3A_20 : vector<1024x10xf32>
    %reduce_sum3A = arith.constant dense<0.000000e+00> : vector<1024xf32>
    %reduce_sum3A_21 = vector.multi_reduction <add>, %exp3A, %reduce_sum3A [1] : vector<1024x10xf32> to vector<1024xf32>
    %broadcast_in_dim3A_22 = vector.shape_cast %reduce_sum3A_21 : vector<1024xf32> to vector<1024x1xf32>
    %div3A = vector.broadcast %broadcast_in_dim3A_22 : vector<1024x1xf32> to vector<1024x10xf32>
    %div3A_23 = arith.divf %exp3A, %div3A : vector<1024x10xf32>
    %swap3A = arith.constant 0 : index
    %swap3A_24 = arith.constant 0 : index
    %swap3A_25 = vector.load %arg5[%swap3A, %swap3A_24] : memref<1024x10xf32, #tpu.memory_space<vmem>>, vector<1024x10xf32>
    tpu.vector_store %arg5[%swap3A, %swap3A_24], %div3A_23 {strides = array<i32>} : memref<1024x10xf32, #tpu.memory_space<vmem>>, vector<1024x10xf32>,
    return
  }
  func.func @transform_0(%arg0: i32) -> (i32, i32) {
    %c0_i32 = arith.constant 0 : i32
    %c0_i32_0 = arith.constant 0 : i32
    return %arg0, %c0_i32 : i32, i32
  }
  func.func @transform_1(%arg0: i32) -> (i32, i32) {
    %c0_i32 = arith.constant 0 : i32
    %c0_i32_0 = arith.constant 0 : i32
    return %arg0, %c0_i32 : i32, i32
  }
  func.func @transform_2(%arg0: i32) -> (i32, i32) {
    %c0_i32 = arith.constant 0 : i32
    %c0_i32_0 = arith.constant 0 : i32
    return %arg0, %c0_i32 : i32, i32
  }
  func.func @transform_3(%arg0: i32) -> (i32, i32) {
    %c0_i32 = arith.constant 0 : i32
    %c0_i32_0 = arith.constant 0 : i32
    %c0_i32_1 = arith.constant 0 : i32
    return %c0_i32, %c0_i32_0 : i32, i32
  }
  func.func @transform_4(%arg0: i32) -> (i32, i32) {
    %c0_i32 = arith.constant 0 : i32
    %c0_i32_0 = arith.constant 0 : i32
    return %arg0, %c0_i32 : i32, i32
  }
}

</mosaic_0001>

<sc_bundles>
// kernel: kernel.10.cloned.1.call-start
scs
__scs_entry_jumppad:
0x0: {  	(pc) =	sbr.rel $0x88, $3  }
0x1: {  	(tag) =	ssettag $0x0;
	lr =	simm.s32 $0x1  }
0x2: {  	[smem:$0x3F9D] =	sst lr;
	_ =	strace $0xD0000000  }
0x3: {  	_ = 	snop  }
0x4: {  	_ = 	snop  }
0x5: {  	_ = 	snop  }
0x6: {  	_ = 	snop  }
0x7: {  	_ = 	snop  }
__scs_overlays_trampoline_lowered:
0x8: {  	[smem:$0x3FAC] =	sst s0  }
0x9: {  	[smem:$0x3FAD] =	sst s1  }
0xa: {  	[smem:$0x3FAE] =	sst s2  }
0xb: {  	[smem:$0x3FAF] =	sst s3  }
0xc: {  	[smem:$0x3FB0] =	sst s4  }
0xd: {  	[smem:$0x3FB1] =	sst s5  }
0xe: {  	[smem:$0x3FB2] =	sst s6  }
0xf: {  	[smem:$0x3FB3] =	sst s7  }
0x10: {  	[smem:$0x3FB4] =	sst s8  }
0x11: {  	[smem:$0x3FB5] =	sst s9;
	s0 =	simm.s32 @!p0 $0x0  }
0x12: {  	s1 =	sld [smem:$0x3F9B];
	s0 =	simm.s32 @p0 $0x1  }
0x13: {  	[smem:$0x3FB6] =	sst s0;
	s0 =	simm.s32 @!p1 $0x0  }
0x14: {  	s2 =	sld [smem:$0x3F9A];
	s0 =	simm.s32 @p1 $0x1  }
0x15: {  	[smem:$0x3FB7] =	sst s0;
	s0 =	simm.s32 @!p2 $0x0  }
0x16: {  	s3 =	sld [smem:$0x3FDB];
	s0 =	simm.s32 @p2 $0x1  }
0x17: {  	s4 =	simm.s32 $0x1BF5;
	[smem:$0x3FB9] =	sst s0  }
0x18: {  	s0 =	sld [smem:$0x3F9C];
	_ =	swait.ge [sflag:s4], $0x0  }
0x19: {  	s7 =	sld [smem:$0x3F9D]  }
0x1a: {  	s8 =	sadd.s32 $0xFFFFE003, lr  }
0x1b: {  	s9 =	sadd.s32 $0xFFFFFEF7, lr;
	s5 =	simm.s32 $0xFFFFFFFF;
	p2 =	slt.u32 s8, $0xFFFFF086  }
0x1c: {  	p1 =	slt.u32 s9, $0xF7A;
	s5 =	simm.s32 @!p2 $0x0  }
0x1d: {  	s5 =	simm.s32 @p1 $0x1;
	p0 =	seq.s32 s7, s2  }
0x1e: {  	s7 =	smul.u32 @!p0 $0xF7A, s2;
	p2 =	seq.s32 @!p0 s5, $0x0  }
0x1f: {  	s9 =	smul.u32 $0xF7A, s1;
	s8 =	simm.s32 @!p0 $0x1BF5;
	p2 =	por !p2, p0  }
0x20: {  	[sflag:s8] =	ssyncset.s32 @!p0 $0xFFFFF086;
	s6 =	sadd.s32 @!p0 s3, s7;
	s7 =	simm.s32 @!p0 $0x108  }
0x21: {  	s3 =	sadd.s32 s3, s9;
	s6 =	sadd.s32 @!p0 $0x88, s6;
	s7 =	simm.s32 @p2 $0x1082  }
0x22: {  	[simem:s7], [sflag:s8] =	dma.local @!p0 [hbm:s6], $0xF7A  }
0x23: {  	s9 =	sor.u32 $0xD0000000, s2;
	s6 =	simm.s32 $0x108;
	_ =	swait.ge @!p0 [sflag:s8], $0x0  }
0x24: {  	s3 =	sadd.s32 $0x88, s3;
	s6 =	simm.s32 @!p1 $0x1082;
	[sflag:s4] =	ssyncset.s32 $0xFFFFF086  }
0x25: {  	[simem:s6], [sflag:s4] =	dma.local [hbm:s3], $0xF7A  }
0x26: {  	[smem:$0x3F9D] =	sst s1;
	(tag) =	ssettag s2;
	_ =	strace s9  }
0x27: {  	s1 =	sld [smem:$0x3FAD]  }
0x28: {  	s2 =	sld [smem:$0x3FAE]  }
0x29: {  	s4 =	sld [smem:$0x3FB0]  }
0x2a: {  	p0 =	seq.s32 s5, $0x0;
	s5 =	sld [smem:$0x3FB1]  }
0x2b: {  	s6 =	sld [smem:$0x3FB2]  }
0x2c: {  	s7 =	sld [smem:$0x3FB3]  }
0x2d: {  	s3 =	simm.s32 $0x108;
	s8 =	sld [smem:$0x3FB4]  }
0x2e: {  	s3 =	simm.s32 @!p0 $0x1082;
	s9 =	sld [smem:$0x3FB5]  }
0x2f: {  	lr =	sadd.s32 s0, s3;
	s0 =	sld [smem:$0x3FAC]  }
0x30: {  	s3 =	sld [smem:$0x3FAF]  }
0x31: {  	[smem:$0x3FB8] =	sst s10  }
0x32: {  	s10 =	sld [smem:$0x3FB6];
	_ =	sdelay $0x3  }
0x33: {  	p0 =	seq.s32 s10, $0x1;
	s10 =	sld [smem:$0x3FB8];
	_ =	sdelay $0x3  }
0x34: {  	[smem:$0x3FB8] =	sst s10  }
0x35: {  	s10 =	sld [smem:$0x3FB7];
	_ =	sdelay $0x3  }
0x36: {  	p1 =	seq.s32 s10, $0x1;
	s10 =	sld [smem:$0x3FB8];
	_ =	sdelay $0x3  }
0x37: {  	[smem:$0x3FB8] =	sst s10  }
0x38: {  	s10 =	sld [smem:$0x3FB9]  }
0x39: {  	_ = 	snop;
	(pc) =	sbr.ind lr, $3  }
0x3a: {  	_ = 	snop  }
0x3b: {  	_ = 	snop  }
0x3c: {  	p2 =	seq.s32 s10, $0x1;
	s10 =	sld [smem:$0x3FB8]  }
0x3d: {  	_ =	shalt  }
0x3e: {  	_ =	shalt  }
0x3f: {  	_ =	shalt  }
0x40: {  	_ =	shalt  }
0x41: {  	_ =	shalt  }
0x42: {  	_ =	shalt  }
0x43: {  	_ =	shalt  }
0x44: {  	_ =	shalt  }
0x45: {  	_ =	shalt  }
0x46: {  	_ =	shalt  }
0x47: {  	_ =	shalt  }
0x48: {  	_ =	shalt  }
0x49: {  	_ =	shalt  }
0x4a: {  	_ =	shalt  }
0x4b: {  	_ =	shalt  }
0x4c: {  	_ =	shalt  }
0x4d: {  	_ =	shalt  }
0x4e: {  	_ =	shalt  }
0x4f: {  	_ =	shalt  }
0x50: {  	_ =	shalt  }
0x51: {  	_ =	shalt  }
0x52: {  	_ =	shalt  }
0x53: {  	_ =	shalt  }
0x54: {  	_ =	shalt  }
0x55: {  	_ =	shalt  }
0x56: {  	_ =	shalt  }
0x57: {  	_ =	shalt  }
0x58: {  	_ =	shalt  }
0x59: {  	_ =	shalt  }
0x5a: {  	_ =	shalt  }
0x5b: {  	_ =	shalt  }
0x5c: {  	_ =	shalt  }
0x5d: {  	_ =	shalt  }
0x5e: {  	_ =	shalt  }
0x5f: {  	_ =	shalt  }
0x60: {  	_ =	shalt  }
0x61: {  	_ =	shalt  }
0x62: {  	_ =	shalt  }
0x63: {  	_ =	shalt  }
0x64: {  	_ =	shalt  }
0x65: {  	_ =	shalt  }
0x66: {  	_ =	shalt  }
0x67: {  	_ =	shalt  }
0x68: {  	_ =	shalt  }
0x69: {  	_ =	shalt  }
0x6a: {  	_ =	shalt  }
0x6b: {  	_ =	shalt  }
0x6c: {  	_ =	shalt  }
0x6d: {  	_ =	shalt  }
0x6e: {  	_ =	shalt  }
0x6f: {  	_ =	shalt  }
0x70: {  	_ =	shalt  }
0x71: {  	_ =	shalt  }
0x72: {  	_ =	shalt  }
0x73: {  	_ =	shalt  }
0x74: {  	_ =	shalt  }
0x75: {  	_ =	shalt  }
0x76: {  	_ =	shalt  }
0x77: {  	_ =	shalt  }
0x78: {  	_ =	shalt  }
0x79: {  	_ =	shalt  }
0x7a: {  	_ =	shalt  }
0x7b: {  	_ =	shalt  }
0x7c: {  	_ =	shalt  }
0x7d: {  	_ =	shalt  }
0x7e: {  	_ =	shalt  }
0x7f: {  	_ =	shalt  }
0x80: {  	_ =	shalt  }
0x81: {  	_ =	shalt  }
0x82: {  	_ =	shalt  }
0x83: {  	_ =	shalt  }
0x84: {  	_ =	shalt  }
0x85: {  	_ =	shalt  }
0x86: {  	_ =	shalt  }
0x87: {  	_ =	shalt  }
.Lfunc_end0:
.L_simem_size_0:
called_computation.1_lowered:
.L_overlay_start_0:
0x88: {  	s2 =	sld [smem:$0x3FD9]  }
0x89: {  	s3 =	sld [smem:$0x3FFE];
	_ =	sdelay $0x1  }
0x8a: {  	s1 =	srdreg.scid  }
0x8b: {  	s0 =	sand.u32 $0x1, s1  }
0x8c: {  	s17 =	sshll.u32 s0, $0xA;
	s2 =	sadd.s32 s3, s2  }
0x8d: {  	s2 =	sadd.s32 s2, s17  }
0x8e: {  	[smem:$0x3FC4] =	sst s2  }
0x8f: {  	_ = 	snop  }
0x90: {  	s2 =	sld [smem:$0x3FD0];
	(tm) =	ssettm $0x1  }
0x91: {  	s18 =	sld [smem:$0x3FFB];
	_ =	sdelay $0x3  }
0x92: {  	_ =	strace s18  }
0x93: {  	s3 =	sld [smem:$0x3FFC];
	_ =	sdelay $0x3  }
0x94: {  	_ =	strace s3  }
0x95: {  	s3 =	sld [smem:$0x3FFD];
	_ =	sdelay $0x3  }
0x96: {  	_ =	strace s3  }
0x97: {  	_ =	strace $0x8FFFFFFF  }
0x98: {  	s19 =	sld [smem:$0x3FDB];
	_ =	sdelay $0x1  }
0x99: {  	s4 =	simm.s32 $_scs_section_size  }
0x9a: {  	s5 =	simm.s32 $_size__tile_overlayer_lowered;
	s6 =	simm.s32 $_tile_overlayer_lowered  }
0x9b: {  	s22 =	simm.s32 $0x1BFF;
	s21 =	sshll.u32 s6, $0x1;
	s3 =	sadd.s32 s4, s19  }
0x9c: {  	s7 =	simm.s32 $0x0;
	s20 =	sshll.u32 s5, $0x1;
	s5 =	sadd.s32 s21, s3  }
0x9d: {  	[timem:s7], [sflag:s22] =	dma.local [hbm:s5], s20  }
0x9e: {  	_ =	swait.ge [sflag:s22], s20  }
0x9f: {  	s4 =	ssub.s32 $0x0, s20;
	[sflag:s22] =	ssyncset.done $0x0  }
0xa0: {  	[sflag:s22] =	ssyncadd.s32 s4;
	_ =	sdelay $0x1  }
0xa1: {  	s23 =	simm.s32 $0x1B8B  }
0xa2: {  	_ =	swait.ge [sflag:s23], $0x1  }
0xa3: {  	[sflag:s23] =	ssyncset.done $0x0  }
0xa4: {  	s25 =	simm.s32 $0x1B8E;
	s24 =	sld [smem:$0x3FFE];
	[sflag:s23] =	ssyncadd.s32 $0xFFFFFFFF  }
0xa5: {  	s26 =	simm.s32 $execute0_lowered;
	[smem:$0x3FD2] =	sst s25  }
0xa6: {  	s5 =	sshll.u32 s26, $0x1;
	_ =	strace $0x80000049;
	[dreg:$0x1] =	wrdreg $0xFFFFFFFF  }
0xa7: {  	s28 =	simm.s32 $_size_execute0_lowered;
	s3 =	sadd.s32 s3, s5;
	[dreg:$0x0] =	wrdreg $0x0  }
0xa8: {  	s5 =	sshll.u32 s28, $0x1;
	[dreg:$0x2] =	wrdreg s3  }
0xa9: {  	[dreg:$0x3] =	wrdreg s5  }
0xaa: {  	[dreg:$0x4] =	wrdreg $0xC0  }
0xab: {  	_ =	task [dreg:s7], $0x5FFFF  }
0xac: {  	[dreg:$0x1] =	wrdreg $0xFFFFFFFF  }
0xad: {  	[dreg:$0x0] =	wrdreg $0x60  }
0xae: {  	[dreg:$0x2] =	wrdreg s24  }
0xaf: {  	[dreg:$0x3] =	wrdreg s2  }
0xb0: {  	[dreg:$0x4] =	wrdreg $0x9  }
0xb1: {  	_ =	task.clear_ibuf [dreg:s7], $0x5FFFF;
	_ =	strace $0x90000049  }
0xb2: {  	s29 =	simm.s32 $0x9;
	_ =	strace $0x8000004B  }
0xb3: {  	_ =	swait.ge [sflag:s29], $0x1  }
0xb4: {  	[sflag:s29] =	ssyncadd.s32 $0xFFFFFFFF  }
0xb5: {  	_ =	strace $0x9000004B  }
0xb6: {  	_ =	sfence  }
0xb7: {  	s30 =	sld [smem:$0x0];
	_ =	sdelay $0x2  }
0xb8: {  	s31 =	sshll.u32 s1, $0xD;
	s1 =	sshrl.u32 s1, $0x2  }
0xb9: {  	s3 =	sand.u32 $0x4000, s31;
	s1 =	sadd.s32 s1, s30  }
0xba: {  	s0 =	sor.u32 s3, s0;
	s1 =	sshll.u32 s1, $0x11  }
0xbb: {  	s0 =	sor.u32 s1, s0  }
0xbc: {  	s0 =	sadd.s32 $0x8F2B, s0  }
0xbd: {  	[sflag:s0] =	ssyncadd.remote.s32 $0x1  }
0xbe: {  	_ =	sfence.sel $0xFFFF  }
0xbf: {  	[dreg:$0x0] =	wrdreg $0xFFFFFFFF;
	(pc) =	sbr.abs _section_cstart, $3  }
0xc0: {  	[dreg:$0x1] =	wrdreg $0xFFFFFFFF  }
0xc1: {  	_ =	task.clear_ibuf [dreg:s7], $0x2FFFF;
	_ =	strace $0x9FFFFFFF  }
0xc2: {  	(tm) =	ssettm $0x7FFFFFFF  }
0xc3: {  	_ =	shalt  }
tec
execute0_lowered:
.L_overlay_start_1:
0x0: {  	(tag) =	ssettag $0x1  }
0x1: {  	s0 =	rddreg [dreg:$0x0]  }
0x2: {  	s1 =	srdreg.scid;
	s2 =	stileid.u32  }
0x3: {  	s3 =	simm.s32 $0x0;
	s28 =	simm.s32 $0x3;
	s29 =	simm.s32 $0x4  }
0x4: {  	s30 =	simm.s32 $0x10;
	s31 =	simm.s32 $0x2;
	s12 =	simm.s32 $0x0  }
0x5: {  	s1 =	sand.u32 $0x1, s1;
	s2 =	sshll.u32 s2, $0x1;
	[smem:$0x7FF] =	sst s3  }
0x6: {  	s4 =	sadd.s32 $0x1AE00, s0;
	s5 =	sadd.s32 $0x24E00, s0;
	s2 =	sor.u32 s1, s2  }
0x7: {  	s8 =	sadd.s32 $0xC9E00, s0;
	s9 =	sadd.s32 $0x6E00, s0;
	s6 =	smul.u32 $0x280, s2  }
0x8: {  	_ =	strace $0x8000004A;
	s1 =	ssub.s32 $0x2, s1;
	s11 =	smul.u32 $0x2800, s2  }
0x9: {  	[dreg:$0x3] =	wrdreg s8;
	s8 =	sadd.s32 $0xCA400, s0;
	s20 =	sshrl.u32 s1, $0x1  }
0xa: {  	s10 =	smul.u32 $0x140, s2;
	s7 =	sadd.s32 s6, s0;
	s23 =	sadd.s32 s5, s11  }
0xb: {  	s2 =	simm.s32 $0x8150;
	s21 =	sadd.s32 $0x1E00, s7;
	[dreg:$0x6] =	wrdreg s23  }
0xc: {  	s6 =	sadd.s32 $0x79E00, s0;
	s22 =	sadd.s32 $0x74E00, s7;
	[dreg:$0x4] =	wrdreg s21  }
0xd: {  	s24 =	sor.u32 $0x20, s11;
	s25 =	sadd.s32 s6, s11;
	[dreg:$0x5] =	wrdreg s22  }
0xe: {  	s0 =	ssub.s32 s1, s20;
	s26 =	sadd.s32 s5, s24;
	[dreg:$0x7] =	wrdreg s25  }
0xf: {  	s17 =	sor.u32 $0x2, s10;
	s1 =	sadd.s32 s6, s24;
	[dreg:$0x8] =	wrdreg s26  }
0x10: {  	s20 =	simm.s32 $0x2800;
	s0 =	smax.u32 s0, $0x1;
	[dreg:$0x9] =	wrdreg s1  }
0x11: {  	v0 =	vlaneseq.u32;
	v1 =	vimm.s32 $0x0;
	v3 =	vimm.s32 $0x1;
	[dreg:$0xa] =	wrdreg s0;
	s21 =	simm.s32 $0x5000;
	s22 =	simm.s32 $0x6400  }
0x12: {  	v4 =	vimm.s32 $0x2;
	v5 =	vimm.s32 $0x3;
	v2 =	vor.u32 $0x10, v0;
	s1 =	simm.s32 $0x7D50;
	s0 =	simm.s32 $0x80;
	s26 =	simm.s32 $0x1  }
.LBB2_1:
0x13: {  	[dreg:$0xb] =	wrdreg s12  }
0x14: {  	s7 =	rddreg [dreg:$0x1];
	s11 =	simm.s32 $0x7  }
0x15: {  	[tilespmem:s3], [sflag:$0x7] =	stream.linear.gather [hbm4b:s7+s3], $0x2800, $0x38;
	[tilespmem:$0xC2D0] =	vst v63  }
0x16: {  	_ =	swait.ge [sflag:s11], $0x2800  }
0x17: {  	[sflag:s11] =	ssyncset.done $0x0  }
0x18: {  	s18 =	rddreg [dreg:$0x3];
	[sflag:s11] =	ssyncadd.s32 $0xFFFFD800  }
0x19: {  	[tilespmem:s20], [sflag:$0x7] =	stream.linear.gather [hbm4b:s18+s3], $0x2800, $0x38;
	[tilespmem:$0xC2D0] =	vst v63  }
0x1a: {  	_ =	swait.ge [sflag:s11], $0x2800  }
0x1b: {  	[sflag:s11] =	ssyncset.done $0x0  }
0x1c: {  	s19 =	rddreg [dreg:$0x4];
	[sflag:s11] =	ssyncadd.s32 $0xFFFFD800  }
0x1d: {  	[tilespmem:s21], [sflag:$0x7] =	stream.linear.gather [hbm4b:s19+s3], $0x1400, $0x38;
	[tilespmem:$0xC2D0] =	vst v63  }
0x1e: {  	_ =	swait.ge [sflag:s11], $0x1400  }
0x1f: {  	[sflag:s11] =	ssyncset.done $0x0  }
0x20: {  	s23 =	rddreg [dreg:$0x5];
	[sflag:s11] =	ssyncadd.s32 $0xFFFFEC00  }
0x21: {  	[tilespmem:s22], [sflag:$0x7] =	stream.linear.gather [hbm4b:s23+s3], $0x1400, $0x38;
	[tilespmem:$0xC2D0] =	vst v63  }
0x22: {  	_ =	swait.ge [sflag:s11], $0x1400  }
0x23: {  	[sflag:s11] =	ssyncset.done $0x0  }
0x24: {  	s25 =	simm.s32 $0x7800;
	s24 =	rddreg [dreg:$0x6];
	[sflag:s11] =	ssyncadd.s32 $0xFFFFEC00  }
0x25: {  	[tilespmem:s25], [sflag:$0x3] =	stream.linear.gather [hbm4b:s24+s3], $0x100, $0x38;
	[tilespmem:$0xC2D0] =	vst v63  }
0x26: {  	s14 =	simm.s32 $0x7A00;
	s13 =	rddreg [dreg:$0x7]  }
0x27: {  	[tilespmem:s14], [sflag:$0x4] =	stream.linear.gather [hbm4b:s13+s3], $0x100, $0x38;
	[tilespmem:$0xC2D0] =	vst v63  }
0x28: {  	s16 =	simm.s32 $0x7900;
	s15 =	rddreg [dreg:$0x8]  }
0x29: {  	[tilespmem:s16], [sflag:$0x3] =	stream.linear.gather [hbm4b:s15+s3], $0x100, $0x38;
	[tilespmem:$0xC2D0] =	vst v63  }
0x2a: {  	s19 =	simm.s32 $0x7B00;
	s18 =	rddreg [dreg:$0x9]  }
0x2b: {  	[tilespmem:s19], [sflag:$0x4] =	stream.linear.gather [hbm4b:s18+s3], $0x100, $0x38;
	[tilespmem:$0xC2D0] =	vst v63  }
0x2c: {  	_ =	swait.ge [sflag:s28], $0x100  }
0x2d: {  	[sflag:s28] =	ssyncset.done $0x0  }
0x2e: {  	[sflag:s28] =	ssyncadd.s32 $0xFFFFFF00  }
0x2f: {  	_ =	swait.ge [sflag:s29], $0x100  }
0x30: {  	[sflag:s29] =	ssyncset.done $0x0  }
0x31: {  	[sflag:s29] =	ssyncadd.s32 $0xFFFFFF00  }
0x32: {  	v6 =	vld.idx.msk [tilespmem:v0+s21+$0x0], $0xffff;
	_ =	sdelay $0x4  }
0x33: {  	s23 =	simm.s32 $0x7D30;
	[tilespmem:$0x7D30] =	vst v6  }
0x34: {  	[tilespmem:s1], [sflag:$0x1] =	stream.indirect.gather [hbm4b:s4+s30], $0x20, s23, s30, $0xb8;
	[tilespmem:$0xC2D0] =	vst v63  }
0x35: {  	p0 =	por $0x0, $0x0  }
0x36: {  	[tilespmem:s2], [sflag:$0x2] =	stream.indirect.gather [hbm4b:s4+s0], $0x20, s25, s0, $0xb8;
	[tilespmem:$0xC2D0] =	vst v63  }
0x37: {  	s11 =	simm.s32 $0x0;
	s24 =	simm.s32 $0x7880;
	s25 =	simm.s32 $0x9150  }
0x38: {  	[tilespmem:s25], [sflag:$0x2] =	stream.indirect.gather [hbm4b:s4+s0], $0x20, s24, s0, $0xb8;
	[tilespmem:$0xC2D0] =	vst v63  }
.LBB2_2:
0x39: {  	s12 =	sadd.s32 $0x1, s11  }
0x3a: {  	s13 =	smin.u32 s12, $0x13F  }
0x3b: {  	_ =	swait.ge [sflag:s28], $0x100;
	s13 =	sshll.u32 s13, $0x4  }
0x3c: {  	[sflag:s28] =	ssyncset.done $0x0;
	v6 =	vor.u32 s13, v0  }
0x3d: {  	[sflag:s28] =	ssyncadd.s32 $0xFFFFFF00  }
0x3e: {  	_ =	swait.ge [sflag:s29], $0x100  }
0x3f: {  	[sflag:s29] =	ssyncset.done $0x0  }
0x40: {  	[sflag:s29] =	ssyncadd.s32 $0xFFFFFF00  }
0x41: {  	v6 =	vld.idx.msk [tilespmem:v6+s21+$0x0], $0xffff;
	_ =	sdelay $0x2  }
0x42: {  	s25 =	sshll.u32 s11, $0x4;
	s23 =	sand.u32 $0x1, s12  }
0x43: {  	s14 =	sshll.u32 s23, $0x4;
	s15 =	sshll.u32 s23, $0x9;
	s7 =	sshll.u32 s23, $0x8  }
0x44: {  	s16 =	sadd.s32 $0x7D30, s14;
	s24 =	sor.u32 $0x7D50, s15;
	s13 =	sshll.u32 s23, $0xD;
	[tilespmem:s14+$0x7D30] =	vst v6  }
0x45: {  	v6 =	vor.u32 s25, v0;
	[tilespmem:s24], [sflag:$0x1] =	stream.indirect.gather [hbm4b:s4+s30], $0x20, s16, s30, $0xb8;
	[tilespmem:$0xC2D0] =	vst v63  }
0x46: {  	s19 =	sor.u32 $0x7800, s7;
	s18 =	sor.u32 $0x8150, s13  }
0x47: {  	[tilespmem:s18], [sflag:$0x2] =	stream.indirect.gather [hbm4b:s4+s0], $0x20, s19, s0, $0xb8;
	[tilespmem:$0xC2D0] =	vst v63  }
0x48: {  	s23 =	sor.u32 $0x7880, s7;
	s13 =	sor.u32 $0x9150, s13  }
0x49: {  	[tilespmem:s13], [sflag:$0x2] =	stream.indirect.gather [hbm4b:s4+s0], $0x20, s23, s0, $0xb8;
	[tilespmem:$0xC2D0] =	vst v63  }
0x4a: {  	v7 =	vld.idx.msk [tilespmem:v6+s21+$0x0], $0xffff;
	_ =	sdelay $0x6  }
0x4b: {  	s24 =	simm.s32 $0x0;
	v6 =	vld.idx.msk [tilespmem:v6+s22+$0x0], $0xffff  }
0x4c: {  	v7 =	vld.idx.msk [tilespmem:v7+s24+$0x0], $0xffff;
	_ =	sdelay $0x2  }
0x4d: {  	s13 =	simm.s32 $0x1  }
0x4e: {  	s13 =	simm.s32 @!p0 $0x0  }
0x4f: {  	s25 =	sshll.u32 s13, $0x8;
	v6 =	vmul.f32 v7, v6  }
0x50: {  	s16 =	sor.u32 $0x7800, s25  }
0x51: {  	[tilespmem:$0x7D10] =	vst v6;
	v6 =	vmov s16;
	_ =	sdelay $0x1  }
0x52: {  	s13 =	sshll.u32 s13, $0x4;
	s14 =	sor.u32 $0x3, s25  }
0x53: {  	s15 =	sor.u32 $0x3, s13;
	s18 =	sor.u32 $0x7A00, s25;
	s13 =	sand.u32 $0x1, s11  }
0x54: {  	s23 =	sshll.u32 s13, $0x8;
	v7 =	vmov s18;
	s18 =	simm.s32 $0x40;
	s16 =	simm.s32 $0x0  }
.LBB2_3:
0x55: {  	p1 =	sne.s32 s18, $0x3C0;
	v8 =	vld.idx.msk [tilespmem:v6+s16+$0x0 ss:$0x1], $0xffff;
	_ =	sdelay $0x6  }
0x56: {  	v9 =	vld.idx.msk [tilespmem:v7+s16+$0x0 ss:$0x1], $0xffff  }
0x57: {  	v8 =	vld.idx.msk [tilespmem:v8+s20+$0x0], $0xffff;
	_ =	sdelay $0x3  }
.Ltmp0:
0x58: {  	(pc) =	sbr.rel @p1 .LBB2_3-.Ltmp0, $3  }
0x59: {  	_ = 	snop  }
0x5a: {  	v8 =	vmul.f32 v8, v9;
	_ =	sdelay $0x1  }
0x5b: {  	[tilespmem:s16+$0x7C00] =	vst v8;
	s16 =	sshra.s32 s18, $0x2;
	s18 =	sadd.s32 $0x40, s18  }
0x5c: {  	_ =	sdelay $0x3  }
0x5d: {  	v6 =	vld.idx.msk [tilespmem:v6+s16+$0x0 ss:$0x1], $0xffff;
	_ =	sdelay $0x6  }
0x5e: {  	v7 =	vld.idx.msk [tilespmem:v7+s16+$0x0 ss:$0x1], $0xffff  }
0x5f: {  	v6 =	vld.idx.msk [tilespmem:v6+s20+$0x0], $0xffff;
	_ =	sdelay $0x4  }
0x60: {  	v6 =	vmul.f32 v6, v7;
	_ =	sdelay $0x1  }
0x61: {  	[tilespmem:s16+$0x7C00] =	vst v6  }
0x62: {  	_ =	swait.ge [sflag:s26], $0x200  }
0x63: {  	[sflag:s26] =	ssyncset.done $0x0  }
0x64: {  	[sflag:s26] =	ssyncadd.s32 $0xFFFFFE00  }
0x65: {  	_ =	swait.ge [sflag:s31], $0x1000  }
0x66: {  	s18 =	sshll.u32 s15, $0x5;
	[sflag:s31] =	ssyncset.done $0x0  }
0x67: {  	v6 =	vor.u32 s18, v0;
	[sflag:s31] =	ssyncadd.s32 $0xFFFFF000  }
0x68: {  	s25 =	sadd.s32 $0xFFFFFFE0, s18;
	v7 =	vor.u32 s18, v2;
	_ =	swait.ge [sflag:s31], $0x1000  }
0x69: {  	v8 =	vor.u32 s25, v0;
	[sflag:s31] =	ssyncset.done $0x0  }
0x6a: {  	s24 =	sadd.s32 $0xFFFFFFC0, s18;
	v9 =	vor.u32 s25, v2;
	s16 =	simm.s32 $0x0;
	[sflag:s31] =	ssyncadd.s32 $0xFFFFF000  }
0x6b: {  	v10 =	vor.u32 s24, v0;
	s18 =	sadd.s32 $0xFFFFFFA0, s18;
	v11 =	vld [tilespmem:s16+$0x7D10]  }
0x6c: {  	v14 =	vor.u32 s18, v0;
	v13 =	vld.idx.msk [tilespmem:v6+s1+$0x0], $0xffff  }
0x6d: {  	s7 =	sadd.s32 $0x4, s15;
	v15 =	vld.idx.msk [tilespmem:v7+s1+$0x0], $0xffff  }
0x6e: {  	s15 =	sshll.u32 s7, $0x5;
	v12 =	vor.u32 s24, v2;
	v16 =	vld.idx.msk [tilespmem:v8+s1+$0x0], $0xffff  }
0x6f: {  	s19 =	sadd.s32 $0xFFFFFFE0, s15;
	v19 =	vor.u32 s15, v0;
	v22 =	vor.u32 s15, v2;
	v17 =	vor.u32 s18, v2;
	v18 =	vld.idx.msk [tilespmem:v9+s1+$0x0], $0xffff  }
0x70: {  	s25 =	sadd.s32 $0xFFFFFFC0, s15;
	v21 =	vor.u32 s19, v0;
	v6 =	vimm.f32 $0.0e+00;
	v20 =	vld.idx.msk [tilespmem:v10+s1+$0x0], $0xffff;
	v9 =	vor.u32 s19, v2  }
0x71: {  	s18 =	sadd.s32 $0xFFFFFFA0, s15;
	v10 =	vor.u32 s25, v0;
	v7 =	vor.u32 s25, v2;
	v14 =	vld.idx.msk [tilespmem:v14+s1+$0x0], $0xffff;
	v24 =	vperm.xlane v11, v5  }
0x72: {  	v8 =	vor.u32 s18, v0;
	v25 =	vperm.xlane v11, v3;
	v26 =	vperm.xlane v11, v4  }
0x73: {  	v23 =	vld.idx.msk [tilespmem:v12+s1+$0x0], $0xffff;
	v27 =	vperm.xlane v11, v1;
	v12 =	vunpack.i.u.bf16.f32 v13;
	v11 =	vunpack.i.l.bf16.f32 v13  }
0x74: {  	v13 =	vld.idx.msk [tilespmem:v17+s1+$0x0], $0xffff;
	v28 =	vunpack.i.u.bf16.f32 v15;
	v17 =	vunpack.i.l.bf16.f32 v15;
	v15 =	vunpack.i.u.bf16.f32 v16  }
0x75: {  	v16 =	vunpack.i.l.bf16.f32 v16;
	v29 =	vunpack.i.u.bf16.f32 v20;
	v30 =	vunpack.i.u.bf16.f32 v18  }
0x76: {  	v18 =	vunpack.i.l.bf16.f32 v18;
	v31 =	vunpack.i.u.bf16.f32 v14;
	v11 =	vmul.f32 v11, v24  }
0x77: {  	v20 =	vunpack.i.l.bf16.f32 v20;
	v12 =	vmul.f32 v12, v24;
	v16 =	vmul.f32 v16, v26  }
0x78: {  	v14 =	vunpack.i.l.bf16.f32 v14;
	v33 =	vmul.f32 v15, v26;
	v20 =	vmul.f32 v20, v25  }
0x79: {  	v32 =	vunpack.i.u.bf16.f32 v23;
	v29 =	vmul.f32 v29, v25;
	v14 =	vmul.f32 v14, v27  }
0x7a: {  	v31 =	vmul.f32 v31, v27;
	v15 =	vunpack.i.u.bf16.f32 v13;
	v13 =	vunpack.i.l.bf16.f32 v13  }
0x7b: {  	v23 =	vunpack.i.l.bf16.f32 v23;
	v13 =	vmul.f32 v13, v27;
	v15 =	vmul.f32 v15, v27  }
0x7c: {  	v23 =	vmul.f32 v23, v25;
	v14 =	vadd.f32 v14, v6;
	v61 =	vadd.f32 v31, v6  }
0x7d: {  	v25 =	vmul.f32 v32, v25;
	v62 =	vadd.f32 v13, v6;
	v15 =	vadd.f32 v15, v6  }
0x7e: {  	s15 =	simm.s32 $0x4;
	v63 =	vmul.f32 v18, v26;
	v20 =	vadd.f32 v20, v14;
	v27 =	vadd.f32 v29, v61;
	v14 =	vld.idx.msk [tilespmem:v19+s1+$0x0], $0xffff  }
0x7f: {  	v26 =	vmul.f32 v30, v26;
	v13 =	vld [tilespmem:s15+$0x7D10];
	v23 =	vadd.f32 v23, v62;
	v25 =	vadd.f32 v25, v15  }
0x80: {  	v17 =	vmul.f32 v17, v24;
	v18 =	vadd.f32 v16, v20;
	v19 =	vadd.f32 v33, v27;
	v16 =	vld.idx.msk [tilespmem:v21+s1+$0x0], $0xffff  }
0x81: {  	s24 =	sadd.s32 $0x4, s7;
	s25 =	simm.s32 $0x20;
	v15 =	vld.idx.msk [tilespmem:v22+s1+$0x0], $0xffff;
	v22 =	vmul.f32 v28, v24;
	v20 =	vadd.f32 v63, v23;
	v21 =	vadd.f32 v26, v25  }
.LBB2_5:
0x82: {  	s19 =	sshll.u32 s24, $0x5;
	p1 =	sne.s32 s25, $0x30;
	v23 =	vor.u32 s18, v2;
	v24 =	vld.idx.msk [tilespmem:v9+s1+$0x0], $0xffff;
	v18 =	vadd.f32 v11, v18;
	v19 =	vadd.f32 v12, v19  }
0x83: {  	s18 =	sadd.s32 $0xFFFFFFE0, s19;
	v25 =	vor.u32 s19, v0;
	v26 =	vld.idx.msk [tilespmem:v10+s1+$0x0], $0xffff;
	v17 =	vadd.f32 v17, v20;
	v20 =	vadd.f32 v22, v21  }
0x84: {  	s7 =	sadd.s32 $0xFFFFFFC0, s19;
	v22 =	vor.u32 s19, v2;
	v21 =	vor.u32 s18, v0;
	v9 =	vor.u32 s18, v2;
	v27 =	vld.idx.msk [tilespmem:v7+s1+$0x0], $0xffff  }
0x85: {  	v29 =	vperm.xlane v13, v5;
	s18 =	sadd.s32 $0xFFFFFFA0, s19;
	v10 =	vor.u32 s7, v0;
	v7 =	vor.u32 s7, v2;
	v28 =	vld.idx.msk [tilespmem:v8+s1+$0x0], $0xffff  }
0x86: {  	v30 =	vperm.xlane v13, v3;
	v31 =	vperm.xlane v13, v4;
	v8 =	vor.u32 s18, v0  }
0x87: {  	v13 =	vperm.xlane v13, v1;
	v12 =	vunpack.i.u.bf16.f32 v14;
	v11 =	vunpack.i.l.bf16.f32 v14;
	v23 =	vld.idx.msk [tilespmem:v23+s1+$0x0], $0xffff  }
0x88: {  	v11 =	vmul.f32 v11, v29;
	v32 =	vunpack.i.u.bf16.f32 v15;
	v33 =	vunpack.i.l.bf16.f32 v15  }
0x89: {  	v12 =	vmul.f32 v12, v29;
	v14 =	vunpack.i.u.bf16.f32 v16;
	v15 =	vunpack.i.l.bf16.f32 v16  }
0x8a: {  	v34 =	vunpack.i.u.bf16.f32 v24;
	v24 =	vunpack.i.l.bf16.f32 v24;
	v16 =	vunpack.i.u.bf16.f32 v26  }
0x8b: {  	v26 =	vunpack.i.l.bf16.f32 v26;
	v36 =	vunpack.i.u.bf16.f32 v27;
	v35 =	vunpack.i.u.bf16.f32 v28  }
0x8c: {  	v37 =	vmul.f32 v15, v31;
	v38 =	vmul.f32 v14, v31;
	v28 =	vunpack.i.l.bf16.f32 v28  }
0x8d: {  	v15 =	vmul.f32 v26, v30;
	v16 =	vmul.f32 v16, v30;
	v14 =	vunpack.i.u.bf16.f32 v23  }
0x8e: {  	v26 =	vmul.f32 v28, v13;
	v28 =	vmul.f32 v35, v13;
	v23 =	vunpack.i.l.bf16.f32 v23  }
0x8f: {  	v23 =	vmul.f32 v23, v13;
	v13 =	vmul.f32 v14, v13;
	v14 =	vunpack.i.l.bf16.f32 v27  }
0x90: {  	v18 =	vadd.f32 v26, v18;
	v19 =	vadd.f32 v28, v19;
	v26 =	vmul.f32 v14, v30  }
.Ltmp1:
0x91: {  	s7 =	sshra.s32 s25, $0x2;
	v17 =	vadd.f32 v23, v17;
	v20 =	vadd.f32 v13, v20;
	v23 =	vmul.f32 v36, v30;
	(pc) =	sbr.rel @p1 .LBB2_5-.Ltmp1, $4  }
0x92: {  	v24 =	vmul.f32 v24, v31;
	v18 =	vadd.f32 v15, v18;
	v16 =	vadd.f32 v16, v19;
	v13 =	vld [tilespmem:s7+$0x7D10]  }
0x93: {  	v23 =	vadd.f32 v23, v20;
	v14 =	vld.idx.msk [tilespmem:v25+s1+$0x0], $0xffff;
	v25 =	vadd.f32 v26, v17;
	v26 =	vmul.f32 v34, v31  }
0x94: {  	v18 =	vadd.f32 v37, v18;
	v19 =	vadd.f32 v38, v16;
	v17 =	vmul.f32 v33, v29;
	v15 =	vld.idx.msk [tilespmem:v22+s1+$0x0], $0xffff  }
0x95: {  	s24 =	sadd.s32 $0x4, s24;
	s25 =	sadd.s32 $0x10, s25;
	v22 =	vmul.f32 v32, v29;
	v16 =	vld.idx.msk [tilespmem:v21+s1+$0x0], $0xffff;
	v20 =	vadd.f32 v24, v25;
	v21 =	vadd.f32 v26, v23  }
0x96: {  	_ =	sdelay $0x3  }
0x97: {  	v23 =	vor.u32 s18, v2;
	v9 =	vld.idx.msk [tilespmem:v9+s1+$0x0], $0xffff;
	v11 =	vadd.f32 v11, v18;
	v12 =	vadd.f32 v12, v19  }
0x98: {  	v10 =	vld.idx.msk [tilespmem:v10+s1+$0x0], $0xffff;
	v17 =	vadd.f32 v17, v20;
	v18 =	vadd.f32 v22, v21;
	v19 =	vperm.xlane v13, v5  }
0x99: {  	v8 =	vld.idx.msk [tilespmem:v8+s1+$0x0], $0xffff;
	v20 =	vperm.xlane v13, v3;
	v21 =	vperm.xlane v13, v4;
	v22 =	vunpack.i.l.bf16.f32 v14  }
0x9a: {  	v13 =	vperm.xlane v13, v1;
	v14 =	vunpack.i.u.bf16.f32 v14;
	v22 =	vmul.f32 v22, v19  }
0x9b: {  	v7 =	vld.idx.msk [tilespmem:v7+s1+$0x0], $0xffff;
	v24 =	vunpack.i.u.bf16.f32 v15;
	v15 =	vunpack.i.l.bf16.f32 v15;
	v14 =	vmul.f32 v14, v19  }
0x9c: {  	v25 =	vunpack.i.u.bf16.f32 v16;
	v16 =	vunpack.i.l.bf16.f32 v16;
	v15 =	vmul.f32 v15, v19  }
0x9d: {  	v19 =	vmul.f32 v24, v19;
	v23 =	vld.idx.msk [tilespmem:v23+s1+$0x0], $0xffff;
	v26 =	vunpack.i.u.bf16.f32 v10;
	v27 =	vunpack.i.u.bf16.f32 v9  }
0x9e: {  	v9 =	vunpack.i.l.bf16.f32 v9;
	v28 =	vunpack.i.u.bf16.f32 v8;
	v10 =	vunpack.i.l.bf16.f32 v10  }
0x9f: {  	v8 =	vunpack.i.l.bf16.f32 v8;
	v16 =	vmul.f32 v16, v21;
	v25 =	vmul.f32 v25, v21  }
0xa0: {  	v30 =	vunpack.i.u.bf16.f32 v7;
	v10 =	vmul.f32 v10, v20;
	v8 =	vmul.f32 v8, v13  }
0xa1: {  	v7 =	vunpack.i.l.bf16.f32 v7;
	v26 =	vmul.f32 v26, v20;
	v28 =	vmul.f32 v28, v13  }
0xa2: {  	v8 =	vadd.f32 v8, v11;
	v29 =	vunpack.i.u.bf16.f32 v23;
	v23 =	vunpack.i.l.bf16.f32 v23  }
0xa3: {  	v7 =	vmul.f32 v7, v20;
	v11 =	vadd.f32 v28, v12;
	v23 =	vmul.f32 v23, v13  }
0xa4: {  	s7 =	sshll.u32 s14, $0x5;
	v9 =	vmul.f32 v9, v21;
	v8 =	vadd.f32 v10, v8;
	v13 =	vmul.f32 v29, v13  }
0xa5: {  	v10 =	vor.u32 s7, v0;
	v11 =	vadd.f32 v26, v11;
	v12 =	vadd.f32 v23, v17  }
0xa6: {  	s19 =	sadd.s32 $0xFFFFFFC0, s7;
	v13 =	vadd.f32 v13, v18;
	v17 =	vmul.f32 v30, v20;
	v18 =	vor.u32 s7, v2  }
0xa7: {  	s25 =	sadd.s32 $0xFFFFFFE0, s7;
	v11 =	vadd.f32 v25, v11;
	v20 =	vor.u32 s19, v0;
	v7 =	vadd.f32 v7, v12  }
0xa8: {  	v12 =	vadd.f32 v17, v13;
	v13 =	vor.u32 s25, v0;
	v17 =	vmul.f32 v27, v21  }
0xa9: {  	v8 =	vadd.f32 v16, v8;
	v16 =	vor.u32 s25, v2;
	v21 =	vld [tilespmem:s16+$0x7C00];
	v7 =	vadd.f32 v9, v7  }
0xaa: {  	s7 =	sadd.s32 $0xFFFFFFA0, s7;
	v23 =	vld.idx.msk [tilespmem:v10+s2+$0x0], $0xffff;
	v10 =	vadd.f32 v14, v11;
	v12 =	vadd.f32 v17, v12;
	v17 =	vor.u32 s19, v2;
	s19 =	sadd.s32 $0x4, s14  }
0xab: {  	v9 =	vadd.f32 v22, v8;
	v22 =	vor.u32 s7, v0;
	v18 =	vld.idx.msk [tilespmem:v18+s2+$0x0], $0xffff;
	s14 =	sshll.u32 s19, $0x5;
	v8 =	vadd.f32 v15, v7  }
0xac: {  	v20 =	vld.idx.msk [tilespmem:v20+s2+$0x0], $0xffff;
	v7 =	vadd.f32 v19, v12;
	v15 =	vor.u32 s7, v2;
	s24 =	sadd.s32 $0xFFFFFFE0, s14;
	v25 =	vor.u32 s14, v0  }
0xad: {  	s25 =	sadd.s32 $0xFFFFFFC0, s14;
	v27 =	vor.u32 s14, v2;
	v24 =	vld.idx.msk [tilespmem:v13+s2+$0x0], $0xffff;
	v26 =	vor.u32 s24, v0;
	v13 =	vor.u32 s24, v2  }
0xae: {  	v19 =	vld.idx.msk [tilespmem:v16+s2+$0x0], $0xffff;
	s14 =	sadd.s32 $0xFFFFFFA0, s14;
	v14 =	vor.u32 s25, v0;
	v11 =	vor.u32 s25, v2;
	v59 =	vperm.xlane v21, v5  }
0xaf: {  	v12 =	vor.u32 s14, v0;
	v60 =	vperm.xlane v21, v3;
	v61 =	vperm.xlane v21, v4  }
0xb0: {  	v21 =	vperm.xlane v21, v1;
	v16 =	vunpack.i.u.bf16.f32 v23;
	v23 =	vunpack.i.l.bf16.f32 v23;
	v22 =	vld.idx.msk [tilespmem:v22+s2+$0x0], $0xffff  }
0xb1: {  	v17 =	vld.idx.msk [tilespmem:v17+s2+$0x0], $0xffff;
	v16 =	vmul.f32 v16, v59;
	v32 =	vunpack.i.u.bf16.f32 v18;
	v33 =	vunpack.i.u.bf16.f32 v20  }
0xb2: {  	v20 =	vunpack.i.l.bf16.f32 v20;
	v31 =	vld.idx.msk [tilespmem:v15+s2+$0x0], $0xffff;
	v15 =	vmul.f32 v23, v59;
	v23 =	vunpack.i.l.bf16.f32 v18  }
0xb3: {  	v34 =	vunpack.i.u.bf16.f32 v19;
	v19 =	vunpack.i.l.bf16.f32 v19;
	v20 =	vmul.f32 v20, v60  }
0xb4: {  	v33 =	vmul.f32 v33, v60;
	v18 =	vunpack.i.u.bf16.f32 v24;
	v24 =	vunpack.i.l.bf16.f32 v24  }
0xb5: {  	v63 =	vmul.f32 v19, v61;
	v35 =	vunpack.i.u.bf16.f32 v22;
	v22 =	vunpack.i.l.bf16.f32 v22  }
0xb6: {  	v37 =	vmul.f32 v18, v61;
	v36 =	vunpack.i.u.bf16.f32 v17;
	v22 =	vmul.f32 v22, v21  }
0xb7: {  	v35 =	vmul.f32 v35, v21;
	v18 =	vunpack.i.u.bf16.f32 v31;
	v31 =	vunpack.i.l.bf16.f32 v31  }
0xb8: {  	v17 =	vunpack.i.l.bf16.f32 v17;
	v31 =	vmul.f32 v31, v21;
	v18 =	vmul.f32 v18, v21  }
0xb9: {  	v62 =	vmul.f32 v17, v60;
	v21 =	vadd.f32 v22, v6;
	v22 =	vadd.f32 v35, v6  }
0xba: {  	v29 =	vmul.f32 v36, v60;
	v31 =	vadd.f32 v31, v6;
	v18 =	vadd.f32 v18, v6  }
0xbb: {  	v19 =	vld.idx.msk [tilespmem:v26+s2+$0x0], $0xffff;
	v24 =	vmul.f32 v24, v61;
	v20 =	vadd.f32 v20, v21;
	v22 =	vadd.f32 v33, v22  }
0xbc: {  	v30 =	vmul.f32 v34, v61;
	v17 =	vld.idx.msk [tilespmem:v25+s2+$0x0], $0xffff;
	v25 =	vadd.f32 v62, v31;
	v29 =	vadd.f32 v29, v18  }
0xbd: {  	v6 =	vld [tilespmem:s15+$0x7C00];
	v21 =	vadd.f32 v24, v20;
	v22 =	vadd.f32 v37, v22;
	v20 =	vmul.f32 v23, v59  }
0xbe: {  	s16 =	simm.s32 $0x20;
	s15 =	sadd.s32 $0x4, s19;
	v18 =	vld.idx.msk [tilespmem:v27+s2+$0x0], $0xffff;
	v24 =	vadd.f32 v63, v25;
	v23 =	vadd.f32 v30, v29;
	v25 =	vmul.f32 v32, v59  }
.LBB2_7:
0xbf: {  	s7 =	sshll.u32 s15, $0x5;
	p1 =	sne.s32 s16, $0x3F0;
	v26 =	vor.u32 s14, v2;
	v27 =	vld.idx.msk [tilespmem:v13+s2+$0x0], $0xffff;
	v21 =	vadd.f32 v15, v21;
	v22 =	vadd.f32 v16, v22  }
0xc0: {  	s14 =	sadd.s32 $0xFFFFFFE0, s7;
	v28 =	vor.u32 s7, v0;
	v29 =	vld.idx.msk [tilespmem:v14+s2+$0x0], $0xffff;
	v20 =	vadd.f32 v20, v24;
	v23 =	vadd.f32 v25, v23  }
0xc1: {  	s18 =	sadd.s32 $0xFFFFFFC0, s7;
	v25 =	vor.u32 s7, v2;
	v24 =	vor.u32 s14, v0;
	v13 =	vor.u32 s14, v2;
	v30 =	vld.idx.msk [tilespmem:v11+s2+$0x0], $0xffff  }
0xc2: {  	v32 =	vperm.xlane v6, v5;
	s14 =	sadd.s32 $0xFFFFFFA0, s7;
	v14 =	vor.u32 s18, v0;
	v11 =	vor.u32 s18, v2;
	v31 =	vld.idx.msk [tilespmem:v12+s2+$0x0], $0xffff  }
0xc3: {  	v33 =	vperm.xlane v6, v3;
	v34 =	vperm.xlane v6, v4;
	v12 =	vor.u32 s14, v0  }
0xc4: {  	v6 =	vperm.xlane v6, v1;
	v16 =	vunpack.i.u.bf16.f32 v17;
	v15 =	vunpack.i.l.bf16.f32 v17;
	v26 =	vld.idx.msk [tilespmem:v26+s2+$0x0], $0xffff  }
0xc5: {  	v15 =	vmul.f32 v15, v32;
	v35 =	vunpack.i.u.bf16.f32 v18;
	v36 =	vunpack.i.l.bf16.f32 v18  }
0xc6: {  	v16 =	vmul.f32 v16, v32;
	v17 =	vunpack.i.u.bf16.f32 v19;
	v18 =	vunpack.i.l.bf16.f32 v19  }
0xc7: {  	v37 =	vunpack.i.u.bf16.f32 v27;
	v27 =	vunpack.i.l.bf16.f32 v27;
	v19 =	vunpack.i.u.bf16.f32 v29  }
0xc8: {  	v29 =	vunpack.i.l.bf16.f32 v29;
	v39 =	vunpack.i.u.bf16.f32 v30;
	v38 =	vunpack.i.u.bf16.f32 v31  }
0xc9: {  	v40 =	vmul.f32 v18, v34;
	v41 =	vmul.f32 v17, v34;
	v31 =	vunpack.i.l.bf16.f32 v31  }
0xca: {  	v18 =	vmul.f32 v29, v33;
	v19 =	vmul.f32 v19, v33;
	v17 =	vunpack.i.u.bf16.f32 v26  }
0xcb: {  	v29 =	vmul.f32 v31, v6;
	v31 =	vmul.f32 v38, v6;
	v26 =	vunpack.i.l.bf16.f32 v26  }
0xcc: {  	v26 =	vmul.f32 v26, v6;
	v6 =	vmul.f32 v17, v6;
	v17 =	vunpack.i.l.bf16.f32 v30  }
0xcd: {  	v21 =	vadd.f32 v29, v21;
	v22 =	vadd.f32 v31, v22;
	v29 =	vmul.f32 v17, v33  }
.Ltmp2:
0xce: {  	s7 =	sshra.s32 s16, $0x2;
	v20 =	vadd.f32 v26, v20;
	v23 =	vadd.f32 v6, v23;
	v26 =	vmul.f32 v39, v33;
	(pc) =	sbr.rel @p1 .LBB2_7-.Ltmp2, $4  }
0xcf: {  	v27 =	vmul.f32 v27, v34;
	v21 =	vadd.f32 v18, v21;
	v19 =	vadd.f32 v19, v22;
	v6 =	vld [tilespmem:s7+$0x7C00]  }
0xd0: {  	v23 =	vadd.f32 v26, v23;
	v26 =	vmul.f32 v37, v34;
	v17 =	vld.idx.msk [tilespmem:v28+s2+$0x0], $0xffff;
	v28 =	vadd.f32 v29, v20  }
0xd1: {  	v21 =	vadd.f32 v40, v21;
	v22 =	vadd.f32 v41, v19;
	v20 =	vmul.f32 v36, v32;
	v18 =	vld.idx.msk [tilespmem:v25+s2+$0x0], $0xffff  }
0xd2: {  	s15 =	sadd.s32 $0x4, s15;
	s16 =	sadd.s32 $0x10, s16;
	v23 =	vadd.f32 v26, v23;
	v25 =	vmul.f32 v35, v32;
	v19 =	vld.idx.msk [tilespmem:v24+s2+$0x0], $0xffff;
	v24 =	vadd.f32 v27, v28  }
0xd3: {  	_ =	sdelay $0x2  }
0xd4: {  	v26 =	vor.u32 s14, v2;
	v15 =	vadd.f32 v15, v21  }
0xd5: {  	v13 =	vld.idx.msk [tilespmem:v13+s2+$0x0], $0xffff;
	v16 =	vadd.f32 v16, v22;
	v20 =	vadd.f32 v20, v24;
	v45 =	vperm.xlane v6, v5  }
0xd6: {  	v14 =	vld.idx.msk [tilespmem:v14+s2+$0x0], $0xffff;
	s15 =	sadd.s32 s10, s11;
	v46 =	vadd.f32 v25, v23;
	v47 =	vperm.xlane v6, v3;
	v48 =	vperm.xlane v6, v4  }
0xd7: {  	v12 =	vld.idx.msk [tilespmem:v12+s2+$0x0], $0xffff;
	v6 =	vperm.xlane v6, v1;
	v32 =	vmov s15;
	v51 =	vunpack.i.l.bf16.f32 v17  }
0xd8: {  	p1 =	slt.u32 s11, $0x2;
	v11 =	vld.idx.msk [tilespmem:v11+s2+$0x0], $0xffff;
	v50 =	vunpack.i.u.bf16.f32 v17;
	v17 =	vmul.f32 v51, v45;
	v52 =	vunpack.i.l.bf16.f32 v18  }
0xd9: {  	s7 =	simm.s32 @!p1 $0x5;
	v27 =	vunpack.i.u.bf16.f32 v18;
	v28 =	vunpack.i.u.bf16.f32 v19;
	v18 =	vmul.f32 v52, v45  }
0xda: {  	v53 =	vunpack.i.l.bf16.f32 v19;
	v62 =	vmul.f32 v27, v45;
	v49 =	vld.idx.msk [tilespmem:v26+s2+$0x0], $0xffff;
	v26 =	vmul.f32 v50, v45;
	_ =	swait.ge @!p1 [sflag:s7], $0x80  }
0xdb: {  	v29 =	vunpack.i.u.bf16.f32 v14;
	v30 =	vunpack.i.u.bf16.f32 v13;
	v13 =	vunpack.i.l.bf16.f32 v13;
	[sflag:s7] =	ssyncset.done @!p1 $0x0  }
0xdc: {  	v31 =	vunpack.i.u.bf16.f32 v12;
	v12 =	vunpack.i.l.bf16.f32 v12;
	v14 =	vunpack.i.l.bf16.f32 v14;
	[sflag:s7] =	ssyncadd.s32 @!p1 $0xFFFFFF80;
	s7 =	simm.s32 @!p1 $0x6  }
0xdd: {  	v54 =	vunpack.i.u.bf16.f32 v11;
	v19 =	vmul.f32 v53, v48;
	v12 =	vmul.f32 v12, v6;
	_ =	swait.ge @!p1 [sflag:s7], $0x40  }
0xde: {  	v11 =	vunpack.i.l.bf16.f32 v11;
	v58 =	vmul.f32 v28, v48;
	v31 =	vmul.f32 v31, v6;
	[sflag:s7] =	ssyncset.done @!p1 $0x0  }
0xdf: {  	v14 =	vmul.f32 v14, v47;
	v29 =	vmul.f32 v29, v47;
	v12 =	vadd.f32 v12, v15;
	[sflag:s7] =	ssyncadd.s32 @!p1 $0xFFFFFFC0  }
0xe0: {  	v11 =	vmul.f32 v11, v47;
	v55 =	vadd.f32 v31, v16;
	v33 =	vunpack.i.l.bf16.f32 v49;
	v56 =	vld.idx.msk [tilespmem:v32+s3+$0x0], $0xffff  }
0xe1: {  	v25 =	vunpack.i.u.bf16.f32 v49;
	v12 =	vadd.f32 v14, v12;
	v33 =	vmul.f32 v33, v6  }
0xe2: {  	v57 =	vmul.f32 v54, v47;
	v59 =	vadd.f32 v29, v55;
	v6 =	vmul.f32 v25, v6  }
0xe3: {  	v13 =	vmul.f32 v13, v48;
	v12 =	vadd.f32 v19, v12;
	v20 =	vadd.f32 v33, v20  }
0xe4: {  	v60 =	vmul.f32 v30, v48;
	v61 =	vld.idx.msk [tilespmem:v32+s20+$0x0], $0xffff;
	v14 =	vadd.f32 v58, v59;
	v6 =	vadd.f32 v6, v46  }
0xe5: {  	v12 =	vadd.f32 v17, v12;
	v11 =	vadd.f32 v11, v20;
	v9 =	vmul.f32 v56, v9  }
0xe6: {  	v14 =	vadd.f32 v26, v14;
	v6 =	vadd.f32 v57, v6;
	v10 =	vmul.f32 v56, v10  }
0xe7: {  	s16 =	sshll.u32 s13, $0x7;
	v8 =	vmul.f32 v56, v8;
	v11 =	vadd.f32 v13, v11;
	v9 =	vmax.f32 v9, $0.0e+00  }
0xe8: {  	v7 =	vmul.f32 v56, v7;
	v6 =	vadd.f32 v60, v6;
	v10 =	vmax.f32 v10, $0.0e+00;
	[tilespmem:s16+$0xC150] =	vst v9  }
0xe9: {  	v12 =	vmul.f32 v61, v12;
	v8 =	vmax.f32 v8, $0.0e+00;
	v11 =	vadd.f32 v18, v11;
	[tilespmem:s16+$0xC160] =	vst v10  }
0xea: {  	v63 =	vmul.f32 v61, v14;
	v7 =	vmax.f32 v7, $0.0e+00;
	v6 =	vadd.f32 v62, v6;
	[tilespmem:s16+$0xC170] =	vst v8  }
0xeb: {  	v12 =	vmax.f32 v12, $0.0e+00;
	[tilespmem:s16+$0xC180] =	vst v7;
	v11 =	vmul.f32 v61, v11  }
0xec: {  	v13 =	vmax.f32 v63, $0.0e+00;
	[tilespmem:s16+$0xC190] =	vst v12;
	v6 =	vmul.f32 v61, v6  }
0xed: {  	[tilespmem:s16+$0xC1A0] =	vst v13;
	v11 =	vmax.f32 v11, $0.0e+00  }
0xee: {  	s18 =	sshll.u32 s15, $0x4;
	v6 =	vmax.f32 v6, $0.0e+00;
	[tilespmem:s16+$0xC1B0] =	vst v11  }
0xef: {  	s19 =	sshrl.u32 s23, $0x2;
	s13 =	sadd.s32 s8, s18;
	s7 =	sor.u32 $0xC150, s16;
	[tilespmem:s16+$0xC1C0] =	vst v6  }
0xf0: {  	v9 =	vpack.i.f32.bf16 v10, v9;
	[hbm4b:s13+s3] =	stream.linear.scatter [tilespmem:s7], [sflag:$0x5], $0x80, $0x38;
	[tilespmem:$0xC2D0] =	vst v63  }
0xf1: {  	v7 =	vpack.i.f32.bf16 v7, v8;
	[tilespmem:s19+$0xC250] =	vst v9  }
0xf2: {  	v6 =	vpack.i.f32.bf16 v6, v11;
	[tilespmem:s19+$0xC260] =	vst v7  }
0xf3: {  	s25 =	smin.u32 s11, $0x13D;
	s24 =	sshll.u32 s15, $0x3;
	s15 =	sadd.s32 $0xC250, s19;
	v7 =	vpack.i.f32.bf16 v13, v12;
	[tilespmem:s19+$0xC280] =	vst v6  }
0xf4: {  	s18 =	sadd.s32 s25, s17;
	p1 =	sne.s32 s12, $0x140;
	s16 =	sadd.s32 s9, s24;
	[tilespmem:s19+$0xC270] =	vst v7  }
0xf5: {  	[hbm4b:s16+s3] =	stream.linear.scatter [tilespmem:s15], [sflag:$0x6], $0x40, $0x38;
	[tilespmem:$0xC2D0] =	vst v63  }
.Ltmp3:
0xf6: {  	s7 =	sshll.u32 s18, $0x5;
	(pc) =	sbr.rel @p1 .LBB2_2-.Ltmp3, $4  }
0xf7: {  	p0 =	por !p0, !p0;
	s24 =	sadd.s32 s5, s7;
	s19 =	sor.u32 $0x7800, s23  }
0xf8: {  	[tilespmem:s19], [sflag:$0x3] =	stream.linear.gather [hbm4b:s24+s3], $0x100, $0x38;
	[tilespmem:$0xC2D0] =	vst v63  }
0xf9: {  	s11 =	smov.u32 s12;
	s25 =	sor.u32 $0x7A00, s23;
	s7 =	sadd.s32 s6, s7  }
0xfa: {  	[tilespmem:s25], [sflag:$0x4] =	stream.linear.gather [hbm4b:s7+s3], $0x100, $0x38;
	[tilespmem:$0xC2D0] =	vst v63  }
0xfb: {  	_ =	swait.ge [sflag:s28], $0x100  }
0xfc: {  	[sflag:s28] =	ssyncset.done $0x0  }
0xfd: {  	[sflag:s28] =	ssyncadd.s32 $0xFFFFFF00  }
0xfe: {  	_ =	swait.ge [sflag:s29], $0x100  }
0xff: {  	[sflag:s29] =	ssyncset.done $0x0  }
0x100: {  	[sflag:s29] =	ssyncadd.s32 $0xFFFFFF00  }
0x101: {  	_ =	swait.ge [sflag:s26], $0x200  }
0x102: {  	[sflag:s26] =	ssyncset.done $0x0  }
0x103: {  	[sflag:s26] =	ssyncadd.s32 $0xFFFFFE00  }
0x104: {  	_ =	swait.ge [sflag:s31], $0x1000  }
0x105: {  	[sflag:s31] =	ssyncset.done $0x0  }
0x106: {  	[sflag:s31] =	ssyncadd.s32 $0xFFFFF000  }
0x107: {  	_ =	swait.ge [sflag:s31], $0x1000  }
0x108: {  	[sflag:s31] =	ssyncset.done $0x0  }
0x109: {  	s7 =	simm.s32 $0x5;
	[sflag:s31] =	ssyncadd.s32 $0xFFFFF000  }
0x10a: {  	_ =	swait.ge [sflag:s7], $0x80  }
0x10b: {  	[sflag:s7] =	ssyncset.done $0x0  }
0x10c: {  	s11 =	simm.s32 $0x6;
	[sflag:s7] =	ssyncadd.s32 $0xFFFFFF80  }
0x10d: {  	_ =	swait.ge [sflag:s11], $0x40  }
0x10e: {  	[sflag:s11] =	ssyncset.done $0x0  }
0x10f: {  	[sflag:s11] =	ssyncadd.s32 $0xFFFFFFC0  }
0x110: {  	_ =	swait.ge [sflag:s7], $0x80  }
0x111: {  	[sflag:s7] =	ssyncset.done $0x0  }
0x112: {  	[sflag:s7] =	ssyncadd.s32 $0xFFFFFF80  }
0x113: {  	_ =	swait.ge [sflag:s11], $0x40  }
0x114: {  	s12 =	rddreg [dreg:$0xb]  }
0x115: {  	s25 =	rddreg [dreg:$0xa];
	s12 =	sadd.s32 $0x1, s12  }
0x116: {  	p0 =	sne.s32 s12, s25  }
.Ltmp4:
0x117: {  	_ = 	snop;
	(pc) =	sbr.rel @p0 .LBB2_1-.Ltmp4, $3  }
0x118: {  	_ =	sdelay $0x1  }
0x119: {  	[sflag:s11] =	ssyncset.done $0x0  }
0x11a: {  	[sflag:s11] =	ssyncadd.s32 $0xFFFFFFC0  }
0x11b: {  	_ =	sfence.sel $0x180000  }
0x11c: {  	[bflag:$0x0] =	sbarrier.arrive $0xFFFF  }
0x11d: {  	_ =	strace $0x9000004A  }
0x11e: {  	s0 =	stileid.u32;
	[bflag:$0x2] =	sbarrier.arrive $0xFFFF  }
0x11f: {  	p0 =	sne.s32 s0, $0x0;
	s0 =	rddreg [dreg:$0x2]  }
0x120: {  	s0 =	sadd.s32 @!p0 $0x100000, s0  }
0x121: {  	[sflag:s0] =	ssyncadd.tile.s32 @!p0 $0x1;
	_ =	shalt  }
.Lfunc_end2:
_tile_overlayer_lowered:
.L_overlay_start_2:
0x122: {  	(tag) =	ssettag $0x2  }
0x123: {  	s0 =	rddreg [dreg:$0x0];
	s2 =	stileid.u32  }
0x124: {  	s1 =	rddreg [dreg:$0x1];
	p0 =	sne.s32 s2, $0x0  }
0x125: {  	s3 =	rddreg [dreg:$0x2];
	[bflag:$0x3] =	sbarrier.arrive $0xFFFF;
	s2 =	simm.s32 @!p0 $0x1C07  }
0x126: {  	[timem:s3], [sflag:s2] =	dma.local @!p0 [hbm:s0], s1  }
0x127: {  	s0 =	simm.s32 @!p0 $0x7  }
0x128: {  	_ =	swait.ge @!p0 [sflag:s0], s1  }
0x129: {  	s1 =	ssub.s32 @!p0 $0x0, s1;
	[sflag:s0] =	ssyncset.done @!p0 $0x0  }
0x12a: {  	[sflag:s0] =	ssyncadd.s32 @!p0 s1  }
0x12b: {  	[bflag:$0x3] =	sbarrier.arrive $0xFFFF  }
0x12c: {  	_ =	shalt  }

// kernel: kernel.13.cloned.1.call-start
scs
__scs_entry_jumppad:
0x0: {  	(pc) =	sbr.rel $0x88, $3  }
0x1: {  	(tag) =	ssettag $0x0;
	lr =	simm.s32 $0x1  }
0x2: {  	[smem:$0x3F9D] =	sst lr;
	_ =	strace $0xD0000000  }
0x3: {  	_ = 	snop  }
0x4: {  	_ = 	snop  }
0x5: {  	_ = 	snop  }
0x6: {  	_ = 	snop  }
0x7: {  	_ = 	snop  }
__scs_overlays_trampoline_lowered:
0x8: {  	[smem:$0x3FAC] =	sst s0  }
0x9: {  	[smem:$0x3FAD] =	sst s1  }
0xa: {  	[smem:$0x3FAE] =	sst s2  }
0xb: {  	[smem:$0x3FAF] =	sst s3  }
0xc: {  	[smem:$0x3FB0] =	sst s4  }
0xd: {  	[smem:$0x3FB1] =	sst s5  }
0xe: {  	[smem:$0x3FB2] =	sst s6  }
0xf: {  	[smem:$0x3FB3] =	sst s7  }
0x10: {  	[smem:$0x3FB4] =	sst s8  }
0x11: {  	[smem:$0x3FB5] =	sst s9;
	s0 =	simm.s32 @!p0 $0x0  }
0x12: {  	s1 =	sld [smem:$0x3F9B];
	s0 =	simm.s32 @p0 $0x1  }
0x13: {  	[smem:$0x3FB6] =	sst s0;
	s0 =	simm.s32 @!p1 $0x0  }
0x14: {  	s2 =	sld [smem:$0x3F9A];
	s0 =	simm.s32 @p1 $0x1  }
0x15: {  	[smem:$0x3FB7] =	sst s0;
	s0 =	simm.s32 @!p2 $0x0  }
0x16: {  	s3 =	sld [smem:$0x3FDB];
	s0 =	simm.s32 @p2 $0x1  }
0x17: {  	s4 =	simm.s32 $0x1BF5;
	[smem:$0x3FB9] =	sst s0  }
0x18: {  	s0 =	sld [smem:$0x3F9C];
	_ =	swait.ge [sflag:s4], $0x0  }
0x19: {  	s7 =	sld [smem:$0x3F9D]  }
0x1a: {  	s8 =	sadd.s32 $0xFFFFE003, lr  }
0x1b: {  	s9 =	sadd.s32 $0xFFFFFEF7, lr;
	s5 =	simm.s32 $0xFFFFFFFF;
	p2 =	slt.u32 s8, $0xFFFFF086  }
0x1c: {  	p1 =	slt.u32 s9, $0xF7A;
	s5 =	simm.s32 @!p2 $0x0  }
0x1d: {  	s5 =	simm.s32 @p1 $0x1;
	p0 =	seq.s32 s7, s2  }
0x1e: {  	s7 =	smul.u32 @!p0 $0xF7A, s2;
	p2 =	seq.s32 @!p0 s5, $0x0  }
0x1f: {  	s9 =	smul.u32 $0xF7A, s1;
	s8 =	simm.s32 @!p0 $0x1BF5;
	p2 =	por !p2, p0  }
0x20: {  	[sflag:s8] =	ssyncset.s32 @!p0 $0xFFFFF086;
	s6 =	sadd.s32 @!p0 s3, s7;
	s7 =	simm.s32 @!p0 $0x108  }
0x21: {  	s3 =	sadd.s32 s3, s9;
	s6 =	sadd.s32 @!p0 $0x88, s6;
	s7 =	simm.s32 @p2 $0x1082  }
0x22: {  	[simem:s7], [sflag:s8] =	dma.local @!p0 [hbm:s6], $0xF7A  }
0x23: {  	s9 =	sor.u32 $0xD0000000, s2;
	s6 =	simm.s32 $0x108;
	_ =	swait.ge @!p0 [sflag:s8], $0x0  }
0x24: {  	s3 =	sadd.s32 $0x88, s3;
	s6 =	simm.s32 @!p1 $0x1082;
	[sflag:s4] =	ssyncset.s32 $0xFFFFF086  }
0x25: {  	[simem:s6], [sflag:s4] =	dma.local [hbm:s3], $0xF7A  }
0x26: {  	[smem:$0x3F9D] =	sst s1;
	(tag) =	ssettag s2;
	_ =	strace s9  }
0x27: {  	s1 =	sld [smem:$0x3FAD]  }
0x28: {  	s2 =	sld [smem:$0x3FAE]  }
0x29: {  	s4 =	sld [smem:$0x3FB0]  }
0x2a: {  	p0 =	seq.s32 s5, $0x0;
	s5 =	sld [smem:$0x3FB1]  }
0x2b: {  	s6 =	sld [smem:$0x3FB2]  }
0x2c: {  	s7 =	sld [smem:$0x3FB3]  }
0x2d: {  	s3 =	simm.s32 $0x108;
	s8 =	sld [smem:$0x3FB4]  }
0x2e: {  	s3 =	simm.s32 @!p0 $0x1082;
	s9 =	sld [smem:$0x3FB5]  }
0x2f: {  	lr =	sadd.s32 s0, s3;
	s0 =	sld [smem:$0x3FAC]  }
0x30: {  	s3 =	sld [smem:$0x3FAF]  }
0x31: {  	[smem:$0x3FB8] =	sst s10  }
0x32: {  	s10 =	sld [smem:$0x3FB6];
	_ =	sdelay $0x3  }
0x33: {  	p0 =	seq.s32 s10, $0x1;
	s10 =	sld [smem:$0x3FB8];
	_ =	sdelay $0x3  }
0x34: {  	[smem:$0x3FB8] =	sst s10  }
0x35: {  	s10 =	sld [smem:$0x3FB7];
	_ =	sdelay $0x3  }
0x36: {  	p1 =	seq.s32 s10, $0x1;
	s10 =	sld [smem:$0x3FB8];
	_ =	sdelay $0x3  }
0x37: {  	[smem:$0x3FB8] =	sst s10  }
0x38: {  	s10 =	sld [smem:$0x3FB9]  }
0x39: {  	_ = 	snop;
	(pc) =	sbr.ind lr, $3  }
0x3a: {  	_ = 	snop  }
0x3b: {  	_ = 	snop  }
0x3c: {  	p2 =	seq.s32 s10, $0x1;
	s10 =	sld [smem:$0x3FB8]  }
0x3d: {  	_ =	shalt  }
0x3e: {  	_ =	shalt  }
0x3f: {  	_ =	shalt  }
0x40: {  	_ =	shalt  }
0x41: {  	_ =	shalt  }
0x42: {  	_ =	shalt  }
0x43: {  	_ =	shalt  }
0x44: {  	_ =	shalt  }
0x45: {  	_ =	shalt  }
0x46: {  	_ =	shalt  }
0x47: {  	_ =	shalt  }
0x48: {  	_ =	shalt  }
0x49: {  	_ =	shalt  }
0x4a: {  	_ =	shalt  }
0x4b: {  	_ =	shalt  }
0x4c: {  	_ =	shalt  }
0x4d: {  	_ =	shalt  }
0x4e: {  	_ =	shalt  }
0x4f: {  	_ =	shalt  }
0x50: {  	_ =	shalt  }
0x51: {  	_ =	shalt  }
0x52: {  	_ =	shalt  }
0x53: {  	_ =	shalt  }
0x54: {  	_ =	shalt  }
0x55: {  	_ =	shalt  }
0x56: {  	_ =	shalt  }
0x57: {  	_ =	shalt  }
0x58: {  	_ =	shalt  }
0x59: {  	_ =	shalt  }
0x5a: {  	_ =	shalt  }
0x5b: {  	_ =	shalt  }
0x5c: {  	_ =	shalt  }
0x5d: {  	_ =	shalt  }
0x5e: {  	_ =	shalt  }
0x5f: {  	_ =	shalt  }
0x60: {  	_ =	shalt  }
0x61: {  	_ =	shalt  }
0x62: {  	_ =	shalt  }
0x63: {  	_ =	shalt  }
0x64: {  	_ =	shalt  }
0x65: {  	_ =	shalt  }
0x66: {  	_ =	shalt  }
0x67: {  	_ =	shalt  }
0x68: {  	_ =	shalt  }
0x69: {  	_ =	shalt  }
0x6a: {  	_ =	shalt  }
0x6b: {  	_ =	shalt  }
0x6c: {  	_ =	shalt  }
0x6d: {  	_ =	shalt  }
0x6e: {  	_ =	shalt  }
0x6f: {  	_ =	shalt  }
0x70: {  	_ =	shalt  }
0x71: {  	_ =	shalt  }
0x72: {  	_ =	shalt  }
0x73: {  	_ =	shalt  }
0x74: {  	_ =	shalt  }
0x75: {  	_ =	shalt  }
0x76: {  	_ =	shalt  }
0x77: {  	_ =	shalt  }
0x78: {  	_ =	shalt  }
0x79: {  	_ =	shalt  }
0x7a: {  	_ =	shalt  }
0x7b: {  	_ =	shalt  }
0x7c: {  	_ =	shalt  }
0x7d: {  	_ =	shalt  }
0x7e: {  	_ =	shalt  }
0x7f: {  	_ =	shalt  }
0x80: {  	_ =	shalt  }
0x81: {  	_ =	shalt  }
0x82: {  	_ =	shalt  }
0x83: {  	_ =	shalt  }
0x84: {  	_ =	shalt  }
0x85: {  	_ =	shalt  }
0x86: {  	_ =	shalt  }
0x87: {  	_ =	shalt  }
.Lfunc_end0:
.L_simem_size_0:
called_computation.2_lowered:
.L_overlay_start_0:
0x88: {  	s2 =	sld [smem:$0x3FD9]  }
0x89: {  	s3 =	sld [smem:$0x3FFE];
	_ =	sdelay $0x1  }
0x8a: {  	s1 =	srdreg.scid  }
0x8b: {  	s0 =	sand.u32 $0x1, s1  }
0x8c: {  	s17 =	sshll.u32 s0, $0xA;
	s2 =	sadd.s32 s3, s2  }
0x8d: {  	s2 =	sadd.s32 s2, s17  }
0x8e: {  	[smem:$0x3FC4] =	sst s2  }
0x8f: {  	_ = 	snop  }
0x90: {  	s2 =	sld [smem:$0x3FD0];
	(tm) =	ssettm $0x1  }
0x91: {  	s18 =	sld [smem:$0x3FFB];
	_ =	sdelay $0x3  }
0x92: {  	_ =	strace s18  }
0x93: {  	s3 =	sld [smem:$0x3FFC];
	_ =	sdelay $0x3  }
0x94: {  	_ =	strace s3  }
0x95: {  	s3 =	sld [smem:$0x3FFD];
	_ =	sdelay $0x3  }
0x96: {  	_ =	strace s3  }
0x97: {  	_ =	strace $0x8FFFFFFF  }
0x98: {  	s19 =	sld [smem:$0x3FDB];
	_ =	sdelay $0x1  }
0x99: {  	s4 =	simm.s32 $_scs_section_size  }
0x9a: {  	s5 =	simm.s32 $_size__tile_overlayer_lowered;
	s6 =	simm.s32 $_tile_overlayer_lowered  }
0x9b: {  	s22 =	simm.s32 $0x1BFF;
	s21 =	sshll.u32 s6, $0x1;
	s3 =	sadd.s32 s4, s19  }
0x9c: {  	s7 =	simm.s32 $0x0;
	s20 =	sshll.u32 s5, $0x1;
	s5 =	sadd.s32 s21, s3  }
0x9d: {  	[timem:s7], [sflag:s22] =	dma.local [hbm:s5], s20  }
0x9e: {  	_ =	swait.ge [sflag:s22], s20  }
0x9f: {  	s4 =	ssub.s32 $0x0, s20;
	[sflag:s22] =	ssyncset.done $0x0  }
0xa0: {  	[sflag:s22] =	ssyncadd.s32 s4;
	_ =	sdelay $0x1  }
0xa1: {  	s23 =	simm.s32 $0x1B8B  }
0xa2: {  	_ =	swait.ge [sflag:s23], $0x1  }
0xa3: {  	[sflag:s23] =	ssyncset.done $0x0  }
0xa4: {  	s25 =	simm.s32 $0x1B8E;
	s24 =	sld [smem:$0x3FFE];
	[sflag:s23] =	ssyncadd.s32 $0xFFFFFFFF  }
0xa5: {  	s26 =	simm.s32 $execute0_lowered;
	[smem:$0x3FD2] =	sst s25  }
0xa6: {  	s5 =	sshll.u32 s26, $0x1;
	_ =	strace $0x8000004C;
	[dreg:$0x1] =	wrdreg $0xFFFFFFFF  }
0xa7: {  	s28 =	simm.s32 $_size_execute0_lowered;
	s3 =	sadd.s32 s3, s5;
	[dreg:$0x0] =	wrdreg $0x0  }
0xa8: {  	s5 =	sshll.u32 s28, $0x1;
	[dreg:$0x2] =	wrdreg s3  }
0xa9: {  	[dreg:$0x3] =	wrdreg s5  }
0xaa: {  	[dreg:$0x4] =	wrdreg $0xC0  }
0xab: {  	_ =	task [dreg:s7], $0x5FFFF  }
0xac: {  	[dreg:$0x1] =	wrdreg $0xFFFFFFFF  }
0xad: {  	[dreg:$0x0] =	wrdreg $0x60  }
0xae: {  	[dreg:$0x2] =	wrdreg s24  }
0xaf: {  	[dreg:$0x3] =	wrdreg s2  }
0xb0: {  	[dreg:$0x4] =	wrdreg $0x9  }
0xb1: {  	_ =	task.clear_ibuf [dreg:s7], $0x5FFFF;
	_ =	strace $0x9000004C  }
0xb2: {  	s29 =	simm.s32 $0x9;
	_ =	strace $0x8000004E  }
0xb3: {  	_ =	swait.ge [sflag:s29], $0x1  }
0xb4: {  	[sflag:s29] =	ssyncadd.s32 $0xFFFFFFFF  }
0xb5: {  	_ =	strace $0x9000004E  }
0xb6: {  	_ =	sfence  }
0xb7: {  	s30 =	sld [smem:$0x0];
	_ =	sdelay $0x2  }
0xb8: {  	s31 =	sshll.u32 s1, $0xD;
	s1 =	sshrl.u32 s1, $0x2  }
0xb9: {  	s3 =	sand.u32 $0x4000, s31;
	s1 =	sadd.s32 s1, s30  }
0xba: {  	s0 =	sor.u32 s3, s0;
	s1 =	sshll.u32 s1, $0x11  }
0xbb: {  	s0 =	sor.u32 s1, s0  }
0xbc: {  	s0 =	sadd.s32 $0x8F2B, s0  }
0xbd: {  	[sflag:s0] =	ssyncadd.remote.s32 $0x1  }
0xbe: {  	_ =	sfence.sel $0xFFFF  }
0xbf: {  	[dreg:$0x0] =	wrdreg $0xFFFFFFFF;
	(pc) =	sbr.abs _section_cstart, $3  }
0xc0: {  	[dreg:$0x1] =	wrdreg $0xFFFFFFFF  }
0xc1: {  	_ =	task.clear_ibuf [dreg:s7], $0x2FFFF;
	_ =	strace $0x9FFFFFFF  }
0xc2: {  	(tm) =	ssettm $0x7FFFFFFF  }
0xc3: {  	_ =	shalt  }
tec
execute0_lowered:
.L_overlay_start_1:
0x0: {  	(tag) =	ssettag $0x1  }
0x1: {  	s0 =	rddreg [dreg:$0x0]  }
0x2: {  	s1 =	srdreg.scid;
	s2 =	stileid.u32  }
0x3: {  	s3 =	simm.s32 $0x0;
	s18 =	simm.s32 $0x6;
	s19 =	simm.s32 $0x2800  }
0x4: {  	s20 =	simm.s32 $0x5000;
	s28 =	simm.s32 $0x4;
	s29 =	simm.s32 $0x10  }
0x5: {  	s31 =	simm.s32 $0x7D50;
	s1 =	sand.u32 $0x1, s1;
	s2 =	sshll.u32 s2, $0x1  }
0x6: {  	[smem:$0x7FF] =	sst s3;
	s4 =	sadd.s32 $0x6E00, s0;
	s5 =	sadd.s32 $0x24E00, s0  }
0x7: {  	s8 =	sadd.s32 $0xC9E00, s0;
	s2 =	sor.u32 s1, s2;
	_ =	strace $0x8000004D  }
0x8: {  	s1 =	ssub.s32 $0x2, s1;
	[dreg:$0x3] =	wrdreg s8;
	s6 =	smul.u32 $0x280, s2  }
0x9: {  	s8 =	sadd.s32 $0xF2400, s0;
	s9 =	sshrl.u32 s1, $0x1;
	s10 =	smul.u32 $0x2800, s2  }
0xa: {  	s21 =	ssub.s32 s1, s9;
	s9 =	smul.u32 $0x140, s2;
	s2 =	simm.s32 $0x0  }
0xb: {  	s7 =	sadd.s32 s6, s0;
	s6 =	sadd.s32 $0x79E00, s0;
	s25 =	sadd.s32 s5, s10  }
0xc: {  	s24 =	sor.u32 $0x20, s10;
	s0 =	smax.u32 s21, $0x1;
	[dreg:$0x6] =	wrdreg s25  }
0xd: {  	s21 =	simm.s32 $0x6400;
	s22 =	sadd.s32 $0x1E00, s7;
	[dreg:$0xa] =	wrdreg s0  }
0xe: {  	s23 =	sadd.s32 $0x74E00, s7;
	s26 =	sadd.s32 s6, s10;
	[dreg:$0x4] =	wrdreg s22  }
0xf: {  	s30 =	sadd.s32 s5, s24;
	s1 =	sadd.s32 s6, s24;
	[dreg:$0x5] =	wrdreg s23  }
0x10: {  	v0 =	vlaneseq.u32;
	v1 =	vimm.s32 $0x0;
	s16 =	sor.u32 $0x2, s9;
	s0 =	simm.s32 $0x8550;
	[dreg:$0x7] =	wrdreg s26  }
0x11: {  	v5 =	vimm.s32 $0x1;
	v6 =	vimm.s32 $0x2;
	v7 =	vimm.s32 $0x3;
	s24 =	simm.s32 $0x1;
	s25 =	simm.s32 $0x2;
	[dreg:$0x8] =	wrdreg s30  }
0x12: {  	v2 =	vor.u32 $0x10, v0;
	v3 =	vor.u32 $0x20, v0;
	v4 =	vor.u32 $0x30, v0;
	[dreg:$0x9] =	wrdreg s1;
	s26 =	simm.s32 $0x3;
	s1 =	simm.s32 $0x80  }
.LBB2_1:
0x13: {  	s7 =	rddreg [dreg:$0x1]  }
0x14: {  	[tilespmem:s3], [sflag:$0x6] =	stream.linear.gather [hbm4b:s7+s3], $0x2800, $0x38;
	[tilespmem:$0x10750] =	vst v63  }
0x15: {  	_ =	swait.ge [sflag:s18], $0x2800  }
0x16: {  	[sflag:s18] =	ssyncset.done $0x0  }
0x17: {  	s23 =	rddreg [dreg:$0x3];
	[sflag:s18] =	ssyncadd.s32 $0xFFFFD800  }
0x18: {  	[tilespmem:s19], [sflag:$0x6] =	stream.linear.gather [hbm4b:s23+s3], $0x2800, $0x38;
	[tilespmem:$0x10750] =	vst v63  }
0x19: {  	_ =	swait.ge [sflag:s18], $0x2800  }
0x1a: {  	[sflag:s18] =	ssyncset.done $0x0  }
0x1b: {  	s30 =	rddreg [dreg:$0x4];
	[sflag:s18] =	ssyncadd.s32 $0xFFFFD800  }
0x1c: {  	[tilespmem:s20], [sflag:$0x6] =	stream.linear.gather [hbm4b:s30+s3], $0x1400, $0x38;
	[tilespmem:$0x10750] =	vst v63  }
0x1d: {  	_ =	swait.ge [sflag:s18], $0x1400  }
0x1e: {  	[sflag:s18] =	ssyncset.done $0x0  }
0x1f: {  	s10 =	rddreg [dreg:$0x5];
	[sflag:s18] =	ssyncadd.s32 $0xFFFFEC00  }
0x20: {  	[tilespmem:s21], [sflag:$0x6] =	stream.linear.gather [hbm4b:s10+s3], $0x1400, $0x38;
	[tilespmem:$0x10750] =	vst v63  }
0x21: {  	_ =	swait.ge [sflag:s18], $0x1400  }
0x22: {  	[sflag:s18] =	ssyncset.done $0x0  }
0x23: {  	s10 =	simm.s32 $0x7800;
	s11 =	rddreg [dreg:$0x6];
	[sflag:s18] =	ssyncadd.s32 $0xFFFFEC00  }
0x24: {  	[tilespmem:s10], [sflag:$0x3] =	stream.linear.gather [hbm4b:s11+s3], $0x100, $0x38;
	[tilespmem:$0x10750] =	vst v63  }
0x25: {  	s12 =	rddreg [dreg:$0x7];
	s11 =	simm.s32 $0x7A00  }
0x26: {  	[tilespmem:s11], [sflag:$0x4] =	stream.linear.gather [hbm4b:s12+s3], $0x100, $0x38;
	[tilespmem:$0x10750] =	vst v63  }
0x27: {  	s14 =	simm.s32 $0x7900;
	s13 =	rddreg [dreg:$0x8]  }
0x28: {  	[tilespmem:s14], [sflag:$0x3] =	stream.linear.gather [hbm4b:s13+s3], $0x100, $0x38;
	[tilespmem:$0x10750] =	vst v63  }
0x29: {  	s17 =	simm.s32 $0x7B00;
	s15 =	rddreg [dreg:$0x9]  }
0x2a: {  	[tilespmem:s17], [sflag:$0x4] =	stream.linear.gather [hbm4b:s15+s3], $0x100, $0x38;
	[tilespmem:$0x10750] =	vst v63  }
0x2b: {  	_ =	swait.ge [sflag:s26], $0x100  }
0x2c: {  	[sflag:s26] =	ssyncset.done $0x0  }
0x2d: {  	[sflag:s26] =	ssyncadd.s32 $0xFFFFFF00  }
0x2e: {  	_ =	swait.ge [sflag:s28], $0x100  }
0x2f: {  	[sflag:s28] =	ssyncset.done $0x0  }
0x30: {  	[sflag:s28] =	ssyncadd.s32 $0xFFFFFF00  }
0x31: {  	v8 =	vld.idx.msk [tilespmem:v0+s20+$0x0], $0xffff;
	_ =	sdelay $0x4  }
0x32: {  	s22 =	simm.s32 $0x7D30;
	[tilespmem:$0x7D30] =	vst v8  }
0x33: {  	[tilespmem:s31], [sflag:$0x1] =	stream.indirect.gather [hbm4b:s4+s29], $0x40, s22, s29, $0xb8;
	[tilespmem:$0x10750] =	vst v63  }
0x34: {  	_ = 	snop  }
0x35: {  	[tilespmem:s0], [sflag:$0x2] =	stream.indirect.gather [hbm4b:s4+s1], $0x40, s10, s1, $0xb8;
	[tilespmem:$0x10750] =	vst v63  }
0x36: {  	s23 =	simm.s32 $0x7880;
	s30 =	simm.s32 $0xA550  }
0x37: {  	[tilespmem:s30], [sflag:$0x2] =	stream.indirect.gather [hbm4b:s4+s1], $0x40, s23, s1, $0xb8;
	[tilespmem:$0x10750] =	vst v63  }
0x38: {  	p0 =	por $0x0, $0x0;
	s23 =	simm.s32 $0x0  }
.LBB2_2:
0x39: {  	s7 =	sadd.s32 $0x1, s23  }
0x3a: {  	s10 =	smin.u32 s7, $0x13F  }
0x3b: {  	_ =	swait.ge [sflag:s26], $0x100;
	s10 =	sshll.u32 s10, $0x4  }
0x3c: {  	[sflag:s26] =	ssyncset.done $0x0;
	v8 =	vor.u32 s10, v0  }
0x3d: {  	[sflag:s26] =	ssyncadd.s32 $0xFFFFFF00  }
0x3e: {  	_ =	swait.ge [sflag:s28], $0x100  }
0x3f: {  	[sflag:s28] =	ssyncset.done $0x0  }
0x40: {  	[sflag:s28] =	ssyncadd.s32 $0xFFFFFF00  }
0x41: {  	v8 =	vld.idx.msk [tilespmem:v8+s20+$0x0], $0xffff;
	_ =	sdelay $0x2  }
0x42: {  	s15 =	sshll.u32 s23, $0x4;
	s30 =	sand.u32 $0x1, s7  }
0x43: {  	s11 =	sshll.u32 s30, $0x4;
	s12 =	sshll.u32 s30, $0xA;
	s17 =	sshll.u32 s30, $0x8  }
0x44: {  	s13 =	sadd.s32 $0x7D30, s11;
	s14 =	sadd.s32 $0x7D50, s12;
	s10 =	sshll.u32 s30, $0xE;
	[tilespmem:s11+$0x7D30] =	vst v8  }
0x45: {  	v8 =	vor.u32 s15, v0;
	[tilespmem:s14], [sflag:$0x1] =	stream.indirect.gather [hbm4b:s4+s29], $0x40, s13, s29, $0xb8;
	[tilespmem:$0x10750] =	vst v63  }
0x46: {  	s30 =	sor.u32 $0x7800, s17;
	s22 =	sor.u32 $0x8550, s10  }
0x47: {  	[tilespmem:s22], [sflag:$0x2] =	stream.indirect.gather [hbm4b:s4+s1], $0x40, s30, s1, $0xb8;
	[tilespmem:$0x10750] =	vst v63  }
0x48: {  	s10 =	sor.u32 $0xA550, s10;
	s14 =	sor.u32 $0x7880, s17  }
0x49: {  	[tilespmem:s10], [sflag:$0x2] =	stream.indirect.gather [hbm4b:s4+s1], $0x40, s14, s1, $0xb8;
	[tilespmem:$0x10750] =	vst v63  }
0x4a: {  	v9 =	vld.idx.msk [tilespmem:v8+s20+$0x0], $0xffff;
	_ =	sdelay $0x6  }
0x4b: {  	s15 =	simm.s32 $0x0;
	v8 =	vld.idx.msk [tilespmem:v8+s21+$0x0], $0xffff  }
0x4c: {  	v9 =	vld.idx.msk [tilespmem:v9+s15+$0x0], $0xffff;
	_ =	sdelay $0x2  }
0x4d: {  	s10 =	simm.s32 $0x1  }
0x4e: {  	s10 =	simm.s32 @!p0 $0x0  }
0x4f: {  	s17 =	sshll.u32 s10, $0x8;
	v8 =	vmul.f32 v9, v8  }
0x50: {  	s11 =	sor.u32 $0x7800, s17  }
0x51: {  	[tilespmem:$0x7D10] =	vst v8;
	v8 =	vmov s11;
	_ =	sdelay $0x1  }
0x52: {  	s13 =	simm.s32 $0x40;
	s14 =	sand.u32 $0x1, s23  }
0x53: {  	s22 =	sshll.u32 s10, $0x4;
	s10 =	sor.u32 $0x3, s17;
	s30 =	sor.u32 $0x7A00, s17  }
0x54: {  	s12 =	sor.u32 $0x3, s22;
	s22 =	sshll.u32 s14, $0x8;
	v9 =	vmov s30;
	s11 =	simm.s32 $0x0  }
.LBB2_3:
0x55: {  	p1 =	sne.s32 s13, $0x3C0;
	v10 =	vld.idx.msk [tilespmem:v8+s11+$0x0 ss:$0x1], $0xffff;
	_ =	sdelay $0x6  }
0x56: {  	v11 =	vld.idx.msk [tilespmem:v9+s11+$0x0 ss:$0x1], $0xffff  }
0x57: {  	v10 =	vld.idx.msk [tilespmem:v10+s19+$0x0], $0xffff;
	_ =	sdelay $0x3  }
.Ltmp0:
0x58: {  	(pc) =	sbr.rel @p1 .LBB2_3-.Ltmp0, $3  }
0x59: {  	_ = 	snop  }
0x5a: {  	v10 =	vmul.f32 v10, v11;
	_ =	sdelay $0x1  }
0x5b: {  	[tilespmem:s11+$0x7C00] =	vst v10;
	s11 =	sshra.s32 s13, $0x2;
	s13 =	sadd.s32 $0x40, s13  }
0x5c: {  	_ =	sdelay $0x3  }
0x5d: {  	v8 =	vld.idx.msk [tilespmem:v8+s11+$0x0 ss:$0x1], $0xffff;
	_ =	sdelay $0x6  }
0x5e: {  	v9 =	vld.idx.msk [tilespmem:v9+s11+$0x0 ss:$0x1], $0xffff  }
0x5f: {  	v8 =	vld.idx.msk [tilespmem:v8+s19+$0x0], $0xffff;
	_ =	sdelay $0x4  }
0x60: {  	v8 =	vmul.f32 v8, v9;
	_ =	sdelay $0x1  }
0x61: {  	[tilespmem:s11+$0x7C00] =	vst v8  }
0x62: {  	_ =	swait.ge [sflag:s24], $0x400  }
0x63: {  	[sflag:s24] =	ssyncset.done $0x0  }
0x64: {  	[sflag:s24] =	ssyncadd.s32 $0xFFFFFC00  }
0x65: {  	_ =	swait.ge [sflag:s25], $0x2000  }
0x66: {  	s13 =	sshll.u32 s12, $0x6;
	[sflag:s25] =	ssyncset.done $0x0  }
0x67: {  	v8 =	vor.u32 s13, v4;
	[sflag:s25] =	ssyncadd.s32 $0xFFFFE000  }
0x68: {  	s14 =	sadd.s32 $0xFFFFFF40, s13;
	v9 =	vor.u32 s13, v3;
	_ =	swait.ge [sflag:s25], $0x2000  }
0x69: {  	s15 =	sadd.s32 $0xFFFFFF80, s13;
	v10 =	vor.u32 s14, v2;
	[sflag:s25] =	ssyncset.done $0x0  }
0x6a: {  	v11 =	vor.u32 s15, v4;
	s11 =	simm.s32 $0x0;
	[sflag:s25] =	ssyncadd.s32 $0xFFFFE000  }
0x6b: {  	v12 =	vor.u32 s14, v4;
	v14 =	vld [tilespmem:s11+$0x7D10]  }
0x6c: {  	s17 =	sadd.s32 $0xFFFFFFC0, s13;
	v15 =	vor.u32 s14, v3;
	v13 =	vld.idx.msk [tilespmem:v8+s31+$0x0], $0xffff  }
0x6d: {  	v18 =	vor.u32 s17, v4;
	v16 =	vld.idx.msk [tilespmem:v9+s31+$0x0], $0xffff  }
0x6e: {  	v17 =	vor.u32 s14, v0;
	v10 =	vld.idx.msk [tilespmem:v10+s31+$0x0], $0xffff  }
0x6f: {  	v23 =	vld.idx.msk [tilespmem:v11+s31+$0x0], $0xffff  }
0x70: {  	v22 =	vor.u32 s13, v0;
	v32 =	vor.u32 s13, v2;
	v21 =	vld.idx.msk [tilespmem:v12+s31+$0x0], $0xffff  }
0x71: {  	v19 =	vor.u32 s17, v0;
	v20 =	vor.u32 s15, v0;
	v24 =	vor.u32 s15, v2;
	v25 =	vld.idx.msk [tilespmem:v15+s31+$0x0], $0xffff  }
0x72: {  	v28 =	vor.u32 s17, v2;
	v9 =	vor.u32 s17, v3;
	v8 =	vimm.f32 $0.0e+00;
	v30 =	vld.idx.msk [tilespmem:v18+s31+$0x0], $0xffff  }
0x73: {  	v11 =	vor.u32 s15, v3;
	v17 =	vld.idx.msk [tilespmem:v17+s31+$0x0], $0xffff;
	v26 =	vunpack.i.u.bf16.f32 v13;
	v29 =	vperm.xlane v14, v1  }
0x74: {  	v27 =	vunpack.i.l.bf16.f32 v13;
	v13 =	vperm.xlane v14, v6;
	v12 =	vperm.xlane v14, v5  }
0x75: {  	v38 =	vld.idx.msk [tilespmem:v22+s31+$0x0], $0xffff;
	v15 =	vunpack.i.u.bf16.f32 v10;
	v14 =	vperm.xlane v14, v7;
	v18 =	vunpack.i.u.bf16.f32 v16  }
0x76: {  	v10 =	vunpack.i.l.bf16.f32 v10;
	v33 =	vunpack.i.u.bf16.f32 v21;
	v34 =	vunpack.i.u.bf16.f32 v25  }
0x77: {  	v36 =	vld.idx.msk [tilespmem:v20+s31+$0x0], $0xffff;
	v35 =	vunpack.i.u.bf16.f32 v23;
	v21 =	vunpack.i.l.bf16.f32 v21;
	v40 =	vunpack.i.u.bf16.f32 v30  }
0x78: {  	v39 =	vld.idx.msk [tilespmem:v11+s31+$0x0], $0xffff;
	v22 =	vunpack.i.u.bf16.f32 v17;
	v11 =	vunpack.i.l.bf16.f32 v25;
	v16 =	vunpack.i.l.bf16.f32 v16  }
0x79: {  	v41 =	vunpack.i.l.bf16.f32 v30;
	v31 =	vmul.f32 v15, v29;
	v15 =	vmul.f32 v10, v29  }
0x7a: {  	v25 =	vld.idx.msk [tilespmem:v19+s31+$0x0], $0xffff;
	v19 =	vunpack.i.u.bf16.f32 v38;
	v10 =	vmul.f32 v18, v14;
	v34 =	vmul.f32 v34, v29  }
0x7b: {  	v32 =	vld.idx.msk [tilespmem:v32+s31+$0x0], $0xffff;
	v23 =	vunpack.i.l.bf16.f32 v23;
	v35 =	vmul.f32 v35, v12;
	v18 =	vmul.f32 v27, v14  }
0x7c: {  	v9 =	vld.idx.msk [tilespmem:v9+s31+$0x0], $0xffff;
	v27 =	vunpack.i.u.bf16.f32 v36;
	v16 =	vmul.f32 v16, v14;
	v21 =	vmul.f32 v21, v29  }
0x7d: {  	v22 =	vmul.f32 v22, v29;
	v36 =	vunpack.i.l.bf16.f32 v36;
	v62 =	vmul.f32 v23, v12  }
0x7e: {  	v17 =	vunpack.i.l.bf16.f32 v17;
	v63 =	vmul.f32 v40, v13;
	v36 =	vmul.f32 v36, v12  }
0x7f: {  	v27 =	vmul.f32 v27, v12;
	v15 =	vadd.f32 v15, v8;
	v43 =	vadd.f32 v22, v8  }
0x80: {  	v22 =	vmul.f32 v19, v14;
	v19 =	vunpack.i.l.bf16.f32 v32;
	v57 =	vadd.f32 v34, v8  }
0x81: {  	v60 =	vadd.f32 v21, v8;
	v20 =	vunpack.i.u.bf16.f32 v9;
	v37 =	vunpack.i.l.bf16.f32 v9  }
0x82: {  	v30 =	vunpack.i.l.bf16.f32 v39;
	v58 =	vunpack.i.u.bf16.f32 v39;
	v9 =	vmul.f32 v20, v13  }
0x83: {  	v20 =	vmul.f32 v26, v14;
	v26 =	vmul.f32 v11, v29;
	v11 =	vadd.f32 v31, v8  }
0x84: {  	v31 =	vmul.f32 v17, v29;
	v17 =	vunpack.i.u.bf16.f32 v32;
	v42 =	vmul.f32 v30, v12  }
0x85: {  	v30 =	vunpack.i.l.bf16.f32 v25;
	v29 =	vmul.f32 v33, v29;
	v21 =	vmul.f32 v37, v13  }
0x86: {  	v25 =	vunpack.i.u.bf16.f32 v25;
	v23 =	vadd.f32 v27, v43;
	v31 =	vadd.f32 v31, v8  }
0x87: {  	v59 =	vmul.f32 v30, v13;
	v30 =	vmul.f32 v58, v12;
	v29 =	vadd.f32 v29, v8  }
0x88: {  	v26 =	vadd.f32 v26, v8;
	v61 =	vadd.f32 v36, v31;
	v31 =	vmul.f32 v25, v13;
	v25 =	vld.idx.msk [tilespmem:v24+s31+$0x0], $0xffff  }
0x89: {  	v27 =	vunpack.i.l.bf16.f32 v38;
	v32 =	vadd.f32 v62, v60;
	v35 =	vadd.f32 v35, v29  }
0x8a: {  	v33 =	vmul.f32 v41, v13;
	v30 =	vadd.f32 v30, v57;
	v26 =	vadd.f32 v42, v26  }
0x8b: {  	s12 =	sadd.s32 $0x4, s12;
	s13 =	simm.s32 $0x10;
	v27 =	vmul.f32 v27, v14;
	v29 =	vld.idx.msk [tilespmem:v28+s31+$0x0], $0xffff;
	v28 =	vadd.f32 v59, v61;
	v24 =	vadd.f32 v63, v35  }
.LBB2_5:
0x8c: {  	s15 =	smov.u32 s13  }
0x8d: {  	s17 =	sshra.s32 s13, $0x2;
	s14 =	sshll.u32 s12, $0x6;
	v34 =	vunpack.i.u.bf16.f32 v25;
	v25 =	vunpack.i.l.bf16.f32 v25;
	v31 =	vadd.f32 v31, v23;
	s15 =	sadd.s32 $0x10, s13  }
0x8e: {  	p1 =	sne.s32 s13, $0x30;
	v36 =	vor.u32 s14, v3;
	v37 =	vor.u32 s14, v4;
	v32 =	vadd.f32 v33, v32;
	v35 =	vld [tilespmem:s17+$0x7D10];
	s17 =	sadd.s32 $0xFFFFFF40, s14  }
0x8f: {  	s13 =	sadd.s32 $0xFFFFFF80, s14;
	s30 =	sadd.s32 $0xFFFFFFC0, s14;
	v34 =	vmul.f32 v34, v12;
	v33 =	vor.u32 s17, v0;
	v38 =	vor.u32 s17, v2  }
0x90: {  	v23 =	vadd.f32 v20, v24;
	v40 =	vor.u32 s13, v4;
	v39 =	vor.u32 s17, v4  }
0x91: {  	v20 =	vor.u32 s13, v3;
	v41 =	vor.u32 s30, v0;
	v24 =	vunpack.i.u.bf16.f32 v29  }
0x92: {  	v43 =	vor.u32 s14, v0;
	v42 =	vor.u32 s13, v0;
	v44 =	vmul.f32 v24, v13  }
0x93: {  	v9 =	vadd.f32 v9, v30;
	v45 =	vor.u32 s13, v2;
	v46 =	vor.u32 s30, v4;
	v37 =	vld.idx.msk [tilespmem:v37+s31+$0x0], $0xffff  }
0x94: {  	v30 =	vor.u32 s17, v3;
	v11 =	vadd.f32 v34, v11;
	v24 =	vor.u32 s30, v2;
	v36 =	vld.idx.msk [tilespmem:v36+s31+$0x0], $0xffff  }
0x95: {  	v47 =	vadd.f32 v10, v9;
	v32 =	vadd.f32 v18, v32;
	v34 =	vld.idx.msk [tilespmem:v40+s31+$0x0], $0xffff;
	v40 =	vor.u32 s30, v3  }
0x96: {  	v10 =	vmul.f32 v25, v12;
	v22 =	vadd.f32 v22, v31;
	v12 =	vunpack.i.l.bf16.f32 v29;
	v9 =	vld.idx.msk [tilespmem:v38+s31+$0x0], $0xffff  }
0x97: {  	v19 =	vmul.f32 v19, v14;
	v27 =	vadd.f32 v27, v28;
	v12 =	vmul.f32 v12, v13;
	v18 =	vld.idx.msk [tilespmem:v39+s31+$0x0], $0xffff  }
0x98: {  	v14 =	vmul.f32 v17, v14;
	v10 =	vadd.f32 v10, v15;
	v11 =	vadd.f32 v44, v11  }
0x99: {  	v15 =	vadd.f32 v21, v26;
	v28 =	vunpack.i.u.bf16.f32 v37;
	v29 =	vunpack.i.l.bf16.f32 v37;
	v17 =	vld.idx.msk [tilespmem:v30+s31+$0x0], $0xffff  }
0x9a: {  	v10 =	vadd.f32 v12, v10;
	v21 =	vperm.xlane v35, v1;
	v13 =	vperm.xlane v35, v6;
	v26 =	vld.idx.msk [tilespmem:v40+s31+$0x0], $0xffff  }
0x9b: {  	v12 =	vperm.xlane v35, v5;
	v11 =	vadd.f32 v14, v11;
	v30 =	vadd.f32 v16, v15;
	v25 =	vld.idx.msk [tilespmem:v45+s31+$0x0], $0xffff  }
0x9c: {  	v14 =	vperm.xlane v35, v7;
	v16 =	vunpack.i.u.bf16.f32 v36;
	v15 =	vunpack.i.u.bf16.f32 v9;
	v31 =	vld.idx.msk [tilespmem:v46+s31+$0x0], $0xffff  }
0x9d: {  	v37 =	vor.u32 s14, v2;
	v35 =	vmul.f32 v15, v21;
	v15 =	vadd.f32 v19, v10;
	v33 =	vld.idx.msk [tilespmem:v33+s31+$0x0], $0xffff  }
0x9e: {  	v9 =	vunpack.i.l.bf16.f32 v9;
	v38 =	vunpack.i.u.bf16.f32 v18  }
0x9f: {  	v40 =	vunpack.i.u.bf16.f32 v34;
	v9 =	vmul.f32 v9, v21;
	v19 =	vunpack.i.u.bf16.f32 v17;
	v39 =	vld.idx.msk [tilespmem:v42+s31+$0x0], $0xffff  }
0xa0: {  	v10 =	vmul.f32 v16, v14;
	v42 =	vunpack.i.u.bf16.f32 v26;
	v26 =	vunpack.i.l.bf16.f32 v26;
	v43 =	vld.idx.msk [tilespmem:v43+s31+$0x0], $0xffff  }
0xa1: {  	v15 =	vadd.f32 v9, v15;
	v44 =	vmul.f32 v19, v21;
	v19 =	vunpack.i.l.bf16.f32 v18;
	v45 =	vld.idx.msk [tilespmem:v20+s31+$0x0], $0xffff  }
0xa2: {  	v40 =	vmul.f32 v40, v12;
	v9 =	vmul.f32 v42, v13;
	v42 =	vunpack.i.u.bf16.f32 v31;
	v37 =	vld.idx.msk [tilespmem:v37+s31+$0x0], $0xffff  }
0xa3: {  	v16 =	vunpack.i.l.bf16.f32 v17;
	v20 =	vmul.f32 v28, v14;
	v46 =	vunpack.i.u.bf16.f32 v33;
	v41 =	vld.idx.msk [tilespmem:v41+s31+$0x0], $0xffff  }
0xa4: {  	v18 =	vmul.f32 v29, v14;
	v28 =	vmul.f32 v16, v21;
	v16 =	vunpack.i.l.bf16.f32 v36  }
0xa5: {  	v11 =	vadd.f32 v35, v11;
	v16 =	vmul.f32 v16, v14;
	v29 =	vunpack.i.u.bf16.f32 v39  }
0xa6: {  	v35 =	vmul.f32 v19, v21;
	v36 =	vunpack.i.l.bf16.f32 v31;
	v19 =	vunpack.i.u.bf16.f32 v43  }
0xa7: {  	v17 =	vunpack.i.l.bf16.f32 v33;
	v31 =	vmul.f32 v46, v21;
	v33 =	vunpack.i.l.bf16.f32 v45  }
0xa8: {  	v46 =	vmul.f32 v17, v21;
	v39 =	vunpack.i.l.bf16.f32 v39;
	v17 =	vunpack.i.u.bf16.f32 v37  }
0xa9: {  	v39 =	vmul.f32 v39, v12;
	v33 =	vmul.f32 v33, v12;
	v48 =	vunpack.i.l.bf16.f32 v41  }
0xaa: {  	v31 =	vadd.f32 v31, v22;
	v22 =	vmul.f32 v19, v14;
	v19 =	vunpack.i.l.bf16.f32 v37  }
0xab: {  	v29 =	vmul.f32 v29, v12;
	v37 =	vadd.f32 v44, v47;
	v44 =	vunpack.i.u.bf16.f32 v45  }
0xac: {  	v38 =	vmul.f32 v38, v21;
	v27 =	vadd.f32 v46, v27;
	v45 =	vmul.f32 v48, v13  }
0xad: {  	v32 =	vadd.f32 v35, v32;
	v21 =	vmul.f32 v26, v13;
	v35 =	vmul.f32 v44, v12  }
0xae: {  	v26 =	vunpack.i.l.bf16.f32 v34;
	v39 =	vadd.f32 v39, v27;
	v27 =	vunpack.i.u.bf16.f32 v41  }
.Ltmp1:
0xaf: {  	v28 =	vadd.f32 v28, v30;
	v34 =	vadd.f32 v38, v23;
	v38 =	vmul.f32 v26, v12;
	(pc) =	sbr.rel @p1 .LBB2_5-.Ltmp1, $4  }
0xb0: {  	v23 =	vadd.f32 v29, v31;
	v31 =	vmul.f32 v27, v13;
	v30 =	vadd.f32 v35, v37  }
0xb1: {  	v34 =	vadd.f32 v40, v34;
	v27 =	vunpack.i.l.bf16.f32 v43;
	v35 =	vmul.f32 v42, v13  }
0xb2: {  	v32 =	vadd.f32 v38, v32;
	v26 =	vadd.f32 v33, v28;
	v27 =	vmul.f32 v27, v14;
	v29 =	vld.idx.msk [tilespmem:v24+s31+$0x0], $0xffff  }
0xb3: {  	s12 =	sadd.s32 $0x4, s12;
	s13 =	smov.u32 s15;
	v33 =	vmul.f32 v36, v13;
	v28 =	vadd.f32 v45, v39;
	v24 =	vadd.f32 v35, v34  }
0xb4: {  	v34 =	vunpack.i.u.bf16.f32 v25;
	v25 =	vunpack.i.l.bf16.f32 v25  }
0xb5: {  	v23 =	vadd.f32 v31, v23;
	v30 =	vadd.f32 v9, v30;
	v31 =	vmul.f32 v34, v12  }
0xb6: {  	v17 =	vmul.f32 v17, v14;
	v21 =	vadd.f32 v21, v26;
	v32 =	vadd.f32 v33, v32  }
0xb7: {  	s12 =	sshll.u32 s10, $0x6;
	v9 =	vadd.f32 v20, v24;
	v57 =	vunpack.i.u.bf16.f32 v29;
	v24 =	vadd.f32 v31, v11  }
0xb8: {  	v11 =	vadd.f32 v10, v30;
	v30 =	vor.u32 s12, v4;
	v10 =	vadd.f32 v18, v32  }
0xb9: {  	s13 =	sadd.s32 $0xFFFFFF40, s12;
	v18 =	vmul.f32 v25, v12;
	v25 =	vor.u32 s12, v3;
	v29 =	vunpack.i.l.bf16.f32 v29  }
0xba: {  	s14 =	sadd.s32 $0xFFFFFF80, s12;
	v12 =	vadd.f32 v22, v23;
	v22 =	vor.u32 s13, v2;
	v20 =	vmul.f32 v57, v13  }
0xbb: {  	v23 =	vmul.f32 v29, v13;
	v13 =	vadd.f32 v27, v28;
	v27 =	vor.u32 s14, v4  }
0xbc: {  	v28 =	vor.u32 s13, v3;
	v15 =	vadd.f32 v18, v15;
	v18 =	vadd.f32 v20, v24;
	v20 =	vld [tilespmem:s11+$0x7C00]  }
0xbd: {  	v19 =	vmul.f32 v19, v14;
	v58 =	vor.u32 s12, v0;
	v40 =	vor.u32 s12, v2;
	v26 =	vld.idx.msk [tilespmem:v30+s0+$0x0], $0xffff  }
0xbe: {  	s30 =	sadd.s32 $0xFFFFFFC0, s12;
	v14 =	vadd.f32 v16, v21;
	v33 =	vor.u32 s14, v2;
	v24 =	vor.u32 s13, v4;
	v29 =	vld.idx.msk [tilespmem:v25+s0+$0x0], $0xffff  }
0xbf: {  	v23 =	vadd.f32 v23, v15;
	v15 =	vadd.f32 v17, v18;
	v21 =	vld.idx.msk [tilespmem:v22+s0+$0x0], $0xffff;
	v17 =	vor.u32 s30, v4  }
0xc0: {  	v35 =	vor.u32 s30, v2;
	v25 =	vor.u32 s30, v3;
	v22 =	vor.u32 s13, v0;
	v31 =	vld.idx.msk [tilespmem:v27+s0+$0x0], $0xffff  }
0xc1: {  	v30 =	vor.u32 s14, v0;
	v16 =	vadd.f32 v19, v23;
	v23 =	vor.u32 s14, v3;
	v28 =	vld.idx.msk [tilespmem:v28+s0+$0x0], $0xffff  }
0xc2: {  	v32 =	vld.idx.msk [tilespmem:v58+s0+$0x0], $0xffff;
	v27 =	vor.u32 s30, v0;
	v36 =	vperm.xlane v20, v1;
	v18 =	vperm.xlane v20, v6  }
0xc3: {  	v24 =	vld.idx.msk [tilespmem:v24+s0+$0x0], $0xffff;
	v19 =	vperm.xlane v20, v5;
	v59 =	vunpack.i.u.bf16.f32 v26;
	v26 =	vunpack.i.l.bf16.f32 v26  }
0xc4: {  	v37 =	vunpack.i.u.bf16.f32 v21;
	v38 =	vld.idx.msk [tilespmem:v17+s0+$0x0], $0xffff;
	v17 =	vperm.xlane v20, v7;
	v21 =	vunpack.i.l.bf16.f32 v21  }
0xc5: {  	v25 =	vld.idx.msk [tilespmem:v25+s0+$0x0], $0xffff;
	v20 =	vunpack.i.u.bf16.f32 v29;
	v37 =	vmul.f32 v37, v36;
	v21 =	vmul.f32 v21, v36  }
0xc6: {  	v39 =	vld.idx.msk [tilespmem:v22+s0+$0x0], $0xffff;
	v42 =	vunpack.i.u.bf16.f32 v28;
	v43 =	vunpack.i.u.bf16.f32 v31;
	v20 =	vmul.f32 v20, v17  }
0xc7: {  	v30 =	vld.idx.msk [tilespmem:v30+s0+$0x0], $0xffff;
	v31 =	vunpack.i.l.bf16.f32 v31;
	v42 =	vmul.f32 v42, v36;
	v43 =	vmul.f32 v43, v19  }
0xc8: {  	v47 =	vld.idx.msk [tilespmem:v23+s0+$0x0], $0xffff;
	v23 =	vmul.f32 v26, v17;
	v31 =	vmul.f32 v31, v19;
	v41 =	vunpack.i.u.bf16.f32 v24  }
0xc9: {  	v22 =	vadd.f32 v21, v8;
	v46 =	vunpack.i.l.bf16.f32 v24;
	v21 =	vunpack.i.l.bf16.f32 v28  }
0xca: {  	v34 =	vld.idx.msk [tilespmem:v27+s0+$0x0], $0xffff;
	v24 =	vmul.f32 v59, v17;
	v27 =	vadd.f32 v37, v8;
	v49 =	vmul.f32 v21, v36  }
0xcb: {  	v21 =	vunpack.i.l.bf16.f32 v29;
	v60 =	vmul.f32 v46, v36;
	v29 =	vunpack.i.u.bf16.f32 v32  }
0xcc: {  	v40 =	vld.idx.msk [tilespmem:v40+s0+$0x0], $0xffff;
	v54 =	vadd.f32 v42, v8;
	v32 =	vunpack.i.l.bf16.f32 v32;
	v44 =	vunpack.i.u.bf16.f32 v25  }
0xcd: {  	v45 =	vunpack.i.l.bf16.f32 v25;
	v48 =	vunpack.i.u.bf16.f32 v39;
	v28 =	vunpack.i.u.bf16.f32 v30  }
0xce: {  	v21 =	vmul.f32 v21, v17;
	v46 =	vunpack.i.l.bf16.f32 v38;
	v26 =	vunpack.i.l.bf16.f32 v39  }
0xcf: {  	v30 =	vunpack.i.l.bf16.f32 v30;
	v25 =	vmul.f32 v44, v18;
	v44 =	vunpack.i.u.bf16.f32 v38  }
0xd0: {  	v61 =	vmul.f32 v48, v36;
	v62 =	vunpack.i.l.bf16.f32 v47;
	v63 =	vmul.f32 v26, v36  }
0xd1: {  	v26 =	vunpack.i.u.bf16.f32 v40;
	v50 =	vmul.f32 v30, v19;
	v53 =	vunpack.i.l.bf16.f32 v34  }
0xd2: {  	v30 =	vmul.f32 v29, v17;
	v29 =	vunpack.i.l.bf16.f32 v40;
	v55 =	vmul.f32 v28, v19  }
0xd3: {  	v28 =	vunpack.i.u.bf16.f32 v47;
	v36 =	vmul.f32 v41, v36;
	v58 =	vadd.f32 v60, v8  }
0xd4: {  	v51 =	vmul.f32 v62, v19;
	v38 =	vadd.f32 v61, v8;
	v56 =	vadd.f32 v63, v8  }
0xd5: {  	v57 =	vmul.f32 v53, v18;
	v61 =	vadd.f32 v49, v8;
	v8 =	vadd.f32 v36, v8  }
0xd6: {  	v34 =	vunpack.i.u.bf16.f32 v34;
	v59 =	vmul.f32 v28, v19;
	v28 =	vmul.f32 v45, v18  }
0xd7: {  	v39 =	vmul.f32 v34, v18;
	v40 =	vadd.f32 v31, v58;
	v62 =	vadd.f32 v43, v8;
	v8 =	vld.idx.msk [tilespmem:v33+s0+$0x0], $0xffff  }
0xd8: {  	v63 =	vmul.f32 v44, v18;
	v37 =	vadd.f32 v59, v54;
	v60 =	vadd.f32 v50, v56  }
0xd9: {  	v34 =	vmul.f32 v32, v17;
	v38 =	vadd.f32 v55, v38;
	v33 =	vadd.f32 v51, v61  }
0xda: {  	s10 =	sadd.s32 $0x4, s10;
	s13 =	simm.s32 $0x10;
	v32 =	vmul.f32 v46, v18;
	v36 =	vld.idx.msk [tilespmem:v35+s0+$0x0], $0xffff;
	v35 =	vadd.f32 v57, v60;
	v31 =	vadd.f32 v63, v62  }
.LBB2_7:
0xdb: {  	s11 =	smov.u32 s13  }
0xdc: {  	s14 =	sshra.s32 s13, $0x2;
	s12 =	sshll.u32 s10, $0x6;
	v41 =	vunpack.i.u.bf16.f32 v8;
	v8 =	vunpack.i.l.bf16.f32 v8;
	v38 =	vadd.f32 v39, v38;
	s11 =	sadd.s32 $0x10, s13  }
0xdd: {  	p1 =	sne.s32 s13, $0x3F0;
	v42 =	vor.u32 s12, v3;
	v43 =	vor.u32 s12, v4;
	v40 =	vadd.f32 v32, v40;
	v39 =	vld [tilespmem:s14+$0x7C00];
	s14 =	sadd.s32 $0xFFFFFF40, s12  }
0xde: {  	s13 =	sadd.s32 $0xFFFFFF80, s12;
	s15 =	sadd.s32 $0xFFFFFFC0, s12;
	v41 =	vmul.f32 v41, v19;
	v44 =	vor.u32 s14, v0;
	v45 =	vor.u32 s14, v2  }
0xdf: {  	v31 =	vadd.f32 v24, v31;
	v47 =	vor.u32 s13, v4;
	v46 =	vor.u32 s14, v4  }
0xe0: {  	v24 =	vor.u32 s13, v3;
	v48 =	vor.u32 s15, v0;
	v32 =	vunpack.i.u.bf16.f32 v36  }
0xe1: {  	v50 =	vor.u32 s12, v0;
	v49 =	vor.u32 s13, v0;
	v51 =	vmul.f32 v32, v18  }
0xe2: {  	v25 =	vadd.f32 v25, v37;
	v52 =	vor.u32 s13, v2;
	v53 =	vor.u32 s15, v4;
	v43 =	vld.idx.msk [tilespmem:v43+s0+$0x0], $0xffff  }
0xe3: {  	v37 =	vor.u32 s14, v3;
	v27 =	vadd.f32 v41, v27;
	v32 =	vor.u32 s15, v2;
	v42 =	vld.idx.msk [tilespmem:v42+s0+$0x0], $0xffff  }
0xe4: {  	v54 =	vadd.f32 v20, v25;
	v40 =	vadd.f32 v23, v40;
	v41 =	vld.idx.msk [tilespmem:v47+s0+$0x0], $0xffff;
	v47 =	vor.u32 s15, v3  }
0xe5: {  	v8 =	vmul.f32 v8, v19;
	v30 =	vadd.f32 v30, v38;
	v19 =	vunpack.i.l.bf16.f32 v36;
	v20 =	vld.idx.msk [tilespmem:v45+s0+$0x0], $0xffff  }
0xe6: {  	v34 =	vadd.f32 v34, v35;
	v25 =	vmul.f32 v29, v17;
	v19 =	vmul.f32 v19, v18;
	v23 =	vld.idx.msk [tilespmem:v46+s0+$0x0], $0xffff  }
0xe7: {  	v17 =	vmul.f32 v26, v17;
	v8 =	vadd.f32 v8, v22;
	v22 =	vadd.f32 v51, v27  }
0xe8: {  	v28 =	vadd.f32 v28, v33;
	v27 =	vunpack.i.u.bf16.f32 v43;
	v29 =	vunpack.i.l.bf16.f32 v43;
	v26 =	vld.idx.msk [tilespmem:v37+s0+$0x0], $0xffff  }
0xe9: {  	v36 =	vadd.f32 v19, v8;
	v33 =	vperm.xlane v39, v1;
	v18 =	vperm.xlane v39, v6;
	v35 =	vld.idx.msk [tilespmem:v47+s0+$0x0], $0xffff  }
0xea: {  	v38 =	vadd.f32 v21, v28;
	v19 =	vperm.xlane v39, v5;
	v37 =	vadd.f32 v17, v22;
	v8 =	vld.idx.msk [tilespmem:v52+s0+$0x0], $0xffff  }
0xeb: {  	v17 =	vperm.xlane v39, v7;
	v22 =	vunpack.i.u.bf16.f32 v42;
	v21 =	vunpack.i.u.bf16.f32 v20;
	v28 =	vld.idx.msk [tilespmem:v53+s0+$0x0], $0xffff  }
0xec: {  	v25 =	vadd.f32 v25, v36;
	v43 =	vor.u32 s12, v2;
	v21 =	vmul.f32 v21, v33;
	v39 =	vld.idx.msk [tilespmem:v44+s0+$0x0], $0xffff  }
0xed: {  	v20 =	vunpack.i.l.bf16.f32 v20;
	v36 =	vunpack.i.u.bf16.f32 v23  }
0xee: {  	v47 =	vunpack.i.u.bf16.f32 v41;
	v44 =	vmul.f32 v20, v33;
	v45 =	vunpack.i.u.bf16.f32 v26;
	v46 =	vld.idx.msk [tilespmem:v49+s0+$0x0], $0xffff  }
0xef: {  	v20 =	vmul.f32 v22, v17;
	v49 =	vunpack.i.u.bf16.f32 v35;
	v35 =	vunpack.i.l.bf16.f32 v35;
	v50 =	vld.idx.msk [tilespmem:v50+s0+$0x0], $0xffff  }
0xf0: {  	v22 =	vadd.f32 v44, v25;
	v44 =	vmul.f32 v45, v33;
	v45 =	vunpack.i.l.bf16.f32 v23;
	v51 =	vld.idx.msk [tilespmem:v24+s0+$0x0], $0xffff  }
0xf1: {  	v47 =	vmul.f32 v47, v19;
	v25 =	vmul.f32 v49, v18;
	v49 =	vunpack.i.u.bf16.f32 v28;
	v43 =	vld.idx.msk [tilespmem:v43+s0+$0x0], $0xffff  }
0xf2: {  	v23 =	vunpack.i.l.bf16.f32 v26;
	v24 =	vmul.f32 v27, v17;
	v52 =	vunpack.i.u.bf16.f32 v39;
	v48 =	vld.idx.msk [tilespmem:v48+s0+$0x0], $0xffff  }
0xf3: {  	v26 =	vunpack.i.l.bf16.f32 v42;
	v53 =	vmul.f32 v23, v33;
	v23 =	vmul.f32 v29, v17  }
0xf4: {  	v27 =	vadd.f32 v21, v37;
	v21 =	vmul.f32 v26, v17;
	v37 =	vunpack.i.u.bf16.f32 v46  }
0xf5: {  	v42 =	vmul.f32 v45, v33;
	v45 =	vunpack.i.l.bf16.f32 v28;
	v28 =	vunpack.i.u.bf16.f32 v50  }
0xf6: {  	v26 =	vunpack.i.l.bf16.f32 v39;
	v29 =	vmul.f32 v52, v33;
	v39 =	vunpack.i.l.bf16.f32 v51  }
0xf7: {  	v52 =	vmul.f32 v26, v33;
	v46 =	vunpack.i.l.bf16.f32 v46;
	v26 =	vunpack.i.u.bf16.f32 v43  }
0xf8: {  	v46 =	vmul.f32 v46, v19;
	v55 =	vmul.f32 v39, v19;
	v39 =	vunpack.i.l.bf16.f32 v48  }
0xf9: {  	v56 =	vadd.f32 v29, v30;
	v30 =	vmul.f32 v28, v17;
	v29 =	vunpack.i.l.bf16.f32 v43  }
0xfa: {  	v37 =	vmul.f32 v37, v19;
	v28 =	vunpack.i.u.bf16.f32 v51;
	v43 =	vadd.f32 v44, v54  }
0xfb: {  	v33 =	vmul.f32 v36, v33;
	v34 =	vadd.f32 v52, v34;
	v44 =	vmul.f32 v39, v18  }
0xfc: {  	v36 =	vadd.f32 v42, v40;
	v39 =	vmul.f32 v28, v19;
	v28 =	vmul.f32 v35, v18  }
0xfd: {  	v40 =	vunpack.i.u.bf16.f32 v48;
	v35 =	vadd.f32 v46, v34;
	v34 =	vunpack.i.l.bf16.f32 v41  }
.Ltmp2:
0xfe: {  	v31 =	vadd.f32 v33, v31;
	v41 =	vadd.f32 v53, v38;
	v34 =	vmul.f32 v34, v19;
	(pc) =	sbr.rel @p1 .LBB2_7-.Ltmp2, $4  }
0xff: {  	v38 =	vadd.f32 v37, v56;
	v37 =	vadd.f32 v39, v43;
	v39 =	vmul.f32 v40, v18  }
0x100: {  	v42 =	vmul.f32 v49, v18;
	v31 =	vadd.f32 v47, v31;
	v43 =	vunpack.i.l.bf16.f32 v50  }
0x101: {  	v33 =	vadd.f32 v55, v41;
	v40 =	vadd.f32 v34, v36;
	v34 =	vmul.f32 v43, v17;
	v36 =	vld.idx.msk [tilespmem:v32+s0+$0x0], $0xffff  }
0x102: {  	s10 =	sadd.s32 $0x4, s10;
	s13 =	smov.u32 s11;
	v31 =	vadd.f32 v42, v31;
	v35 =	vadd.f32 v44, v35;
	v32 =	vmul.f32 v45, v18  }
0x103: {  	s10 =	sadd.s32 s9, s23  }
0x104: {  	p1 =	slt.u32 s23, $0x2;
	v41 =	vmov s10  }
0x105: {  	s11 =	simm.s32 @!p1 $0x5  }
0x106: {  	_ =	swait.ge @!p1 [sflag:s11], $0x100  }
0x107: {  	[sflag:s11] =	ssyncset.done @!p1 $0x0  }
0x108: {  	[sflag:s11] =	ssyncadd.s32 @!p1 $0xFFFFFF00  }
0x109: {  	v42 =	vld.idx.msk [tilespmem:v41+s3+$0x0], $0xffff  }
0x10a: {  	v43 =	vunpack.i.u.bf16.f32 v8  }
0x10b: {  	v38 =	vadd.f32 v39, v38;
	v8 =	vunpack.i.l.bf16.f32 v8;
	v25 =	vadd.f32 v25, v37  }
0x10c: {  	v29 =	vmul.f32 v29, v17;
	v51 =	vmul.f32 v26, v17;
	v52 =	vadd.f32 v28, v33  }
0x10d: {  	v32 =	vadd.f32 v32, v40;
	v44 =	vmul.f32 v43, v19;
	v8 =	vmul.f32 v8, v19  }
0x10e: {  	v48 =	vadd.f32 v34, v35;
	v60 =	vadd.f32 v24, v31;
	v13 =	vmul.f32 v42, v13  }
0x10f: {  	v45 =	vunpack.i.u.bf16.f32 v36;
	v46 =	vunpack.i.l.bf16.f32 v36;
	v12 =	vmul.f32 v42, v12  }
0x110: {  	v8 =	vadd.f32 v8, v22;
	v16 =	vmul.f32 v42, v16;
	v13 =	vmax.f32 v13, $0.0e+00  }
0x111: {  	v47 =	vmul.f32 v46, v18;
	v49 =	vld.idx.msk [tilespmem:v41+s19+$0x0], $0xffff;
	v15 =	vmul.f32 v42, v15;
	v12 =	vmax.f32 v12, $0.0e+00;
	[tilespmem:s22+$0x10550] =	vst v13  }
0x112: {  	v27 =	vadd.f32 v44, v27;
	v14 =	vmul.f32 v42, v14;
	v16 =	vmax.f32 v16, $0.0e+00;
	[tilespmem:s22+$0x10560] =	vst v12  }
0x113: {  	v8 =	vadd.f32 v47, v8;
	v11 =	vmul.f32 v42, v11;
	v15 =	vmax.f32 v15, $0.0e+00;
	[tilespmem:s22+$0x10570] =	vst v16  }
0x114: {  	v37 =	vmul.f32 v45, v18;
	v10 =	vmul.f32 v42, v10;
	v14 =	vmax.f32 v14, $0.0e+00;
	[tilespmem:s22+$0x10580] =	vst v15  }
0x115: {  	v8 =	vadd.f32 v29, v8;
	v9 =	vmul.f32 v42, v9;
	v11 =	vmax.f32 v11, $0.0e+00;
	[tilespmem:s22+$0x10590] =	vst v14  }
0x116: {  	v50 =	vadd.f32 v37, v27;
	v53 =	vmul.f32 v49, v48;
	v10 =	vmax.f32 v10, $0.0e+00;
	[tilespmem:s22+$0x105A0] =	vst v11  }
0x117: {  	v30 =	vadd.f32 v30, v38;
	v8 =	vmul.f32 v49, v8;
	v9 =	vmax.f32 v9, $0.0e+00;
	[tilespmem:s22+$0x105B0] =	vst v10  }
0x118: {  	v54 =	vadd.f32 v51, v50;
	v62 =	vmul.f32 v49, v60;
	v57 =	vmax.f32 v53, $0.0e+00;
	[tilespmem:s22+$0x105C0] =	vst v9  }
0x119: {  	v56 =	vadd.f32 v21, v52;
	v55 =	vmul.f32 v49, v30;
	v8 =	vmax.f32 v8, $0.0e+00;
	[tilespmem:s22+$0x105D0] =	vst v57  }
0x11a: {  	v58 =	vadd.f32 v20, v25;
	v63 =	vmax.f32 v62, $0.0e+00;
	v11 =	vmul.f32 v49, v54;
	[tilespmem:s22+$0x105F0] =	vst v8  }
0x11b: {  	v59 =	vadd.f32 v23, v32;
	v12 =	vmax.f32 v55, $0.0e+00;
	v10 =	vmul.f32 v49, v56;
	[tilespmem:s22+$0x10640] =	vst v63  }
0x11c: {  	v9 =	vmul.f32 v49, v58;
	[tilespmem:s22+$0x105E0] =	vst v12;
	v11 =	vmax.f32 v11, $0.0e+00  }
0x11d: {  	v61 =	vmul.f32 v49, v59;
	v8 =	vmax.f32 v10, $0.0e+00;
	[tilespmem:s22+$0x10600] =	vst v11  }
0x11e: {  	v9 =	vmax.f32 v9, $0.0e+00;
	[tilespmem:s22+$0x10610] =	vst v8  }
0x11f: {  	s14 =	smin.u32 s23, $0x13D;
	s12 =	sadd.s32 $0x10550, s22;
	s10 =	sshll.u32 s10, $0x5;
	v8 =	vmax.f32 v61, $0.0e+00;
	[tilespmem:s22+$0x10620] =	vst v9  }
0x120: {  	s15 =	sadd.s32 s14, s16;
	s10 =	sadd.s32 s8, s10;
	p1 =	sne.s32 s7, $0x140;
	[tilespmem:s22+$0x10630] =	vst v8  }
0x121: {  	[hbm4b:s10+s3] =	stream.linear.scatter [tilespmem:s12], [sflag:$0x5], $0x100, $0x38;
	[tilespmem:$0x10750] =	vst v63  }
.Ltmp3:
0x122: {  	s10 =	sshll.u32 s15, $0x5;
	(pc) =	sbr.rel @p1 .LBB2_2-.Ltmp3, $4  }
0x123: {  	s17 =	sor.u32 $0x7800, s22;
	s30 =	sor.u32 $0x7A00, s22;
	s23 =	sadd.s32 s5, s10  }
0x124: {  	[tilespmem:s17], [sflag:$0x3] =	stream.linear.gather [hbm4b:s23+s3], $0x100, $0x38;
	[tilespmem:$0x10750] =	vst v63  }
0x125: {  	p0 =	por !p0, !p0;
	s10 =	sadd.s32 s6, s10;
	s23 =	smov.u32 s7  }
0x126: {  	[tilespmem:s30], [sflag:$0x4] =	stream.linear.gather [hbm4b:s10+s3], $0x100, $0x38;
	[tilespmem:$0x10750] =	vst v63  }
0x127: {  	_ =	swait.ge [sflag:s26], $0x100  }
0x128: {  	[sflag:s26] =	ssyncset.done $0x0  }
0x129: {  	[sflag:s26] =	ssyncadd.s32 $0xFFFFFF00  }
0x12a: {  	_ =	swait.ge [sflag:s28], $0x100  }
0x12b: {  	[sflag:s28] =	ssyncset.done $0x0  }
0x12c: {  	[sflag:s28] =	ssyncadd.s32 $0xFFFFFF00  }
0x12d: {  	_ =	swait.ge [sflag:s24], $0x400  }
0x12e: {  	[sflag:s24] =	ssyncset.done $0x0  }
0x12f: {  	[sflag:s24] =	ssyncadd.s32 $0xFFFFFC00  }
0x130: {  	_ =	swait.ge [sflag:s25], $0x2000  }
0x131: {  	[sflag:s25] =	ssyncset.done $0x0  }
0x132: {  	[sflag:s25] =	ssyncadd.s32 $0xFFFFE000  }
0x133: {  	_ =	swait.ge [sflag:s25], $0x2000  }
0x134: {  	[sflag:s25] =	ssyncset.done $0x0  }
0x135: {  	s10 =	simm.s32 $0x5;
	[sflag:s25] =	ssyncadd.s32 $0xFFFFE000  }
0x136: {  	_ =	swait.ge [sflag:s10], $0x100  }
0x137: {  	[sflag:s10] =	ssyncset.done $0x0  }
0x138: {  	[sflag:s10] =	ssyncadd.s32 $0xFFFFFF00  }
0x139: {  	_ =	swait.ge [sflag:s10], $0x100  }
0x13a: {  	s2 =	sadd.s32 $0x1, s2;
	s7 =	rddreg [dreg:$0xa]  }
0x13b: {  	p0 =	sne.s32 s2, s7  }
.Ltmp4:
0x13c: {  	_ = 	snop;
	(pc) =	sbr.rel @p0 .LBB2_1-.Ltmp4, $3  }
0x13d: {  	_ =	sdelay $0x1  }
0x13e: {  	[sflag:s10] =	ssyncset.done $0x0  }
0x13f: {  	[sflag:s10] =	ssyncadd.s32 $0xFFFFFF00  }
0x140: {  	_ =	sfence.sel $0x180000  }
0x141: {  	[bflag:$0x0] =	sbarrier.arrive $0xFFFF  }
0x142: {  	_ =	strace $0x9000004D  }
0x143: {  	s0 =	stileid.u32;
	[bflag:$0x2] =	sbarrier.arrive $0xFFFF  }
0x144: {  	p0 =	sne.s32 s0, $0x0;
	s0 =	rddreg [dreg:$0x2]  }
0x145: {  	s0 =	sadd.s32 @!p0 $0x100000, s0  }
0x146: {  	[sflag:s0] =	ssyncadd.tile.s32 @!p0 $0x1;
	_ =	shalt  }
.Lfunc_end2:
_tile_overlayer_lowered:
.L_overlay_start_2:
0x147: {  	(tag) =	ssettag $0x2  }
0x148: {  	s0 =	rddreg [dreg:$0x0];
	s2 =	stileid.u32  }
0x149: {  	s1 =	rddreg [dreg:$0x1];
	p0 =	sne.s32 s2, $0x0  }
0x14a: {  	s3 =	rddreg [dreg:$0x2];
	[bflag:$0x3] =	sbarrier.arrive $0xFFFF;
	s2 =	simm.s32 @!p0 $0x1C06  }
0x14b: {  	[timem:s3], [sflag:s2] =	dma.local @!p0 [hbm:s0], s1  }
0x14c: {  	s0 =	simm.s32 @!p0 $0x6  }
0x14d: {  	_ =	swait.ge @!p0 [sflag:s0], s1  }
0x14e: {  	s1 =	ssub.s32 @!p0 $0x0, s1;
	[sflag:s0] =	ssyncset.done @!p0 $0x0  }
0x14f: {  	[sflag:s0] =	ssyncadd.s32 @!p0 s1  }
0x150: {  	[bflag:$0x3] =	sbarrier.arrive $0xFFFF  }
0x151: {  	_ =	shalt  }

// kernel: kernel.7.cloned.1.call-start
scs
__scs_entry_jumppad:
0x0: {  	(pc) =	sbr.rel $0x88, $3  }
0x1: {  	(tag) =	ssettag $0x0;
	lr =	simm.s32 $0x1  }
0x2: {  	[smem:$0x3F9D] =	sst lr;
	_ =	strace $0xD0000000  }
0x3: {  	_ = 	snop  }
0x4: {  	_ = 	snop  }
0x5: {  	_ = 	snop  }
0x6: {  	_ = 	snop  }
0x7: {  	_ = 	snop  }
__scs_overlays_trampoline_lowered:
0x8: {  	[smem:$0x3FAC] =	sst s0  }
0x9: {  	[smem:$0x3FAD] =	sst s1  }
0xa: {  	[smem:$0x3FAE] =	sst s2  }
0xb: {  	[smem:$0x3FAF] =	sst s3  }
0xc: {  	[smem:$0x3FB0] =	sst s4  }
0xd: {  	[smem:$0x3FB1] =	sst s5  }
0xe: {  	[smem:$0x3FB2] =	sst s6  }
0xf: {  	[smem:$0x3FB3] =	sst s7  }
0x10: {  	[smem:$0x3FB4] =	sst s8  }
0x11: {  	[smem:$0x3FB5] =	sst s9;
	s0 =	simm.s32 @!p0 $0x0  }
0x12: {  	s1 =	sld [smem:$0x3F9B];
	s0 =	simm.s32 @p0 $0x1  }
0x13: {  	[smem:$0x3FB6] =	sst s0;
	s0 =	simm.s32 @!p1 $0x0  }
0x14: {  	s2 =	sld [smem:$0x3F9A];
	s0 =	simm.s32 @p1 $0x1  }
0x15: {  	[smem:$0x3FB7] =	sst s0;
	s0 =	simm.s32 @!p2 $0x0  }
0x16: {  	s3 =	sld [smem:$0x3FDB];
	s0 =	simm.s32 @p2 $0x1  }
0x17: {  	s4 =	simm.s32 $0x1BF5;
	[smem:$0x3FB9] =	sst s0  }
0x18: {  	s0 =	sld [smem:$0x3F9C];
	_ =	swait.ge [sflag:s4], $0x0  }
0x19: {  	s7 =	sld [smem:$0x3F9D]  }
0x1a: {  	s8 =	sadd.s32 $0xFFFFE003, lr  }
0x1b: {  	s9 =	sadd.s32 $0xFFFFFEF7, lr;
	s5 =	simm.s32 $0xFFFFFFFF;
	p2 =	slt.u32 s8, $0xFFFFF086  }
0x1c: {  	p1 =	slt.u32 s9, $0xF7A;
	s5 =	simm.s32 @!p2 $0x0  }
0x1d: {  	s5 =	simm.s32 @p1 $0x1;
	p0 =	seq.s32 s7, s2  }
0x1e: {  	s7 =	smul.u32 @!p0 $0xF7A, s2;
	p2 =	seq.s32 @!p0 s5, $0x0  }
0x1f: {  	s9 =	smul.u32 $0xF7A, s1;
	s8 =	simm.s32 @!p0 $0x1BF5;
	p2 =	por !p2, p0  }
0x20: {  	[sflag:s8] =	ssyncset.s32 @!p0 $0xFFFFF086;
	s6 =	sadd.s32 @!p0 s3, s7;
	s7 =	simm.s32 @!p0 $0x108  }
0x21: {  	s3 =	sadd.s32 s3, s9;
	s6 =	sadd.s32 @!p0 $0x88, s6;
	s7 =	simm.s32 @p2 $0x1082  }
0x22: {  	[simem:s7], [sflag:s8] =	dma.local @!p0 [hbm:s6], $0xF7A  }
0x23: {  	s9 =	sor.u32 $0xD0000000, s2;
	s6 =	simm.s32 $0x108;
	_ =	swait.ge @!p0 [sflag:s8], $0x0  }
0x24: {  	s3 =	sadd.s32 $0x88, s3;
	s6 =	simm.s32 @!p1 $0x1082;
	[sflag:s4] =	ssyncset.s32 $0xFFFFF086  }
0x25: {  	[simem:s6], [sflag:s4] =	dma.local [hbm:s3], $0xF7A  }
0x26: {  	[smem:$0x3F9D] =	sst s1;
	(tag) =	ssettag s2;
	_ =	strace s9  }
0x27: {  	s1 =	sld [smem:$0x3FAD]  }
0x28: {  	s2 =	sld [smem:$0x3FAE]  }
0x29: {  	s4 =	sld [smem:$0x3FB0]  }
0x2a: {  	p0 =	seq.s32 s5, $0x0;
	s5 =	sld [smem:$0x3FB1]  }
0x2b: {  	s6 =	sld [smem:$0x3FB2]  }
0x2c: {  	s7 =	sld [smem:$0x3FB3]  }
0x2d: {  	s3 =	simm.s32 $0x108;
	s8 =	sld [smem:$0x3FB4]  }
0x2e: {  	s3 =	simm.s32 @!p0 $0x1082;
	s9 =	sld [smem:$0x3FB5]  }
0x2f: {  	lr =	sadd.s32 s0, s3;
	s0 =	sld [smem:$0x3FAC]  }
0x30: {  	s3 =	sld [smem:$0x3FAF]  }
0x31: {  	[smem:$0x3FB8] =	sst s10  }
0x32: {  	s10 =	sld [smem:$0x3FB6];
	_ =	sdelay $0x3  }
0x33: {  	p0 =	seq.s32 s10, $0x1;
	s10 =	sld [smem:$0x3FB8];
	_ =	sdelay $0x3  }
0x34: {  	[smem:$0x3FB8] =	sst s10  }
0x35: {  	s10 =	sld [smem:$0x3FB7];
	_ =	sdelay $0x3  }
0x36: {  	p1 =	seq.s32 s10, $0x1;
	s10 =	sld [smem:$0x3FB8];
	_ =	sdelay $0x3  }
0x37: {  	[smem:$0x3FB8] =	sst s10  }
0x38: {  	s10 =	sld [smem:$0x3FB9]  }
0x39: {  	_ = 	snop;
	(pc) =	sbr.ind lr, $3  }
0x3a: {  	_ = 	snop  }
0x3b: {  	_ = 	snop  }
0x3c: {  	p2 =	seq.s32 s10, $0x1;
	s10 =	sld [smem:$0x3FB8]  }
0x3d: {  	_ =	shalt  }
0x3e: {  	_ =	shalt  }
0x3f: {  	_ =	shalt  }
0x40: {  	_ =	shalt  }
0x41: {  	_ =	shalt  }
0x42: {  	_ =	shalt  }
0x43: {  	_ =	shalt  }
0x44: {  	_ =	shalt  }
0x45: {  	_ =	shalt  }
0x46: {  	_ =	shalt  }
0x47: {  	_ =	shalt  }
0x48: {  	_ =	shalt  }
0x49: {  	_ =	shalt  }
0x4a: {  	_ =	shalt  }
0x4b: {  	_ =	shalt  }
0x4c: {  	_ =	shalt  }
0x4d: {  	_ =	shalt  }
0x4e: {  	_ =	shalt  }
0x4f: {  	_ =	shalt  }
0x50: {  	_ =	shalt  }
0x51: {  	_ =	shalt  }
0x52: {  	_ =	shalt  }
0x53: {  	_ =	shalt  }
0x54: {  	_ =	shalt  }
0x55: {  	_ =	shalt  }
0x56: {  	_ =	shalt  }
0x57: {  	_ =	shalt  }
0x58: {  	_ =	shalt  }
0x59: {  	_ =	shalt  }
0x5a: {  	_ =	shalt  }
0x5b: {  	_ =	shalt  }
0x5c: {  	_ =	shalt  }
0x5d: {  	_ =	shalt  }
0x5e: {  	_ =	shalt  }
0x5f: {  	_ =	shalt  }
0x60: {  	_ =	shalt  }
0x61: {  	_ =	shalt  }
0x62: {  	_ =	shalt  }
0x63: {  	_ =	shalt  }
0x64: {  	_ =	shalt  }
0x65: {  	_ =	shalt  }
0x66: {  	_ =	shalt  }
0x67: {  	_ =	shalt  }
0x68: {  	_ =	shalt  }
0x69: {  	_ =	shalt  }
0x6a: {  	_ =	shalt  }
0x6b: {  	_ =	shalt  }
0x6c: {  	_ =	shalt  }
0x6d: {  	_ =	shalt  }
0x6e: {  	_ =	shalt  }
0x6f: {  	_ =	shalt  }
0x70: {  	_ =	shalt  }
0x71: {  	_ =	shalt  }
0x72: {  	_ =	shalt  }
0x73: {  	_ =	shalt  }
0x74: {  	_ =	shalt  }
0x75: {  	_ =	shalt  }
0x76: {  	_ =	shalt  }
0x77: {  	_ =	shalt  }
0x78: {  	_ =	shalt  }
0x79: {  	_ =	shalt  }
0x7a: {  	_ =	shalt  }
0x7b: {  	_ =	shalt  }
0x7c: {  	_ =	shalt  }
0x7d: {  	_ =	shalt  }
0x7e: {  	_ =	shalt  }
0x7f: {  	_ =	shalt  }
0x80: {  	_ =	shalt  }
0x81: {  	_ =	shalt  }
0x82: {  	_ =	shalt  }
0x83: {  	_ =	shalt  }
0x84: {  	_ =	shalt  }
0x85: {  	_ =	shalt  }
0x86: {  	_ =	shalt  }
0x87: {  	_ =	shalt  }
.Lfunc_end0:
.L_simem_size_0:
called_computation_lowered:
.L_overlay_start_0:
0x88: {  	s2 =	sld [smem:$0x3FD9]  }
0x89: {  	s3 =	sld [smem:$0x3FFE];
	_ =	sdelay $0x1  }
0x8a: {  	s1 =	srdreg.scid  }
0x8b: {  	s0 =	sand.u32 $0x1, s1  }
0x8c: {  	s17 =	sshll.u32 s0, $0xA;
	s2 =	sadd.s32 s3, s2  }
0x8d: {  	s2 =	sadd.s32 s2, s17  }
0x8e: {  	[smem:$0x3FC4] =	sst s2  }
0x8f: {  	_ = 	snop  }
0x90: {  	s2 =	sld [smem:$0x3FD0];
	(tm) =	ssettm $0x1  }
0x91: {  	s18 =	sld [smem:$0x3FFB];
	_ =	sdelay $0x3  }
0x92: {  	_ =	strace s18  }
0x93: {  	s3 =	sld [smem:$0x3FFC];
	_ =	sdelay $0x3  }
0x94: {  	_ =	strace s3  }
0x95: {  	s3 =	sld [smem:$0x3FFD];
	_ =	sdelay $0x3  }
0x96: {  	_ =	strace s3  }
0x97: {  	_ =	strace $0x8FFFFFFF  }
0x98: {  	s19 =	sld [smem:$0x3FDB];
	_ =	sdelay $0x1  }
0x99: {  	s4 =	simm.s32 $_scs_section_size  }
0x9a: {  	s5 =	simm.s32 $_size__tile_overlayer_lowered;
	s6 =	simm.s32 $_tile_overlayer_lowered  }
0x9b: {  	s22 =	simm.s32 $0x1BFF;
	s21 =	sshll.u32 s6, $0x1;
	s3 =	sadd.s32 s4, s19  }
0x9c: {  	s7 =	simm.s32 $0x0;
	s20 =	sshll.u32 s5, $0x1;
	s5 =	sadd.s32 s21, s3  }
0x9d: {  	[timem:s7], [sflag:s22] =	dma.local [hbm:s5], s20  }
0x9e: {  	_ =	swait.ge [sflag:s22], s20  }
0x9f: {  	s4 =	ssub.s32 $0x0, s20;
	[sflag:s22] =	ssyncset.done $0x0  }
0xa0: {  	[sflag:s22] =	ssyncadd.s32 s4;
	_ =	sdelay $0x1  }
0xa1: {  	s23 =	simm.s32 $0x1B8B  }
0xa2: {  	_ =	swait.ge [sflag:s23], $0x1  }
0xa3: {  	[sflag:s23] =	ssyncset.done $0x0  }
0xa4: {  	s25 =	simm.s32 $0x1B8E;
	s24 =	sld [smem:$0x3FFE];
	[sflag:s23] =	ssyncadd.s32 $0xFFFFFFFF  }
0xa5: {  	s26 =	simm.s32 $execute0_lowered;
	[smem:$0x3FD2] =	sst s25  }
0xa6: {  	s5 =	sshll.u32 s26, $0x1;
	_ =	strace $0x80000046;
	[dreg:$0x1] =	wrdreg $0xFFFFFFFF  }
0xa7: {  	s28 =	simm.s32 $_size_execute0_lowered;
	s3 =	sadd.s32 s3, s5;
	[dreg:$0x0] =	wrdreg $0x0  }
0xa8: {  	s5 =	sshll.u32 s28, $0x1;
	[dreg:$0x2] =	wrdreg s3  }
0xa9: {  	[dreg:$0x3] =	wrdreg s5  }
0xaa: {  	[dreg:$0x4] =	wrdreg $0xC0  }
0xab: {  	_ =	task [dreg:s7], $0x5FFFF  }
0xac: {  	[dreg:$0x1] =	wrdreg $0xFFFFFFFF  }
0xad: {  	[dreg:$0x0] =	wrdreg $0x60  }
0xae: {  	[dreg:$0x2] =	wrdreg s24  }
0xaf: {  	[dreg:$0x3] =	wrdreg s2  }
0xb0: {  	[dreg:$0x4] =	wrdreg $0x9  }
0xb1: {  	_ =	task.clear_ibuf [dreg:s7], $0x5FFFF;
	_ =	strace $0x90000046  }
0xb2: {  	s29 =	simm.s32 $0x9;
	_ =	strace $0x80000048  }
0xb3: {  	_ =	swait.ge [sflag:s29], $0x1  }
0xb4: {  	[sflag:s29] =	ssyncadd.s32 $0xFFFFFFFF  }
0xb5: {  	_ =	strace $0x90000048  }
0xb6: {  	_ =	sfence  }
0xb7: {  	s30 =	sld [smem:$0x0];
	_ =	sdelay $0x2  }
0xb8: {  	s31 =	sshll.u32 s1, $0xD;
	s1 =	sshrl.u32 s1, $0x2  }
0xb9: {  	s3 =	sand.u32 $0x4000, s31;
	s1 =	sadd.s32 s1, s30  }
0xba: {  	s0 =	sor.u32 s3, s0;
	s1 =	sshll.u32 s1, $0x11  }
0xbb: {  	s0 =	sor.u32 s1, s0  }
0xbc: {  	s0 =	sadd.s32 $0x8F2B, s0  }
0xbd: {  	[sflag:s0] =	ssyncadd.remote.s32 $0x1  }
0xbe: {  	_ =	sfence.sel $0xFFFF  }
0xbf: {  	[dreg:$0x0] =	wrdreg $0xFFFFFFFF;
	(pc) =	sbr.abs _section_cstart, $3  }
0xc0: {  	[dreg:$0x1] =	wrdreg $0xFFFFFFFF  }
0xc1: {  	_ =	task.clear_ibuf [dreg:s7], $0x2FFFF;
	_ =	strace $0x9FFFFFFF  }
0xc2: {  	(tm) =	ssettm $0x7FFFFFFF  }
0xc3: {  	_ =	shalt  }
tec
execute0_lowered:
.L_overlay_start_1:
0x0: {  	(tag) =	ssettag $0x1  }
0x1: {  	s0 =	rddreg [dreg:$0x0]  }
0x2: {  	s1 =	srdreg.scid;
	s16 =	stileid.u32  }
0x3: {  	s4 =	rddreg [dreg:$0x1];
	s2 =	simm.s32 $0x0;
	s17 =	simm.s32 $0x4  }
0x4: {  	s18 =	simm.s32 $0x5000;
	s28 =	simm.s32 $0xAC00;
	s29 =	simm.s32 $0x10000  }
0x5: {  	s1 =	sand.u32 $0x1, s1;
	s3 =	sshll.u32 s16, $0x1;
	s22 =	smul.u32 $0x280, s16  }
0x6: {  	s30 =	simm.s32 $0x10140;
	s7 =	sor.u32 s1, s3;
	s24 =	smul.u32 $0x140, s1  }
0x7: {  	[smem:$0x7FF] =	sst s2;
	s6 =	sadd.s32 $0x1C00, s0;
	s5 =	smul.u32 $0xA00, s7  }
0x8: {  	s16 =	simm.s32 $0x10280;
	_ =	strace $0x80000047;
	s8 =	smul.u32 $0x280, s7  }
0x9: {  	s3 =	sadd.s32 $0x1E00, s0;
	s13 =	ssub.s32 $0x2, s1;
	s19 =	smul.u32 $0x140, s7  }
0xa: {  	[dreg:$0x5] =	wrdreg s6;
	s12 =	smul.u32 $0x500, s7;
	s15 =	sshrl.u32 s13, $0x1  }
0xb: {  	s6 =	sadd.s32 $0x79E00, s0;
	s7 =	smul.u32 $0x14000, s7;
	s20 =	ssub.s32 s13, s15  }
0xc: {  	s15 =	sadd.s32 s24, s22;
	s22 =	simm.s32 $0x1;
	s24 =	simm.s32 $0xEC00  }
0xd: {  	s9 =	sadd.s32 s5, s0;
	s5 =	sadd.s32 $0x24E00, s0;
	s10 =	sadd.s32 s8, s0  }
0xe: {  	s11 =	sshrl.u32 s19, $0x3;
	s8 =	sadd.s32 s3, s8;
	s31 =	smax.u32 s20, $0x1  }
0xf: {  	v0 =	vlaneseq.u32;
	v4 =	vimm.s32 $0x0;
	s19 =	simm.s32 $0x10440;
	s20 =	simm.s32 $0x15440;
	[dreg:$0x6] =	wrdreg s8  }
0x10: {  	v5 =	vimm.s32 $0x1;
	v6 =	vimm.f32 $0.0e+00;
	v19 =	vimm.s32 $0xFFFFFFFF;
	s14 =	sadd.s32 s11, s0;
	s21 =	sadd.s32 $0x6E00, s9;
	[dreg:$0xc] =	wrdreg s31  }
0x11: {  	v1 =	vor.u32 $0x10, v0;
	v2 =	vor.u32 $0x20, v0;
	v3 =	vor.u32 $0x30, v0;
	s0 =	sadd.s32 s12, s0;
	s23 =	sadd.s32 $0x74E00, s10;
	[dreg:$0x7] =	wrdreg s21  }
0x12: {  	v7 =	vor.u32 $0x40, v0;
	v8 =	vor.u32 $0x50, v0;
	v9 =	vor.u32 $0x60, v0;
	s25 =	sadd.s32 s4, s11;
	s0 =	sadd.s32 $0x1AE00, s0;
	[dreg:$0x9] =	wrdreg s23  }
0x13: {  	v10 =	vor.u32 $0x70, v0;
	v11 =	vor.u32 $0x80, v0;
	v12 =	vor.u32 $0x90, v0;
	[dreg:$0xa] =	wrdreg s25;
	s26 =	sadd.s32 $0xC9E00, s14;
	s21 =	simm.s32 $0x10  }
0x14: {  	v13 =	vor.u32 $0xA0, v0;
	v14 =	vor.u32 $0xB0, v0;
	v15 =	vor.u32 $0xC0, v0;
	s23 =	simm.s32 $0x2800;
	s25 =	simm.s32 $0x6400;
	[dreg:$0x8] =	wrdreg s0  }
0x15: {  	v16 =	vor.u32 $0xD0, v0;
	v17 =	vor.u32 $0xE0, v0;
	v18 =	vor.u32 $0xF0, v0;
	[dreg:$0xb] =	wrdreg s26;
	s26 =	simm.s32 $0x6C00;
	s0 =	simm.s32 $0x0  }
.LBB2_1:
0x16: {  	s1 =	rddreg [dreg:$0x5]  }
0x17: {  	[tilespmem:s16], [sflag:$0x4] =	stream.linear.gather [hbm4b:s1+s2], $0x140, $0x38;
	[tilespmem:$0x17C40] =	vst v63  }
0x18: {  	_ =	swait.ge [sflag:s17], $0x140  }
0x19: {  	[sflag:s17] =	ssyncset.done $0x0  }
0x1a: {  	s14 =	rddreg [dreg:$0x6];
	[sflag:s17] =	ssyncadd.s32 $0xFFFFFEC0  }
0x1b: {  	[tilespmem:s18], [sflag:$0x4] =	stream.linear.gather [hbm4b:s14+s2], $0x1400, $0x38;
	[tilespmem:$0x17C40] =	vst v63  }
0x1c: {  	v20 =	vmov s2;
	_ =	swait.ge [sflag:s17], $0x1400  }
0x1d: {  	v21 =	vshll.u32 v20, $0x6;
	[sflag:s17] =	ssyncset.done $0x0  }
0x1e: {  	v22 =	vor.u32 v0, v21;
	s31 =	rddreg [dreg:$0x7];
	[sflag:s17] =	ssyncadd.s32 $0xFFFFEC00  }
0x1f: {  	v23 =	vor.u32 v1, v21;
	[tilespmem:s19], [sflag:$0x4] =	stream.linear.gather [hbm4b:s31+s2], $0x5000, $0x38;
	[tilespmem:$0x17C40] =	vst v63  }
0x20: {  	_ =	swait.ge [sflag:s17], $0x5000  }
0x21: {  	[sflag:s17] =	ssyncset.done $0x0  }
0x22: {  	[sflag:s17] =	ssyncadd.s32 $0xFFFFB000  }
0x23: {  	v22 =	vld.idx.msk [tilespmem:v22+s19+$0x0], $0xffff  }
0x24: {  	v20 =	vshll.u32 v20, $0x5;
	v23 =	vld.idx.msk [tilespmem:v23+s19+$0x0], $0xffff  }
0x25: {  	v24 =	vor.u32 v0, v20  }
0x26: {  	v25 =	vor.u32 v2, v21  }
0x27: {  	v26 =	vor.u32 v3, v21;
	_ =	sdelay $0x1  }
0x28: {  	v21 =	vpack.i.f32.bf16 v23, v22  }
0x29: {  	[tilespmem:v24+s20+$0x0] =	vst.idx.msk $0xffff, v21  }
0x2a: {  	s4 =	simm.s32 $0x1;
	v22 =	vld.idx.msk [tilespmem:v25+s19+$0x0], $0xffff  }
0x2b: {  	v27 =	vmov s4;
	v24 =	vld.idx.msk [tilespmem:v26+s19+$0x0], $0xffff  }
0x2c: {  	v23 =	vor.u32 v1, v20;
	v21 =	vshll.u32 v27, $0x6  }
0x2d: {  	s4 =	simm.s32 $0x2;
	v20 =	vshll.u32 v27, $0x5;
	v26 =	vor.u32 v0, v21;
	v25 =	vor.u32 v1, v21  }
.LBB2_2:
0x2e: {  	_ = 	snop  }
0x2f: {  	p0 =	sne.s32 s4, $0x13F;
	s8 =	smov.u32 s4;
	s4 =	sadd.s32 $0x1, s4  }
0x30: {  	v22 =	vpack.i.f32.bf16 v24, v22  }
0x31: {  	[tilespmem:v23+s20+$0x0] =	vst.idx.msk $0xffff, v22  }
0x32: {  	v22 =	vld.idx.msk [tilespmem:v26+s19+$0x0], $0xffff  }
0x33: {  	v23 =	vld.idx.msk [tilespmem:v25+s19+$0x0], $0xffff  }
0x34: {  	v24 =	vor.u32 v0, v20;
	_ =	sdelay $0x1  }
0x35: {  	v25 =	vor.u32 v2, v21;
	v21 =	vor.u32 v3, v21;
	_ =	sdelay $0x2  }
0x36: {  	v22 =	vpack.i.f32.bf16 v23, v22  }
0x37: {  	[tilespmem:v24+s20+$0x0] =	vst.idx.msk $0xffff, v22  }
.Ltmp0:
0x38: {  	v22 =	vld.idx.msk [tilespmem:v25+s19+$0x0], $0xffff;
	(pc) =	sbr.rel @p0 .LBB2_2-.Ltmp0, $4  }
0x39: {  	v23 =	vor.u32 v1, v20;
	v24 =	vld.idx.msk [tilespmem:v21+s19+$0x0], $0xffff  }
0x3a: {  	v20 =	vmov s8  }
0x3b: {  	v21 =	vshll.u32 v20, $0x6;
	v20 =	vshll.u32 v20, $0x5  }
0x3c: {  	v26 =	vor.u32 v0, v21;
	v25 =	vor.u32 v1, v21  }
0x3d: {  	_ =	sdelay $0x2  }
0x3e: {  	v22 =	vpack.i.f32.bf16 v24, v22  }
0x3f: {  	[tilespmem:v23+s20+$0x0] =	vst.idx.msk $0xffff, v22  }
0x40: {  	v22 =	vld.idx.msk [tilespmem:v26+s19+$0x0], $0xffff  }
0x41: {  	v23 =	vld.idx.msk [tilespmem:v25+s19+$0x0], $0xffff  }
0x42: {  	v61 =	vor.u32 v0, v20  }
0x43: {  	v62 =	vor.u32 v2, v21  }
0x44: {  	v63 =	vor.u32 v3, v21;
	_ =	sdelay $0x1  }
0x45: {  	v22 =	vpack.i.f32.bf16 v23, v22  }
0x46: {  	[tilespmem:v61+s20+$0x0] =	vst.idx.msk $0xffff, v22  }
0x47: {  	v22 =	vld.idx.msk [tilespmem:v62+s19+$0x0], $0xffff  }
0x48: {  	v21 =	vld.idx.msk [tilespmem:v63+s19+$0x0], $0xffff  }
0x49: {  	v20 =	vor.u32 v1, v20;
	_ =	sdelay $0x3  }
0x4a: {  	v21 =	vpack.i.f32.bf16 v21, v22  }
0x4b: {  	s4 =	simm.s32 $0x0;
	s1 =	rddreg [dreg:$0x8];
	[tilespmem:v20+s20+$0x0] =	vst.idx.msk $0xffff, v21  }
0x4c: {  	[hbm4b:s1+s4] =	stream.linear.scatter [tilespmem:s20], [sflag:$0x4], $0x2800, $0x38;
	[tilespmem:$0x17C40] =	vst v63  }
0x4d: {  	_ =	swait.ge [sflag:s17], $0x2800  }
0x4e: {  	[sflag:s17] =	ssyncset.done $0x0  }
0x4f: {  	s8 =	simm.s32 $0x0;
	[sflag:s17] =	ssyncadd.s32 $0xFFFFD800  }
.LBB2_4:
0x50: {  	v20 =	vor.u32 s8, v0;
	p0 =	sne.s32 s8, $0x27F0  }
.Ltmp1:
0x51: {  	_ = 	snop;
	(pc) =	sbr.rel @p0 .LBB2_4-.Ltmp1, $2  }
0x52: {  	_ =	sdelay $0x2  }
0x53: {  	s8 =	sadd.s32 $0x10, s8;
	[tilespmem:v20+s4+$0x0] =	vst.idx.msk $0xffff, v4  }
0x54: {  	s4 =	simm.s32 $0x0  }
0x55: {  	v20 =	vor.u32 s4, v0;
	_ =	sdelay $0x4  }
0x56: {  	v20 =	vld.idx.msk [tilespmem:v20+s18+$0x0], $0xffff  }
0x57: {  	s31 =	simm.s32 $0x10  }
0x58: {  	v21 =	vor.u32 s31, v0;
	_ =	sdelay $0x1  }
0x59: {  	s8 =	simm.s32 $0x103C0  }
0x5a: {  	s4 =	simm.s32 $0x6400;
	[tilespmem:s8+$0x0] =	vst v20  }
0x5b: {  	[tilespmem:s4], [sflag:$0x1] =	stream.indirect.gather [hbm4b:s3+s21], $0x10, s8, s21, $0xb8;
	[tilespmem:$0x17C40] =	vst v63  }
0x5c: {  	s10 =	simm.s32 $0x20;
	s9 =	simm.s32 $0x3;
	v20 =	vld.idx.msk [tilespmem:v21+s18+$0x0], $0xffff  }
.LBB2_6:
0x5d: {  	p0 =	sne.s32 s9, $0x7;
	v21 =	vor.u32 s10, v0;
	_ =	sdelay $0x1  }
.Ltmp2:
0x5e: {  	(pc) =	sbr.rel @p0 .LBB2_6-.Ltmp2, $4  }
0x5f: {  	s4 =	sadd.s32 $0x100, s4;
	s8 =	sadd.s32 $0x10, s8  }
0x60: {  	[tilespmem:s8+$0x0] =	vst v20;
	[tilespmem:s4], [sflag:$0x1] =	stream.indirect.gather [hbm4b:s3+s21], $0x10, s8, s21, $0xb8  }
0x61: {  	v20 =	vld.idx.msk [tilespmem:v21+s18+$0x0], $0xffff  }
0x62: {  	s10 =	sshll.u32 s9, $0x4;
	s9 =	sadd.s32 $0x1, s9  }
0x63: {  	v21 =	vor.u32 s10, v0;
	_ =	sdelay $0x1  }
0x64: {  	s8 =	sadd.s32 $0x10, s8  }
0x65: {  	s4 =	sadd.s32 $0x100, s4;
	[tilespmem:s8+$0x0] =	vst v20  }
0x66: {  	[tilespmem:s4], [sflag:$0x1] =	stream.indirect.gather [hbm4b:s3+s21], $0x10, s8, s21, $0xb8;
	[tilespmem:$0x17C40] =	vst v63  }
0x67: {  	v20 =	vld.idx.msk [tilespmem:v21+s18+$0x0], $0xffff;
	_ =	sdelay $0x3  }
0x68: {  	s8 =	sadd.s32 $0x10, s8  }
0x69: {  	s4 =	sadd.s32 $0x100, s4;
	[tilespmem:s8+$0x0] =	vst v20  }
0x6a: {  	[tilespmem:s4], [sflag:$0x1] =	stream.indirect.gather [hbm4b:s3+s21], $0x10, s8, s21, $0xb8;
	[tilespmem:$0x17C40] =	vst v63  }
0x6b: {  	p0 =	por $0x0, $0x0;
	s4 =	simm.s32 $0x0;
	s8 =	simm.s32 $0x0  }
.LBB2_8:
0x6c: {  	s9 =	simm.s32 $0x1  }
0x6d: {  	s9 =	simm.s32 @!p0 $0x0  }
0x6e: {  	p1 =	slt.u32 s8, $0x2;
	s9 =	sshll.u32 s9, $0x5  }
0x6f: {  	[dreg:$0x4] =	wrdreg s9;
	s9 =	simm.s32 @!p1 $0x2  }
0x70: {  	_ =	swait.ge @!p1 [sflag:s9], $0x2000  }
0x71: {  	[sflag:s9] =	ssyncset.done @!p1 $0x0  }
0x72: {  	[sflag:s9] =	ssyncadd.s32 @!p1 $0xFFFFE000;
	s9 =	simm.s32 @!p1 $0x3  }
0x73: {  	s10 =	sadd.s32 s4, s15;
	_ =	swait.ge @!p1 [sflag:s9], $0x2000  }
0x74: {  	[dreg:$0x3] =	wrdreg s10;
	[sflag:s9] =	ssyncset.done @!p1 $0x0  }
0x75: {  	s10 =	simm.s32 $0x0;
	[sflag:s9] =	ssyncadd.s32 @!p1 $0xFFFFE000;
	s9 =	sand.u32 $0x1, s8  }
.LBB2_9:
0x76: {  	s11 =	sadd.s32 s10, s4  }
0x77: {  	v20 =	vmov s11  }
0x78: {  	v21 =	vshll.u32 v20, $0x4  }
0x79: {  	v22 =	vor.u32 v0, v21;
	_ =	sdelay $0x4  }
0x7a: {  	v21 =	vld.idx.msk [tilespmem:v22+s18+$0x0], $0xffff;
	_ =	sdelay $0x7  }
0x7b: {  	[tilespmem:v21+s2+$0x0] =	vst.idx.add.s32.msk $0xffff, v5  }
0x7c: {  	v23 =	vld.idx.msk [tilespmem:v21+s2+$0x0], $0xffff;
	[tilespmem:v21+s23+$0x0] =	vst.idx.msk $0xffff, v0  }
0x7d: {  	s12 =	rddreg [dreg:$0x3];
	v24 =	vld.idx.msk [tilespmem:v21+s23+$0x0], $0xffff  }
0x7e: {  	s14 =	sadd.s32 s10, s12  }
0x7f: {  	vm0 =	veq.s32 v21, s14  }
0x80: {  	v25 =	vsel vm0, $0xFFFFFFFF, v4  }
0x81: {  	v23 =	vadd.s32 v25, v23  }
0x82: {  	vm6 =	veq.s32 v24, v0;
	vm1 =	vgt.s32 v23, $0x0  }
0x83: {  	v49 =	vimm.s32 $0x0;
	vm0 =	vmand vm1, vm6  }
0x84: {  	s12 =	sand.u32 $0x7, s10;
	v23 =	vsel vm0, $0xFFFFFFFF, v49  }
0x85: {  	s13 =	sshll.u32 s12, $0x8;
	v50 =	vsel vm0, $0x3F800000, v6;
	[tilespmem:$0x1FFF0] =	vst v23  }
0x86: {  	[tilespmem:v22+s24+$0x0] =	vst.idx.msk $0xffff, v50;
	v22 =	vor.u32 s13, v0  }
0x87: {  	[tilespmem:v21+s2+$0x0] =	vst.idx.msk $0xffff, v4  }
0x88: {  	_ =	swait.ge [sflag:s22], $0x100  }
0x89: {  	[sflag:s22] =	ssyncset.done $0x0  }
0x8a: {  	s31 =	rddreg [dreg:$0x4];
	[sflag:s22] =	ssyncadd.s32 $0xFFFFFF00  }
0x8b: {  	s31 =	sadd.s32 s10, s31;
	v51 =	vld.idx.msk [tilespmem:v22+s25+$0x0], $0xffff  }
0x8c: {  	s31 =	sshll.u32 s31, $0x8  }
0x8d: {  	v54 =	vor.u32 s31, v0  }
0x8e: {  	s1 =	sor.u32 $0x10, s13  }
0x8f: {  	v23 =	vor.u32 s1, v0;
	_ =	sdelay $0x2  }
0x90: {  	[tilespmem:v54+s26+$0x0] =	vst.idx.msk $0xffff, v51  }
0x91: {  	[tilespmem:v51+s2+$0x0] =	vst.idx.add.s32.msk $0xffff, v5  }
0x92: {  	v57 =	vld.idx.msk [tilespmem:v23+s25+$0x0], $0xffff;
	_ =	sdelay $0x1  }
0x93: {  	v53 =	vor.u32 s31, v1  }
0x94: {  	s1 =	sor.u32 $0x20, s13  }
0x95: {  	v24 =	vor.u32 s1, v0;
	_ =	sdelay $0x2  }
0x96: {  	[tilespmem:v53+s26+$0x0] =	vst.idx.msk $0xffff, v57  }
0x97: {  	[tilespmem:v57+s2+$0x0] =	vst.idx.add.s32.msk $0xffff, v5  }
0x98: {  	v26 =	vld.idx.msk [tilespmem:v24+s25+$0x0], $0xffff;
	_ =	sdelay $0x1  }
0x99: {  	v52 =	vor.u32 s31, v2  }
0x9a: {  	s1 =	sor.u32 $0x30, s13  }
0x9b: {  	v25 =	vor.u32 s1, v0;
	_ =	sdelay $0x2  }
0x9c: {  	[tilespmem:v52+s26+$0x0] =	vst.idx.msk $0xffff, v26  }
0x9d: {  	[tilespmem:v26+s2+$0x0] =	vst.idx.add.s32.msk $0xffff, v5  }
0x9e: {  	v27 =	vld.idx.msk [tilespmem:v25+s25+$0x0], $0xffff;
	_ =	sdelay $0x1  }
0x9f: {  	v51 =	vor.u32 s31, v3  }
0xa0: {  	s1 =	sor.u32 $0x40, s13  }
0xa1: {  	v26 =	vor.u32 s1, v0;
	_ =	sdelay $0x2  }
0xa2: {  	[tilespmem:v51+s26+$0x0] =	vst.idx.msk $0xffff, v27  }
0xa3: {  	[tilespmem:v27+s2+$0x0] =	vst.idx.add.s32.msk $0xffff, v5  }
0xa4: {  	v28 =	vld.idx.msk [tilespmem:v26+s25+$0x0], $0xffff;
	_ =	sdelay $0x1  }
0xa5: {  	v50 =	vor.u32 s31, v7  }
0xa6: {  	s1 =	sor.u32 $0x50, s13  }
0xa7: {  	v27 =	vor.u32 s1, v0;
	_ =	sdelay $0x2  }
0xa8: {  	[tilespmem:v50+s26+$0x0] =	vst.idx.msk $0xffff, v28  }
0xa9: {  	[tilespmem:v28+s2+$0x0] =	vst.idx.add.s32.msk $0xffff, v5  }
0xaa: {  	v29 =	vld.idx.msk [tilespmem:v27+s25+$0x0], $0xffff;
	_ =	sdelay $0x1  }
0xab: {  	v49 =	vor.u32 s31, v8  }
0xac: {  	s1 =	sor.u32 $0x60, s13  }
0xad: {  	v28 =	vor.u32 s1, v0;
	_ =	sdelay $0x2  }
0xae: {  	[tilespmem:v49+s26+$0x0] =	vst.idx.msk $0xffff, v29  }
0xaf: {  	[tilespmem:v29+s2+$0x0] =	vst.idx.add.s32.msk $0xffff, v5  }
0xb0: {  	v30 =	vld.idx.msk [tilespmem:v28+s25+$0x0], $0xffff;
	_ =	sdelay $0x1  }
0xb1: {  	v48 =	vor.u32 s31, v9  }
0xb2: {  	s1 =	sor.u32 $0x70, s13  }
0xb3: {  	v29 =	vor.u32 s1, v0;
	_ =	sdelay $0x2  }
0xb4: {  	[tilespmem:v48+s26+$0x0] =	vst.idx.msk $0xffff, v30  }
0xb5: {  	[tilespmem:v30+s2+$0x0] =	vst.idx.add.s32.msk $0xffff, v5  }
0xb6: {  	v30 =	vld.idx.msk [tilespmem:v29+s25+$0x0], $0xffff;
	_ =	sdelay $0x1  }
0xb7: {  	v47 =	vor.u32 s31, v10  }
0xb8: {  	s1 =	sor.u32 $0x80, s13  }
0xb9: {  	v31 =	vor.u32 s1, v0;
	_ =	sdelay $0x2  }
0xba: {  	[tilespmem:v47+s26+$0x0] =	vst.idx.msk $0xffff, v30  }
0xbb: {  	[tilespmem:v30+s2+$0x0] =	vst.idx.add.s32.msk $0xffff, v5  }
0xbc: {  	v30 =	vld.idx.msk [tilespmem:v31+s25+$0x0], $0xffff;
	_ =	sdelay $0x1  }
0xbd: {  	v46 =	vor.u32 s31, v11  }
0xbe: {  	s1 =	sor.u32 $0x90, s13  }
0xbf: {  	v32 =	vor.u32 s1, v0;
	_ =	sdelay $0x2  }
0xc0: {  	[tilespmem:v46+s26+$0x0] =	vst.idx.msk $0xffff, v30  }
0xc1: {  	[tilespmem:v30+s2+$0x0] =	vst.idx.add.s32.msk $0xffff, v5  }
0xc2: {  	v30 =	vld.idx.msk [tilespmem:v32+s25+$0x0], $0xffff;
	_ =	sdelay $0x1  }
0xc3: {  	v45 =	vor.u32 s31, v12  }
0xc4: {  	s1 =	sor.u32 $0xA0, s13  }
0xc5: {  	v33 =	vor.u32 s1, v0;
	_ =	sdelay $0x2  }
0xc6: {  	[tilespmem:v45+s26+$0x0] =	vst.idx.msk $0xffff, v30  }
0xc7: {  	[tilespmem:v30+s2+$0x0] =	vst.idx.add.s32.msk $0xffff, v5  }
0xc8: {  	v30 =	vld.idx.msk [tilespmem:v33+s25+$0x0], $0xffff;
	_ =	sdelay $0x1  }
0xc9: {  	v44 =	vor.u32 s31, v13  }
0xca: {  	s1 =	sor.u32 $0xB0, s13  }
0xcb: {  	v35 =	vor.u32 s1, v0;
	_ =	sdelay $0x2  }
0xcc: {  	[tilespmem:v44+s26+$0x0] =	vst.idx.msk $0xffff, v30  }
0xcd: {  	[tilespmem:v30+s2+$0x0] =	vst.idx.add.s32.msk $0xffff, v5  }
0xce: {  	v30 =	vld.idx.msk [tilespmem:v35+s25+$0x0], $0xffff;
	_ =	sdelay $0x1  }
0xcf: {  	v43 =	vor.u32 s31, v14  }
0xd0: {  	s1 =	sor.u32 $0xC0, s13  }
0xd1: {  	v36 =	vor.u32 s1, v0;
	_ =	sdelay $0x2  }
0xd2: {  	[tilespmem:v43+s26+$0x0] =	vst.idx.msk $0xffff, v30  }
0xd3: {  	[tilespmem:v30+s2+$0x0] =	vst.idx.add.s32.msk $0xffff, v5  }
0xd4: {  	v30 =	vld.idx.msk [tilespmem:v36+s25+$0x0], $0xffff;
	_ =	sdelay $0x1  }
0xd5: {  	v42 =	vor.u32 s31, v15  }
0xd6: {  	s1 =	sor.u32 $0xD0, s13  }
0xd7: {  	v37 =	vor.u32 s1, v0;
	_ =	sdelay $0x2  }
0xd8: {  	[tilespmem:v42+s26+$0x0] =	vst.idx.msk $0xffff, v30  }
0xd9: {  	[tilespmem:v30+s2+$0x0] =	vst.idx.add.s32.msk $0xffff, v5  }
0xda: {  	v30 =	vld.idx.msk [tilespmem:v37+s25+$0x0], $0xffff;
	_ =	sdelay $0x1  }
0xdb: {  	v41 =	vor.u32 s31, v16  }
0xdc: {  	s1 =	sor.u32 $0xE0, s13  }
0xdd: {  	v38 =	vor.u32 s1, v0;
	_ =	sdelay $0x2  }
0xde: {  	[tilespmem:v41+s26+$0x0] =	vst.idx.msk $0xffff, v30  }
0xdf: {  	[tilespmem:v30+s2+$0x0] =	vst.idx.add.s32.msk $0xffff, v5  }
0xe0: {  	v30 =	vld.idx.msk [tilespmem:v38+s25+$0x0], $0xffff;
	_ =	sdelay $0x1  }
0xe1: {  	v40 =	vor.u32 s31, v17  }
0xe2: {  	s1 =	sor.u32 $0xF0, s13  }
0xe3: {  	v34 =	vor.u32 s1, v0;
	_ =	sdelay $0x2  }
0xe4: {  	[tilespmem:v40+s26+$0x0] =	vst.idx.msk $0xffff, v30  }
0xe5: {  	[tilespmem:v30+s2+$0x0] =	vst.idx.add.s32.msk $0xffff, v5  }
0xe6: {  	v55 =	vld.idx.msk [tilespmem:v34+s25+$0x0], $0xffff;
	_ =	sdelay $0x1  }
0xe7: {  	v39 =	vor.u32 s31, v18;
	_ =	sdelay $0x2  }
0xe8: {  	v30 =	vmov s14;
	_ =	sdelay $0x1  }
0xe9: {  	[tilespmem:v39+s26+$0x0] =	vst.idx.msk $0xffff, v55  }
0xea: {  	[tilespmem:v55+s2+$0x0] =	vst.idx.add.s32.msk $0xffff, v5  }
0xeb: {  	[tilespmem:v21+s2+$0x0] =	vst.idx.add.s32.msk $0xffff, v19  }
0xec: {  	[tilespmem:v30+s2+$0x0] =	vst.idx.add.s32.msk $0x1, v19  }
0xed: {  	v55 =	vld.idx.msk [tilespmem:v22+s25+$0x0], $0xffff;
	_ =	sdelay $0x7  }
0xee: {  	[tilespmem:v55+s23+$0x0] =	vst.idx.msk $0xffff, v0  }
0xef: {  	v55 =	vld.idx.msk [tilespmem:v23+s25+$0x0], $0xffff;
	_ =	sdelay $0x7  }
0xf0: {  	[tilespmem:v55+s23+$0x0] =	vst.idx.msk $0xffff, v1  }
0xf1: {  	v55 =	vld.idx.msk [tilespmem:v24+s25+$0x0], $0xffff;
	_ =	sdelay $0x7  }
0xf2: {  	[tilespmem:v55+s23+$0x0] =	vst.idx.msk $0xffff, v2  }
0xf3: {  	v55 =	vld.idx.msk [tilespmem:v25+s25+$0x0], $0xffff;
	_ =	sdelay $0x7  }
0xf4: {  	[tilespmem:v55+s23+$0x0] =	vst.idx.msk $0xffff, v3  }
0xf5: {  	v55 =	vld.idx.msk [tilespmem:v26+s25+$0x0], $0xffff;
	_ =	sdelay $0x7  }
0xf6: {  	[tilespmem:v55+s23+$0x0] =	vst.idx.msk $0xffff, v7  }
0xf7: {  	v55 =	vld.idx.msk [tilespmem:v27+s25+$0x0], $0xffff;
	_ =	sdelay $0x7  }
0xf8: {  	[tilespmem:v55+s23+$0x0] =	vst.idx.msk $0xffff, v8  }
0xf9: {  	v55 =	vld.idx.msk [tilespmem:v28+s25+$0x0], $0xffff;
	_ =	sdelay $0x7  }
0xfa: {  	[tilespmem:v55+s23+$0x0] =	vst.idx.msk $0xffff, v9  }
0xfb: {  	v55 =	vld.idx.msk [tilespmem:v29+s25+$0x0], $0xffff;
	_ =	sdelay $0x7  }
0xfc: {  	[tilespmem:v55+s23+$0x0] =	vst.idx.msk $0xffff, v10  }
0xfd: {  	v55 =	vld.idx.msk [tilespmem:v31+s25+$0x0], $0xffff;
	_ =	sdelay $0x7  }
0xfe: {  	[tilespmem:v55+s23+$0x0] =	vst.idx.msk $0xffff, v11  }
0xff: {  	v55 =	vld.idx.msk [tilespmem:v32+s25+$0x0], $0xffff;
	_ =	sdelay $0x7  }
0x100: {  	[tilespmem:v55+s23+$0x0] =	vst.idx.msk $0xffff, v12  }
0x101: {  	v55 =	vld.idx.msk [tilespmem:v33+s25+$0x0], $0xffff;
	_ =	sdelay $0x7  }
0x102: {  	[tilespmem:v55+s23+$0x0] =	vst.idx.msk $0xffff, v13  }
0x103: {  	v55 =	vld.idx.msk [tilespmem:v35+s25+$0x0], $0xffff;
	_ =	sdelay $0x7  }
0x104: {  	[tilespmem:v55+s23+$0x0] =	vst.idx.msk $0xffff, v14  }
0x105: {  	v55 =	vld.idx.msk [tilespmem:v36+s25+$0x0], $0xffff;
	_ =	sdelay $0x7  }
0x106: {  	[tilespmem:v55+s23+$0x0] =	vst.idx.msk $0xffff, v15  }
0x107: {  	v55 =	vld.idx.msk [tilespmem:v37+s25+$0x0], $0xffff;
	_ =	sdelay $0x7  }
0x108: {  	[tilespmem:v55+s23+$0x0] =	vst.idx.msk $0xffff, v16  }
0x109: {  	v55 =	vld.idx.msk [tilespmem:v38+s25+$0x0], $0xffff;
	_ =	sdelay $0x7  }
0x10a: {  	[tilespmem:v55+s23+$0x0] =	vst.idx.msk $0xffff, v17  }
0x10b: {  	v55 =	vld.idx.msk [tilespmem:v34+s25+$0x0], $0xffff;
	_ =	sdelay $0x7  }
0x10c: {  	[tilespmem:v55+s23+$0x0] =	vst.idx.msk $0xffff, v18  }
0x10d: {  	v55 =	vld.idx.msk [tilespmem:v22+s25+$0x0], $0xffff;
	_ =	sdelay $0x7  }
0x10e: {  	v56 =	vld.idx.msk [tilespmem:v55+s2+$0x0], $0xffff  }
0x10f: {  	v55 =	vld.idx.msk [tilespmem:v55+s23+$0x0], $0xffff;
	_ =	sdelay $0x4  }
0x110: {  	vm7 =	veq.s32 v55, v0;
	vm8 =	vgt.s32 v56, $0x0  }
0x111: {  	vm0 =	vmand vm8, vm7  }
0x112: {  	v59 =	vsel vm0, $0x3F800000, v6  }
0x113: {  	[tilespmem:v54+s28+$0x0] =	vst.idx.msk $0xffff, v59  }
0x114: {  	v54 =	vld.idx.msk [tilespmem:v23+s25+$0x0], $0xffff;
	_ =	sdelay $0x5  }
0x115: {  	v58 =	vimm.s32 $0x0  }
0x116: {  	v55 =	vsel vm0, $0xFFFFFFFF, v58  }
0x117: {  	[tilespmem:$0x1FFE0] =	vst v55;
	v55 =	vld.idx.msk [tilespmem:v54+s2+$0x0], $0xffff  }
0x118: {  	v54 =	vld.idx.msk [tilespmem:v54+s23+$0x0], $0xffff;
	_ =	sdelay $0x4  }
0x119: {  	vm9 =	veq.s32 v54, v1;
	vm2 =	vgt.s32 v55, $0x0  }
0x11a: {  	vm2 =	vmand vm2, vm9  }
0x11b: {  	v60 =	vsel vm2, $0x3F800000, v6  }
0x11c: {  	[tilespmem:v53+s28+$0x0] =	vst.idx.msk $0xffff, v60  }
0x11d: {  	v53 =	vld.idx.msk [tilespmem:v24+s25+$0x0], $0xffff;
	_ =	sdelay $0x7  }
0x11e: {  	v54 =	vld.idx.msk [tilespmem:v53+s2+$0x0], $0xffff  }
0x11f: {  	v53 =	vld.idx.msk [tilespmem:v53+s23+$0x0], $0xffff;
	_ =	sdelay $0x4  }
0x120: {  	vm10 =	veq.s32 v53, v2;
	vm3 =	vgt.s32 v54, $0x0  }
0x121: {  	vm3 =	vmand vm3, vm10  }
0x122: {  	v61 =	vsel vm3, $0x3F800000, v6  }
0x123: {  	[tilespmem:v52+s28+$0x0] =	vst.idx.msk $0xffff, v61  }
0x124: {  	v52 =	vld.idx.msk [tilespmem:v25+s25+$0x0], $0xffff;
	_ =	sdelay $0x7  }
0x125: {  	v53 =	vld.idx.msk [tilespmem:v52+s2+$0x0], $0xffff  }
0x126: {  	v52 =	vld.idx.msk [tilespmem:v52+s23+$0x0], $0xffff;
	_ =	sdelay $0x4  }
0x127: {  	vm11 =	veq.s32 v52, v3;
	vm4 =	vgt.s32 v53, $0x0  }
0x128: {  	vm4 =	vmand vm4, vm11  }
0x129: {  	v62 =	vsel vm4, $0x3F800000, v6  }
0x12a: {  	[tilespmem:v51+s28+$0x0] =	vst.idx.msk $0xffff, v62  }
0x12b: {  	v51 =	vld.idx.msk [tilespmem:v26+s25+$0x0], $0xffff;
	_ =	sdelay $0x7  }
0x12c: {  	v52 =	vld.idx.msk [tilespmem:v51+s2+$0x0], $0xffff  }
0x12d: {  	v51 =	vld.idx.msk [tilespmem:v51+s23+$0x0], $0xffff;
	_ =	sdelay $0x4  }
0x12e: {  	vm12 =	veq.s32 v51, v7;
	vm5 =	vgt.s32 v52, $0x0  }
0x12f: {  	vm5 =	vmand vm5, vm12  }
0x130: {  	v63 =	vsel vm5, $0x3F800000, v6  }
0x131: {  	[tilespmem:v50+s28+$0x0] =	vst.idx.msk $0xffff, v63  }
0x132: {  	v50 =	vld.idx.msk [tilespmem:v27+s25+$0x0], $0xffff;
	_ =	sdelay $0x7  }
0x133: {  	v51 =	vld.idx.msk [tilespmem:v50+s2+$0x0], $0xffff  }
0x134: {  	v50 =	vld.idx.msk [tilespmem:v50+s23+$0x0], $0xffff;
	_ =	sdelay $0x4  }
0x135: {  	vm13 =	veq.s32 v50, v8;
	vm6 =	vgt.s32 v51, $0x0  }
0x136: {  	vm6 =	vmand vm6, vm13  }
0x137: {  	v54 =	vsel vm6, $0x3F800000, v6  }
0x138: {  	[tilespmem:v49+s28+$0x0] =	vst.idx.msk $0xffff, v54  }
0x139: {  	v49 =	vld.idx.msk [tilespmem:v28+s25+$0x0], $0xffff;
	_ =	sdelay $0x7  }
0x13a: {  	v50 =	vld.idx.msk [tilespmem:v49+s2+$0x0], $0xffff  }
0x13b: {  	v49 =	vld.idx.msk [tilespmem:v49+s23+$0x0], $0xffff;
	_ =	sdelay $0x4  }
0x13c: {  	vm14 =	veq.s32 v49, v9;
	vm7 =	vgt.s32 v50, $0x0  }
0x13d: {  	vm7 =	vmand vm7, vm14  }
0x13e: {  	v55 =	vsel vm7, $0x3F800000, v6  }
0x13f: {  	[tilespmem:v48+s28+$0x0] =	vst.idx.msk $0xffff, v55  }
0x140: {  	v48 =	vld.idx.msk [tilespmem:v29+s25+$0x0], $0xffff;
	_ =	sdelay $0x7  }
0x141: {  	v49 =	vld.idx.msk [tilespmem:v48+s2+$0x0], $0xffff  }
0x142: {  	v48 =	vld.idx.msk [tilespmem:v48+s23+$0x0], $0xffff;
	_ =	sdelay $0x4  }
0x143: {  	vm15 =	veq.s32 v48, v10;
	vm8 =	vgt.s32 v49, $0x0  }
0x144: {  	vm8 =	vmand vm8, vm15  }
0x145: {  	v56 =	vsel vm8, $0x3F800000, v6  }
0x146: {  	[tilespmem:v47+s28+$0x0] =	vst.idx.msk $0xffff, v56  }
0x147: {  	v47 =	vld.idx.msk [tilespmem:v31+s25+$0x0], $0xffff;
	_ =	sdelay $0x7  }
0x148: {  	v48 =	vld.idx.msk [tilespmem:v47+s2+$0x0], $0xffff  }
0x149: {  	v47 =	vld.idx.msk [tilespmem:v47+s23+$0x0], $0xffff;
	_ =	sdelay $0x4  }
0x14a: {  	vm12 =	veq.s32 v47, v11;
	vm9 =	vgt.s32 v48, $0x0  }
0x14b: {  	vm9 =	vmand vm9, vm12  }
0x14c: {  	v57 =	vsel vm9, $0x3F800000, v6  }
0x14d: {  	[tilespmem:v46+s28+$0x0] =	vst.idx.msk $0xffff, v57  }
0x14e: {  	v46 =	vld.idx.msk [tilespmem:v32+s25+$0x0], $0xffff;
	_ =	sdelay $0x7  }
0x14f: {  	v47 =	vld.idx.msk [tilespmem:v46+s2+$0x0], $0xffff  }
0x150: {  	v46 =	vld.idx.msk [tilespmem:v46+s23+$0x0], $0xffff;
	_ =	sdelay $0x4  }
0x151: {  	vm13 =	veq.s32 v46, v12;
	vm10 =	vgt.s32 v47, $0x0  }
0x152: {  	vm10 =	vmand vm10, vm13  }
0x153: {  	v58 =	vsel vm10, $0x3F800000, v6  }
0x154: {  	[tilespmem:v45+s28+$0x0] =	vst.idx.msk $0xffff, v58  }
0x155: {  	v45 =	vld.idx.msk [tilespmem:v33+s25+$0x0], $0xffff;
	_ =	sdelay $0x7  }
0x156: {  	v46 =	vld.idx.msk [tilespmem:v45+s2+$0x0], $0xffff  }
0x157: {  	v45 =	vld.idx.msk [tilespmem:v45+s23+$0x0], $0xffff;
	_ =	sdelay $0x4  }
0x158: {  	vm14 =	veq.s32 v45, v13;
	vm11 =	vgt.s32 v46, $0x0  }
0x159: {  	vm11 =	vmand vm11, vm14  }
0x15a: {  	v59 =	vsel vm11, $0x3F800000, v6  }
0x15b: {  	[tilespmem:v44+s28+$0x0] =	vst.idx.msk $0xffff, v59  }
0x15c: {  	v44 =	vld.idx.msk [tilespmem:v35+s25+$0x0], $0xffff;
	_ =	sdelay $0x7  }
0x15d: {  	v45 =	vld.idx.msk [tilespmem:v44+s2+$0x0], $0xffff  }
0x15e: {  	v44 =	vld.idx.msk [tilespmem:v44+s23+$0x0], $0xffff;
	_ =	sdelay $0x4  }
0x15f: {  	vm0 =	veq.s32 v44, v14;
	vm12 =	vgt.s32 v45, $0x0  }
0x160: {  	vm12 =	vmand vm12, vm0  }
0x161: {  	v60 =	vsel vm12, $0x3F800000, v6  }
0x162: {  	[tilespmem:v43+s28+$0x0] =	vst.idx.msk $0xffff, v60  }
0x163: {  	v43 =	vld.idx.msk [tilespmem:v36+s25+$0x0], $0xffff;
	_ =	sdelay $0x7  }
0x164: {  	v44 =	vld.idx.msk [tilespmem:v43+s2+$0x0], $0xffff  }
0x165: {  	v43 =	vld.idx.msk [tilespmem:v43+s23+$0x0], $0xffff;
	_ =	sdelay $0x4  }
0x166: {  	vm0 =	veq.s32 v43, v15;
	vm13 =	vgt.s32 v44, $0x0  }
0x167: {  	vm13 =	vmand vm13, vm0  }
0x168: {  	v61 =	vsel vm13, $0x3F800000, v6  }
0x169: {  	[tilespmem:v42+s28+$0x0] =	vst.idx.msk $0xffff, v61  }
0x16a: {  	v42 =	vld.idx.msk [tilespmem:v37+s25+$0x0], $0xffff;
	_ =	sdelay $0x7  }
0x16b: {  	v43 =	vld.idx.msk [tilespmem:v42+s2+$0x0], $0xffff  }
0x16c: {  	v42 =	vld.idx.msk [tilespmem:v42+s23+$0x0], $0xffff;
	_ =	sdelay $0x4  }
0x16d: {  	vm0 =	veq.s32 v42, v16;
	vm14 =	vgt.s32 v43, $0x0  }
0x16e: {  	vm14 =	vmand vm14, vm0  }
0x16f: {  	v62 =	vsel vm14, $0x3F800000, v6  }
0x170: {  	[tilespmem:v41+s28+$0x0] =	vst.idx.msk $0xffff, v62  }
0x171: {  	v41 =	vld.idx.msk [tilespmem:v38+s25+$0x0], $0xffff;
	_ =	sdelay $0x7  }
0x172: {  	v42 =	vld.idx.msk [tilespmem:v41+s2+$0x0], $0xffff  }
0x173: {  	v41 =	vld.idx.msk [tilespmem:v41+s23+$0x0], $0xffff;
	_ =	sdelay $0x4  }
0x174: {  	vm0 =	veq.s32 v41, v17;
	vm15 =	vgt.s32 v42, $0x0  }
0x175: {  	vm15 =	vmand vm15, vm0  }
0x176: {  	v63 =	vsel vm15, $0x3F800000, v6  }
0x177: {  	[tilespmem:v40+s28+$0x0] =	vst.idx.msk $0xffff, v63  }
0x178: {  	v40 =	vld.idx.msk [tilespmem:v34+s25+$0x0], $0xffff;
	_ =	sdelay $0x7  }
0x179: {  	v41 =	vld.idx.msk [tilespmem:v40+s2+$0x0], $0xffff  }
0x17a: {  	v40 =	vld.idx.msk [tilespmem:v40+s23+$0x0], $0xffff;
	_ =	sdelay $0x4  }
0x17b: {  	vm0 =	veq.s32 v40, v18;
	vm1 =	vgt.s32 v41, $0x0  }
0x17c: {  	vm0 =	vmand vm1, vm0  }
0x17d: {  	v44 =	vsel vm0, $0x3F800000, v6  }
0x17e: {  	[tilespmem:v39+s28+$0x0] =	vst.idx.msk $0xffff, v44  }
0x17f: {  	v22 =	vld.idx.msk [tilespmem:v22+s25+$0x0], $0xffff;
	_ =	sdelay $0x7  }
0x180: {  	[tilespmem:v22+s2+$0x0] =	vst.idx.msk $0xffff, v4  }
0x181: {  	v22 =	vld.idx.msk [tilespmem:v23+s25+$0x0], $0xffff;
	_ =	sdelay $0x7  }
0x182: {  	[tilespmem:v22+s2+$0x0] =	vst.idx.msk $0xffff, v4  }
0x183: {  	v22 =	vld.idx.msk [tilespmem:v24+s25+$0x0], $0xffff;
	_ =	sdelay $0x7  }
0x184: {  	[tilespmem:v22+s2+$0x0] =	vst.idx.msk $0xffff, v4  }
0x185: {  	v22 =	vld.idx.msk [tilespmem:v25+s25+$0x0], $0xffff;
	_ =	sdelay $0x7  }
0x186: {  	[tilespmem:v22+s2+$0x0] =	vst.idx.msk $0xffff, v4  }
0x187: {  	v22 =	vld.idx.msk [tilespmem:v26+s25+$0x0], $0xffff;
	_ =	sdelay $0x7  }
0x188: {  	[tilespmem:v22+s2+$0x0] =	vst.idx.msk $0xffff, v4  }
0x189: {  	v22 =	vld.idx.msk [tilespmem:v27+s25+$0x0], $0xffff;
	_ =	sdelay $0x7  }
0x18a: {  	[tilespmem:v22+s2+$0x0] =	vst.idx.msk $0xffff, v4  }
0x18b: {  	v22 =	vld.idx.msk [tilespmem:v28+s25+$0x0], $0xffff;
	_ =	sdelay $0x7  }
0x18c: {  	[tilespmem:v22+s2+$0x0] =	vst.idx.msk $0xffff, v4  }
0x18d: {  	v22 =	vld.idx.msk [tilespmem:v29+s25+$0x0], $0xffff;
	_ =	sdelay $0x7  }
0x18e: {  	[tilespmem:v22+s2+$0x0] =	vst.idx.msk $0xffff, v4  }
0x18f: {  	v22 =	vld.idx.msk [tilespmem:v31+s25+$0x0], $0xffff;
	_ =	sdelay $0x7  }
0x190: {  	[tilespmem:v22+s2+$0x0] =	vst.idx.msk $0xffff, v4  }
0x191: {  	v22 =	vld.idx.msk [tilespmem:v32+s25+$0x0], $0xffff;
	_ =	sdelay $0x7  }
0x192: {  	[tilespmem:v22+s2+$0x0] =	vst.idx.msk $0xffff, v4  }
0x193: {  	v22 =	vld.idx.msk [tilespmem:v33+s25+$0x0], $0xffff;
	_ =	sdelay $0x7  }
0x194: {  	[tilespmem:v22+s2+$0x0] =	vst.idx.msk $0xffff, v4  }
0x195: {  	v22 =	vld.idx.msk [tilespmem:v35+s25+$0x0], $0xffff;
	_ =	sdelay $0x7  }
0x196: {  	[tilespmem:v22+s2+$0x0] =	vst.idx.msk $0xffff, v4  }
0x197: {  	v22 =	vld.idx.msk [tilespmem:v36+s25+$0x0], $0xffff;
	_ =	sdelay $0x7  }
0x198: {  	[tilespmem:v22+s2+$0x0] =	vst.idx.msk $0xffff, v4  }
0x199: {  	v22 =	vld.idx.msk [tilespmem:v37+s25+$0x0], $0xffff;
	_ =	sdelay $0x2  }
0x19a: {  	v45 =	vld [tilespmem:$0x1FFE0];
	_ =	sdelay $0x4  }
0x19b: {  	vm1 =	vnez.u8 v45;
	[tilespmem:v22+s2+$0x0] =	vst.idx.msk $0xffff, v4  }
0x19c: {  	v46 =	vmpcnt.ones.xlane vm2;
	v22 =	vmpcnt.ones.xlane vm1;
	v47 =	vld.idx.msk [tilespmem:v38+s25+$0x0], $0xffff  }
0x19d: {  	v48 =	vmpcnt.ones.xlane vm3  }
0x19e: {  	v49 =	vmpcnt.ones.xlane vm4;
	v22 =	vadd.s32 v22, v46  }
0x19f: {  	v50 =	vmpcnt.ones.xlane vm5;
	v22 =	vadd.s32 v48, v22  }
0x1a0: {  	v51 =	vmpcnt.ones.xlane vm6;
	v22 =	vadd.s32 v49, v22  }
0x1a1: {  	v52 =	vmpcnt.ones.xlane vm7;
	v22 =	vadd.s32 v50, v22  }
0x1a2: {  	v53 =	vmpcnt.ones.xlane vm8;
	v22 =	vadd.s32 v51, v22  }
0x1a3: {  	v54 =	vmpcnt.ones.xlane vm9;
	v22 =	vadd.s32 v52, v22  }
0x1a4: {  	v55 =	vmpcnt.ones.xlane vm10;
	v61 =	vld [tilespmem:$0x1FFF0];
	v22 =	vadd.s32 v53, v22;
	[tilespmem:v47+s2+$0x0] =	vst.idx.msk $0xffff, v4  }
0x1a5: {  	v56 =	vmpcnt.ones.xlane vm11;
	v22 =	vadd.s32 v54, v22;
	v24 =	vld.idx.msk [tilespmem:v34+s25+$0x0], $0xffff  }
0x1a6: {  	v57 =	vmpcnt.ones.xlane vm12;
	v22 =	vadd.s32 v55, v22  }
0x1a7: {  	v58 =	vmpcnt.ones.xlane vm13;
	v22 =	vadd.s32 v56, v22  }
0x1a8: {  	v59 =	vmpcnt.ones.xlane vm14;
	v22 =	vadd.s32 v57, v22  }
0x1a9: {  	v60 =	vmpcnt.ones.xlane vm15;
	vm15 =	vnez.u8 v61;
	v22 =	vadd.s32 v58, v22  }
0x1aa: {  	v62 =	vmpcnt.ones.xlane vm0;
	v26 =	vmpcnt.ones.xlane vm15;
	v22 =	vadd.s32 v59, v22  }
0x1ab: {  	v22 =	vadd.s32 v60, v22  }
0x1ac: {  	v22 =	vadd.s32 v62, v22  }
0x1ad: {  	[tilespmem:v24+s2+$0x0] =	vst.idx.msk $0xffff, v4  }
0x1ae: {  	p1 =	slt.s32 s11, $0x137;
	[tilespmem:v21+s2+$0x0] =	vst.idx.msk $0xffff, v4  }
0x1af: {  	s11 =	simm.s32 @!p1 $0x137;
	[tilespmem:v30+s2+$0x0] =	vst.idx.msk $0x1, v4  }
0x1b0: {  	s11 =	sshll.u32 s11, $0x4;
	v21 =	vld.idx.msk [tilespmem:v26+s16+$0x0], $0xffff  }
0x1b1: {  	s1 =	sadd.s32 $0x80, s11;
	v22 =	vld.idx.msk [tilespmem:v22+s16+$0x0], $0xffff  }
0x1b2: {  	v63 =	vor.u32 s1, v0;
	_ =	sdelay $0x2  }
0x1b3: {  	[tilespmem:v20+s29+$0x0] =	vst.idx.msk $0x1, v21  }
0x1b4: {  	[tilespmem:v20+s30+$0x0] =	vst.idx.msk $0x1, v22  }
0x1b5: {  	v20 =	vld.idx.msk [tilespmem:v63+s18+$0x0], $0xffff  }
0x1b6: {  	p1 =	sne.s32 s10, $0x1F  }
.Ltmp3:
0x1b7: {  	_ = 	snop;
	(pc) =	sbr.rel @p1 .LBB2_9-.Ltmp3, $4  }
0x1b8: {  	_ = 	snop  }
0x1b9: {  	s12 =	sshll.u32 s12, $0x4  }
0x1ba: {  	s10 =	sadd.s32 $0x1, s10;
	s31 =	sadd.s32 $0x6400, s13;
	s14 =	sadd.s32 $0x103C0, s12;
	[tilespmem:s12+$0x103C0] =	vst v20  }
0x1bb: {  	[tilespmem:s31], [sflag:$0x1] =	stream.indirect.gather [hbm4b:s3+s21], $0x10, s14, s21, $0xb8;
	[tilespmem:$0x17C40] =	vst v63  }
0x1bc: {  	s1 =	sshll.u32 s8, $0xD;
	s8 =	sadd.s32 $0x1, s8  }
0x1bd: {  	s1 =	sadd.s32 s7, s1;
	p1 =	sne.s32 s8, $0xA  }
.Ltmp4:
0x1be: {  	s9 =	sshll.u32 s9, $0xD;
	s1 =	sshrl.u32 s1, $0x3;
	(pc) =	sbr.rel @p1 .LBB2_8-.Ltmp4, $4  }
0x1bf: {  	s4 =	sadd.s32 $0x20, s4;
	s11 =	sadd.s32 $0x6C00, s9;
	s10 =	sadd.s32 s5, s1  }
0x1c0: {  	[hbm4b:s10+s2] =	stream.linear.scatter [tilespmem:s11], [sflag:$0x2], $0x2000, $0x38;
	[tilespmem:$0x17C40] =	vst v63  }
0x1c1: {  	p0 =	por !p0, !p0;
	s9 =	sadd.s32 $0xAC00, s9;
	s1 =	sadd.s32 s6, s1  }
0x1c2: {  	[hbm4b:s1+s2] =	stream.linear.scatter [tilespmem:s9], [sflag:$0x3], $0x2000, $0x38;
	[tilespmem:$0x17C40] =	vst v63  }
0x1c3: {  	_ =	swait.ge [sflag:s22], $0x100  }
0x1c4: {  	[sflag:s22] =	ssyncset.done $0x0  }
0x1c5: {  	[sflag:s22] =	ssyncadd.s32 $0xFFFFFF00  }
0x1c6: {  	_ =	swait.ge [sflag:s22], $0x100  }
0x1c7: {  	[sflag:s22] =	ssyncset.done $0x0  }
0x1c8: {  	[sflag:s22] =	ssyncadd.s32 $0xFFFFFF00  }
0x1c9: {  	_ =	swait.ge [sflag:s22], $0x100  }
0x1ca: {  	[sflag:s22] =	ssyncset.done $0x0  }
0x1cb: {  	[sflag:s22] =	ssyncadd.s32 $0xFFFFFF00  }
0x1cc: {  	_ =	swait.ge [sflag:s22], $0x100  }
0x1cd: {  	[sflag:s22] =	ssyncset.done $0x0  }
0x1ce: {  	[sflag:s22] =	ssyncadd.s32 $0xFFFFFF00  }
0x1cf: {  	_ =	swait.ge [sflag:s22], $0x100  }
0x1d0: {  	[sflag:s22] =	ssyncset.done $0x0  }
0x1d1: {  	[sflag:s22] =	ssyncadd.s32 $0xFFFFFF00  }
0x1d2: {  	_ =	swait.ge [sflag:s22], $0x100  }
0x1d3: {  	[sflag:s22] =	ssyncset.done $0x0  }
0x1d4: {  	[sflag:s22] =	ssyncadd.s32 $0xFFFFFF00  }
0x1d5: {  	_ =	swait.ge [sflag:s22], $0x100  }
0x1d6: {  	[sflag:s22] =	ssyncset.done $0x0  }
0x1d7: {  	[sflag:s22] =	ssyncadd.s32 $0xFFFFFF00  }
0x1d8: {  	_ =	swait.ge [sflag:s22], $0x100  }
0x1d9: {  	[sflag:s22] =	ssyncset.done $0x0  }
0x1da: {  	s1 =	simm.s32 $0x2;
	[sflag:s22] =	ssyncadd.s32 $0xFFFFFF00  }
0x1db: {  	_ =	swait.ge [sflag:s1], $0x2000  }
0x1dc: {  	[sflag:s1] =	ssyncset.done $0x0  }
0x1dd: {  	s4 =	simm.s32 $0x3;
	[sflag:s1] =	ssyncadd.s32 $0xFFFFE000  }
0x1de: {  	_ =	swait.ge [sflag:s4], $0x2000  }
0x1df: {  	[sflag:s4] =	ssyncset.done $0x0  }
0x1e0: {  	[sflag:s4] =	ssyncadd.s32 $0xFFFFE000  }
0x1e1: {  	_ =	swait.ge [sflag:s1], $0x2000  }
0x1e2: {  	[sflag:s1] =	ssyncset.done $0x0  }
0x1e3: {  	[sflag:s1] =	ssyncadd.s32 $0xFFFFE000  }
0x1e4: {  	_ =	swait.ge [sflag:s4], $0x2000  }
0x1e5: {  	[sflag:s4] =	ssyncset.done $0x0  }
0x1e6: {  	s12 =	rddreg [dreg:$0x9];
	[sflag:s4] =	ssyncadd.s32 $0xFFFFE000  }
0x1e7: {  	[hbm4b:s12+s2] =	stream.linear.scatter [tilespmem:s24], [sflag:$0x4], $0x1400, $0x38;
	[tilespmem:$0x17C40] =	vst v63  }
0x1e8: {  	_ =	swait.ge [sflag:s17], $0x1400  }
0x1e9: {  	[sflag:s17] =	ssyncset.done $0x0  }
0x1ea: {  	s13 =	rddreg [dreg:$0xa];
	[sflag:s17] =	ssyncadd.s32 $0xFFFFEC00  }
0x1eb: {  	[hbm4b:s13+s2] =	stream.linear.scatter [tilespmem:s29], [sflag:$0x4], $0x140, $0x38;
	[tilespmem:$0x17C40] =	vst v63  }
0x1ec: {  	_ =	swait.ge [sflag:s17], $0x140  }
0x1ed: {  	[sflag:s17] =	ssyncset.done $0x0  }
0x1ee: {  	s14 =	rddreg [dreg:$0xb];
	[sflag:s17] =	ssyncadd.s32 $0xFFFFFEC0  }
0x1ef: {  	[hbm4b:s14+s2] =	stream.linear.scatter [tilespmem:s30], [sflag:$0x4], $0x140, $0x38;
	[tilespmem:$0x17C40] =	vst v63  }
0x1f0: {  	_ =	swait.ge [sflag:s17], $0x140  }
0x1f1: {  	s0 =	sadd.s32 $0x1, s0;
	s31 =	rddreg [dreg:$0xc]  }
0x1f2: {  	p0 =	sne.s32 s0, s31  }
.Ltmp5:
0x1f3: {  	_ = 	snop;
	(pc) =	sbr.rel @p0 .LBB2_1-.Ltmp5, $3  }
0x1f4: {  	_ =	sdelay $0x1  }
0x1f5: {  	[sflag:s17] =	ssyncset.done $0x0  }
0x1f6: {  	[sflag:s17] =	ssyncadd.s32 $0xFFFFFEC0  }
0x1f7: {  	_ =	sfence.sel $0x180000  }
0x1f8: {  	[bflag:$0x0] =	sbarrier.arrive $0xFFFF  }
0x1f9: {  	_ =	strace $0x90000047  }
0x1fa: {  	s0 =	stileid.u32;
	[bflag:$0x2] =	sbarrier.arrive $0xFFFF  }
0x1fb: {  	p0 =	sne.s32 s0, $0x0;
	s0 =	rddreg [dreg:$0x2]  }
0x1fc: {  	s0 =	sadd.s32 @!p0 $0x100000, s0  }
0x1fd: {  	[sflag:s0] =	ssyncadd.tile.s32 @!p0 $0x1;
	_ =	shalt  }
.Lfunc_end2:
_tile_overlayer_lowered:
.L_overlay_start_2:
0x1fe: {  	(tag) =	ssettag $0x2  }
0x1ff: {  	s0 =	rddreg [dreg:$0x0];
	s2 =	stileid.u32  }
0x200: {  	s1 =	rddreg [dreg:$0x1];
	p0 =	sne.s32 s2, $0x0  }
0x201: {  	s3 =	rddreg [dreg:$0x2];
	[bflag:$0x3] =	sbarrier.arrive $0xFFFF;
	s2 =	simm.s32 @!p0 $0x1C04  }
0x202: {  	[timem:s3], [sflag:s2] =	dma.local @!p0 [hbm:s0], s1  }
0x203: {  	s0 =	simm.s32 @!p0 $0x4  }
0x204: {  	_ =	swait.ge @!p0 [sflag:s0], s1  }
0x205: {  	s1 =	ssub.s32 @!p0 $0x0, s1;
	[sflag:s0] =	ssyncset.done @!p0 $0x0  }
0x206: {  	[sflag:s0] =	ssyncadd.s32 @!p0 s1  }
0x207: {  	[bflag:$0x3] =	sbarrier.arrive $0xFFFF  }
0x208: {  	_ =	shalt  }

</sc_bundles>
